<compile_context>
chip_gen: v7x
topology: tpu7x:2x2x1
jax: 0.10.2.dev20260603
libtpu: 0.0.44.dev20260713+nightly
codegen_flags: <defaults>
</compile_context>

<pallas_src>
import functools
import math

import jax
import jax.numpy as jnp
from jax import lax
from jax.experimental import pallas as pl
from jax.experimental.pallas import tpu as pltpu
from jax.experimental.pallas import tpu_sc as plsc

_IGNORE = 255
_THRESH = float(-math.log(0.7))

_N_TC = 5
_NW = 32
_RB = 8


def _sc_kernel(n_tc, n_sc, w,
               preds_hbm, labels_hbm, q_hbm, nv_hbm,
               chunk_ref, lab_ref, q_ref, nv_ref):
    wid = lax.axis_index("s") * 2 + lax.axis_index("c")
    rblocks = 512 // _RB
    per_w = n_sc * rblocks // _NW
    nv0 = jnp.zeros((16,), jnp.int32)

    def block_body(t, nv):
        blk = wid * per_w + t
        bq = blk // rblocks
        j = blk % rblocks
        r0 = j * _RB
        b = bq + n_tc
        for c in range(19):
            pltpu.sync_copy(preds_hbm.at[b, c, pl.ds(r0, _RB), :],
                            chunk_ref.at[c])
        pltpu.sync_copy(labels_hbm.at[b, pl.ds(r0, _RB), :], lab_ref)
        for r in range(_RB):

            def row_body(g, nv, _r=r):
                col0 = g * 16
                lab = lab_ref[_r, pl.ds(col0, 16)]
                x0 = chunk_ref[0, _r, pl.ds(col0, 16)]
                zf = x0 * 0.0
                acc = jnp.exp(x0)
                xlab = jnp.where(lab == 0, x0, zf)
                for c in range(1, 19):
                    xc = chunk_ref[c, _r, pl.ds(col0, 16)]
                    acc = acc + jnp.exp(xc)
                    xlab = xlab + jnp.where(lab == c, xc, zf)
                valid = lab != _IGNORE
                q = jnp.where(valid, acc * jnp.exp(-xlab), zf + 1.0)
                q_ref[pl.ds(_r * w + col0, 16)] = q
                iz = lab * 0
                return nv + jnp.where(valid, iz + 1, iz)

            nv = lax.fori_loop(0, w // 16, row_body, nv)
        pltpu.sync_copy(q_ref, q_hbm.at[bq, j, :])
        return nv

    nv = lax.fori_loop(0, per_w, block_body, nv0)
    nv_ref[...] = nv
    pltpu.sync_copy(nv_ref, nv_hbm.at[wid])


def _run_sc(preds, labels, n_tc):
    n, nc, h, w = preds.shape
    n_sc = n - n_tc
    mesh = plsc.VectorSubcoreMesh(core_axis_name="c", subcore_axis_name="s")
    return pl.kernel(
        functools.partial(_sc_kernel, n_tc, n_sc, w),
        mesh=mesh,
        out_type=[
            jax.ShapeDtypeStruct((n_sc, h // _RB, _RB * w), jnp.float32),
            jax.ShapeDtypeStruct((_NW, 16), jnp.int32),
        ],
        scratch_types=[
            pltpu.VMEM((19, _RB, w), jnp.float32),
            pltpu.VMEM((_RB, w), jnp.int32),
            pltpu.VMEM((_RB * w,), jnp.float32),
            pltpu.VMEM((16,), jnp.int32),
        ],
    )(preds, labels)


def _finisher_kernel(q_ref, out_ref):
    b = pl.program_id(0)
    q = q_ref[0]
    loss = jnp.log(q)
    hard = loss > _THRESH
    out_ref[b, 0] = jnp.sum(hard.astype(jnp.float32))
    out_ref[b, 1] = jnp.sum(jnp.where(hard, loss, 0.0))


def _run_finisher(q):
    n_sc, nb, bw = q.shape
    return pl.pallas_call(
        _finisher_kernel,
        grid=(n_sc,),
        in_specs=[pl.BlockSpec((1, nb, bw), lambda b: (b, 0, 0))],
        out_specs=pl.BlockSpec(memory_space=pltpu.SMEM),
        out_shape=jax.ShapeDtypeStruct((n_sc, 2), jnp.float32),
        compiler_params=pltpu.CompilerParams(
            dimension_semantics=("arbitrary",)),
    )(q)


_BLK = 16384
_HBLK = 2048
_NB = 512


def _loss_block(preds_ref, labels_ref):
    x = preds_ref[0]
    lab = labels_ref[0]
    m = jnp.max(x, axis=0, keepdims=True)
    lse = m + jnp.log(jnp.sum(jnp.exp(x - m), axis=0, keepdims=True))
    ci = jax.lax.broadcasted_iota(jnp.int32, x.shape, 0)
    g = jnp.sum(jnp.where(ci == lab, x, 0.0), axis=0, keepdims=True)
    valid = lab != _IGNORE
    loss = jnp.where(valid, lse - g, 0.0)
    return loss, valid


def _main_kernel(preds_ref, labels_ref, out_ref, acc_ref):
    b = pl.program_id(0)
    first = pl.program_id(1) == 0
    last = pl.program_id(1) == pl.num_programs(1) - 1
    x = preds_ref[0]
    lab = labels_ref[0, 0]
    lse = jnp.log(jnp.sum(jnp.exp(x), axis=0))
    ci = jax.lax.broadcasted_iota(jnp.int32, x.shape, 0)
    g = jnp.sum(jnp.where(ci == lab[None], x, 0.0), axis=0)
    valid = lab != _IGNORE
    loss = jnp.where(valid, lse - g, 0.0)
    hard = loss > _THRESH
    hard_f = hard.astype(jnp.float32)
    sh = jnp.where(hard, loss, 0.0)
    nv = valid.astype(jnp.float32)

    @pl.when(first)
    def _():
        acc_ref[0] = hard_f
        acc_ref[1] = sh
        acc_ref[2] = nv

    @pl.when(jnp.logical_not(first))
    def _():
        acc_ref[0] += hard_f
        acc_ref[1] += sh
        acc_ref[2] += nv

    @pl.when(last)
    def _():
        out_ref[b, 0] = jnp.sum(acc_ref[0])
        out_ref[b, 1] = jnp.sum(acc_ref[1])
        out_ref[b, 2] = jnp.sum(acc_ref[2])


def _hist_kernel(cut_ref, preds_ref, labels_ref, cnt_ref, sum_ref, acc_ref):
    b = pl.program_id(0)
    s = pl.program_id(1)
    first = jnp.logical_and(b == 0, s == 0)
    last = jnp.logical_and(b == pl.num_programs(0) - 1,
                           s == pl.num_programs(1) - 1)
    loss, _ = _loss_block(preds_ref, labels_ref)
    c = cut_ref[0]
    inr = loss <= _THRESH
    scaled = loss * (_NB / _THRESH)
    b1 = jnp.clip(scaled.astype(jnp.int32), 0, _NB - 1)
    sub = jnp.clip((scaled - c.astype(jnp.float32)) * _NB, 0.0, _NB - 1.0)
    bid = jnp.where(c < 0, b1, sub.astype(jnp.int32))
    mask = jnp.logical_and(inr, jnp.logical_or(c < 0, b1 == c))

    bi = jax.lax.broadcasted_iota(jnp.int32, (_NB, loss.shape[1]), 0)
    onehot = jnp.logical_and(bi == bid, mask)
    cnts = jnp.sum(onehot.astype(jnp.float32), axis=1, keepdims=True)
    sums = jnp.sum(jnp.where(onehot, loss, 0.0), axis=1, keepdims=True)

    @pl.when(first)
    def _():
        acc_ref[:, 0:1] = cnts
        acc_ref[:, 1:2] = sums

    @pl.when(jnp.logical_not(first))
    def _():
        acc_ref[:, 0:1] += cnts
        acc_ref[:, 1:2] += sums

    @pl.when(last)
    def _():
        cnt_ref[:, :] = acc_ref[:, 0:1]
        sum_ref[:, :] = acc_ref[:, 1:2]


def _run_hist(preds3, labels3, cut):
    n, _, s = preds3.shape
    nblk = s // _HBLK
    grid = (n, nblk)
    return pl.pallas_call(
        _hist_kernel,
        grid=grid,
        in_specs=[
            pl.BlockSpec(memory_space=pltpu.SMEM),
            pl.BlockSpec((1, 19, _HBLK), lambda b, s: (b, 0, s)),
            pl.BlockSpec((1, 1, _HBLK),
                         lambda b, s, _nb=nblk: (b * _nb + s, 0, 0)),
        ],
        out_specs=[
            pl.BlockSpec((_NB, 1), lambda b, s: (0, 0)),
            pl.BlockSpec((_NB, 1), lambda b, s: (0, 0)),
        ],
        out_shape=[
            jax.ShapeDtypeStruct((_NB, 1), jnp.float32),
            jax.ShapeDtypeStruct((_NB, 1), jnp.float32),
        ],
        scratch_shapes=[pltpu.VMEM((_NB, 2), jnp.float32)],
        compiler_params=pltpu.CompilerParams(
            dimension_semantics=("arbitrary", "arbitrary")),
    )(cut, preds3, labels3)


def _topk_tail(cnts, sums, need):
    c = cnts[:, 0]
    v = sums[:, 0]
    idx = jnp.arange(_NB)
    cum_incl = jnp.cumsum(c[::-1])[::-1]
    ok = cum_incl >= need
    cutoff = jnp.max(jnp.where(ok, idx, -1))
    cutoff = jnp.maximum(cutoff, 0)
    above = idx > cutoff
    sum_above = jnp.sum(jnp.where(above, v, 0.0))
    cnt_above = jnp.sum(jnp.where(above, c, 0.0))
    rem = need - cnt_above
    return sum_above, cnt_above, cutoff, rem




def kernel(preds, labels):
    n, nc, h, w = preds.shape
    s = h * w
    pr = 64
    nblk = h // pr
    labels4 = labels.reshape(n, nblk, pr, w)

    out = pl.pallas_call(
        _main_kernel,
        grid=(_N_TC, nblk),
        in_specs=[
            pl.BlockSpec((1, nc, pr, w), lambda b, s: (b, 0, s, 0)),
            pl.BlockSpec((1, 1, pr, w), lambda b, s: (b, s, 0, 0)),
        ],
        out_specs=pl.BlockSpec(memory_space=pltpu.SMEM),
        out_shape=jax.ShapeDtypeStruct((_N_TC, 3), jnp.float32),
        scratch_shapes=[pltpu.VMEM((3, pr, w), jnp.float32)],
        compiler_params=pltpu.CompilerParams(
            dimension_semantics=("parallel", "arbitrary")),
    )(preds, labels4)

    q, nv_sc = _run_sc(preds, labels, _N_TC)
    fin = _run_finisher(q)

    n_hard_f = jnp.sum(out[:, 0]) + jnp.sum(fin[:, 0])
    sum_hard = jnp.sum(out[:, 1]) + jnp.sum(fin[:, 1])
    n_valid_f = jnp.sum(out[:, 2]) + jnp.sum(nv_sc).astype(jnp.float32)
    n_hard = n_hard_f.astype(jnp.int32)
    n_min = n_valid_f.astype(jnp.int32) // 16
    k_static = labels.size // 16

    def mean_hard(_):
        return sum_hard / n_hard_f

    def mean_topk(_):
        preds3 = preds.reshape(n, nc, s)
        hlab = labels.reshape(n * (s // _HBLK), 1, _HBLK)
        need = (k_static - n_hard).astype(jnp.float32)
        cut = jnp.full((1,), -1, jnp.int32)
        c1, s1 = _run_hist(preds3, hlab, cut)
        sum_a1, _, cutoff1, rem1 = _topk_tail(c1, s1, need)
        c2, s2 = _run_hist(preds3, hlab, cutoff1[None].astype(jnp.int32))
        sum_a2, _, cutoff2, rem2 = _topk_tail(c2, s2, rem1)
        bc = c2[cutoff2, 0]
        bs = s2[cutoff2, 0]
        partial = rem2 * bs / jnp.maximum(bc, 1.0)
        return (sum_hard + sum_a1 + sum_a2 + partial) / float(k_static)

    return jax.lax.cond(n_hard < n_min, mean_topk, mean_hard, None)

# --- scband reference (transcript-rebuilt; emitter-appended) ---
"""Pipeline reference for scband-ohem-cross-entropy-41102837023012 (READ-ONLY COPY).

The authoritative reference and input builder live on the scoring server;
editing this copy changes nothing except your own understanding.
"""

import jax, jax.numpy as jnp
import numpy as np

IGNORE = 255
THRESH = float(-np.log(0.7))


def _ce_per_pixel(preds, labels):
    # CrossEntropyLoss(ignore_index=IGNORE, reduction='none') over class axis 1
    logp = jax.nn.log_softmax(preds, axis=1)
    valid = labels != IGNORE
    safe = jnp.where(valid, labels, 0)
    nll = -jnp.take_along_axis(logp, safe[:, None, :, :], axis=1)[:, 0]
    return jnp.where(valid, nll, 0.0)


def setup_inputs(seed: int = 0):
    key = jax.random.key(seed)
    k1, k2 = jax.random.split(key)
    preds = jax.random.normal(k1, (8, 19, 512, 512), dtype=jnp.float32)
    labels = jax.random.randint(k2, (8, 512, 512), 0, 19, dtype=jnp.int32)
    return {"preds": preds, "labels": labels}


def reference(preds, labels):
    n_min = jnp.sum(labels != IGNORE) // 16
    n_min_static = labels.size // 16
    loss = _ce_per_pixel(preds, labels).reshape(-1)
    hard_mask = loss > THRESH
    n_hard = jnp.sum(hard_mask)

    def mean_hard(_):
        return jnp.sum(jnp.where(hard_mask, loss, 0.0)) / n_hard.astype(loss.dtype)

    def mean_topk(_):
        return jnp.mean(jax.lax.top_k(loss, n_min_static)[0])

    return jax.lax.cond(n_hard < n_min, mean_topk, mean_hard, None)

if __name__ == "__main__":
    import jax
    _d = setup_inputs()
    print(jax.jit(kernel)(*tuple(_d.values())))

</pallas_src>

<mosaic_0001>
#map = affine_map<(d0, d1) -> (0, 0, 0, 0)>
#map1 = affine_map<(d0, d1) -> (0, 0, 0)>
#map2 = affine_map<(d0, d1) -> (0, 0)>
module attributes {stable_mosaic.version = 14 : i64} {
  func.func @_sc_kernel(%arg0: i32, %arg1: i32, %arg2: memref<8x19x512x512xf32, #tpu.memory_space<hbm>>, %arg3: memref<8x512x512xi32, #tpu.memory_space<hbm>>, %arg4: memref<3x64x4096xf32, #tpu.memory_space<hbm>>, %arg5: memref<32x16xi32, #tpu.memory_space<hbm>>, %arg6: memref<19x8x512xf32, #tpu.memory_space<vmem>>, %arg7: memref<8x512xi32, #tpu.memory_space<vmem>>, %arg8: memref<4096xf32, #tpu.memory_space<vmem>>, %arg9: memref<16xi32, #tpu.memory_space<vmem>>) attributes {dimension_semantics = [#tpu.dimension_semantics<core_parallel>, #tpu.dimension_semantics<subcore_parallel>], iteration_bounds = array<i64: 2, 16>, scalar_prefetch = 0 : i64, scratch_operands = 4 : i64, tpu.core_type = #tpu.core_type<sc_vector_subcore>, window_params = [{transform_indices = #map}, {transform_indices = #map1}, {transform_indices = #map1}, {transform_indices = #map2}]} {
    %mul3A = arith.constant 2 : i32
    %mul3A_0 = arith.muli %arg1, %mul3A : i32
    %add3A = arith.addi %mul3A_0, %arg0 : i32
    %broadcast_in_dim3A = arith.constant 0 : i32
    %broadcast_in_dim3A_1 = vector.broadcast %broadcast_in_dim3A : i32 to vector<16xi32>
    %scan3A = arith.constant 0 : i32
    %scan3A_2 = arith.constant 6 : i32
    %scan3A_3 = arith.addi %scan3A, %scan3A_2 : i32
    %scan3A_4 = arith.constant 1 : i32
    %scan3A_5 = scf.for %scan3A_10 = %scan3A to %scan3A_3 step %scan3A_4 iter_args(%scan3A_11 = %broadcast_in_dim3A_1) -> (vector<16xi32>)  : i32 {
      %mul3A_12 = arith.constant 6 : i32
      %mul3A_13 = arith.muli %add3A, %mul3A_12 : i32
      %add3A_14 = arith.addi %mul3A_13, %scan3A_10 : i32
      %jit3A = arith.constant 64 : i32
      %div3A = arith.divsi %add3A_14, %jit3A : i32
      %sign3A = arith.constant 0 : i32
      %sign3A_15 = arith.cmpi sgt, %add3A_14, %sign3A : i32
      %sign3A_16 = arith.extui %sign3A_15 : i1 to i32
      %sign3A_17 = arith.constant 0 : i32
      %sign3A_18 = arith.cmpi slt, %add3A_14, %sign3A_17 : i32
      %sign3A_19 = arith.extui %sign3A_18 : i1 to i32
      %sign3A_20 = arith.subi %sign3A_16, %sign3A_19 : i32
      %sign3A_21 = arith.constant 0 : i32
      %sign3A_22 = arith.cmpi sgt, %jit3A, %sign3A_21 : i32
      %sign3A_23 = arith.extui %sign3A_22 : i1 to i32
      %sign3A_24 = arith.constant 0 : i32
      %sign3A_25 = arith.cmpi slt, %jit3A, %sign3A_24 : i32
      %sign3A_26 = arith.extui %sign3A_25 : i1 to i32
      %sign3A_27 = arith.subi %sign3A_23, %sign3A_26 : i32
      %ne3A = arith.cmpi ne, %sign3A_20, %sign3A_27 : i32
      %rem3A = arith.remsi %add3A_14, %jit3A : i32
      %ne3A_28 = arith.constant 0 : i32
      %ne3A_29 = arith.cmpi ne, %rem3A, %ne3A_28 : i32
      %and3A = arith.andi %ne3A, %ne3A_29 : i1
      %sub3A = arith.constant 1 : i32
      %sub3A_30 = arith.subi %div3A, %sub3A : i32
      %select_n3A = arith.select %and3A, %sub3A_30, %div3A : i32
      %jit3A_31 = arith.constant 64 : i32
      %eq3A = arith.constant 0 : i32
      %eq3A_32 = arith.cmpi eq, %jit3A_31, %eq3A : i32
      %jit3A_33 = arith.constant 1 : i32
      %select_n3A_34 = arith.select %eq3A_32, %jit3A_33, %jit3A_31 : i32
      %rem3A_35 = arith.remsi %add3A_14, %select_n3A_34 : i32
      %ne3A_36 = arith.constant 0 : i32
      %ne3A_37 = arith.cmpi ne, %rem3A_35, %ne3A_36 : i32
      %lt3A = arith.constant 0 : i32
      %lt3A_38 = arith.cmpi slt, %rem3A_35, %lt3A : i32
      %lt3A_39 = arith.constant 0 : i32
      %lt3A_40 = arith.cmpi slt, %select_n3A_34, %lt3A_39 : i32
      %ne3A_41 = arith.xori %lt3A_38, %lt3A_40 : i1
      %and3A_42 = arith.andi %ne3A_41, %ne3A_37 : i1
      %add3A_43 = arith.addi %rem3A_35, %select_n3A_34 : i32
      %select_n3A_44 = arith.select %and3A_42, %add3A_43, %rem3A_35 : i32
      %mul3A_45 = arith.constant 8 : i32
      %mul3A_46 = arith.muli %select_n3A_44, %mul3A_45 : i32
      %add3A_47 = arith.constant 5 : i32
      %add3A_48 = arith.addi %select_n3A, %add3A_47 : i32
      %run_scoped3A = arith.constant 0 : i32
      %run_scoped3A_49 = arith.constant 0 : i32
      "tpu.region"() ({
        %run_scoped3A_134 = tpu.sem_alloc : memref<!tpu.dma_semaphore, #tpu.memory_space<semaphore_mem>>
        %dma_start3A = arith.constant 0 : i32
        %dma_start3A_135 = arith.constant 0 : i32
        %dma_start3A_136 = tpu.memref_slice %arg6[%run_scoped3A_49, %dma_start3A, %dma_start3A_135] : memref<19x8x512xf32, #tpu.memory_space<vmem>> -> memref<1x8x512xf32, #tpu.memory_space<vmem>>
        %dma_start3A_137 = tpu.memref_squeeze %dma_start3A_136 : memref<1x8x512xf32, #tpu.memory_space<vmem>> -> memref<8x512xf32, #tpu.memory_space<vmem>>
        %dma_start3A_138 = arith.constant 0 : i32
        %dma_start3A_139 = tpu.memref_slice %arg2[%add3A_48, %run_scoped3A, %mul3A_46, %dma_start3A_138] : memref<8x19x512x512xf32, #tpu.memory_space<hbm>> -> memref<1x1x8x512xf32, #tpu.memory_space<hbm>>
        %dma_start3A_140 = tpu.memref_squeeze %dma_start3A_139 : memref<1x1x8x512xf32, #tpu.memory_space<hbm>> -> memref<8x512xf32, #tpu.memory_space<hbm>>
        %dma_start3A_141 = arith.constant 0 : i32
        %dma_start3A_142 = arith.constant 0 : i32
        %dma_start3A_143 = tpu.memref_slice %arg6[%run_scoped3A_49, %dma_start3A_141, %dma_start3A_142] : memref<19x8x512xf32, #tpu.memory_space<vmem>> -> memref<1x8x512xf32, #tpu.memory_space<vmem>>
        %dma_start3A_144 = tpu.memref_squeeze %dma_start3A_143 : memref<1x8x512xf32, #tpu.memory_space<vmem>> -> memref<8x512xf32, #tpu.memory_space<vmem>>
        %dma_start3A_145 = arith.constant 0 : i32
        %dma_start3A_146 = tpu.memref_slice %arg2[%add3A_48, %run_scoped3A, %mul3A_46, %dma_start3A_145] : memref<8x19x512x512xf32, #tpu.memory_space<hbm>> -> memref<1x1x8x512xf32, #tpu.memory_space<hbm>>
        %dma_start3A_147 = tpu.memref_squeeze %dma_start3A_146 : memref<1x1x8x512xf32, #tpu.memory_space<hbm>> -> memref<8x512xf32, #tpu.memory_space<hbm>>
        tpu.enqueue_dma source(%dma_start3A_147 : memref<8x512xf32, #tpu.memory_space<hbm>>) target(%dma_start3A_144 : memref<8x512xf32, #tpu.memory_space<vmem>>) target_semaphore(%run_scoped3A_134 : memref<!tpu.dma_semaphore, #tpu.memory_space<semaphore_mem>>)
        %dma_wait3A = arith.constant 0 : i32
        %dma_wait3A_148 = arith.constant 0 : i32
        %dma_wait3A_149 = tpu.memref_slice %arg6[%run_scoped3A_49, %dma_wait3A, %dma_wait3A_148] : memref<19x8x512xf32, #tpu.memory_space<vmem>> -> memref<1x8x512xf32, #tpu.memory_space<vmem>>
        %dma_wait3A_150 = tpu.memref_squeeze %dma_wait3A_149 : memref<1x8x512xf32, #tpu.memory_space<vmem>> -> memref<8x512xf32, #tpu.memory_space<vmem>>
        %dma_wait3A_151 = arith.constant 0 : i32
        %dma_wait3A_152 = tpu.memref_slice %arg2[%add3A_48, %run_scoped3A, %mul3A_46, %dma_wait3A_151] : memref<8x19x512x512xf32, #tpu.memory_space<hbm>> -> memref<1x1x8x512xf32, #tpu.memory_space<hbm>>
        %dma_wait3A_153 = tpu.memref_squeeze %dma_wait3A_152 : memref<1x1x8x512xf32, #tpu.memory_space<hbm>> -> memref<8x512xf32, #tpu.memory_space<hbm>>
        %dma_wait3A_154 = arith.constant 0 : i32
        %dma_wait3A_155 = arith.constant 0 : i32
        %dma_wait3A_156 = tpu.memref_slice %arg6[%run_scoped3A_49, %dma_wait3A_154, %dma_wait3A_155] : memref<19x8x512xf32, #tpu.memory_space<vmem>> -> memref<1x8x512xf32, #tpu.memory_space<vmem>>
        %dma_wait3A_157 = tpu.memref_squeeze %dma_wait3A_156 : memref<1x8x512xf32, #tpu.memory_space<vmem>> -> memref<8x512xf32, #tpu.memory_space<vmem>>
        %dma_wait3A_158 = arith.constant 0 : i32
        %dma_wait3A_159 = tpu.memref_slice %arg2[%add3A_48, %run_scoped3A, %mul3A_46, %dma_wait3A_158] : memref<8x19x512x512xf32, #tpu.memory_space<hbm>> -> memref<1x1x8x512xf32, #tpu.memory_space<hbm>>
        %dma_wait3A_160 = tpu.memref_squeeze %dma_wait3A_159 : memref<1x1x8x512xf32, #tpu.memory_space<hbm>> -> memref<8x512xf32, #tpu.memory_space<hbm>>
        tpu.wait_dma2 semaphore(%run_scoped3A_134 : memref<!tpu.dma_semaphore, #tpu.memory_space<semaphore_mem>>) src(%dma_wait3A_160 : memref<8x512xf32, #tpu.memory_space<hbm>>) dst(%dma_wait3A_157 : memref<8x512xf32, #tpu.memory_space<vmem>>)
        tpu.yield
      }) : () -> ()
      %run_scoped3A_50 = arith.constant 1 : i32
      %run_scoped3A_51 = arith.constant 1 : i32
      "tpu.region"() ({
        %run_scoped3A_134 = tpu.sem_alloc : memref<!tpu.dma_semaphore, #tpu.memory_space<semaphore_mem>>
        %dma_start3A = arith.constant 0 : i32
        %dma_start3A_135 = arith.constant 0 : i32
        %dma_start3A_136 = tpu.memref_slice %arg6[%run_scoped3A_51, %dma_start3A, %dma_start3A_135] : memref<19x8x512xf32, #tpu.memory_space<vmem>> -> memref<1x8x512xf32, #tpu.memory_space<vmem>>
        %dma_start3A_137 = tpu.memref_squeeze %dma_start3A_136 : memref<1x8x512xf32, #tpu.memory_space<vmem>> -> memref<8x512xf32, #tpu.memory_space<vmem>>
        %dma_start3A_138 = arith.constant 0 : i32
        %dma_start3A_139 = tpu.memref_slice %arg2[%add3A_48, %run_scoped3A_50, %mul3A_46, %dma_start3A_138] : memref<8x19x512x512xf32, #tpu.memory_space<hbm>> -> memref<1x1x8x512xf32, #tpu.memory_space<hbm>>
        %dma_start3A_140 = tpu.memref_squeeze %dma_start3A_139 : memref<1x1x8x512xf32, #tpu.memory_space<hbm>> -> memref<8x512xf32, #tpu.memory_space<hbm>>
        %dma_start3A_141 = arith.constant 0 : i32
        %dma_start3A_142 = arith.constant 0 : i32
        %dma_start3A_143 = tpu.memref_slice %arg6[%run_scoped3A_51, %dma_start3A_141, %dma_start3A_142] : memref<19x8x512xf32, #tpu.memory_space<vmem>> -> memref<1x8x512xf32, #tpu.memory_space<vmem>>
        %dma_start3A_144 = tpu.memref_squeeze %dma_start3A_143 : memref<1x8x512xf32, #tpu.memory_space<vmem>> -> memref<8x512xf32, #tpu.memory_space<vmem>>
        %dma_start3A_145 = arith.constant 0 : i32
        %dma_start3A_146 = tpu.memref_slice %arg2[%add3A_48, %run_scoped3A_50, %mul3A_46, %dma_start3A_145] : memref<8x19x512x512xf32, #tpu.memory_space<hbm>> -> memref<1x1x8x512xf32, #tpu.memory_space<hbm>>
        %dma_start3A_147 = tpu.memref_squeeze %dma_start3A_146 : memref<1x1x8x512xf32, #tpu.memory_space<hbm>> -> memref<8x512xf32, #tpu.memory_space<hbm>>
        tpu.enqueue_dma source(%dma_start3A_147 : memref<8x512xf32, #tpu.memory_space<hbm>>) target(%dma_start3A_144 : memref<8x512xf32, #tpu.memory_space<vmem>>) target_semaphore(%run_scoped3A_134 : memref<!tpu.dma_semaphore, #tpu.memory_space<semaphore_mem>>)
        %dma_wait3A = arith.constant 0 : i32
        %dma_wait3A_148 = arith.constant 0 : i32
        %dma_wait3A_149 = tpu.memref_slice %arg6[%run_scoped3A_51, %dma_wait3A, %dma_wait3A_148] : memref<19x8x512xf32, #tpu.memory_space<vmem>> -> memref<1x8x512xf32, #tpu.memory_space<vmem>>
        %dma_wait3A_150 = tpu.memref_squeeze %dma_wait3A_149 : memref<1x8x512xf32, #tpu.memory_space<vmem>> -> memref<8x512xf32, #tpu.memory_space<vmem>>
        %dma_wait3A_151 = arith.constant 0 : i32
        %dma_wait3A_152 = tpu.memref_slice %arg2[%add3A_48, %run_scoped3A_50, %mul3A_46, %dma_wait3A_151] : memref<8x19x512x512xf32, #tpu.memory_space<hbm>> -> memref<1x1x8x512xf32, #tpu.memory_space<hbm>>
        %dma_wait3A_153 = tpu.memref_squeeze %dma_wait3A_152 : memref<1x1x8x512xf32, #tpu.memory_space<hbm>> -> memref<8x512xf32, #tpu.memory_space<hbm>>
        %dma_wait3A_154 = arith.constant 0 : i32
        %dma_wait3A_155 = arith.constant 0 : i32
        %dma_wait3A_156 = tpu.memref_slice %arg6[%run_scoped3A_51, %dma_wait3A_154, %dma_wait3A_155] : memref<19x8x512xf32, #tpu.memory_space<vmem>> -> memref<1x8x512xf32, #tpu.memory_space<vmem>>
        %dma_wait3A_157 = tpu.memref_squeeze %dma_wait3A_156 : memref<1x8x512xf32, #tpu.memory_space<vmem>> -> memref<8x512xf32, #tpu.memory_space<vmem>>
        %dma_wait3A_158 = arith.constant 0 : i32
        %dma_wait3A_159 = tpu.memref_slice %arg2[%add3A_48, %run_scoped3A_50, %mul3A_46, %dma_wait3A_158] : memref<8x19x512x512xf32, #tpu.memory_space<hbm>> -> memref<1x1x8x512xf32, #tpu.memory_space<hbm>>
        %dma_wait3A_160 = tpu.memref_squeeze %dma_wait3A_159 : memref<1x1x8x512xf32, #tpu.memory_space<hbm>> -> memref<8x512xf32, #tpu.memory_space<hbm>>
        tpu.wait_dma2 semaphore(%run_scoped3A_134 : memref<!tpu.dma_semaphore, #tpu.memory_space<semaphore_mem>>) src(%dma_wait3A_160 : memref<8x512xf32, #tpu.memory_space<hbm>>) dst(%dma_wait3A_157 : memref<8x512xf32, #tpu.memory_space<vmem>>)
        tpu.yield
      }) : () -> ()
      %run_scoped3A_52 = arith.constant 2 : i32
      %run_scoped3A_53 = arith.constant 2 : i32
      "tpu.region"() ({
        %run_scoped3A_134 = tpu.sem_alloc : memref<!tpu.dma_semaphore, #tpu.memory_space<semaphore_mem>>
        %dma_start3A = arith.constant 0 : i32
        %dma_start3A_135 = arith.constant 0 : i32
        %dma_start3A_136 = tpu.memref_slice %arg6[%run_scoped3A_53, %dma_start3A, %dma_start3A_135] : memref<19x8x512xf32, #tpu.memory_space<vmem>> -> memref<1x8x512xf32, #tpu.memory_space<vmem>>
        %dma_start3A_137 = tpu.memref_squeeze %dma_start3A_136 : memref<1x8x512xf32, #tpu.memory_space<vmem>> -> memref<8x512xf32, #tpu.memory_space<vmem>>
        %dma_start3A_138 = arith.constant 0 : i32
        %dma_start3A_139 = tpu.memref_slice %arg2[%add3A_48, %run_scoped3A_52, %mul3A_46, %dma_start3A_138] : memref<8x19x512x512xf32, #tpu.memory_space<hbm>> -> memref<1x1x8x512xf32, #tpu.memory_space<hbm>>
        %dma_start3A_140 = tpu.memref_squeeze %dma_start3A_139 : memref<1x1x8x512xf32, #tpu.memory_space<hbm>> -> memref<8x512xf32, #tpu.memory_space<hbm>>
        %dma_start3A_141 = arith.constant 0 : i32
        %dma_start3A_142 = arith.constant 0 : i32
        %dma_start3A_143 = tpu.memref_slice %arg6[%run_scoped3A_53, %dma_start3A_141, %dma_start3A_142] : memref<19x8x512xf32, #tpu.memory_space<vmem>> -> memref<1x8x512xf32, #tpu.memory_space<vmem>>
        %dma_start3A_144 = tpu.memref_squeeze %dma_start3A_143 : memref<1x8x512xf32, #tpu.memory_space<vmem>> -> memref<8x512xf32, #tpu.memory_space<vmem>>
        %dma_start3A_145 = arith.constant 0 : i32
        %dma_start3A_146 = tpu.memref_slice %arg2[%add3A_48, %run_scoped3A_52, %mul3A_46, %dma_start3A_145] : memref<8x19x512x512xf32, #tpu.memory_space<hbm>> -> memref<1x1x8x512xf32, #tpu.memory_space<hbm>>
        %dma_start3A_147 = tpu.memref_squeeze %dma_start3A_146 : memref<1x1x8x512xf32, #tpu.memory_space<hbm>> -> memref<8x512xf32, #tpu.memory_space<hbm>>
        tpu.enqueue_dma source(%dma_start3A_147 : memref<8x512xf32, #tpu.memory_space<hbm>>) target(%dma_start3A_144 : memref<8x512xf32, #tpu.memory_space<vmem>>) target_semaphore(%run_scoped3A_134 : memref<!tpu.dma_semaphore, #tpu.memory_space<semaphore_mem>>)
        %dma_wait3A = arith.constant 0 : i32
        %dma_wait3A_148 = arith.constant 0 : i32
        %dma_wait3A_149 = tpu.memref_slice %arg6[%run_scoped3A_53, %dma_wait3A, %dma_wait3A_148] : memref<19x8x512xf32, #tpu.memory_space<vmem>> -> memref<1x8x512xf32, #tpu.memory_space<vmem>>
        %dma_wait3A_150 = tpu.memref_squeeze %dma_wait3A_149 : memref<1x8x512xf32, #tpu.memory_space<vmem>> -> memref<8x512xf32, #tpu.memory_space<vmem>>
        %dma_wait3A_151 = arith.constant 0 : i32
        %dma_wait3A_152 = tpu.memref_slice %arg2[%add3A_48, %run_scoped3A_52, %mul3A_46, %dma_wait3A_151] : memref<8x19x512x512xf32, #tpu.memory_space<hbm>> -> memref<1x1x8x512xf32, #tpu.memory_space<hbm>>
        %dma_wait3A_153 = tpu.memref_squeeze %dma_wait3A_152 : memref<1x1x8x512xf32, #tpu.memory_space<hbm>> -> memref<8x512xf32, #tpu.memory_space<hbm>>
        %dma_wait3A_154 = arith.constant 0 : i32
        %dma_wait3A_155 = arith.constant 0 : i32
        %dma_wait3A_156 = tpu.memref_slice %arg6[%run_scoped3A_53, %dma_wait3A_154, %dma_wait3A_155] : memref<19x8x512xf32, #tpu.memory_space<vmem>> -> memref<1x8x512xf32, #tpu.memory_space<vmem>>
        %dma_wait3A_157 = tpu.memref_squeeze %dma_wait3A_156 : memref<1x8x512xf32, #tpu.memory_space<vmem>> -> memref<8x512xf32, #tpu.memory_space<vmem>>
        %dma_wait3A_158 = arith.constant 0 : i32
        %dma_wait3A_159 = tpu.memref_slice %arg2[%add3A_48, %run_scoped3A_52, %mul3A_46, %dma_wait3A_158] : memref<8x19x512x512xf32, #tpu.memory_space<hbm>> -> memref<1x1x8x512xf32, #tpu.memory_space<hbm>>
        %dma_wait3A_160 = tpu.memref_squeeze %dma_wait3A_159 : memref<1x1x8x512xf32, #tpu.memory_space<hbm>> -> memref<8x512xf32, #tpu.memory_space<hbm>>
        tpu.wait_dma2 semaphore(%run_scoped3A_134 : memref<!tpu.dma_semaphore, #tpu.memory_space<semaphore_mem>>) src(%dma_wait3A_160 : memref<8x512xf32, #tpu.memory_space<hbm>>) dst(%dma_wait3A_157 : memref<8x512xf32, #tpu.memory_space<vmem>>)
        tpu.yield
      }) : () -> ()
      %run_scoped3A_54 = arith.constant 3 : i32
      %run_scoped3A_55 = arith.constant 3 : i32
      "tpu.region"() ({
        %run_scoped3A_134 = tpu.sem_alloc : memref<!tpu.dma_semaphore, #tpu.memory_space<semaphore_mem>>
        %dma_start3A = arith.constant 0 : i32
        %dma_start3A_135 = arith.constant 0 : i32
        %dma_start3A_136 = tpu.memref_slice %arg6[%run_scoped3A_55, %dma_start3A, %dma_start3A_135] : memref<19x8x512xf32, #tpu.memory_space<vmem>> -> memref<1x8x512xf32, #tpu.memory_space<vmem>>
        %dma_start3A_137 = tpu.memref_squeeze %dma_start3A_136 : memref<1x8x512xf32, #tpu.memory_space<vmem>> -> memref<8x512xf32, #tpu.memory_space<vmem>>
        %dma_start3A_138 = arith.constant 0 : i32
        %dma_start3A_139 = tpu.memref_slice %arg2[%add3A_48, %run_scoped3A_54, %mul3A_46, %dma_start3A_138] : memref<8x19x512x512xf32, #tpu.memory_space<hbm>> -> memref<1x1x8x512xf32, #tpu.memory_space<hbm>>
        %dma_start3A_140 = tpu.memref_squeeze %dma_start3A_139 : memref<1x1x8x512xf32, #tpu.memory_space<hbm>> -> memref<8x512xf32, #tpu.memory_space<hbm>>
        %dma_start3A_141 = arith.constant 0 : i32
        %dma_start3A_142 = arith.constant 0 : i32
        %dma_start3A_143 = tpu.memref_slice %arg6[%run_scoped3A_55, %dma_start3A_141, %dma_start3A_142] : memref<19x8x512xf32, #tpu.memory_space<vmem>> -> memref<1x8x512xf32, #tpu.memory_space<vmem>>
        %dma_start3A_144 = tpu.memref_squeeze %dma_start3A_143 : memref<1x8x512xf32, #tpu.memory_space<vmem>> -> memref<8x512xf32, #tpu.memory_space<vmem>>
        %dma_start3A_145 = arith.constant 0 : i32
        %dma_start3A_146 = tpu.memref_slice %arg2[%add3A_48, %run_scoped3A_54, %mul3A_46, %dma_start3A_145] : memref<8x19x512x512xf32, #tpu.memory_space<hbm>> -> memref<1x1x8x512xf32, #tpu.memory_space<hbm>>
        %dma_start3A_147 = tpu.memref_squeeze %dma_start3A_146 : memref<1x1x8x512xf32, #tpu.memory_space<hbm>> -> memref<8x512xf32, #tpu.memory_space<hbm>>
        tpu.enqueue_dma source(%dma_start3A_147 : memref<8x512xf32, #tpu.memory_space<hbm>>) target(%dma_start3A_144 : memref<8x512xf32, #tpu.memory_space<vmem>>) target_semaphore(%run_scoped3A_134 : memref<!tpu.dma_semaphore, #tpu.memory_space<semaphore_mem>>)
        %dma_wait3A = arith.constant 0 : i32
        %dma_wait3A_148 = arith.constant 0 : i32
        %dma_wait3A_149 = tpu.memref_slice %arg6[%run_scoped3A_55, %dma_wait3A, %dma_wait3A_148] : memref<19x8x512xf32, #tpu.memory_space<vmem>> -> memref<1x8x512xf32, #tpu.memory_space<vmem>>
        %dma_wait3A_150 = tpu.memref_squeeze %dma_wait3A_149 : memref<1x8x512xf32, #tpu.memory_space<vmem>> -> memref<8x512xf32, #tpu.memory_space<vmem>>
        %dma_wait3A_151 = arith.constant 0 : i32
        %dma_wait3A_152 = tpu.memref_slice %arg2[%add3A_48, %run_scoped3A_54, %mul3A_46, %dma_wait3A_151] : memref<8x19x512x512xf32, #tpu.memory_space<hbm>> -> memref<1x1x8x512xf32, #tpu.memory_space<hbm>>
        %dma_wait3A_153 = tpu.memref_squeeze %dma_wait3A_152 : memref<1x1x8x512xf32, #tpu.memory_space<hbm>> -> memref<8x512xf32, #tpu.memory_space<hbm>>
        %dma_wait3A_154 = arith.constant 0 : i32
        %dma_wait3A_155 = arith.constant 0 : i32
        %dma_wait3A_156 = tpu.memref_slice %arg6[%run_scoped3A_55, %dma_wait3A_154, %dma_wait3A_155] : memref<19x8x512xf32, #tpu.memory_space<vmem>> -> memref<1x8x512xf32, #tpu.memory_space<vmem>>
        %dma_wait3A_157 = tpu.memref_squeeze %dma_wait3A_156 : memref<1x8x512xf32, #tpu.memory_space<vmem>> -> memref<8x512xf32, #tpu.memory_space<vmem>>
        %dma_wait3A_158 = arith.constant 0 : i32
        %dma_wait3A_159 = tpu.memref_slice %arg2[%add3A_48, %run_scoped3A_54, %mul3A_46, %dma_wait3A_158] : memref<8x19x512x512xf32, #tpu.memory_space<hbm>> -> memref<1x1x8x512xf32, #tpu.memory_space<hbm>>
        %dma_wait3A_160 = tpu.memref_squeeze %dma_wait3A_159 : memref<1x1x8x512xf32, #tpu.memory_space<hbm>> -> memref<8x512xf32, #tpu.memory_space<hbm>>
        tpu.wait_dma2 semaphore(%run_scoped3A_134 : memref<!tpu.dma_semaphore, #tpu.memory_space<semaphore_mem>>) src(%dma_wait3A_160 : memref<8x512xf32, #tpu.memory_space<hbm>>) dst(%dma_wait3A_157 : memref<8x512xf32, #tpu.memory_space<vmem>>)
        tpu.yield
      }) : () -> ()
      %run_scoped3A_56 = arith.constant 4 : i32
      %run_scoped3A_57 = arith.constant 4 : i32
      "tpu.region"() ({
        %run_scoped3A_134 = tpu.sem_alloc : memref<!tpu.dma_semaphore, #tpu.memory_space<semaphore_mem>>
        %dma_start3A = arith.constant 0 : i32
        %dma_start3A_135 = arith.constant 0 : i32
        %dma_start3A_136 = tpu.memref_slice %arg6[%run_scoped3A_57, %dma_start3A, %dma_start3A_135] : memref<19x8x512xf32, #tpu.memory_space<vmem>> -> memref<1x8x512xf32, #tpu.memory_space<vmem>>
        %dma_start3A_137 = tpu.memref_squeeze %dma_start3A_136 : memref<1x8x512xf32, #tpu.memory_space<vmem>> -> memref<8x512xf32, #tpu.memory_space<vmem>>
        %dma_start3A_138 = arith.constant 0 : i32
        %dma_start3A_139 = tpu.memref_slice %arg2[%add3A_48, %run_scoped3A_56, %mul3A_46, %dma_start3A_138] : memref<8x19x512x512xf32, #tpu.memory_space<hbm>> -> memref<1x1x8x512xf32, #tpu.memory_space<hbm>>
        %dma_start3A_140 = tpu.memref_squeeze %dma_start3A_139 : memref<1x1x8x512xf32, #tpu.memory_space<hbm>> -> memref<8x512xf32, #tpu.memory_space<hbm>>
        %dma_start3A_141 = arith.constant 0 : i32
        %dma_start3A_142 = arith.constant 0 : i32
        %dma_start3A_143 = tpu.memref_slice %arg6[%run_scoped3A_57, %dma_start3A_141, %dma_start3A_142] : memref<19x8x512xf32, #tpu.memory_space<vmem>> -> memref<1x8x512xf32, #tpu.memory_space<vmem>>
        %dma_start3A_144 = tpu.memref_squeeze %dma_start3A_143 : memref<1x8x512xf32, #tpu.memory_space<vmem>> -> memref<8x512xf32, #tpu.memory_space<vmem>>
        %dma_start3A_145 = arith.constant 0 : i32
        %dma_start3A_146 = tpu.memref_slice %arg2[%add3A_48, %run_scoped3A_56, %mul3A_46, %dma_start3A_145] : memref<8x19x512x512xf32, #tpu.memory_space<hbm>> -> memref<1x1x8x512xf32, #tpu.memory_space<hbm>>
        %dma_start3A_147 = tpu.memref_squeeze %dma_start3A_146 : memref<1x1x8x512xf32, #tpu.memory_space<hbm>> -> memref<8x512xf32, #tpu.memory_space<hbm>>
        tpu.enqueue_dma source(%dma_start3A_147 : memref<8x512xf32, #tpu.memory_space<hbm>>) target(%dma_start3A_144 : memref<8x512xf32, #tpu.memory_space<vmem>>) target_semaphore(%run_scoped3A_134 : memref<!tpu.dma_semaphore, #tpu.memory_space<semaphore_mem>>)
        %dma_wait3A = arith.constant 0 : i32
        %dma_wait3A_148 = arith.constant 0 : i32
        %dma_wait3A_149 = tpu.memref_slice %arg6[%run_scoped3A_57, %dma_wait3A, %dma_wait3A_148] : memref<19x8x512xf32, #tpu.memory_space<vmem>> -> memref<1x8x512xf32, #tpu.memory_space<vmem>>
        %dma_wait3A_150 = tpu.memref_squeeze %dma_wait3A_149 : memref<1x8x512xf32, #tpu.memory_space<vmem>> -> memref<8x512xf32, #tpu.memory_space<vmem>>
        %dma_wait3A_151 = arith.constant 0 : i32
        %dma_wait3A_152 = tpu.memref_slice %arg2[%add3A_48, %run_scoped3A_56, %mul3A_46, %dma_wait3A_151] : memref<8x19x512x512xf32, #tpu.memory_space<hbm>> -> memref<1x1x8x512xf32, #tpu.memory_space<hbm>>
        %dma_wait3A_153 = tpu.memref_squeeze %dma_wait3A_152 : memref<1x1x8x512xf32, #tpu.memory_space<hbm>> -> memref<8x512xf32, #tpu.memory_space<hbm>>
        %dma_wait3A_154 = arith.constant 0 : i32
        %dma_wait3A_155 = arith.constant 0 : i32
        %dma_wait3A_156 = tpu.memref_slice %arg6[%run_scoped3A_57, %dma_wait3A_154, %dma_wait3A_155] : memref<19x8x512xf32, #tpu.memory_space<vmem>> -> memref<1x8x512xf32, #tpu.memory_space<vmem>>
        %dma_wait3A_157 = tpu.memref_squeeze %dma_wait3A_156 : memref<1x8x512xf32, #tpu.memory_space<vmem>> -> memref<8x512xf32, #tpu.memory_space<vmem>>
        %dma_wait3A_158 = arith.constant 0 : i32
        %dma_wait3A_159 = tpu.memref_slice %arg2[%add3A_48, %run_scoped3A_56, %mul3A_46, %dma_wait3A_158] : memref<8x19x512x512xf32, #tpu.memory_space<hbm>> -> memref<1x1x8x512xf32, #tpu.memory_space<hbm>>
        %dma_wait3A_160 = tpu.memref_squeeze %dma_wait3A_159 : memref<1x1x8x512xf32, #tpu.memory_space<hbm>> -> memref<8x512xf32, #tpu.memory_space<hbm>>
        tpu.wait_dma2 semaphore(%run_scoped3A_134 : memref<!tpu.dma_semaphore, #tpu.memory_space<semaphore_mem>>) src(%dma_wait3A_160 : memref<8x512xf32, #tpu.memory_space<hbm>>) dst(%dma_wait3A_157 : memref<8x512xf32, #tpu.memory_space<vmem>>)
        tpu.yield
      }) : () -> ()
      %run_scoped3A_58 = arith.constant 5 : i32
      %run_scoped3A_59 = arith.constant 5 : i32
      "tpu.region"() ({
        %run_scoped3A_134 = tpu.sem_alloc : memref<!tpu.dma_semaphore, #tpu.memory_space<semaphore_mem>>
        %dma_start3A = arith.constant 0 : i32
        %dma_start3A_135 = arith.constant 0 : i32
        %dma_start3A_136 = tpu.memref_slice %arg6[%run_scoped3A_59, %dma_start3A, %dma_start3A_135] : memref<19x8x512xf32, #tpu.memory_space<vmem>> -> memref<1x8x512xf32, #tpu.memory_space<vmem>>
        %dma_start3A_137 = tpu.memref_squeeze %dma_start3A_136 : memref<1x8x512xf32, #tpu.memory_space<vmem>> -> memref<8x512xf32, #tpu.memory_space<vmem>>
        %dma_start3A_138 = arith.constant 0 : i32
        %dma_start3A_139 = tpu.memref_slice %arg2[%add3A_48, %run_scoped3A_58, %mul3A_46, %dma_start3A_138] : memref<8x19x512x512xf32, #tpu.memory_space<hbm>> -> memref<1x1x8x512xf32, #tpu.memory_space<hbm>>
        %dma_start3A_140 = tpu.memref_squeeze %dma_start3A_139 : memref<1x1x8x512xf32, #tpu.memory_space<hbm>> -> memref<8x512xf32, #tpu.memory_space<hbm>>
        %dma_start3A_141 = arith.constant 0 : i32
        %dma_start3A_142 = arith.constant 0 : i32
        %dma_start3A_143 = tpu.memref_slice %arg6[%run_scoped3A_59, %dma_start3A_141, %dma_start3A_142] : memref<19x8x512xf32, #tpu.memory_space<vmem>> -> memref<1x8x512xf32, #tpu.memory_space<vmem>>
        %dma_start3A_144 = tpu.memref_squeeze %dma_start3A_143 : memref<1x8x512xf32, #tpu.memory_space<vmem>> -> memref<8x512xf32, #tpu.memory_space<vmem>>
        %dma_start3A_145 = arith.constant 0 : i32
        %dma_start3A_146 = tpu.memref_slice %arg2[%add3A_48, %run_scoped3A_58, %mul3A_46, %dma_start3A_145] : memref<8x19x512x512xf32, #tpu.memory_space<hbm>> -> memref<1x1x8x512xf32, #tpu.memory_space<hbm>>
        %dma_start3A_147 = tpu.memref_squeeze %dma_start3A_146 : memref<1x1x8x512xf32, #tpu.memory_space<hbm>> -> memref<8x512xf32, #tpu.memory_space<hbm>>
        tpu.enqueue_dma source(%dma_start3A_147 : memref<8x512xf32, #tpu.memory_space<hbm>>) target(%dma_start3A_144 : memref<8x512xf32, #tpu.memory_space<vmem>>) target_semaphore(%run_scoped3A_134 : memref<!tpu.dma_semaphore, #tpu.memory_space<semaphore_mem>>)
        %dma_wait3A = arith.constant 0 : i32
        %dma_wait3A_148 = arith.constant 0 : i32
        %dma_wait3A_149 = tpu.memref_slice %arg6[%run_scoped3A_59, %dma_wait3A, %dma_wait3A_148] : memref<19x8x512xf32, #tpu.memory_space<vmem>> -> memref<1x8x512xf32, #tpu.memory_space<vmem>>
        %dma_wait3A_150 = tpu.memref_squeeze %dma_wait3A_149 : memref<1x8x512xf32, #tpu.memory_space<vmem>> -> memref<8x512xf32, #tpu.memory_space<vmem>>
        %dma_wait3A_151 = arith.constant 0 : i32
        %dma_wait3A_152 = tpu.memref_slice %arg2[%add3A_48, %run_scoped3A_58, %mul3A_46, %dma_wait3A_151] : memref<8x19x512x512xf32, #tpu.memory_space<hbm>> -> memref<1x1x8x512xf32, #tpu.memory_space<hbm>>
        %dma_wait3A_153 = tpu.memref_squeeze %dma_wait3A_152 : memref<1x1x8x512xf32, #tpu.memory_space<hbm>> -> memref<8x512xf32, #tpu.memory_space<hbm>>
        %dma_wait3A_154 = arith.constant 0 : i32
        %dma_wait3A_155 = arith.constant 0 : i32
        %dma_wait3A_156 = tpu.memref_slice %arg6[%run_scoped3A_59, %dma_wait3A_154, %dma_wait3A_155] : memref<19x8x512xf32, #tpu.memory_space<vmem>> -> memref<1x8x512xf32, #tpu.memory_space<vmem>>
        %dma_wait3A_157 = tpu.memref_squeeze %dma_wait3A_156 : memref<1x8x512xf32, #tpu.memory_space<vmem>> -> memref<8x512xf32, #tpu.memory_space<vmem>>
        %dma_wait3A_158 = arith.constant 0 : i32
        %dma_wait3A_159 = tpu.memref_slice %arg2[%add3A_48, %run_scoped3A_58, %mul3A_46, %dma_wait3A_158] : memref<8x19x512x512xf32, #tpu.memory_space<hbm>> -> memref<1x1x8x512xf32, #tpu.memory_space<hbm>>
        %dma_wait3A_160 = tpu.memref_squeeze %dma_wait3A_159 : memref<1x1x8x512xf32, #tpu.memory_space<hbm>> -> memref<8x512xf32, #tpu.memory_space<hbm>>
        tpu.wait_dma2 semaphore(%run_scoped3A_134 : memref<!tpu.dma_semaphore, #tpu.memory_space<semaphore_mem>>) src(%dma_wait3A_160 : memref<8x512xf32, #tpu.memory_space<hbm>>) dst(%dma_wait3A_157 : memref<8x512xf32, #tpu.memory_space<vmem>>)
        tpu.yield
      }) : () -> ()
      %run_scoped3A_60 = arith.constant 6 : i32
      %run_scoped3A_61 = arith.constant 6 : i32
      "tpu.region"() ({
        %run_scoped3A_134 = tpu.sem_alloc : memref<!tpu.dma_semaphore, #tpu.memory_space<semaphore_mem>>
        %dma_start3A = arith.constant 0 : i32
        %dma_start3A_135 = arith.constant 0 : i32
        %dma_start3A_136 = tpu.memref_slice %arg6[%run_scoped3A_61, %dma_start3A, %dma_start3A_135] : memref<19x8x512xf32, #tpu.memory_space<vmem>> -> memref<1x8x512xf32, #tpu.memory_space<vmem>>
        %dma_start3A_137 = tpu.memref_squeeze %dma_start3A_136 : memref<1x8x512xf32, #tpu.memory_space<vmem>> -> memref<8x512xf32, #tpu.memory_space<vmem>>
        %dma_start3A_138 = arith.constant 0 : i32
        %dma_start3A_139 = tpu.memref_slice %arg2[%add3A_48, %run_scoped3A_60, %mul3A_46, %dma_start3A_138] : memref<8x19x512x512xf32, #tpu.memory_space<hbm>> -> memref<1x1x8x512xf32, #tpu.memory_space<hbm>>
        %dma_start3A_140 = tpu.memref_squeeze %dma_start3A_139 : memref<1x1x8x512xf32, #tpu.memory_space<hbm>> -> memref<8x512xf32, #tpu.memory_space<hbm>>
        %dma_start3A_141 = arith.constant 0 : i32
        %dma_start3A_142 = arith.constant 0 : i32
        %dma_start3A_143 = tpu.memref_slice %arg6[%run_scoped3A_61, %dma_start3A_141, %dma_start3A_142] : memref<19x8x512xf32, #tpu.memory_space<vmem>> -> memref<1x8x512xf32, #tpu.memory_space<vmem>>
        %dma_start3A_144 = tpu.memref_squeeze %dma_start3A_143 : memref<1x8x512xf32, #tpu.memory_space<vmem>> -> memref<8x512xf32, #tpu.memory_space<vmem>>
        %dma_start3A_145 = arith.constant 0 : i32
        %dma_start3A_146 = tpu.memref_slice %arg2[%add3A_48, %run_scoped3A_60, %mul3A_46, %dma_start3A_145] : memref<8x19x512x512xf32, #tpu.memory_space<hbm>> -> memref<1x1x8x512xf32, #tpu.memory_space<hbm>>
        %dma_start3A_147 = tpu.memref_squeeze %dma_start3A_146 : memref<1x1x8x512xf32, #tpu.memory_space<hbm>> -> memref<8x512xf32, #tpu.memory_space<hbm>>
        tpu.enqueue_dma source(%dma_start3A_147 : memref<8x512xf32, #tpu.memory_space<hbm>>) target(%dma_start3A_144 : memref<8x512xf32, #tpu.memory_space<vmem>>) target_semaphore(%run_scoped3A_134 : memref<!tpu.dma_semaphore, #tpu.memory_space<semaphore_mem>>)
        %dma_wait3A = arith.constant 0 : i32
        %dma_wait3A_148 = arith.constant 0 : i32
        %dma_wait3A_149 = tpu.memref_slice %arg6[%run_scoped3A_61, %dma_wait3A, %dma_wait3A_148] : memref<19x8x512xf32, #tpu.memory_space<vmem>> -> memref<1x8x512xf32, #tpu.memory_space<vmem>>
        %dma_wait3A_150 = tpu.memref_squeeze %dma_wait3A_149 : memref<1x8x512xf32, #tpu.memory_space<vmem>> -> memref<8x512xf32, #tpu.memory_space<vmem>>
        %dma_wait3A_151 = arith.constant 0 : i32
        %dma_wait3A_152 = tpu.memref_slice %arg2[%add3A_48, %run_scoped3A_60, %mul3A_46, %dma_wait3A_151] : memref<8x19x512x512xf32, #tpu.memory_space<hbm>> -> memref<1x1x8x512xf32, #tpu.memory_space<hbm>>
        %dma_wait3A_153 = tpu.memref_squeeze %dma_wait3A_152 : memref<1x1x8x512xf32, #tpu.memory_space<hbm>> -> memref<8x512xf32, #tpu.memory_space<hbm>>
        %dma_wait3A_154 = arith.constant 0 : i32
        %dma_wait3A_155 = arith.constant 0 : i32
        %dma_wait3A_156 = tpu.memref_slice %arg6[%run_scoped3A_61, %dma_wait3A_154, %dma_wait3A_155] : memref<19x8x512xf32, #tpu.memory_space<vmem>> -> memref<1x8x512xf32, #tpu.memory_space<vmem>>
        %dma_wait3A_157 = tpu.memref_squeeze %dma_wait3A_156 : memref<1x8x512xf32, #tpu.memory_space<vmem>> -> memref<8x512xf32, #tpu.memory_space<vmem>>
        %dma_wait3A_158 = arith.constant 0 : i32
        %dma_wait3A_159 = tpu.memref_slice %arg2[%add3A_48, %run_scoped3A_60, %mul3A_46, %dma_wait3A_158] : memref<8x19x512x512xf32, #tpu.memory_space<hbm>> -> memref<1x1x8x512xf32, #tpu.memory_space<hbm>>
        %dma_wait3A_160 = tpu.memref_squeeze %dma_wait3A_159 : memref<1x1x8x512xf32, #tpu.memory_space<hbm>> -> memref<8x512xf32, #tpu.memory_space<hbm>>
        tpu.wait_dma2 semaphore(%run_scoped3A_134 : memref<!tpu.dma_semaphore, #tpu.memory_space<semaphore_mem>>) src(%dma_wait3A_160 : memref<8x512xf32, #tpu.memory_space<hbm>>) dst(%dma_wait3A_157 : memref<8x512xf32, #tpu.memory_space<vmem>>)
        tpu.yield
      }) : () -> ()
      %run_scoped3A_62 = arith.constant 7 : i32
      %run_scoped3A_63 = arith.constant 7 : i32
      "tpu.region"() ({
        %run_scoped3A_134 = tpu.sem_alloc : memref<!tpu.dma_semaphore, #tpu.memory_space<semaphore_mem>>
        %dma_start3A = arith.constant 0 : i32
        %dma_start3A_135 = arith.constant 0 : i32
        %dma_start3A_136 = tpu.memref_slice %arg6[%run_scoped3A_63, %dma_start3A, %dma_start3A_135] : memref<19x8x512xf32, #tpu.memory_space<vmem>> -> memref<1x8x512xf32, #tpu.memory_space<vmem>>
        %dma_start3A_137 = tpu.memref_squeeze %dma_start3A_136 : memref<1x8x512xf32, #tpu.memory_space<vmem>> -> memref<8x512xf32, #tpu.memory_space<vmem>>
        %dma_start3A_138 = arith.constant 0 : i32
        %dma_start3A_139 = tpu.memref_slice %arg2[%add3A_48, %run_scoped3A_62, %mul3A_46, %dma_start3A_138] : memref<8x19x512x512xf32, #tpu.memory_space<hbm>> -> memref<1x1x8x512xf32, #tpu.memory_space<hbm>>
        %dma_start3A_140 = tpu.memref_squeeze %dma_start3A_139 : memref<1x1x8x512xf32, #tpu.memory_space<hbm>> -> memref<8x512xf32, #tpu.memory_space<hbm>>
        %dma_start3A_141 = arith.constant 0 : i32
        %dma_start3A_142 = arith.constant 0 : i32
        %dma_start3A_143 = tpu.memref_slice %arg6[%run_scoped3A_63, %dma_start3A_141, %dma_start3A_142] : memref<19x8x512xf32, #tpu.memory_space<vmem>> -> memref<1x8x512xf32, #tpu.memory_space<vmem>>
        %dma_start3A_144 = tpu.memref_squeeze %dma_start3A_143 : memref<1x8x512xf32, #tpu.memory_space<vmem>> -> memref<8x512xf32, #tpu.memory_space<vmem>>
        %dma_start3A_145 = arith.constant 0 : i32
        %dma_start3A_146 = tpu.memref_slice %arg2[%add3A_48, %run_scoped3A_62, %mul3A_46, %dma_start3A_145] : memref<8x19x512x512xf32, #tpu.memory_space<hbm>> -> memref<1x1x8x512xf32, #tpu.memory_space<hbm>>
        %dma_start3A_147 = tpu.memref_squeeze %dma_start3A_146 : memref<1x1x8x512xf32, #tpu.memory_space<hbm>> -> memref<8x512xf32, #tpu.memory_space<hbm>>
        tpu.enqueue_dma source(%dma_start3A_147 : memref<8x512xf32, #tpu.memory_space<hbm>>) target(%dma_start3A_144 : memref<8x512xf32, #tpu.memory_space<vmem>>) target_semaphore(%run_scoped3A_134 : memref<!tpu.dma_semaphore, #tpu.memory_space<semaphore_mem>>)
        %dma_wait3A = arith.constant 0 : i32
        %dma_wait3A_148 = arith.constant 0 : i32
        %dma_wait3A_149 = tpu.memref_slice %arg6[%run_scoped3A_63, %dma_wait3A, %dma_wait3A_148] : memref<19x8x512xf32, #tpu.memory_space<vmem>> -> memref<1x8x512xf32, #tpu.memory_space<vmem>>
        %dma_wait3A_150 = tpu.memref_squeeze %dma_wait3A_149 : memref<1x8x512xf32, #tpu.memory_space<vmem>> -> memref<8x512xf32, #tpu.memory_space<vmem>>
        %dma_wait3A_151 = arith.constant 0 : i32
        %dma_wait3A_152 = tpu.memref_slice %arg2[%add3A_48, %run_scoped3A_62, %mul3A_46, %dma_wait3A_151] : memref<8x19x512x512xf32, #tpu.memory_space<hbm>> -> memref<1x1x8x512xf32, #tpu.memory_space<hbm>>
        %dma_wait3A_153 = tpu.memref_squeeze %dma_wait3A_152 : memref<1x1x8x512xf32, #tpu.memory_space<hbm>> -> memref<8x512xf32, #tpu.memory_space<hbm>>
        %dma_wait3A_154 = arith.constant 0 : i32
        %dma_wait3A_155 = arith.constant 0 : i32
        %dma_wait3A_156 = tpu.memref_slice %arg6[%run_scoped3A_63, %dma_wait3A_154, %dma_wait3A_155] : memref<19x8x512xf32, #tpu.memory_space<vmem>> -> memref<1x8x512xf32, #tpu.memory_space<vmem>>
        %dma_wait3A_157 = tpu.memref_squeeze %dma_wait3A_156 : memref<1x8x512xf32, #tpu.memory_space<vmem>> -> memref<8x512xf32, #tpu.memory_space<vmem>>
        %dma_wait3A_158 = arith.constant 0 : i32
        %dma_wait3A_159 = tpu.memref_slice %arg2[%add3A_48, %run_scoped3A_62, %mul3A_46, %dma_wait3A_158] : memref<8x19x512x512xf32, #tpu.memory_space<hbm>> -> memref<1x1x8x512xf32, #tpu.memory_space<hbm>>
        %dma_wait3A_160 = tpu.memref_squeeze %dma_wait3A_159 : memref<1x1x8x512xf32, #tpu.memory_space<hbm>> -> memref<8x512xf32, #tpu.memory_space<hbm>>
        tpu.wait_dma2 semaphore(%run_scoped3A_134 : memref<!tpu.dma_semaphore, #tpu.memory_space<semaphore_mem>>) src(%dma_wait3A_160 : memref<8x512xf32, #tpu.memory_space<hbm>>) dst(%dma_wait3A_157 : memref<8x512xf32, #tpu.memory_space<vmem>>)
        tpu.yield
      }) : () -> ()
      %run_scoped3A_64 = arith.constant 8 : i32
      %run_scoped3A_65 = arith.constant 8 : i32
      "tpu.region"() ({
        %run_scoped3A_134 = tpu.sem_alloc : memref<!tpu.dma_semaphore, #tpu.memory_space<semaphore_mem>>
        %dma_start3A = arith.constant 0 : i32
        %dma_start3A_135 = arith.constant 0 : i32
        %dma_start3A_136 = tpu.memref_slice %arg6[%run_scoped3A_65, %dma_start3A, %dma_start3A_135] : memref<19x8x512xf32, #tpu.memory_space<vmem>> -> memref<1x8x512xf32, #tpu.memory_space<vmem>>
        %dma_start3A_137 = tpu.memref_squeeze %dma_start3A_136 : memref<1x8x512xf32, #tpu.memory_space<vmem>> -> memref<8x512xf32, #tpu.memory_space<vmem>>
        %dma_start3A_138 = arith.constant 0 : i32
        %dma_start3A_139 = tpu.memref_slice %arg2[%add3A_48, %run_scoped3A_64, %mul3A_46, %dma_start3A_138] : memref<8x19x512x512xf32, #tpu.memory_space<hbm>> -> memref<1x1x8x512xf32, #tpu.memory_space<hbm>>
        %dma_start3A_140 = tpu.memref_squeeze %dma_start3A_139 : memref<1x1x8x512xf32, #tpu.memory_space<hbm>> -> memref<8x512xf32, #tpu.memory_space<hbm>>
        %dma_start3A_141 = arith.constant 0 : i32
        %dma_start3A_142 = arith.constant 0 : i32
        %dma_start3A_143 = tpu.memref_slice %arg6[%run_scoped3A_65, %dma_start3A_141, %dma_start3A_142] : memref<19x8x512xf32, #tpu.memory_space<vmem>> -> memref<1x8x512xf32, #tpu.memory_space<vmem>>
        %dma_start3A_144 = tpu.memref_squeeze %dma_start3A_143 : memref<1x8x512xf32, #tpu.memory_space<vmem>> -> memref<8x512xf32, #tpu.memory_space<vmem>>
        %dma_start3A_145 = arith.constant 0 : i32
        %dma_start3A_146 = tpu.memref_slice %arg2[%add3A_48, %run_scoped3A_64, %mul3A_46, %dma_start3A_145] : memref<8x19x512x512xf32, #tpu.memory_space<hbm>> -> memref<1x1x8x512xf32, #tpu.memory_space<hbm>>
        %dma_start3A_147 = tpu.memref_squeeze %dma_start3A_146 : memref<1x1x8x512xf32, #tpu.memory_space<hbm>> -> memref<8x512xf32, #tpu.memory_space<hbm>>
        tpu.enqueue_dma source(%dma_start3A_147 : memref<8x512xf32, #tpu.memory_space<hbm>>) target(%dma_start3A_144 : memref<8x512xf32, #tpu.memory_space<vmem>>) target_semaphore(%run_scoped3A_134 : memref<!tpu.dma_semaphore, #tpu.memory_space<semaphore_mem>>)
        %dma_wait3A = arith.constant 0 : i32
        %dma_wait3A_148 = arith.constant 0 : i32
        %dma_wait3A_149 = tpu.memref_slice %arg6[%run_scoped3A_65, %dma_wait3A, %dma_wait3A_148] : memref<19x8x512xf32, #tpu.memory_space<vmem>> -> memref<1x8x512xf32, #tpu.memory_space<vmem>>
        %dma_wait3A_150 = tpu.memref_squeeze %dma_wait3A_149 : memref<1x8x512xf32, #tpu.memory_space<vmem>> -> memref<8x512xf32, #tpu.memory_space<vmem>>
        %dma_wait3A_151 = arith.constant 0 : i32
        %dma_wait3A_152 = tpu.memref_slice %arg2[%add3A_48, %run_scoped3A_64, %mul3A_46, %dma_wait3A_151] : memref<8x19x512x512xf32, #tpu.memory_space<hbm>> -> memref<1x1x8x512xf32, #tpu.memory_space<hbm>>
        %dma_wait3A_153 = tpu.memref_squeeze %dma_wait3A_152 : memref<1x1x8x512xf32, #tpu.memory_space<hbm>> -> memref<8x512xf32, #tpu.memory_space<hbm>>
        %dma_wait3A_154 = arith.constant 0 : i32
        %dma_wait3A_155 = arith.constant 0 : i32
        %dma_wait3A_156 = tpu.memref_slice %arg6[%run_scoped3A_65, %dma_wait3A_154, %dma_wait3A_155] : memref<19x8x512xf32, #tpu.memory_space<vmem>> -> memref<1x8x512xf32, #tpu.memory_space<vmem>>
        %dma_wait3A_157 = tpu.memref_squeeze %dma_wait3A_156 : memref<1x8x512xf32, #tpu.memory_space<vmem>> -> memref<8x512xf32, #tpu.memory_space<vmem>>
        %dma_wait3A_158 = arith.constant 0 : i32
        %dma_wait3A_159 = tpu.memref_slice %arg2[%add3A_48, %run_scoped3A_64, %mul3A_46, %dma_wait3A_158] : memref<8x19x512x512xf32, #tpu.memory_space<hbm>> -> memref<1x1x8x512xf32, #tpu.memory_space<hbm>>
        %dma_wait3A_160 = tpu.memref_squeeze %dma_wait3A_159 : memref<1x1x8x512xf32, #tpu.memory_space<hbm>> -> memref<8x512xf32, #tpu.memory_space<hbm>>
        tpu.wait_dma2 semaphore(%run_scoped3A_134 : memref<!tpu.dma_semaphore, #tpu.memory_space<semaphore_mem>>) src(%dma_wait3A_160 : memref<8x512xf32, #tpu.memory_space<hbm>>) dst(%dma_wait3A_157 : memref<8x512xf32, #tpu.memory_space<vmem>>)
        tpu.yield
      }) : () -> ()
      %run_scoped3A_66 = arith.constant 9 : i32
      %run_scoped3A_67 = arith.constant 9 : i32
      "tpu.region"() ({
        %run_scoped3A_134 = tpu.sem_alloc : memref<!tpu.dma_semaphore, #tpu.memory_space<semaphore_mem>>
        %dma_start3A = arith.constant 0 : i32
        %dma_start3A_135 = arith.constant 0 : i32
        %dma_start3A_136 = tpu.memref_slice %arg6[%run_scoped3A_67, %dma_start3A, %dma_start3A_135] : memref<19x8x512xf32, #tpu.memory_space<vmem>> -> memref<1x8x512xf32, #tpu.memory_space<vmem>>
        %dma_start3A_137 = tpu.memref_squeeze %dma_start3A_136 : memref<1x8x512xf32, #tpu.memory_space<vmem>> -> memref<8x512xf32, #tpu.memory_space<vmem>>
        %dma_start3A_138 = arith.constant 0 : i32
        %dma_start3A_139 = tpu.memref_slice %arg2[%add3A_48, %run_scoped3A_66, %mul3A_46, %dma_start3A_138] : memref<8x19x512x512xf32, #tpu.memory_space<hbm>> -> memref<1x1x8x512xf32, #tpu.memory_space<hbm>>
        %dma_start3A_140 = tpu.memref_squeeze %dma_start3A_139 : memref<1x1x8x512xf32, #tpu.memory_space<hbm>> -> memref<8x512xf32, #tpu.memory_space<hbm>>
        %dma_start3A_141 = arith.constant 0 : i32
        %dma_start3A_142 = arith.constant 0 : i32
        %dma_start3A_143 = tpu.memref_slice %arg6[%run_scoped3A_67, %dma_start3A_141, %dma_start3A_142] : memref<19x8x512xf32, #tpu.memory_space<vmem>> -> memref<1x8x512xf32, #tpu.memory_space<vmem>>
        %dma_start3A_144 = tpu.memref_squeeze %dma_start3A_143 : memref<1x8x512xf32, #tpu.memory_space<vmem>> -> memref<8x512xf32, #tpu.memory_space<vmem>>
        %dma_start3A_145 = arith.constant 0 : i32
        %dma_start3A_146 = tpu.memref_slice %arg2[%add3A_48, %run_scoped3A_66, %mul3A_46, %dma_start3A_145] : memref<8x19x512x512xf32, #tpu.memory_space<hbm>> -> memref<1x1x8x512xf32, #tpu.memory_space<hbm>>
        %dma_start3A_147 = tpu.memref_squeeze %dma_start3A_146 : memref<1x1x8x512xf32, #tpu.memory_space<hbm>> -> memref<8x512xf32, #tpu.memory_space<hbm>>
        tpu.enqueue_dma source(%dma_start3A_147 : memref<8x512xf32, #tpu.memory_space<hbm>>) target(%dma_start3A_144 : memref<8x512xf32, #tpu.memory_space<vmem>>) target_semaphore(%run_scoped3A_134 : memref<!tpu.dma_semaphore, #tpu.memory_space<semaphore_mem>>)
        %dma_wait3A = arith.constant 0 : i32
        %dma_wait3A_148 = arith.constant 0 : i32
        %dma_wait3A_149 = tpu.memref_slice %arg6[%run_scoped3A_67, %dma_wait3A, %dma_wait3A_148] : memref<19x8x512xf32, #tpu.memory_space<vmem>> -> memref<1x8x512xf32, #tpu.memory_space<vmem>>
        %dma_wait3A_150 = tpu.memref_squeeze %dma_wait3A_149 : memref<1x8x512xf32, #tpu.memory_space<vmem>> -> memref<8x512xf32, #tpu.memory_space<vmem>>
        %dma_wait3A_151 = arith.constant 0 : i32
        %dma_wait3A_152 = tpu.memref_slice %arg2[%add3A_48, %run_scoped3A_66, %mul3A_46, %dma_wait3A_151] : memref<8x19x512x512xf32, #tpu.memory_space<hbm>> -> memref<1x1x8x512xf32, #tpu.memory_space<hbm>>
        %dma_wait3A_153 = tpu.memref_squeeze %dma_wait3A_152 : memref<1x1x8x512xf32, #tpu.memory_space<hbm>> -> memref<8x512xf32, #tpu.memory_space<hbm>>
        %dma_wait3A_154 = arith.constant 0 : i32
        %dma_wait3A_155 = arith.constant 0 : i32
        %dma_wait3A_156 = tpu.memref_slice %arg6[%run_scoped3A_67, %dma_wait3A_154, %dma_wait3A_155] : memref<19x8x512xf32, #tpu.memory_space<vmem>> -> memref<1x8x512xf32, #tpu.memory_space<vmem>>
        %dma_wait3A_157 = tpu.memref_squeeze %dma_wait3A_156 : memref<1x8x512xf32, #tpu.memory_space<vmem>> -> memref<8x512xf32, #tpu.memory_space<vmem>>
        %dma_wait3A_158 = arith.constant 0 : i32
        %dma_wait3A_159 = tpu.memref_slice %arg2[%add3A_48, %run_scoped3A_66, %mul3A_46, %dma_wait3A_158] : memref<8x19x512x512xf32, #tpu.memory_space<hbm>> -> memref<1x1x8x512xf32, #tpu.memory_space<hbm>>
        %dma_wait3A_160 = tpu.memref_squeeze %dma_wait3A_159 : memref<1x1x8x512xf32, #tpu.memory_space<hbm>> -> memref<8x512xf32, #tpu.memory_space<hbm>>
        tpu.wait_dma2 semaphore(%run_scoped3A_134 : memref<!tpu.dma_semaphore, #tpu.memory_space<semaphore_mem>>) src(%dma_wait3A_160 : memref<8x512xf32, #tpu.memory_space<hbm>>) dst(%dma_wait3A_157 : memref<8x512xf32, #tpu.memory_space<vmem>>)
        tpu.yield
      }) : () -> ()
      %run_scoped3A_68 = arith.constant 10 : i32
      %run_scoped3A_69 = arith.constant 10 : i32
      "tpu.region"() ({
        %run_scoped3A_134 = tpu.sem_alloc : memref<!tpu.dma_semaphore, #tpu.memory_space<semaphore_mem>>
        %dma_start3A = arith.constant 0 : i32
        %dma_start3A_135 = arith.constant 0 : i32
        %dma_start3A_136 = tpu.memref_slice %arg6[%run_scoped3A_69, %dma_start3A, %dma_start3A_135] : memref<19x8x512xf32, #tpu.memory_space<vmem>> -> memref<1x8x512xf32, #tpu.memory_space<vmem>>
        %dma_start3A_137 = tpu.memref_squeeze %dma_start3A_136 : memref<1x8x512xf32, #tpu.memory_space<vmem>> -> memref<8x512xf32, #tpu.memory_space<vmem>>
        %dma_start3A_138 = arith.constant 0 : i32
        %dma_start3A_139 = tpu.memref_slice %arg2[%add3A_48, %run_scoped3A_68, %mul3A_46, %dma_start3A_138] : memref<8x19x512x512xf32, #tpu.memory_space<hbm>> -> memref<1x1x8x512xf32, #tpu.memory_space<hbm>>
        %dma_start3A_140 = tpu.memref_squeeze %dma_start3A_139 : memref<1x1x8x512xf32, #tpu.memory_space<hbm>> -> memref<8x512xf32, #tpu.memory_space<hbm>>
        %dma_start3A_141 = arith.constant 0 : i32
        %dma_start3A_142 = arith.constant 0 : i32
        %dma_start3A_143 = tpu.memref_slice %arg6[%run_scoped3A_69, %dma_start3A_141, %dma_start3A_142] : memref<19x8x512xf32, #tpu.memory_space<vmem>> -> memref<1x8x512xf32, #tpu.memory_space<vmem>>
        %dma_start3A_144 = tpu.memref_squeeze %dma_start3A_143 : memref<1x8x512xf32, #tpu.memory_space<vmem>> -> memref<8x512xf32, #tpu.memory_space<vmem>>
        %dma_start3A_145 = arith.constant 0 : i32
        %dma_start3A_146 = tpu.memref_slice %arg2[%add3A_48, %run_scoped3A_68, %mul3A_46, %dma_start3A_145] : memref<8x19x512x512xf32, #tpu.memory_space<hbm>> -> memref<1x1x8x512xf32, #tpu.memory_space<hbm>>
        %dma_start3A_147 = tpu.memref_squeeze %dma_start3A_146 : memref<1x1x8x512xf32, #tpu.memory_space<hbm>> -> memref<8x512xf32, #tpu.memory_space<hbm>>
        tpu.enqueue_dma source(%dma_start3A_147 : memref<8x512xf32, #tpu.memory_space<hbm>>) target(%dma_start3A_144 : memref<8x512xf32, #tpu.memory_space<vmem>>) target_semaphore(%run_scoped3A_134 : memref<!tpu.dma_semaphore, #tpu.memory_space<semaphore_mem>>)
        %dma_wait3A = arith.constant 0 : i32
        %dma_wait3A_148 = arith.constant 0 : i32
        %dma_wait3A_149 = tpu.memref_slice %arg6[%run_scoped3A_69, %dma_wait3A, %dma_wait3A_148] : memref<19x8x512xf32, #tpu.memory_space<vmem>> -> memref<1x8x512xf32, #tpu.memory_space<vmem>>
        %dma_wait3A_150 = tpu.memref_squeeze %dma_wait3A_149 : memref<1x8x512xf32, #tpu.memory_space<vmem>> -> memref<8x512xf32, #tpu.memory_space<vmem>>
        %dma_wait3A_151 = arith.constant 0 : i32
        %dma_wait3A_152 = tpu.memref_slice %arg2[%add3A_48, %run_scoped3A_68, %mul3A_46, %dma_wait3A_151] : memref<8x19x512x512xf32, #tpu.memory_space<hbm>> -> memref<1x1x8x512xf32, #tpu.memory_space<hbm>>
        %dma_wait3A_153 = tpu.memref_squeeze %dma_wait3A_152 : memref<1x1x8x512xf32, #tpu.memory_space<hbm>> -> memref<8x512xf32, #tpu.memory_space<hbm>>
        %dma_wait3A_154 = arith.constant 0 : i32
        %dma_wait3A_155 = arith.constant 0 : i32
        %dma_wait3A_156 = tpu.memref_slice %arg6[%run_scoped3A_69, %dma_wait3A_154, %dma_wait3A_155] : memref<19x8x512xf32, #tpu.memory_space<vmem>> -> memref<1x8x512xf32, #tpu.memory_space<vmem>>
        %dma_wait3A_157 = tpu.memref_squeeze %dma_wait3A_156 : memref<1x8x512xf32, #tpu.memory_space<vmem>> -> memref<8x512xf32, #tpu.memory_space<vmem>>
        %dma_wait3A_158 = arith.constant 0 : i32
        %dma_wait3A_159 = tpu.memref_slice %arg2[%add3A_48, %run_scoped3A_68, %mul3A_46, %dma_wait3A_158] : memref<8x19x512x512xf32, #tpu.memory_space<hbm>> -> memref<1x1x8x512xf32, #tpu.memory_space<hbm>>
        %dma_wait3A_160 = tpu.memref_squeeze %dma_wait3A_159 : memref<1x1x8x512xf32, #tpu.memory_space<hbm>> -> memref<8x512xf32, #tpu.memory_space<hbm>>
        tpu.wait_dma2 semaphore(%run_scoped3A_134 : memref<!tpu.dma_semaphore, #tpu.memory_space<semaphore_mem>>) src(%dma_wait3A_160 : memref<8x512xf32, #tpu.memory_space<hbm>>) dst(%dma_wait3A_157 : memref<8x512xf32, #tpu.memory_space<vmem>>)
        tpu.yield
      }) : () -> ()
      %run_scoped3A_70 = arith.constant 11 : i32
      %run_scoped3A_71 = arith.constant 11 : i32
      "tpu.region"() ({
        %run_scoped3A_134 = tpu.sem_alloc : memref<!tpu.dma_semaphore, #tpu.memory_space<semaphore_mem>>
        %dma_start3A = arith.constant 0 : i32
        %dma_start3A_135 = arith.constant 0 : i32
        %dma_start3A_136 = tpu.memref_slice %arg6[%run_scoped3A_71, %dma_start3A, %dma_start3A_135] : memref<19x8x512xf32, #tpu.memory_space<vmem>> -> memref<1x8x512xf32, #tpu.memory_space<vmem>>
        %dma_start3A_137 = tpu.memref_squeeze %dma_start3A_136 : memref<1x8x512xf32, #tpu.memory_space<vmem>> -> memref<8x512xf32, #tpu.memory_space<vmem>>
        %dma_start3A_138 = arith.constant 0 : i32
        %dma_start3A_139 = tpu.memref_slice %arg2[%add3A_48, %run_scoped3A_70, %mul3A_46, %dma_start3A_138] : memref<8x19x512x512xf32, #tpu.memory_space<hbm>> -> memref<1x1x8x512xf32, #tpu.memory_space<hbm>>
        %dma_start3A_140 = tpu.memref_squeeze %dma_start3A_139 : memref<1x1x8x512xf32, #tpu.memory_space<hbm>> -> memref<8x512xf32, #tpu.memory_space<hbm>>
        %dma_start3A_141 = arith.constant 0 : i32
        %dma_start3A_142 = arith.constant 0 : i32
        %dma_start3A_143 = tpu.memref_slice %arg6[%run_scoped3A_71, %dma_start3A_141, %dma_start3A_142] : memref<19x8x512xf32, #tpu.memory_space<vmem>> -> memref<1x8x512xf32, #tpu.memory_space<vmem>>
        %dma_start3A_144 = tpu.memref_squeeze %dma_start3A_143 : memref<1x8x512xf32, #tpu.memory_space<vmem>> -> memref<8x512xf32, #tpu.memory_space<vmem>>
        %dma_start3A_145 = arith.constant 0 : i32
        %dma_start3A_146 = tpu.memref_slice %arg2[%add3A_48, %run_scoped3A_70, %mul3A_46, %dma_start3A_145] : memref<8x19x512x512xf32, #tpu.memory_space<hbm>> -> memref<1x1x8x512xf32, #tpu.memory_space<hbm>>
        %dma_start3A_147 = tpu.memref_squeeze %dma_start3A_146 : memref<1x1x8x512xf32, #tpu.memory_space<hbm>> -> memref<8x512xf32, #tpu.memory_space<hbm>>
        tpu.enqueue_dma source(%dma_start3A_147 : memref<8x512xf32, #tpu.memory_space<hbm>>) target(%dma_start3A_144 : memref<8x512xf32, #tpu.memory_space<vmem>>) target_semaphore(%run_scoped3A_134 : memref<!tpu.dma_semaphore, #tpu.memory_space<semaphore_mem>>)
        %dma_wait3A = arith.constant 0 : i32
        %dma_wait3A_148 = arith.constant 0 : i32
        %dma_wait3A_149 = tpu.memref_slice %arg6[%run_scoped3A_71, %dma_wait3A, %dma_wait3A_148] : memref<19x8x512xf32, #tpu.memory_space<vmem>> -> memref<1x8x512xf32, #tpu.memory_space<vmem>>
        %dma_wait3A_150 = tpu.memref_squeeze %dma_wait3A_149 : memref<1x8x512xf32, #tpu.memory_space<vmem>> -> memref<8x512xf32, #tpu.memory_space<vmem>>
        %dma_wait3A_151 = arith.constant 0 : i32
        %dma_wait3A_152 = tpu.memref_slice %arg2[%add3A_48, %run_scoped3A_70, %mul3A_46, %dma_wait3A_151] : memref<8x19x512x512xf32, #tpu.memory_space<hbm>> -> memref<1x1x8x512xf32, #tpu.memory_space<hbm>>
        %dma_wait3A_153 = tpu.memref_squeeze %dma_wait3A_152 : memref<1x1x8x512xf32, #tpu.memory_space<hbm>> -> memref<8x512xf32, #tpu.memory_space<hbm>>
        %dma_wait3A_154 = arith.constant 0 : i32
        %dma_wait3A_155 = arith.constant 0 : i32
        %dma_wait3A_156 = tpu.memref_slice %arg6[%run_scoped3A_71, %dma_wait3A_154, %dma_wait3A_155] : memref<19x8x512xf32, #tpu.memory_space<vmem>> -> memref<1x8x512xf32, #tpu.memory_space<vmem>>
        %dma_wait3A_157 = tpu.memref_squeeze %dma_wait3A_156 : memref<1x8x512xf32, #tpu.memory_space<vmem>> -> memref<8x512xf32, #tpu.memory_space<vmem>>
        %dma_wait3A_158 = arith.constant 0 : i32
        %dma_wait3A_159 = tpu.memref_slice %arg2[%add3A_48, %run_scoped3A_70, %mul3A_46, %dma_wait3A_158] : memref<8x19x512x512xf32, #tpu.memory_space<hbm>> -> memref<1x1x8x512xf32, #tpu.memory_space<hbm>>
        %dma_wait3A_160 = tpu.memref_squeeze %dma_wait3A_159 : memref<1x1x8x512xf32, #tpu.memory_space<hbm>> -> memref<8x512xf32, #tpu.memory_space<hbm>>
        tpu.wait_dma2 semaphore(%run_scoped3A_134 : memref<!tpu.dma_semaphore, #tpu.memory_space<semaphore_mem>>) src(%dma_wait3A_160 : memref<8x512xf32, #tpu.memory_space<hbm>>) dst(%dma_wait3A_157 : memref<8x512xf32, #tpu.memory_space<vmem>>)
        tpu.yield
      }) : () -> ()
      %run_scoped3A_72 = arith.constant 12 : i32
      %run_scoped3A_73 = arith.constant 12 : i32
      "tpu.region"() ({
        %run_scoped3A_134 = tpu.sem_alloc : memref<!tpu.dma_semaphore, #tpu.memory_space<semaphore_mem>>
        %dma_start3A = arith.constant 0 : i32
        %dma_start3A_135 = arith.constant 0 : i32
        %dma_start3A_136 = tpu.memref_slice %arg6[%run_scoped3A_73, %dma_start3A, %dma_start3A_135] : memref<19x8x512xf32, #tpu.memory_space<vmem>> -> memref<1x8x512xf32, #tpu.memory_space<vmem>>
        %dma_start3A_137 = tpu.memref_squeeze %dma_start3A_136 : memref<1x8x512xf32, #tpu.memory_space<vmem>> -> memref<8x512xf32, #tpu.memory_space<vmem>>
        %dma_start3A_138 = arith.constant 0 : i32
        %dma_start3A_139 = tpu.memref_slice %arg2[%add3A_48, %run_scoped3A_72, %mul3A_46, %dma_start3A_138] : memref<8x19x512x512xf32, #tpu.memory_space<hbm>> -> memref<1x1x8x512xf32, #tpu.memory_space<hbm>>
        %dma_start3A_140 = tpu.memref_squeeze %dma_start3A_139 : memref<1x1x8x512xf32, #tpu.memory_space<hbm>> -> memref<8x512xf32, #tpu.memory_space<hbm>>
        %dma_start3A_141 = arith.constant 0 : i32
        %dma_start3A_142 = arith.constant 0 : i32
        %dma_start3A_143 = tpu.memref_slice %arg6[%run_scoped3A_73, %dma_start3A_141, %dma_start3A_142] : memref<19x8x512xf32, #tpu.memory_space<vmem>> -> memref<1x8x512xf32, #tpu.memory_space<vmem>>
        %dma_start3A_144 = tpu.memref_squeeze %dma_start3A_143 : memref<1x8x512xf32, #tpu.memory_space<vmem>> -> memref<8x512xf32, #tpu.memory_space<vmem>>
        %dma_start3A_145 = arith.constant 0 : i32
        %dma_start3A_146 = tpu.memref_slice %arg2[%add3A_48, %run_scoped3A_72, %mul3A_46, %dma_start3A_145] : memref<8x19x512x512xf32, #tpu.memory_space<hbm>> -> memref<1x1x8x512xf32, #tpu.memory_space<hbm>>
        %dma_start3A_147 = tpu.memref_squeeze %dma_start3A_146 : memref<1x1x8x512xf32, #tpu.memory_space<hbm>> -> memref<8x512xf32, #tpu.memory_space<hbm>>
        tpu.enqueue_dma source(%dma_start3A_147 : memref<8x512xf32, #tpu.memory_space<hbm>>) target(%dma_start3A_144 : memref<8x512xf32, #tpu.memory_space<vmem>>) target_semaphore(%run_scoped3A_134 : memref<!tpu.dma_semaphore, #tpu.memory_space<semaphore_mem>>)
        %dma_wait3A = arith.constant 0 : i32
        %dma_wait3A_148 = arith.constant 0 : i32
        %dma_wait3A_149 = tpu.memref_slice %arg6[%run_scoped3A_73, %dma_wait3A, %dma_wait3A_148] : memref<19x8x512xf32, #tpu.memory_space<vmem>> -> memref<1x8x512xf32, #tpu.memory_space<vmem>>
        %dma_wait3A_150 = tpu.memref_squeeze %dma_wait3A_149 : memref<1x8x512xf32, #tpu.memory_space<vmem>> -> memref<8x512xf32, #tpu.memory_space<vmem>>
        %dma_wait3A_151 = arith.constant 0 : i32
        %dma_wait3A_152 = tpu.memref_slice %arg2[%add3A_48, %run_scoped3A_72, %mul3A_46, %dma_wait3A_151] : memref<8x19x512x512xf32, #tpu.memory_space<hbm>> -> memref<1x1x8x512xf32, #tpu.memory_space<hbm>>
        %dma_wait3A_153 = tpu.memref_squeeze %dma_wait3A_152 : memref<1x1x8x512xf32, #tpu.memory_space<hbm>> -> memref<8x512xf32, #tpu.memory_space<hbm>>
        %dma_wait3A_154 = arith.constant 0 : i32
        %dma_wait3A_155 = arith.constant 0 : i32
        %dma_wait3A_156 = tpu.memref_slice %arg6[%run_scoped3A_73, %dma_wait3A_154, %dma_wait3A_155] : memref<19x8x512xf32, #tpu.memory_space<vmem>> -> memref<1x8x512xf32, #tpu.memory_space<vmem>>
        %dma_wait3A_157 = tpu.memref_squeeze %dma_wait3A_156 : memref<1x8x512xf32, #tpu.memory_space<vmem>> -> memref<8x512xf32, #tpu.memory_space<vmem>>
        %dma_wait3A_158 = arith.constant 0 : i32
        %dma_wait3A_159 = tpu.memref_slice %arg2[%add3A_48, %run_scoped3A_72, %mul3A_46, %dma_wait3A_158] : memref<8x19x512x512xf32, #tpu.memory_space<hbm>> -> memref<1x1x8x512xf32, #tpu.memory_space<hbm>>
        %dma_wait3A_160 = tpu.memref_squeeze %dma_wait3A_159 : memref<1x1x8x512xf32, #tpu.memory_space<hbm>> -> memref<8x512xf32, #tpu.memory_space<hbm>>
        tpu.wait_dma2 semaphore(%run_scoped3A_134 : memref<!tpu.dma_semaphore, #tpu.memory_space<semaphore_mem>>) src(%dma_wait3A_160 : memref<8x512xf32, #tpu.memory_space<hbm>>) dst(%dma_wait3A_157 : memref<8x512xf32, #tpu.memory_space<vmem>>)
        tpu.yield
      }) : () -> ()
      %run_scoped3A_74 = arith.constant 13 : i32
      %run_scoped3A_75 = arith.constant 13 : i32
      "tpu.region"() ({
        %run_scoped3A_134 = tpu.sem_alloc : memref<!tpu.dma_semaphore, #tpu.memory_space<semaphore_mem>>
        %dma_start3A = arith.constant 0 : i32
        %dma_start3A_135 = arith.constant 0 : i32
        %dma_start3A_136 = tpu.memref_slice %arg6[%run_scoped3A_75, %dma_start3A, %dma_start3A_135] : memref<19x8x512xf32, #tpu.memory_space<vmem>> -> memref<1x8x512xf32, #tpu.memory_space<vmem>>
        %dma_start3A_137 = tpu.memref_squeeze %dma_start3A_136 : memref<1x8x512xf32, #tpu.memory_space<vmem>> -> memref<8x512xf32, #tpu.memory_space<vmem>>
        %dma_start3A_138 = arith.constant 0 : i32
        %dma_start3A_139 = tpu.memref_slice %arg2[%add3A_48, %run_scoped3A_74, %mul3A_46, %dma_start3A_138] : memref<8x19x512x512xf32, #tpu.memory_space<hbm>> -> memref<1x1x8x512xf32, #tpu.memory_space<hbm>>
        %dma_start3A_140 = tpu.memref_squeeze %dma_start3A_139 : memref<1x1x8x512xf32, #tpu.memory_space<hbm>> -> memref<8x512xf32, #tpu.memory_space<hbm>>
        %dma_start3A_141 = arith.constant 0 : i32
        %dma_start3A_142 = arith.constant 0 : i32
        %dma_start3A_143 = tpu.memref_slice %arg6[%run_scoped3A_75, %dma_start3A_141, %dma_start3A_142] : memref<19x8x512xf32, #tpu.memory_space<vmem>> -> memref<1x8x512xf32, #tpu.memory_space<vmem>>
        %dma_start3A_144 = tpu.memref_squeeze %dma_start3A_143 : memref<1x8x512xf32, #tpu.memory_space<vmem>> -> memref<8x512xf32, #tpu.memory_space<vmem>>
        %dma_start3A_145 = arith.constant 0 : i32
        %dma_start3A_146 = tpu.memref_slice %arg2[%add3A_48, %run_scoped3A_74, %mul3A_46, %dma_start3A_145] : memref<8x19x512x512xf32, #tpu.memory_space<hbm>> -> memref<1x1x8x512xf32, #tpu.memory_space<hbm>>
        %dma_start3A_147 = tpu.memref_squeeze %dma_start3A_146 : memref<1x1x8x512xf32, #tpu.memory_space<hbm>> -> memref<8x512xf32, #tpu.memory_space<hbm>>
        tpu.enqueue_dma source(%dma_start3A_147 : memref<8x512xf32, #tpu.memory_space<hbm>>) target(%dma_start3A_144 : memref<8x512xf32, #tpu.memory_space<vmem>>) target_semaphore(%run_scoped3A_134 : memref<!tpu.dma_semaphore, #tpu.memory_space<semaphore_mem>>)
        %dma_wait3A = arith.constant 0 : i32
        %dma_wait3A_148 = arith.constant 0 : i32
        %dma_wait3A_149 = tpu.memref_slice %arg6[%run_scoped3A_75, %dma_wait3A, %dma_wait3A_148] : memref<19x8x512xf32, #tpu.memory_space<vmem>> -> memref<1x8x512xf32, #tpu.memory_space<vmem>>
        %dma_wait3A_150 = tpu.memref_squeeze %dma_wait3A_149 : memref<1x8x512xf32, #tpu.memory_space<vmem>> -> memref<8x512xf32, #tpu.memory_space<vmem>>
        %dma_wait3A_151 = arith.constant 0 : i32
        %dma_wait3A_152 = tpu.memref_slice %arg2[%add3A_48, %run_scoped3A_74, %mul3A_46, %dma_wait3A_151] : memref<8x19x512x512xf32, #tpu.memory_space<hbm>> -> memref<1x1x8x512xf32, #tpu.memory_space<hbm>>
        %dma_wait3A_153 = tpu.memref_squeeze %dma_wait3A_152 : memref<1x1x8x512xf32, #tpu.memory_space<hbm>> -> memref<8x512xf32, #tpu.memory_space<hbm>>
        %dma_wait3A_154 = arith.constant 0 : i32
        %dma_wait3A_155 = arith.constant 0 : i32
        %dma_wait3A_156 = tpu.memref_slice %arg6[%run_scoped3A_75, %dma_wait3A_154, %dma_wait3A_155] : memref<19x8x512xf32, #tpu.memory_space<vmem>> -> memref<1x8x512xf32, #tpu.memory_space<vmem>>
        %dma_wait3A_157 = tpu.memref_squeeze %dma_wait3A_156 : memref<1x8x512xf32, #tpu.memory_space<vmem>> -> memref<8x512xf32, #tpu.memory_space<vmem>>
        %dma_wait3A_158 = arith.constant 0 : i32
        %dma_wait3A_159 = tpu.memref_slice %arg2[%add3A_48, %run_scoped3A_74, %mul3A_46, %dma_wait3A_158] : memref<8x19x512x512xf32, #tpu.memory_space<hbm>> -> memref<1x1x8x512xf32, #tpu.memory_space<hbm>>
        %dma_wait3A_160 = tpu.memref_squeeze %dma_wait3A_159 : memref<1x1x8x512xf32, #tpu.memory_space<hbm>> -> memref<8x512xf32, #tpu.memory_space<hbm>>
        tpu.wait_dma2 semaphore(%run_scoped3A_134 : memref<!tpu.dma_semaphore, #tpu.memory_space<semaphore_mem>>) src(%dma_wait3A_160 : memref<8x512xf32, #tpu.memory_space<hbm>>) dst(%dma_wait3A_157 : memref<8x512xf32, #tpu.memory_space<vmem>>)
        tpu.yield
      }) : () -> ()
      %run_scoped3A_76 = arith.constant 14 : i32
      %run_scoped3A_77 = arith.constant 14 : i32
      "tpu.region"() ({
        %run_scoped3A_134 = tpu.sem_alloc : memref<!tpu.dma_semaphore, #tpu.memory_space<semaphore_mem>>
        %dma_start3A = arith.constant 0 : i32
        %dma_start3A_135 = arith.constant 0 : i32
        %dma_start3A_136 = tpu.memref_slice %arg6[%run_scoped3A_77, %dma_start3A, %dma_start3A_135] : memref<19x8x512xf32, #tpu.memory_space<vmem>> -> memref<1x8x512xf32, #tpu.memory_space<vmem>>
        %dma_start3A_137 = tpu.memref_squeeze %dma_start3A_136 : memref<1x8x512xf32, #tpu.memory_space<vmem>> -> memref<8x512xf32, #tpu.memory_space<vmem>>
        %dma_start3A_138 = arith.constant 0 : i32
        %dma_start3A_139 = tpu.memref_slice %arg2[%add3A_48, %run_scoped3A_76, %mul3A_46, %dma_start3A_138] : memref<8x19x512x512xf32, #tpu.memory_space<hbm>> -> memref<1x1x8x512xf32, #tpu.memory_space<hbm>>
        %dma_start3A_140 = tpu.memref_squeeze %dma_start3A_139 : memref<1x1x8x512xf32, #tpu.memory_space<hbm>> -> memref<8x512xf32, #tpu.memory_space<hbm>>
        %dma_start3A_141 = arith.constant 0 : i32
        %dma_start3A_142 = arith.constant 0 : i32
        %dma_start3A_143 = tpu.memref_slice %arg6[%run_scoped3A_77, %dma_start3A_141, %dma_start3A_142] : memref<19x8x512xf32, #tpu.memory_space<vmem>> -> memref<1x8x512xf32, #tpu.memory_space<vmem>>
        %dma_start3A_144 = tpu.memref_squeeze %dma_start3A_143 : memref<1x8x512xf32, #tpu.memory_space<vmem>> -> memref<8x512xf32, #tpu.memory_space<vmem>>
        %dma_start3A_145 = arith.constant 0 : i32
        %dma_start3A_146 = tpu.memref_slice %arg2[%add3A_48, %run_scoped3A_76, %mul3A_46, %dma_start3A_145] : memref<8x19x512x512xf32, #tpu.memory_space<hbm>> -> memref<1x1x8x512xf32, #tpu.memory_space<hbm>>
        %dma_start3A_147 = tpu.memref_squeeze %dma_start3A_146 : memref<1x1x8x512xf32, #tpu.memory_space<hbm>> -> memref<8x512xf32, #tpu.memory_space<hbm>>
        tpu.enqueue_dma source(%dma_start3A_147 : memref<8x512xf32, #tpu.memory_space<hbm>>) target(%dma_start3A_144 : memref<8x512xf32, #tpu.memory_space<vmem>>) target_semaphore(%run_scoped3A_134 : memref<!tpu.dma_semaphore, #tpu.memory_space<semaphore_mem>>)
        %dma_wait3A = arith.constant 0 : i32
        %dma_wait3A_148 = arith.constant 0 : i32
        %dma_wait3A_149 = tpu.memref_slice %arg6[%run_scoped3A_77, %dma_wait3A, %dma_wait3A_148] : memref<19x8x512xf32, #tpu.memory_space<vmem>> -> memref<1x8x512xf32, #tpu.memory_space<vmem>>
        %dma_wait3A_150 = tpu.memref_squeeze %dma_wait3A_149 : memref<1x8x512xf32, #tpu.memory_space<vmem>> -> memref<8x512xf32, #tpu.memory_space<vmem>>
        %dma_wait3A_151 = arith.constant 0 : i32
        %dma_wait3A_152 = tpu.memref_slice %arg2[%add3A_48, %run_scoped3A_76, %mul3A_46, %dma_wait3A_151] : memref<8x19x512x512xf32, #tpu.memory_space<hbm>> -> memref<1x1x8x512xf32, #tpu.memory_space<hbm>>
        %dma_wait3A_153 = tpu.memref_squeeze %dma_wait3A_152 : memref<1x1x8x512xf32, #tpu.memory_space<hbm>> -> memref<8x512xf32, #tpu.memory_space<hbm>>
        %dma_wait3A_154 = arith.constant 0 : i32
        %dma_wait3A_155 = arith.constant 0 : i32
        %dma_wait3A_156 = tpu.memref_slice %arg6[%run_scoped3A_77, %dma_wait3A_154, %dma_wait3A_155] : memref<19x8x512xf32, #tpu.memory_space<vmem>> -> memref<1x8x512xf32, #tpu.memory_space<vmem>>
        %dma_wait3A_157 = tpu.memref_squeeze %dma_wait3A_156 : memref<1x8x512xf32, #tpu.memory_space<vmem>> -> memref<8x512xf32, #tpu.memory_space<vmem>>
        %dma_wait3A_158 = arith.constant 0 : i32
        %dma_wait3A_159 = tpu.memref_slice %arg2[%add3A_48, %run_scoped3A_76, %mul3A_46, %dma_wait3A_158] : memref<8x19x512x512xf32, #tpu.memory_space<hbm>> -> memref<1x1x8x512xf32, #tpu.memory_space<hbm>>
        %dma_wait3A_160 = tpu.memref_squeeze %dma_wait3A_159 : memref<1x1x8x512xf32, #tpu.memory_space<hbm>> -> memref<8x512xf32, #tpu.memory_space<hbm>>
        tpu.wait_dma2 semaphore(%run_scoped3A_134 : memref<!tpu.dma_semaphore, #tpu.memory_space<semaphore_mem>>) src(%dma_wait3A_160 : memref<8x512xf32, #tpu.memory_space<hbm>>) dst(%dma_wait3A_157 : memref<8x512xf32, #tpu.memory_space<vmem>>)
        tpu.yield
      }) : () -> ()
      %run_scoped3A_78 = arith.constant 15 : i32
      %run_scoped3A_79 = arith.constant 15 : i32
      "tpu.region"() ({
        %run_scoped3A_134 = tpu.sem_alloc : memref<!tpu.dma_semaphore, #tpu.memory_space<semaphore_mem>>
        %dma_start3A = arith.constant 0 : i32
        %dma_start3A_135 = arith.constant 0 : i32
        %dma_start3A_136 = tpu.memref_slice %arg6[%run_scoped3A_79, %dma_start3A, %dma_start3A_135] : memref<19x8x512xf32, #tpu.memory_space<vmem>> -> memref<1x8x512xf32, #tpu.memory_space<vmem>>
        %dma_start3A_137 = tpu.memref_squeeze %dma_start3A_136 : memref<1x8x512xf32, #tpu.memory_space<vmem>> -> memref<8x512xf32, #tpu.memory_space<vmem>>
        %dma_start3A_138 = arith.constant 0 : i32
        %dma_start3A_139 = tpu.memref_slice %arg2[%add3A_48, %run_scoped3A_78, %mul3A_46, %dma_start3A_138] : memref<8x19x512x512xf32, #tpu.memory_space<hbm>> -> memref<1x1x8x512xf32, #tpu.memory_space<hbm>>
        %dma_start3A_140 = tpu.memref_squeeze %dma_start3A_139 : memref<1x1x8x512xf32, #tpu.memory_space<hbm>> -> memref<8x512xf32, #tpu.memory_space<hbm>>
        %dma_start3A_141 = arith.constant 0 : i32
        %dma_start3A_142 = arith.constant 0 : i32
        %dma_start3A_143 = tpu.memref_slice %arg6[%run_scoped3A_79, %dma_start3A_141, %dma_start3A_142] : memref<19x8x512xf32, #tpu.memory_space<vmem>> -> memref<1x8x512xf32, #tpu.memory_space<vmem>>
        %dma_start3A_144 = tpu.memref_squeeze %dma_start3A_143 : memref<1x8x512xf32, #tpu.memory_space<vmem>> -> memref<8x512xf32, #tpu.memory_space<vmem>>
        %dma_start3A_145 = arith.constant 0 : i32
        %dma_start3A_146 = tpu.memref_slice %arg2[%add3A_48, %run_scoped3A_78, %mul3A_46, %dma_start3A_145] : memref<8x19x512x512xf32, #tpu.memory_space<hbm>> -> memref<1x1x8x512xf32, #tpu.memory_space<hbm>>
        %dma_start3A_147 = tpu.memref_squeeze %dma_start3A_146 : memref<1x1x8x512xf32, #tpu.memory_space<hbm>> -> memref<8x512xf32, #tpu.memory_space<hbm>>
        tpu.enqueue_dma source(%dma_start3A_147 : memref<8x512xf32, #tpu.memory_space<hbm>>) target(%dma_start3A_144 : memref<8x512xf32, #tpu.memory_space<vmem>>) target_semaphore(%run_scoped3A_134 : memref<!tpu.dma_semaphore, #tpu.memory_space<semaphore_mem>>)
        %dma_wait3A = arith.constant 0 : i32
        %dma_wait3A_148 = arith.constant 0 : i32
        %dma_wait3A_149 = tpu.memref_slice %arg6[%run_scoped3A_79, %dma_wait3A, %dma_wait3A_148] : memref<19x8x512xf32, #tpu.memory_space<vmem>> -> memref<1x8x512xf32, #tpu.memory_space<vmem>>
        %dma_wait3A_150 = tpu.memref_squeeze %dma_wait3A_149 : memref<1x8x512xf32, #tpu.memory_space<vmem>> -> memref<8x512xf32, #tpu.memory_space<vmem>>
        %dma_wait3A_151 = arith.constant 0 : i32
        %dma_wait3A_152 = tpu.memref_slice %arg2[%add3A_48, %run_scoped3A_78, %mul3A_46, %dma_wait3A_151] : memref<8x19x512x512xf32, #tpu.memory_space<hbm>> -> memref<1x1x8x512xf32, #tpu.memory_space<hbm>>
        %dma_wait3A_153 = tpu.memref_squeeze %dma_wait3A_152 : memref<1x1x8x512xf32, #tpu.memory_space<hbm>> -> memref<8x512xf32, #tpu.memory_space<hbm>>
        %dma_wait3A_154 = arith.constant 0 : i32
        %dma_wait3A_155 = arith.constant 0 : i32
        %dma_wait3A_156 = tpu.memref_slice %arg6[%run_scoped3A_79, %dma_wait3A_154, %dma_wait3A_155] : memref<19x8x512xf32, #tpu.memory_space<vmem>> -> memref<1x8x512xf32, #tpu.memory_space<vmem>>
        %dma_wait3A_157 = tpu.memref_squeeze %dma_wait3A_156 : memref<1x8x512xf32, #tpu.memory_space<vmem>> -> memref<8x512xf32, #tpu.memory_space<vmem>>
        %dma_wait3A_158 = arith.constant 0 : i32
        %dma_wait3A_159 = tpu.memref_slice %arg2[%add3A_48, %run_scoped3A_78, %mul3A_46, %dma_wait3A_158] : memref<8x19x512x512xf32, #tpu.memory_space<hbm>> -> memref<1x1x8x512xf32, #tpu.memory_space<hbm>>
        %dma_wait3A_160 = tpu.memref_squeeze %dma_wait3A_159 : memref<1x1x8x512xf32, #tpu.memory_space<hbm>> -> memref<8x512xf32, #tpu.memory_space<hbm>>
        tpu.wait_dma2 semaphore(%run_scoped3A_134 : memref<!tpu.dma_semaphore, #tpu.memory_space<semaphore_mem>>) src(%dma_wait3A_160 : memref<8x512xf32, #tpu.memory_space<hbm>>) dst(%dma_wait3A_157 : memref<8x512xf32, #tpu.memory_space<vmem>>)
        tpu.yield
      }) : () -> ()
      %run_scoped3A_80 = arith.constant 16 : i32
      %run_scoped3A_81 = arith.constant 16 : i32
      "tpu.region"() ({
        %run_scoped3A_134 = tpu.sem_alloc : memref<!tpu.dma_semaphore, #tpu.memory_space<semaphore_mem>>
        %dma_start3A = arith.constant 0 : i32
        %dma_start3A_135 = arith.constant 0 : i32
        %dma_start3A_136 = tpu.memref_slice %arg6[%run_scoped3A_81, %dma_start3A, %dma_start3A_135] : memref<19x8x512xf32, #tpu.memory_space<vmem>> -> memref<1x8x512xf32, #tpu.memory_space<vmem>>
        %dma_start3A_137 = tpu.memref_squeeze %dma_start3A_136 : memref<1x8x512xf32, #tpu.memory_space<vmem>> -> memref<8x512xf32, #tpu.memory_space<vmem>>
        %dma_start3A_138 = arith.constant 0 : i32
        %dma_start3A_139 = tpu.memref_slice %arg2[%add3A_48, %run_scoped3A_80, %mul3A_46, %dma_start3A_138] : memref<8x19x512x512xf32, #tpu.memory_space<hbm>> -> memref<1x1x8x512xf32, #tpu.memory_space<hbm>>
        %dma_start3A_140 = tpu.memref_squeeze %dma_start3A_139 : memref<1x1x8x512xf32, #tpu.memory_space<hbm>> -> memref<8x512xf32, #tpu.memory_space<hbm>>
        %dma_start3A_141 = arith.constant 0 : i32
        %dma_start3A_142 = arith.constant 0 : i32
        %dma_start3A_143 = tpu.memref_slice %arg6[%run_scoped3A_81, %dma_start3A_141, %dma_start3A_142] : memref<19x8x512xf32, #tpu.memory_space<vmem>> -> memref<1x8x512xf32, #tpu.memory_space<vmem>>
        %dma_start3A_144 = tpu.memref_squeeze %dma_start3A_143 : memref<1x8x512xf32, #tpu.memory_space<vmem>> -> memref<8x512xf32, #tpu.memory_space<vmem>>
        %dma_start3A_145 = arith.constant 0 : i32
        %dma_start3A_146 = tpu.memref_slice %arg2[%add3A_48, %run_scoped3A_80, %mul3A_46, %dma_start3A_145] : memref<8x19x512x512xf32, #tpu.memory_space<hbm>> -> memref<1x1x8x512xf32, #tpu.memory_space<hbm>>
        %dma_start3A_147 = tpu.memref_squeeze %dma_start3A_146 : memref<1x1x8x512xf32, #tpu.memory_space<hbm>> -> memref<8x512xf32, #tpu.memory_space<hbm>>
        tpu.enqueue_dma source(%dma_start3A_147 : memref<8x512xf32, #tpu.memory_space<hbm>>) target(%dma_start3A_144 : memref<8x512xf32, #tpu.memory_space<vmem>>) target_semaphore(%run_scoped3A_134 : memref<!tpu.dma_semaphore, #tpu.memory_space<semaphore_mem>>)
        %dma_wait3A = arith.constant 0 : i32
        %dma_wait3A_148 = arith.constant 0 : i32
        %dma_wait3A_149 = tpu.memref_slice %arg6[%run_scoped3A_81, %dma_wait3A, %dma_wait3A_148] : memref<19x8x512xf32, #tpu.memory_space<vmem>> -> memref<1x8x512xf32, #tpu.memory_space<vmem>>
        %dma_wait3A_150 = tpu.memref_squeeze %dma_wait3A_149 : memref<1x8x512xf32, #tpu.memory_space<vmem>> -> memref<8x512xf32, #tpu.memory_space<vmem>>
        %dma_wait3A_151 = arith.constant 0 : i32
        %dma_wait3A_152 = tpu.memref_slice %arg2[%add3A_48, %run_scoped3A_80, %mul3A_46, %dma_wait3A_151] : memref<8x19x512x512xf32, #tpu.memory_space<hbm>> -> memref<1x1x8x512xf32, #tpu.memory_space<hbm>>
        %dma_wait3A_153 = tpu.memref_squeeze %dma_wait3A_152 : memref<1x1x8x512xf32, #tpu.memory_space<hbm>> -> memref<8x512xf32, #tpu.memory_space<hbm>>
        %dma_wait3A_154 = arith.constant 0 : i32
        %dma_wait3A_155 = arith.constant 0 : i32
        %dma_wait3A_156 = tpu.memref_slice %arg6[%run_scoped3A_81, %dma_wait3A_154, %dma_wait3A_155] : memref<19x8x512xf32, #tpu.memory_space<vmem>> -> memref<1x8x512xf32, #tpu.memory_space<vmem>>
        %dma_wait3A_157 = tpu.memref_squeeze %dma_wait3A_156 : memref<1x8x512xf32, #tpu.memory_space<vmem>> -> memref<8x512xf32, #tpu.memory_space<vmem>>
        %dma_wait3A_158 = arith.constant 0 : i32
        %dma_wait3A_159 = tpu.memref_slice %arg2[%add3A_48, %run_scoped3A_80, %mul3A_46, %dma_wait3A_158] : memref<8x19x512x512xf32, #tpu.memory_space<hbm>> -> memref<1x1x8x512xf32, #tpu.memory_space<hbm>>
        %dma_wait3A_160 = tpu.memref_squeeze %dma_wait3A_159 : memref<1x1x8x512xf32, #tpu.memory_space<hbm>> -> memref<8x512xf32, #tpu.memory_space<hbm>>
        tpu.wait_dma2 semaphore(%run_scoped3A_134 : memref<!tpu.dma_semaphore, #tpu.memory_space<semaphore_mem>>) src(%dma_wait3A_160 : memref<8x512xf32, #tpu.memory_space<hbm>>) dst(%dma_wait3A_157 : memref<8x512xf32, #tpu.memory_space<vmem>>)
        tpu.yield
      }) : () -> ()
      %run_scoped3A_82 = arith.constant 17 : i32
      %run_scoped3A_83 = arith.constant 17 : i32
      "tpu.region"() ({
        %run_scoped3A_134 = tpu.sem_alloc : memref<!tpu.dma_semaphore, #tpu.memory_space<semaphore_mem>>
        %dma_start3A = arith.constant 0 : i32
        %dma_start3A_135 = arith.constant 0 : i32
        %dma_start3A_136 = tpu.memref_slice %arg6[%run_scoped3A_83, %dma_start3A, %dma_start3A_135] : memref<19x8x512xf32, #tpu.memory_space<vmem>> -> memref<1x8x512xf32, #tpu.memory_space<vmem>>
        %dma_start3A_137 = tpu.memref_squeeze %dma_start3A_136 : memref<1x8x512xf32, #tpu.memory_space<vmem>> -> memref<8x512xf32, #tpu.memory_space<vmem>>
        %dma_start3A_138 = arith.constant 0 : i32
        %dma_start3A_139 = tpu.memref_slice %arg2[%add3A_48, %run_scoped3A_82, %mul3A_46, %dma_start3A_138] : memref<8x19x512x512xf32, #tpu.memory_space<hbm>> -> memref<1x1x8x512xf32, #tpu.memory_space<hbm>>
        %dma_start3A_140 = tpu.memref_squeeze %dma_start3A_139 : memref<1x1x8x512xf32, #tpu.memory_space<hbm>> -> memref<8x512xf32, #tpu.memory_space<hbm>>
        %dma_start3A_141 = arith.constant 0 : i32
        %dma_start3A_142 = arith.constant 0 : i32
        %dma_start3A_143 = tpu.memref_slice %arg6[%run_scoped3A_83, %dma_start3A_141, %dma_start3A_142] : memref<19x8x512xf32, #tpu.memory_space<vmem>> -> memref<1x8x512xf32, #tpu.memory_space<vmem>>
        %dma_start3A_144 = tpu.memref_squeeze %dma_start3A_143 : memref<1x8x512xf32, #tpu.memory_space<vmem>> -> memref<8x512xf32, #tpu.memory_space<vmem>>
        %dma_start3A_145 = arith.constant 0 : i32
        %dma_start3A_146 = tpu.memref_slice %arg2[%add3A_48, %run_scoped3A_82, %mul3A_46, %dma_start3A_145] : memref<8x19x512x512xf32, #tpu.memory_space<hbm>> -> memref<1x1x8x512xf32, #tpu.memory_space<hbm>>
        %dma_start3A_147 = tpu.memref_squeeze %dma_start3A_146 : memref<1x1x8x512xf32, #tpu.memory_space<hbm>> -> memref<8x512xf32, #tpu.memory_space<hbm>>
        tpu.enqueue_dma source(%dma_start3A_147 : memref<8x512xf32, #tpu.memory_space<hbm>>) target(%dma_start3A_144 : memref<8x512xf32, #tpu.memory_space<vmem>>) target_semaphore(%run_scoped3A_134 : memref<!tpu.dma_semaphore, #tpu.memory_space<semaphore_mem>>)
        %dma_wait3A = arith.constant 0 : i32
        %dma_wait3A_148 = arith.constant 0 : i32
        %dma_wait3A_149 = tpu.memref_slice %arg6[%run_scoped3A_83, %dma_wait3A, %dma_wait3A_148] : memref<19x8x512xf32, #tpu.memory_space<vmem>> -> memref<1x8x512xf32, #tpu.memory_space<vmem>>
        %dma_wait3A_150 = tpu.memref_squeeze %dma_wait3A_149 : memref<1x8x512xf32, #tpu.memory_space<vmem>> -> memref<8x512xf32, #tpu.memory_space<vmem>>
        %dma_wait3A_151 = arith.constant 0 : i32
        %dma_wait3A_152 = tpu.memref_slice %arg2[%add3A_48, %run_scoped3A_82, %mul3A_46, %dma_wait3A_151] : memref<8x19x512x512xf32, #tpu.memory_space<hbm>> -> memref<1x1x8x512xf32, #tpu.memory_space<hbm>>
        %dma_wait3A_153 = tpu.memref_squeeze %dma_wait3A_152 : memref<1x1x8x512xf32, #tpu.memory_space<hbm>> -> memref<8x512xf32, #tpu.memory_space<hbm>>
        %dma_wait3A_154 = arith.constant 0 : i32
        %dma_wait3A_155 = arith.constant 0 : i32
        %dma_wait3A_156 = tpu.memref_slice %arg6[%run_scoped3A_83, %dma_wait3A_154, %dma_wait3A_155] : memref<19x8x512xf32, #tpu.memory_space<vmem>> -> memref<1x8x512xf32, #tpu.memory_space<vmem>>
        %dma_wait3A_157 = tpu.memref_squeeze %dma_wait3A_156 : memref<1x8x512xf32, #tpu.memory_space<vmem>> -> memref<8x512xf32, #tpu.memory_space<vmem>>
        %dma_wait3A_158 = arith.constant 0 : i32
        %dma_wait3A_159 = tpu.memref_slice %arg2[%add3A_48, %run_scoped3A_82, %mul3A_46, %dma_wait3A_158] : memref<8x19x512x512xf32, #tpu.memory_space<hbm>> -> memref<1x1x8x512xf32, #tpu.memory_space<hbm>>
        %dma_wait3A_160 = tpu.memref_squeeze %dma_wait3A_159 : memref<1x1x8x512xf32, #tpu.memory_space<hbm>> -> memref<8x512xf32, #tpu.memory_space<hbm>>
        tpu.wait_dma2 semaphore(%run_scoped3A_134 : memref<!tpu.dma_semaphore, #tpu.memory_space<semaphore_mem>>) src(%dma_wait3A_160 : memref<8x512xf32, #tpu.memory_space<hbm>>) dst(%dma_wait3A_157 : memref<8x512xf32, #tpu.memory_space<vmem>>)
        tpu.yield
      }) : () -> ()
      %run_scoped3A_84 = arith.constant 18 : i32
      %run_scoped3A_85 = arith.constant 18 : i32
      "tpu.region"() ({
        %run_scoped3A_134 = tpu.sem_alloc : memref<!tpu.dma_semaphore, #tpu.memory_space<semaphore_mem>>
        %dma_start3A = arith.constant 0 : i32
        %dma_start3A_135 = arith.constant 0 : i32
        %dma_start3A_136 = tpu.memref_slice %arg6[%run_scoped3A_85, %dma_start3A, %dma_start3A_135] : memref<19x8x512xf32, #tpu.memory_space<vmem>> -> memref<1x8x512xf32, #tpu.memory_space<vmem>>
        %dma_start3A_137 = tpu.memref_squeeze %dma_start3A_136 : memref<1x8x512xf32, #tpu.memory_space<vmem>> -> memref<8x512xf32, #tpu.memory_space<vmem>>
        %dma_start3A_138 = arith.constant 0 : i32
        %dma_start3A_139 = tpu.memref_slice %arg2[%add3A_48, %run_scoped3A_84, %mul3A_46, %dma_start3A_138] : memref<8x19x512x512xf32, #tpu.memory_space<hbm>> -> memref<1x1x8x512xf32, #tpu.memory_space<hbm>>
        %dma_start3A_140 = tpu.memref_squeeze %dma_start3A_139 : memref<1x1x8x512xf32, #tpu.memory_space<hbm>> -> memref<8x512xf32, #tpu.memory_space<hbm>>
        %dma_start3A_141 = arith.constant 0 : i32
        %dma_start3A_142 = arith.constant 0 : i32
        %dma_start3A_143 = tpu.memref_slice %arg6[%run_scoped3A_85, %dma_start3A_141, %dma_start3A_142] : memref<19x8x512xf32, #tpu.memory_space<vmem>> -> memref<1x8x512xf32, #tpu.memory_space<vmem>>
        %dma_start3A_144 = tpu.memref_squeeze %dma_start3A_143 : memref<1x8x512xf32, #tpu.memory_space<vmem>> -> memref<8x512xf32, #tpu.memory_space<vmem>>
        %dma_start3A_145 = arith.constant 0 : i32
        %dma_start3A_146 = tpu.memref_slice %arg2[%add3A_48, %run_scoped3A_84, %mul3A_46, %dma_start3A_145] : memref<8x19x512x512xf32, #tpu.memory_space<hbm>> -> memref<1x1x8x512xf32, #tpu.memory_space<hbm>>
        %dma_start3A_147 = tpu.memref_squeeze %dma_start3A_146 : memref<1x1x8x512xf32, #tpu.memory_space<hbm>> -> memref<8x512xf32, #tpu.memory_space<hbm>>
        tpu.enqueue_dma source(%dma_start3A_147 : memref<8x512xf32, #tpu.memory_space<hbm>>) target(%dma_start3A_144 : memref<8x512xf32, #tpu.memory_space<vmem>>) target_semaphore(%run_scoped3A_134 : memref<!tpu.dma_semaphore, #tpu.memory_space<semaphore_mem>>)
        %dma_wait3A = arith.constant 0 : i32
        %dma_wait3A_148 = arith.constant 0 : i32
        %dma_wait3A_149 = tpu.memref_slice %arg6[%run_scoped3A_85, %dma_wait3A, %dma_wait3A_148] : memref<19x8x512xf32, #tpu.memory_space<vmem>> -> memref<1x8x512xf32, #tpu.memory_space<vmem>>
        %dma_wait3A_150 = tpu.memref_squeeze %dma_wait3A_149 : memref<1x8x512xf32, #tpu.memory_space<vmem>> -> memref<8x512xf32, #tpu.memory_space<vmem>>
        %dma_wait3A_151 = arith.constant 0 : i32
        %dma_wait3A_152 = tpu.memref_slice %arg2[%add3A_48, %run_scoped3A_84, %mul3A_46, %dma_wait3A_151] : memref<8x19x512x512xf32, #tpu.memory_space<hbm>> -> memref<1x1x8x512xf32, #tpu.memory_space<hbm>>
        %dma_wait3A_153 = tpu.memref_squeeze %dma_wait3A_152 : memref<1x1x8x512xf32, #tpu.memory_space<hbm>> -> memref<8x512xf32, #tpu.memory_space<hbm>>
        %dma_wait3A_154 = arith.constant 0 : i32
        %dma_wait3A_155 = arith.constant 0 : i32
        %dma_wait3A_156 = tpu.memref_slice %arg6[%run_scoped3A_85, %dma_wait3A_154, %dma_wait3A_155] : memref<19x8x512xf32, #tpu.memory_space<vmem>> -> memref<1x8x512xf32, #tpu.memory_space<vmem>>
        %dma_wait3A_157 = tpu.memref_squeeze %dma_wait3A_156 : memref<1x8x512xf32, #tpu.memory_space<vmem>> -> memref<8x512xf32, #tpu.memory_space<vmem>>
        %dma_wait3A_158 = arith.constant 0 : i32
        %dma_wait3A_159 = tpu.memref_slice %arg2[%add3A_48, %run_scoped3A_84, %mul3A_46, %dma_wait3A_158] : memref<8x19x512x512xf32, #tpu.memory_space<hbm>> -> memref<1x1x8x512xf32, #tpu.memory_space<hbm>>
        %dma_wait3A_160 = tpu.memref_squeeze %dma_wait3A_159 : memref<1x1x8x512xf32, #tpu.memory_space<hbm>> -> memref<8x512xf32, #tpu.memory_space<hbm>>
        tpu.wait_dma2 semaphore(%run_scoped3A_134 : memref<!tpu.dma_semaphore, #tpu.memory_space<semaphore_mem>>) src(%dma_wait3A_160 : memref<8x512xf32, #tpu.memory_space<hbm>>) dst(%dma_wait3A_157 : memref<8x512xf32, #tpu.memory_space<vmem>>)
        tpu.yield
      }) : () -> ()
      "tpu.region"() ({
        %run_scoped3A_134 = tpu.sem_alloc : memref<!tpu.dma_semaphore, #tpu.memory_space<semaphore_mem>>
        %dma_start3A = arith.constant 0 : i32
        %dma_start3A_135 = tpu.memref_slice %arg3[%add3A_48, %mul3A_46, %dma_start3A] : memref<8x512x512xi32, #tpu.memory_space<hbm>> -> memref<1x8x512xi32, #tpu.memory_space<hbm>>
        %dma_start3A_136 = tpu.memref_squeeze %dma_start3A_135 : memref<1x8x512xi32, #tpu.memory_space<hbm>> -> memref<8x512xi32, #tpu.memory_space<hbm>>
        %dma_start3A_137 = arith.constant 0 : i32
        %dma_start3A_138 = tpu.memref_slice %arg3[%add3A_48, %mul3A_46, %dma_start3A_137] : memref<8x512x512xi32, #tpu.memory_space<hbm>> -> memref<1x8x512xi32, #tpu.memory_space<hbm>>
        %dma_start3A_139 = tpu.memref_squeeze %dma_start3A_138 : memref<1x8x512xi32, #tpu.memory_space<hbm>> -> memref<8x512xi32, #tpu.memory_space<hbm>>
        tpu.enqueue_dma source(%dma_start3A_139 : memref<8x512xi32, #tpu.memory_space<hbm>>) target(%arg7 : memref<8x512xi32, #tpu.memory_space<vmem>>) target_semaphore(%run_scoped3A_134 : memref<!tpu.dma_semaphore, #tpu.memory_space<semaphore_mem>>)
        %dma_wait3A = arith.constant 0 : i32
        %dma_wait3A_140 = tpu.memref_slice %arg3[%add3A_48, %mul3A_46, %dma_wait3A] : memref<8x512x512xi32, #tpu.memory_space<hbm>> -> memref<1x8x512xi32, #tpu.memory_space<hbm>>
        %dma_wait3A_141 = tpu.memref_squeeze %dma_wait3A_140 : memref<1x8x512xi32, #tpu.memory_space<hbm>> -> memref<8x512xi32, #tpu.memory_space<hbm>>
        %dma_wait3A_142 = arith.constant 0 : i32
        %dma_wait3A_143 = tpu.memref_slice %arg3[%add3A_48, %mul3A_46, %dma_wait3A_142] : memref<8x512x512xi32, #tpu.memory_space<hbm>> -> memref<1x8x512xi32, #tpu.memory_space<hbm>>
        %dma_wait3A_144 = tpu.memref_squeeze %dma_wait3A_143 : memref<1x8x512xi32, #tpu.memory_space<hbm>> -> memref<8x512xi32, #tpu.memory_space<hbm>>
        tpu.wait_dma2 semaphore(%run_scoped3A_134 : memref<!tpu.dma_semaphore, #tpu.memory_space<semaphore_mem>>) src(%dma_wait3A_144 : memref<8x512xi32, #tpu.memory_space<hbm>>) dst(%arg7 : memref<8x512xi32, #tpu.memory_space<vmem>>)
        tpu.yield
      }) : () -> ()
      %scan3A_86 = arith.constant 0 : i32
      %scan3A_87 = arith.constant 32 : i32
      %scan3A_88 = arith.addi %scan3A_86, %scan3A_87 : i32
      %scan3A_89 = arith.constant 1 : i32
      %scan3A_90 = scf.for %scan3A_134 = %scan3A_86 to %scan3A_88 step %scan3A_89 iter_args(%scan3A_135 = %scan3A_11) -> (vector<16xi32>)  : i32 {
        %mul3A_136 = arith.constant 16 : i32
        %mul3A_137 = arith.muli %scan3A_134, %mul3A_136 : i32
        %get3A = arith.constant 0 : i32
        %get3A_138 = arith.index_cast %get3A : i32 to index
        %get3A_139 = arith.index_cast %mul3A_137 : i32 to index
        %get3A_140 = tpu.vector_load %arg7[%get3A_138, %get3A_139] {strides = array<i32>} : memref<8x512xi32, #tpu.memory_space<vmem>>, vector<1x16xi32>,
        %get3A_141 = vector.shape_cast %get3A_140 : vector<1x16xi32> to vector<16xi32>
        %get3A_142 = arith.constant 0 : i32
        %get3A_143 = arith.constant 0 : i32
        %get3A_144 = arith.index_cast %get3A_142 : i32 to index
        %get3A_145 = arith.index_cast %get3A_143 : i32 to index
        %get3A_146 = arith.index_cast %mul3A_137 : i32 to index
        %get3A_147 = tpu.vector_load %arg6[%get3A_144, %get3A_145, %get3A_146] {strides = array<i32>} : memref<19x8x512xf32, #tpu.memory_space<vmem>>, vector<1x1x16xf32>,
        %get3A_148 = vector.shape_cast %get3A_147 : vector<1x1x16xf32> to vector<16xf32>
        %mul3A_149 = arith.constant 0.000000e+00 : f32
        %mul3A_150 = vector.broadcast %mul3A_149 : f32 to vector<16xf32>
        %mul3A_151 = arith.mulf %get3A_148, %mul3A_150 : vector<16xf32>
        %exp3A = math.exp %get3A_148 : vector<16xf32>
        %eq3A_152 = arith.constant 0 : i32
        %eq3A_153 = vector.broadcast %eq3A_152 : i32 to vector<16xi32>
        %eq3A_154 = arith.cmpi eq, %get3A_141, %eq3A_153 : vector<16xi32>
        %select_n3A_155 = arith.select %eq3A_154, %get3A_148, %mul3A_151 : vector<16xi1>, vector<16xf32>
        %get3A_156 = arith.constant 1 : i32
        %get3A_157 = arith.constant 0 : i32
        %get3A_158 = arith.index_cast %get3A_156 : i32 to index
        %get3A_159 = arith.index_cast %get3A_157 : i32 to index
        %get3A_160 = arith.index_cast %mul3A_137 : i32 to index
        %get3A_161 = tpu.vector_load %arg6[%get3A_158, %get3A_159, %get3A_160] {strides = array<i32>} : memref<19x8x512xf32, #tpu.memory_space<vmem>>, vector<1x1x16xf32>,
        %get3A_162 = vector.shape_cast %get3A_161 : vector<1x1x16xf32> to vector<16xf32>
        %exp3A_163 = math.exp %get3A_162 : vector<16xf32>
        %add3A_164 = arith.addf %exp3A, %exp3A_163 : vector<16xf32>
        %eq3A_165 = arith.constant 1 : i32
        %eq3A_166 = vector.broadcast %eq3A_165 : i32 to vector<16xi32>
        %eq3A_167 = arith.cmpi eq, %get3A_141, %eq3A_166 : vector<16xi32>
        %select_n3A_168 = arith.select %eq3A_167, %get3A_162, %mul3A_151 : vector<16xi1>, vector<16xf32>
        %add3A_169 = arith.addf %select_n3A_155, %select_n3A_168 : vector<16xf32>
        %get3A_170 = arith.constant 2 : i32
        %get3A_171 = arith.constant 0 : i32
        %get3A_172 = arith.index_cast %get3A_170 : i32 to index
        %get3A_173 = arith.index_cast %get3A_171 : i32 to index
        %get3A_174 = arith.index_cast %mul3A_137 : i32 to index
        %get3A_175 = tpu.vector_load %arg6[%get3A_172, %get3A_173, %get3A_174] {strides = array<i32>} : memref<19x8x512xf32, #tpu.memory_space<vmem>>, vector<1x1x16xf32>,
        %get3A_176 = vector.shape_cast %get3A_175 : vector<1x1x16xf32> to vector<16xf32>
        %exp3A_177 = math.exp %get3A_176 : vector<16xf32>
        %add3A_178 = arith.addf %add3A_164, %exp3A_177 : vector<16xf32>
        %eq3A_179 = arith.constant 2 : i32
        %eq3A_180 = vector.broadcast %eq3A_179 : i32 to vector<16xi32>
        %eq3A_181 = arith.cmpi eq, %get3A_141, %eq3A_180 : vector<16xi32>
        %select_n3A_182 = arith.select %eq3A_181, %get3A_176, %mul3A_151 : vector<16xi1>, vector<16xf32>
        %add3A_183 = arith.addf %add3A_169, %select_n3A_182 : vector<16xf32>
        %get3A_184 = arith.constant 3 : i32
        %get3A_185 = arith.constant 0 : i32
        %get3A_186 = arith.index_cast %get3A_184 : i32 to index
        %get3A_187 = arith.index_cast %get3A_185 : i32 to index
        %get3A_188 = arith.index_cast %mul3A_137 : i32 to index
        %get3A_189 = tpu.vector_load %arg6[%get3A_186, %get3A_187, %get3A_188] {strides = array<i32>} : memref<19x8x512xf32, #tpu.memory_space<vmem>>, vector<1x1x16xf32>,
        %get3A_190 = vector.shape_cast %get3A_189 : vector<1x1x16xf32> to vector<16xf32>
        %exp3A_191 = math.exp %get3A_190 : vector<16xf32>
        %add3A_192 = arith.addf %add3A_178, %exp3A_191 : vector<16xf32>
        %eq3A_193 = arith.constant 3 : i32
        %eq3A_194 = vector.broadcast %eq3A_193 : i32 to vector<16xi32>
        %eq3A_195 = arith.cmpi eq, %get3A_141, %eq3A_194 : vector<16xi32>
        %select_n3A_196 = arith.select %eq3A_195, %get3A_190, %mul3A_151 : vector<16xi1>, vector<16xf32>
        %add3A_197 = arith.addf %add3A_183, %select_n3A_196 : vector<16xf32>
        %get3A_198 = arith.constant 4 : i32
        %get3A_199 = arith.constant 0 : i32
        %get3A_200 = arith.index_cast %get3A_198 : i32 to index
        %get3A_201 = arith.index_cast %get3A_199 : i32 to index
        %get3A_202 = arith.index_cast %mul3A_137 : i32 to index
        %get3A_203 = tpu.vector_load %arg6[%get3A_200, %get3A_201, %get3A_202] {strides = array<i32>} : memref<19x8x512xf32, #tpu.memory_space<vmem>>, vector<1x1x16xf32>,
        %get3A_204 = vector.shape_cast %get3A_203 : vector<1x1x16xf32> to vector<16xf32>
        %exp3A_205 = math.exp %get3A_204 : vector<16xf32>
        %add3A_206 = arith.addf %add3A_192, %exp3A_205 : vector<16xf32>
        %eq3A_207 = arith.constant 4 : i32
        %eq3A_208 = vector.broadcast %eq3A_207 : i32 to vector<16xi32>
        %eq3A_209 = arith.cmpi eq, %get3A_141, %eq3A_208 : vector<16xi32>
        %select_n3A_210 = arith.select %eq3A_209, %get3A_204, %mul3A_151 : vector<16xi1>, vector<16xf32>
        %add3A_211 = arith.addf %add3A_197, %select_n3A_210 : vector<16xf32>
        %get3A_212 = arith.constant 5 : i32
        %get3A_213 = arith.constant 0 : i32
        %get3A_214 = arith.index_cast %get3A_212 : i32 to index
        %get3A_215 = arith.index_cast %get3A_213 : i32 to index
        %get3A_216 = arith.index_cast %mul3A_137 : i32 to index
        %get3A_217 = tpu.vector_load %arg6[%get3A_214, %get3A_215, %get3A_216] {strides = array<i32>} : memref<19x8x512xf32, #tpu.memory_space<vmem>>, vector<1x1x16xf32>,
        %get3A_218 = vector.shape_cast %get3A_217 : vector<1x1x16xf32> to vector<16xf32>
        %exp3A_219 = math.exp %get3A_218 : vector<16xf32>
        %add3A_220 = arith.addf %add3A_206, %exp3A_219 : vector<16xf32>
        %eq3A_221 = arith.constant 5 : i32
        %eq3A_222 = vector.broadcast %eq3A_221 : i32 to vector<16xi32>
        %eq3A_223 = arith.cmpi eq, %get3A_141, %eq3A_222 : vector<16xi32>
        %select_n3A_224 = arith.select %eq3A_223, %get3A_218, %mul3A_151 : vector<16xi1>, vector<16xf32>
        %add3A_225 = arith.addf %add3A_211, %select_n3A_224 : vector<16xf32>
        %get3A_226 = arith.constant 6 : i32
        %get3A_227 = arith.constant 0 : i32
        %get3A_228 = arith.index_cast %get3A_226 : i32 to index
        %get3A_229 = arith.index_cast %get3A_227 : i32 to index
        %get3A_230 = arith.index_cast %mul3A_137 : i32 to index
        %get3A_231 = tpu.vector_load %arg6[%get3A_228, %get3A_229, %get3A_230] {strides = array<i32>} : memref<19x8x512xf32, #tpu.memory_space<vmem>>, vector<1x1x16xf32>,
        %get3A_232 = vector.shape_cast %get3A_231 : vector<1x1x16xf32> to vector<16xf32>
        %exp3A_233 = math.exp %get3A_232 : vector<16xf32>
        %add3A_234 = arith.addf %add3A_220, %exp3A_233 : vector<16xf32>
        %eq3A_235 = arith.constant 6 : i32
        %eq3A_236 = vector.broadcast %eq3A_235 : i32 to vector<16xi32>
        %eq3A_237 = arith.cmpi eq, %get3A_141, %eq3A_236 : vector<16xi32>
        %select_n3A_238 = arith.select %eq3A_237, %get3A_232, %mul3A_151 : vector<16xi1>, vector<16xf32>
        %add3A_239 = arith.addf %add3A_225, %select_n3A_238 : vector<16xf32>
        %get3A_240 = arith.constant 7 : i32
        %get3A_241 = arith.constant 0 : i32
        %get3A_242 = arith.index_cast %get3A_240 : i32 to index
        %get3A_243 = arith.index_cast %get3A_241 : i32 to index
        %get3A_244 = arith.index_cast %mul3A_137 : i32 to index
        %get3A_245 = tpu.vector_load %arg6[%get3A_242, %get3A_243, %get3A_244] {strides = array<i32>} : memref<19x8x512xf32, #tpu.memory_space<vmem>>, vector<1x1x16xf32>,
        %get3A_246 = vector.shape_cast %get3A_245 : vector<1x1x16xf32> to vector<16xf32>
        %exp3A_247 = math.exp %get3A_246 : vector<16xf32>
        %add3A_248 = arith.addf %add3A_234, %exp3A_247 : vector<16xf32>
        %eq3A_249 = arith.constant 7 : i32
        %eq3A_250 = vector.broadcast %eq3A_249 : i32 to vector<16xi32>
        %eq3A_251 = arith.cmpi eq, %get3A_141, %eq3A_250 : vector<16xi32>
        %select_n3A_252 = arith.select %eq3A_251, %get3A_246, %mul3A_151 : vector<16xi1>, vector<16xf32>
        %add3A_253 = arith.addf %add3A_239, %select_n3A_252 : vector<16xf32>
        %get3A_254 = arith.constant 8 : i32
        %get3A_255 = arith.constant 0 : i32
        %get3A_256 = arith.index_cast %get3A_254 : i32 to index
        %get3A_257 = arith.index_cast %get3A_255 : i32 to index
        %get3A_258 = arith.index_cast %mul3A_137 : i32 to index
        %get3A_259 = tpu.vector_load %arg6[%get3A_256, %get3A_257, %get3A_258] {strides = array<i32>} : memref<19x8x512xf32, #tpu.memory_space<vmem>>, vector<1x1x16xf32>,
        %get3A_260 = vector.shape_cast %get3A_259 : vector<1x1x16xf32> to vector<16xf32>
        %exp3A_261 = math.exp %get3A_260 : vector<16xf32>
        %add3A_262 = arith.addf %add3A_248, %exp3A_261 : vector<16xf32>
        %eq3A_263 = arith.constant 8 : i32
        %eq3A_264 = vector.broadcast %eq3A_263 : i32 to vector<16xi32>
        %eq3A_265 = arith.cmpi eq, %get3A_141, %eq3A_264 : vector<16xi32>
        %select_n3A_266 = arith.select %eq3A_265, %get3A_260, %mul3A_151 : vector<16xi1>, vector<16xf32>
        %add3A_267 = arith.addf %add3A_253, %select_n3A_266 : vector<16xf32>
        %get3A_268 = arith.constant 9 : i32
        %get3A_269 = arith.constant 0 : i32
        %get3A_270 = arith.index_cast %get3A_268 : i32 to index
        %get3A_271 = arith.index_cast %get3A_269 : i32 to index
        %get3A_272 = arith.index_cast %mul3A_137 : i32 to index
        %get3A_273 = tpu.vector_load %arg6[%get3A_270, %get3A_271, %get3A_272] {strides = array<i32>} : memref<19x8x512xf32, #tpu.memory_space<vmem>>, vector<1x1x16xf32>,
        %get3A_274 = vector.shape_cast %get3A_273 : vector<1x1x16xf32> to vector<16xf32>
        %exp3A_275 = math.exp %get3A_274 : vector<16xf32>
        %add3A_276 = arith.addf %add3A_262, %exp3A_275 : vector<16xf32>
        %eq3A_277 = arith.constant 9 : i32
        %eq3A_278 = vector.broadcast %eq3A_277 : i32 to vector<16xi32>
        %eq3A_279 = arith.cmpi eq, %get3A_141, %eq3A_278 : vector<16xi32>
        %select_n3A_280 = arith.select %eq3A_279, %get3A_274, %mul3A_151 : vector<16xi1>, vector<16xf32>
        %add3A_281 = arith.addf %add3A_267, %select_n3A_280 : vector<16xf32>
        %get3A_282 = arith.constant 10 : i32
        %get3A_283 = arith.constant 0 : i32
        %get3A_284 = arith.index_cast %get3A_282 : i32 to index
        %get3A_285 = arith.index_cast %get3A_283 : i32 to index
        %get3A_286 = arith.index_cast %mul3A_137 : i32 to index
        %get3A_287 = tpu.vector_load %arg6[%get3A_284, %get3A_285, %get3A_286] {strides = array<i32>} : memref<19x8x512xf32, #tpu.memory_space<vmem>>, vector<1x1x16xf32>,
        %get3A_288 = vector.shape_cast %get3A_287 : vector<1x1x16xf32> to vector<16xf32>
        %exp3A_289 = math.exp %get3A_288 : vector<16xf32>
        %add3A_290 = arith.addf %add3A_276, %exp3A_289 : vector<16xf32>
        %eq3A_291 = arith.constant 10 : i32
        %eq3A_292 = vector.broadcast %eq3A_291 : i32 to vector<16xi32>
        %eq3A_293 = arith.cmpi eq, %get3A_141, %eq3A_292 : vector<16xi32>
        %select_n3A_294 = arith.select %eq3A_293, %get3A_288, %mul3A_151 : vector<16xi1>, vector<16xf32>
        %add3A_295 = arith.addf %add3A_281, %select_n3A_294 : vector<16xf32>
        %get3A_296 = arith.constant 11 : i32
        %get3A_297 = arith.constant 0 : i32
        %get3A_298 = arith.index_cast %get3A_296 : i32 to index
        %get3A_299 = arith.index_cast %get3A_297 : i32 to index
        %get3A_300 = arith.index_cast %mul3A_137 : i32 to index
        %get3A_301 = tpu.vector_load %arg6[%get3A_298, %get3A_299, %get3A_300] {strides = array<i32>} : memref<19x8x512xf32, #tpu.memory_space<vmem>>, vector<1x1x16xf32>,
        %get3A_302 = vector.shape_cast %get3A_301 : vector<1x1x16xf32> to vector<16xf32>
        %exp3A_303 = math.exp %get3A_302 : vector<16xf32>
        %add3A_304 = arith.addf %add3A_290, %exp3A_303 : vector<16xf32>
        %eq3A_305 = arith.constant 11 : i32
        %eq3A_306 = vector.broadcast %eq3A_305 : i32 to vector<16xi32>
        %eq3A_307 = arith.cmpi eq, %get3A_141, %eq3A_306 : vector<16xi32>
        %select_n3A_308 = arith.select %eq3A_307, %get3A_302, %mul3A_151 : vector<16xi1>, vector<16xf32>
        %add3A_309 = arith.addf %add3A_295, %select_n3A_308 : vector<16xf32>
        %get3A_310 = arith.constant 12 : i32
        %get3A_311 = arith.constant 0 : i32
        %get3A_312 = arith.index_cast %get3A_310 : i32 to index
        %get3A_313 = arith.index_cast %get3A_311 : i32 to index
        %get3A_314 = arith.index_cast %mul3A_137 : i32 to index
        %get3A_315 = tpu.vector_load %arg6[%get3A_312, %get3A_313, %get3A_314] {strides = array<i32>} : memref<19x8x512xf32, #tpu.memory_space<vmem>>, vector<1x1x16xf32>,
        %get3A_316 = vector.shape_cast %get3A_315 : vector<1x1x16xf32> to vector<16xf32>
        %exp3A_317 = math.exp %get3A_316 : vector<16xf32>
        %add3A_318 = arith.addf %add3A_304, %exp3A_317 : vector<16xf32>
        %eq3A_319 = arith.constant 12 : i32
        %eq3A_320 = vector.broadcast %eq3A_319 : i32 to vector<16xi32>
        %eq3A_321 = arith.cmpi eq, %get3A_141, %eq3A_320 : vector<16xi32>
        %select_n3A_322 = arith.select %eq3A_321, %get3A_316, %mul3A_151 : vector<16xi1>, vector<16xf32>
        %add3A_323 = arith.addf %add3A_309, %select_n3A_322 : vector<16xf32>
        %get3A_324 = arith.constant 13 : i32
        %get3A_325 = arith.constant 0 : i32
        %get3A_326 = arith.index_cast %get3A_324 : i32 to index
        %get3A_327 = arith.index_cast %get3A_325 : i32 to index
        %get3A_328 = arith.index_cast %mul3A_137 : i32 to index
        %get3A_329 = tpu.vector_load %arg6[%get3A_326, %get3A_327, %get3A_328] {strides = array<i32>} : memref<19x8x512xf32, #tpu.memory_space<vmem>>, vector<1x1x16xf32>,
        %get3A_330 = vector.shape_cast %get3A_329 : vector<1x1x16xf32> to vector<16xf32>
        %exp3A_331 = math.exp %get3A_330 : vector<16xf32>
        %add3A_332 = arith.addf %add3A_318, %exp3A_331 : vector<16xf32>
        %eq3A_333 = arith.constant 13 : i32
        %eq3A_334 = vector.broadcast %eq3A_333 : i32 to vector<16xi32>
        %eq3A_335 = arith.cmpi eq, %get3A_141, %eq3A_334 : vector<16xi32>
        %select_n3A_336 = arith.select %eq3A_335, %get3A_330, %mul3A_151 : vector<16xi1>, vector<16xf32>
        %add3A_337 = arith.addf %add3A_323, %select_n3A_336 : vector<16xf32>
        %get3A_338 = arith.constant 14 : i32
        %get3A_339 = arith.constant 0 : i32
        %get3A_340 = arith.index_cast %get3A_338 : i32 to index
        %get3A_341 = arith.index_cast %get3A_339 : i32 to index
        %get3A_342 = arith.index_cast %mul3A_137 : i32 to index
        %get3A_343 = tpu.vector_load %arg6[%get3A_340, %get3A_341, %get3A_342] {strides = array<i32>} : memref<19x8x512xf32, #tpu.memory_space<vmem>>, vector<1x1x16xf32>,
        %get3A_344 = vector.shape_cast %get3A_343 : vector<1x1x16xf32> to vector<16xf32>
        %exp3A_345 = math.exp %get3A_344 : vector<16xf32>
        %add3A_346 = arith.addf %add3A_332, %exp3A_345 : vector<16xf32>
        %eq3A_347 = arith.constant 14 : i32
        %eq3A_348 = vector.broadcast %eq3A_347 : i32 to vector<16xi32>
        %eq3A_349 = arith.cmpi eq, %get3A_141, %eq3A_348 : vector<16xi32>
        %select_n3A_350 = arith.select %eq3A_349, %get3A_344, %mul3A_151 : vector<16xi1>, vector<16xf32>
        %add3A_351 = arith.addf %add3A_337, %select_n3A_350 : vector<16xf32>
        %get3A_352 = arith.constant 15 : i32
        %get3A_353 = arith.constant 0 : i32
        %get3A_354 = arith.index_cast %get3A_352 : i32 to index
        %get3A_355 = arith.index_cast %get3A_353 : i32 to index
        %get3A_356 = arith.index_cast %mul3A_137 : i32 to index
        %get3A_357 = tpu.vector_load %arg6[%get3A_354, %get3A_355, %get3A_356] {strides = array<i32>} : memref<19x8x512xf32, #tpu.memory_space<vmem>>, vector<1x1x16xf32>,
        %get3A_358 = vector.shape_cast %get3A_357 : vector<1x1x16xf32> to vector<16xf32>
        %exp3A_359 = math.exp %get3A_358 : vector<16xf32>
        %add3A_360 = arith.addf %add3A_346, %exp3A_359 : vector<16xf32>
        %eq3A_361 = arith.constant 15 : i32
        %eq3A_362 = vector.broadcast %eq3A_361 : i32 to vector<16xi32>
        %eq3A_363 = arith.cmpi eq, %get3A_141, %eq3A_362 : vector<16xi32>
        %select_n3A_364 = arith.select %eq3A_363, %get3A_358, %mul3A_151 : vector<16xi1>, vector<16xf32>
        %add3A_365 = arith.addf %add3A_351, %select_n3A_364 : vector<16xf32>
        %get3A_366 = arith.constant 16 : i32
        %get3A_367 = arith.constant 0 : i32
        %get3A_368 = arith.index_cast %get3A_366 : i32 to index
        %get3A_369 = arith.index_cast %get3A_367 : i32 to index
        %get3A_370 = arith.index_cast %mul3A_137 : i32 to index
        %get3A_371 = tpu.vector_load %arg6[%get3A_368, %get3A_369, %get3A_370] {strides = array<i32>} : memref<19x8x512xf32, #tpu.memory_space<vmem>>, vector<1x1x16xf32>,
        %get3A_372 = vector.shape_cast %get3A_371 : vector<1x1x16xf32> to vector<16xf32>
        %exp3A_373 = math.exp %get3A_372 : vector<16xf32>
        %add3A_374 = arith.addf %add3A_360, %exp3A_373 : vector<16xf32>
        %eq3A_375 = arith.constant 16 : i32
        %eq3A_376 = vector.broadcast %eq3A_375 : i32 to vector<16xi32>
        %eq3A_377 = arith.cmpi eq, %get3A_141, %eq3A_376 : vector<16xi32>
        %select_n3A_378 = arith.select %eq3A_377, %get3A_372, %mul3A_151 : vector<16xi1>, vector<16xf32>
        %add3A_379 = arith.addf %add3A_365, %select_n3A_378 : vector<16xf32>
        %get3A_380 = arith.constant 17 : i32
        %get3A_381 = arith.constant 0 : i32
        %get3A_382 = arith.index_cast %get3A_380 : i32 to index
        %get3A_383 = arith.index_cast %get3A_381 : i32 to index
        %get3A_384 = arith.index_cast %mul3A_137 : i32 to index
        %get3A_385 = tpu.vector_load %arg6[%get3A_382, %get3A_383, %get3A_384] {strides = array<i32>} : memref<19x8x512xf32, #tpu.memory_space<vmem>>, vector<1x1x16xf32>,
        %get3A_386 = vector.shape_cast %get3A_385 : vector<1x1x16xf32> to vector<16xf32>
        %exp3A_387 = math.exp %get3A_386 : vector<16xf32>
        %add3A_388 = arith.addf %add3A_374, %exp3A_387 : vector<16xf32>
        %eq3A_389 = arith.constant 17 : i32
        %eq3A_390 = vector.broadcast %eq3A_389 : i32 to vector<16xi32>
        %eq3A_391 = arith.cmpi eq, %get3A_141, %eq3A_390 : vector<16xi32>
        %select_n3A_392 = arith.select %eq3A_391, %get3A_386, %mul3A_151 : vector<16xi1>, vector<16xf32>
        %add3A_393 = arith.addf %add3A_379, %select_n3A_392 : vector<16xf32>
        %get3A_394 = arith.constant 18 : i32
        %get3A_395 = arith.constant 0 : i32
        %get3A_396 = arith.index_cast %get3A_394 : i32 to index
        %get3A_397 = arith.index_cast %get3A_395 : i32 to index
        %get3A_398 = arith.index_cast %mul3A_137 : i32 to index
        %get3A_399 = tpu.vector_load %arg6[%get3A_396, %get3A_397, %get3A_398] {strides = array<i32>} : memref<19x8x512xf32, #tpu.memory_space<vmem>>, vector<1x1x16xf32>,
        %get3A_400 = vector.shape_cast %get3A_399 : vector<1x1x16xf32> to vector<16xf32>
        %exp3A_401 = math.exp %get3A_400 : vector<16xf32>
        %add3A_402 = arith.addf %add3A_388, %exp3A_401 : vector<16xf32>
        %eq3A_403 = arith.constant 18 : i32
        %eq3A_404 = vector.broadcast %eq3A_403 : i32 to vector<16xi32>
        %eq3A_405 = arith.cmpi eq, %get3A_141, %eq3A_404 : vector<16xi32>
        %select_n3A_406 = arith.select %eq3A_405, %get3A_400, %mul3A_151 : vector<16xi1>, vector<16xf32>
        %add3A_407 = arith.addf %add3A_393, %select_n3A_406 : vector<16xf32>
        %ne3A_408 = arith.constant 255 : i32
        %ne3A_409 = vector.broadcast %ne3A_408 : i32 to vector<16xi32>
        %ne3A_410 = arith.cmpi ne, %get3A_141, %ne3A_409 : vector<16xi32>
        %neg3A = arith.constant 0.000000e+00 : f32
        %neg3A_411 = vector.broadcast %neg3A : f32 to vector<16xf32>
        %neg3A_412 = arith.subf %neg3A_411, %add3A_407 : vector<16xf32>
        %exp3A_413 = math.exp %neg3A_412 : vector<16xf32>
        %mul3A_414 = arith.mulf %add3A_402, %exp3A_413 : vector<16xf32>
        %add3A_415 = arith.constant 1.000000e+00 : f32
        %add3A_416 = vector.broadcast %add3A_415 : f32 to vector<16xf32>
        %add3A_417 = arith.addf %mul3A_151, %add3A_416 : vector<16xf32>
        %select_n3A_418 = arith.select %ne3A_410, %mul3A_414, %add3A_417 : vector<16xi1>, vector<16xf32>
        %add3A_419 = arith.constant 0 : i32
        %add3A_420 = arith.addi %add3A_419, %mul3A_137 : i32
        %swap3A_421 = arith.index_cast %add3A_420 : i32 to index
        %swap3A_422 = tpu.vector_load %arg8[%swap3A_421] {strides = array<i32>} : memref<4096xf32, #tpu.memory_space<vmem>>, vector<16xf32>,
        %swap3A_423 = vector.shape_cast %swap3A_422 : vector<16xf32> to vector<16xf32>
        %swap3A_424 = vector.shape_cast %select_n3A_418 : vector<16xf32> to vector<16xf32>
        tpu.vector_store %arg8[%swap3A_421], %swap3A_424 {strides = array<i32>} : memref<4096xf32, #tpu.memory_space<vmem>>, vector<16xf32>,
        %mul3A_425 = arith.constant 0 : i32
        %mul3A_426 = vector.broadcast %mul3A_425 : i32 to vector<16xi32>
        %mul3A_427 = arith.muli %get3A_141, %mul3A_426 : vector<16xi32>
        %add3A_428 = arith.constant 1 : i32
        %add3A_429 = vector.broadcast %add3A_428 : i32 to vector<16xi32>
        %add3A_430 = arith.addi %mul3A_427, %add3A_429 : vector<16xi32>
        %select_n3A_431 = arith.select %ne3A_410, %add3A_430, %mul3A_427 : vector<16xi1>, vector<16xi32>
        %add3A_432 = arith.addi %scan3A_135, %select_n3A_431 : vector<16xi32>
        scf.yield %add3A_432 : vector<16xi32>
      }
      %scan3A_91 = arith.constant 32 : i32
      %scan3A_92 = arith.constant 0 : i32
      %scan3A_93 = arith.constant 32 : i32
      %scan3A_94 = arith.addi %scan3A_92, %scan3A_93 : i32
      %scan3A_95 = arith.constant 1 : i32
      %scan3A_96 = scf.for %scan3A_134 = %scan3A_92 to %scan3A_94 step %scan3A_95 iter_args(%scan3A_135 = %scan3A_90) -> (vector<16xi32>)  : i32 {
        %mul3A_136 = arith.constant 16 : i32
        %mul3A_137 = arith.muli %scan3A_134, %mul3A_136 : i32
        %get3A = arith.constant 1 : i32
        %get3A_138 = arith.index_cast %get3A : i32 to index
        %get3A_139 = arith.index_cast %mul3A_137 : i32 to index
        %get3A_140 = tpu.vector_load %arg7[%get3A_138, %get3A_139] {strides = array<i32>} : memref<8x512xi32, #tpu.memory_space<vmem>>, vector<1x16xi32>,
        %get3A_141 = vector.shape_cast %get3A_140 : vector<1x16xi32> to vector<16xi32>
        %get3A_142 = arith.constant 0 : i32
        %get3A_143 = arith.constant 1 : i32
        %get3A_144 = arith.index_cast %get3A_142 : i32 to index
        %get3A_145 = arith.index_cast %get3A_143 : i32 to index
        %get3A_146 = arith.index_cast %mul3A_137 : i32 to index
        %get3A_147 = tpu.vector_load %arg6[%get3A_144, %get3A_145, %get3A_146] {strides = array<i32>} : memref<19x8x512xf32, #tpu.memory_space<vmem>>, vector<1x1x16xf32>,
        %get3A_148 = vector.shape_cast %get3A_147 : vector<1x1x16xf32> to vector<16xf32>
        %mul3A_149 = arith.constant 0.000000e+00 : f32
        %mul3A_150 = vector.broadcast %mul3A_149 : f32 to vector<16xf32>
        %mul3A_151 = arith.mulf %get3A_148, %mul3A_150 : vector<16xf32>
        %exp3A = math.exp %get3A_148 : vector<16xf32>
        %eq3A_152 = arith.constant 0 : i32
        %eq3A_153 = vector.broadcast %eq3A_152 : i32 to vector<16xi32>
        %eq3A_154 = arith.cmpi eq, %get3A_141, %eq3A_153 : vector<16xi32>
        %select_n3A_155 = arith.select %eq3A_154, %get3A_148, %mul3A_151 : vector<16xi1>, vector<16xf32>
        %get3A_156 = arith.constant 1 : i32
        %get3A_157 = arith.constant 1 : i32
        %get3A_158 = arith.index_cast %get3A_156 : i32 to index
        %get3A_159 = arith.index_cast %get3A_157 : i32 to index
        %get3A_160 = arith.index_cast %mul3A_137 : i32 to index
        %get3A_161 = tpu.vector_load %arg6[%get3A_158, %get3A_159, %get3A_160] {strides = array<i32>} : memref<19x8x512xf32, #tpu.memory_space<vmem>>, vector<1x1x16xf32>,
        %get3A_162 = vector.shape_cast %get3A_161 : vector<1x1x16xf32> to vector<16xf32>
        %exp3A_163 = math.exp %get3A_162 : vector<16xf32>
        %add3A_164 = arith.addf %exp3A, %exp3A_163 : vector<16xf32>
        %eq3A_165 = arith.constant 1 : i32
        %eq3A_166 = vector.broadcast %eq3A_165 : i32 to vector<16xi32>
        %eq3A_167 = arith.cmpi eq, %get3A_141, %eq3A_166 : vector<16xi32>
        %select_n3A_168 = arith.select %eq3A_167, %get3A_162, %mul3A_151 : vector<16xi1>, vector<16xf32>
        %add3A_169 = arith.addf %select_n3A_155, %select_n3A_168 : vector<16xf32>
        %get3A_170 = arith.constant 2 : i32
        %get3A_171 = arith.constant 1 : i32
        %get3A_172 = arith.index_cast %get3A_170 : i32 to index
        %get3A_173 = arith.index_cast %get3A_171 : i32 to index
        %get3A_174 = arith.index_cast %mul3A_137 : i32 to index
        %get3A_175 = tpu.vector_load %arg6[%get3A_172, %get3A_173, %get3A_174] {strides = array<i32>} : memref<19x8x512xf32, #tpu.memory_space<vmem>>, vector<1x1x16xf32>,
        %get3A_176 = vector.shape_cast %get3A_175 : vector<1x1x16xf32> to vector<16xf32>
        %exp3A_177 = math.exp %get3A_176 : vector<16xf32>
        %add3A_178 = arith.addf %add3A_164, %exp3A_177 : vector<16xf32>
        %eq3A_179 = arith.constant 2 : i32
        %eq3A_180 = vector.broadcast %eq3A_179 : i32 to vector<16xi32>
        %eq3A_181 = arith.cmpi eq, %get3A_141, %eq3A_180 : vector<16xi32>
        %select_n3A_182 = arith.select %eq3A_181, %get3A_176, %mul3A_151 : vector<16xi1>, vector<16xf32>
        %add3A_183 = arith.addf %add3A_169, %select_n3A_182 : vector<16xf32>
        %get3A_184 = arith.constant 3 : i32
        %get3A_185 = arith.constant 1 : i32
        %get3A_186 = arith.index_cast %get3A_184 : i32 to index
        %get3A_187 = arith.index_cast %get3A_185 : i32 to index
        %get3A_188 = arith.index_cast %mul3A_137 : i32 to index
        %get3A_189 = tpu.vector_load %arg6[%get3A_186, %get3A_187, %get3A_188] {strides = array<i32>} : memref<19x8x512xf32, #tpu.memory_space<vmem>>, vector<1x1x16xf32>,
        %get3A_190 = vector.shape_cast %get3A_189 : vector<1x1x16xf32> to vector<16xf32>
        %exp3A_191 = math.exp %get3A_190 : vector<16xf32>
        %add3A_192 = arith.addf %add3A_178, %exp3A_191 : vector<16xf32>
        %eq3A_193 = arith.constant 3 : i32
        %eq3A_194 = vector.broadcast %eq3A_193 : i32 to vector<16xi32>
        %eq3A_195 = arith.cmpi eq, %get3A_141, %eq3A_194 : vector<16xi32>
        %select_n3A_196 = arith.select %eq3A_195, %get3A_190, %mul3A_151 : vector<16xi1>, vector<16xf32>
        %add3A_197 = arith.addf %add3A_183, %select_n3A_196 : vector<16xf32>
        %get3A_198 = arith.constant 4 : i32
        %get3A_199 = arith.constant 1 : i32
        %get3A_200 = arith.index_cast %get3A_198 : i32 to index
        %get3A_201 = arith.index_cast %get3A_199 : i32 to index
        %get3A_202 = arith.index_cast %mul3A_137 : i32 to index
        %get3A_203 = tpu.vector_load %arg6[%get3A_200, %get3A_201, %get3A_202] {strides = array<i32>} : memref<19x8x512xf32, #tpu.memory_space<vmem>>, vector<1x1x16xf32>,
        %get3A_204 = vector.shape_cast %get3A_203 : vector<1x1x16xf32> to vector<16xf32>
        %exp3A_205 = math.exp %get3A_204 : vector<16xf32>
        %add3A_206 = arith.addf %add3A_192, %exp3A_205 : vector<16xf32>
        %eq3A_207 = arith.constant 4 : i32
        %eq3A_208 = vector.broadcast %eq3A_207 : i32 to vector<16xi32>
        %eq3A_209 = arith.cmpi eq, %get3A_141, %eq3A_208 : vector<16xi32>
        %select_n3A_210 = arith.select %eq3A_209, %get3A_204, %mul3A_151 : vector<16xi1>, vector<16xf32>
        %add3A_211 = arith.addf %add3A_197, %select_n3A_210 : vector<16xf32>
        %get3A_212 = arith.constant 5 : i32
        %get3A_213 = arith.constant 1 : i32
        %get3A_214 = arith.index_cast %get3A_212 : i32 to index
        %get3A_215 = arith.index_cast %get3A_213 : i32 to index
        %get3A_216 = arith.index_cast %mul3A_137 : i32 to index
        %get3A_217 = tpu.vector_load %arg6[%get3A_214, %get3A_215, %get3A_216] {strides = array<i32>} : memref<19x8x512xf32, #tpu.memory_space<vmem>>, vector<1x1x16xf32>,
        %get3A_218 = vector.shape_cast %get3A_217 : vector<1x1x16xf32> to vector<16xf32>
        %exp3A_219 = math.exp %get3A_218 : vector<16xf32>
        %add3A_220 = arith.addf %add3A_206, %exp3A_219 : vector<16xf32>
        %eq3A_221 = arith.constant 5 : i32
        %eq3A_222 = vector.broadcast %eq3A_221 : i32 to vector<16xi32>
        %eq3A_223 = arith.cmpi eq, %get3A_141, %eq3A_222 : vector<16xi32>
        %select_n3A_224 = arith.select %eq3A_223, %get3A_218, %mul3A_151 : vector<16xi1>, vector<16xf32>
        %add3A_225 = arith.addf %add3A_211, %select_n3A_224 : vector<16xf32>
        %get3A_226 = arith.constant 6 : i32
        %get3A_227 = arith.constant 1 : i32
        %get3A_228 = arith.index_cast %get3A_226 : i32 to index
        %get3A_229 = arith.index_cast %get3A_227 : i32 to index
        %get3A_230 = arith.index_cast %mul3A_137 : i32 to index
        %get3A_231 = tpu.vector_load %arg6[%get3A_228, %get3A_229, %get3A_230] {strides = array<i32>} : memref<19x8x512xf32, #tpu.memory_space<vmem>>, vector<1x1x16xf32>,
        %get3A_232 = vector.shape_cast %get3A_231 : vector<1x1x16xf32> to vector<16xf32>
        %exp3A_233 = math.exp %get3A_232 : vector<16xf32>
        %add3A_234 = arith.addf %add3A_220, %exp3A_233 : vector<16xf32>
        %eq3A_235 = arith.constant 6 : i32
        %eq3A_236 = vector.broadcast %eq3A_235 : i32 to vector<16xi32>
        %eq3A_237 = arith.cmpi eq, %get3A_141, %eq3A_236 : vector<16xi32>
        %select_n3A_238 = arith.select %eq3A_237, %get3A_232, %mul3A_151 : vector<16xi1>, vector<16xf32>
        %add3A_239 = arith.addf %add3A_225, %select_n3A_238 : vector<16xf32>
        %get3A_240 = arith.constant 7 : i32
        %get3A_241 = arith.constant 1 : i32
        %get3A_242 = arith.index_cast %get3A_240 : i32 to index
        %get3A_243 = arith.index_cast %get3A_241 : i32 to index
        %get3A_244 = arith.index_cast %mul3A_137 : i32 to index
        %get3A_245 = tpu.vector_load %arg6[%get3A_242, %get3A_243, %get3A_244] {strides = array<i32>} : memref<19x8x512xf32, #tpu.memory_space<vmem>>, vector<1x1x16xf32>,
        %get3A_246 = vector.shape_cast %get3A_245 : vector<1x1x16xf32> to vector<16xf32>
        %exp3A_247 = math.exp %get3A_246 : vector<16xf32>
        %add3A_248 = arith.addf %add3A_234, %exp3A_247 : vector<16xf32>
        %eq3A_249 = arith.constant 7 : i32
        %eq3A_250 = vector.broadcast %eq3A_249 : i32 to vector<16xi32>
        %eq3A_251 = arith.cmpi eq, %get3A_141, %eq3A_250 : vector<16xi32>
        %select_n3A_252 = arith.select %eq3A_251, %get3A_246, %mul3A_151 : vector<16xi1>, vector<16xf32>
        %add3A_253 = arith.addf %add3A_239, %select_n3A_252 : vector<16xf32>
        %get3A_254 = arith.constant 8 : i32
        %get3A_255 = arith.constant 1 : i32
        %get3A_256 = arith.index_cast %get3A_254 : i32 to index
        %get3A_257 = arith.index_cast %get3A_255 : i32 to index
        %get3A_258 = arith.index_cast %mul3A_137 : i32 to index
        %get3A_259 = tpu.vector_load %arg6[%get3A_256, %get3A_257, %get3A_258] {strides = array<i32>} : memref<19x8x512xf32, #tpu.memory_space<vmem>>, vector<1x1x16xf32>,
        %get3A_260 = vector.shape_cast %get3A_259 : vector<1x1x16xf32> to vector<16xf32>
        %exp3A_261 = math.exp %get3A_260 : vector<16xf32>
        %add3A_262 = arith.addf %add3A_248, %exp3A_261 : vector<16xf32>
        %eq3A_263 = arith.constant 8 : i32
        %eq3A_264 = vector.broadcast %eq3A_263 : i32 to vector<16xi32>
        %eq3A_265 = arith.cmpi eq, %get3A_141, %eq3A_264 : vector<16xi32>
        %select_n3A_266 = arith.select %eq3A_265, %get3A_260, %mul3A_151 : vector<16xi1>, vector<16xf32>
        %add3A_267 = arith.addf %add3A_253, %select_n3A_266 : vector<16xf32>
        %get3A_268 = arith.constant 9 : i32
        %get3A_269 = arith.constant 1 : i32
        %get3A_270 = arith.index_cast %get3A_268 : i32 to index
        %get3A_271 = arith.index_cast %get3A_269 : i32 to index
        %get3A_272 = arith.index_cast %mul3A_137 : i32 to index
        %get3A_273 = tpu.vector_load %arg6[%get3A_270, %get3A_271, %get3A_272] {strides = array<i32>} : memref<19x8x512xf32, #tpu.memory_space<vmem>>, vector<1x1x16xf32>,
        %get3A_274 = vector.shape_cast %get3A_273 : vector<1x1x16xf32> to vector<16xf32>
        %exp3A_275 = math.exp %get3A_274 : vector<16xf32>
        %add3A_276 = arith.addf %add3A_262, %exp3A_275 : vector<16xf32>
        %eq3A_277 = arith.constant 9 : i32
        %eq3A_278 = vector.broadcast %eq3A_277 : i32 to vector<16xi32>
        %eq3A_279 = arith.cmpi eq, %get3A_141, %eq3A_278 : vector<16xi32>
        %select_n3A_280 = arith.select %eq3A_279, %get3A_274, %mul3A_151 : vector<16xi1>, vector<16xf32>
        %add3A_281 = arith.addf %add3A_267, %select_n3A_280 : vector<16xf32>
        %get3A_282 = arith.constant 10 : i32
        %get3A_283 = arith.constant 1 : i32
        %get3A_284 = arith.index_cast %get3A_282 : i32 to index
        %get3A_285 = arith.index_cast %get3A_283 : i32 to index
        %get3A_286 = arith.index_cast %mul3A_137 : i32 to index
        %get3A_287 = tpu.vector_load %arg6[%get3A_284, %get3A_285, %get3A_286] {strides = array<i32>} : memref<19x8x512xf32, #tpu.memory_space<vmem>>, vector<1x1x16xf32>,
        %get3A_288 = vector.shape_cast %get3A_287 : vector<1x1x16xf32> to vector<16xf32>
        %exp3A_289 = math.exp %get3A_288 : vector<16xf32>
        %add3A_290 = arith.addf %add3A_276, %exp3A_289 : vector<16xf32>
        %eq3A_291 = arith.constant 10 : i32
        %eq3A_292 = vector.broadcast %eq3A_291 : i32 to vector<16xi32>
        %eq3A_293 = arith.cmpi eq, %get3A_141, %eq3A_292 : vector<16xi32>
        %select_n3A_294 = arith.select %eq3A_293, %get3A_288, %mul3A_151 : vector<16xi1>, vector<16xf32>
        %add3A_295 = arith.addf %add3A_281, %select_n3A_294 : vector<16xf32>
        %get3A_296 = arith.constant 11 : i32
        %get3A_297 = arith.constant 1 : i32
        %get3A_298 = arith.index_cast %get3A_296 : i32 to index
        %get3A_299 = arith.index_cast %get3A_297 : i32 to index
        %get3A_300 = arith.index_cast %mul3A_137 : i32 to index
        %get3A_301 = tpu.vector_load %arg6[%get3A_298, %get3A_299, %get3A_300] {strides = array<i32>} : memref<19x8x512xf32, #tpu.memory_space<vmem>>, vector<1x1x16xf32>,
        %get3A_302 = vector.shape_cast %get3A_301 : vector<1x1x16xf32> to vector<16xf32>
        %exp3A_303 = math.exp %get3A_302 : vector<16xf32>
        %add3A_304 = arith.addf %add3A_290, %exp3A_303 : vector<16xf32>
        %eq3A_305 = arith.constant 11 : i32
        %eq3A_306 = vector.broadcast %eq3A_305 : i32 to vector<16xi32>
        %eq3A_307 = arith.cmpi eq, %get3A_141, %eq3A_306 : vector<16xi32>
        %select_n3A_308 = arith.select %eq3A_307, %get3A_302, %mul3A_151 : vector<16xi1>, vector<16xf32>
        %add3A_309 = arith.addf %add3A_295, %select_n3A_308 : vector<16xf32>
        %get3A_310 = arith.constant 12 : i32
        %get3A_311 = arith.constant 1 : i32
        %get3A_312 = arith.index_cast %get3A_310 : i32 to index
        %get3A_313 = arith.index_cast %get3A_311 : i32 to index
        %get3A_314 = arith.index_cast %mul3A_137 : i32 to index
        %get3A_315 = tpu.vector_load %arg6[%get3A_312, %get3A_313, %get3A_314] {strides = array<i32>} : memref<19x8x512xf32, #tpu.memory_space<vmem>>, vector<1x1x16xf32>,
        %get3A_316 = vector.shape_cast %get3A_315 : vector<1x1x16xf32> to vector<16xf32>
        %exp3A_317 = math.exp %get3A_316 : vector<16xf32>
        %add3A_318 = arith.addf %add3A_304, %exp3A_317 : vector<16xf32>
        %eq3A_319 = arith.constant 12 : i32
        %eq3A_320 = vector.broadcast %eq3A_319 : i32 to vector<16xi32>
        %eq3A_321 = arith.cmpi eq, %get3A_141, %eq3A_320 : vector<16xi32>
        %select_n3A_322 = arith.select %eq3A_321, %get3A_316, %mul3A_151 : vector<16xi1>, vector<16xf32>
        %add3A_323 = arith.addf %add3A_309, %select_n3A_322 : vector<16xf32>
        %get3A_324 = arith.constant 13 : i32
        %get3A_325 = arith.constant 1 : i32
        %get3A_326 = arith.index_cast %get3A_324 : i32 to index
        %get3A_327 = arith.index_cast %get3A_325 : i32 to index
        %get3A_328 = arith.index_cast %mul3A_137 : i32 to index
        %get3A_329 = tpu.vector_load %arg6[%get3A_326, %get3A_327, %get3A_328] {strides = array<i32>} : memref<19x8x512xf32, #tpu.memory_space<vmem>>, vector<1x1x16xf32>,
        %get3A_330 = vector.shape_cast %get3A_329 : vector<1x1x16xf32> to vector<16xf32>
        %exp3A_331 = math.exp %get3A_330 : vector<16xf32>
        %add3A_332 = arith.addf %add3A_318, %exp3A_331 : vector<16xf32>
        %eq3A_333 = arith.constant 13 : i32
        %eq3A_334 = vector.broadcast %eq3A_333 : i32 to vector<16xi32>
        %eq3A_335 = arith.cmpi eq, %get3A_141, %eq3A_334 : vector<16xi32>
        %select_n3A_336 = arith.select %eq3A_335, %get3A_330, %mul3A_151 : vector<16xi1>, vector<16xf32>
        %add3A_337 = arith.addf %add3A_323, %select_n3A_336 : vector<16xf32>
        %get3A_338 = arith.constant 14 : i32
        %get3A_339 = arith.constant 1 : i32
        %get3A_340 = arith.index_cast %get3A_338 : i32 to index
        %get3A_341 = arith.index_cast %get3A_339 : i32 to index
        %get3A_342 = arith.index_cast %mul3A_137 : i32 to index
        %get3A_343 = tpu.vector_load %arg6[%get3A_340, %get3A_341, %get3A_342] {strides = array<i32>} : memref<19x8x512xf32, #tpu.memory_space<vmem>>, vector<1x1x16xf32>,
        %get3A_344 = vector.shape_cast %get3A_343 : vector<1x1x16xf32> to vector<16xf32>
        %exp3A_345 = math.exp %get3A_344 : vector<16xf32>
        %add3A_346 = arith.addf %add3A_332, %exp3A_345 : vector<16xf32>
        %eq3A_347 = arith.constant 14 : i32
        %eq3A_348 = vector.broadcast %eq3A_347 : i32 to vector<16xi32>
        %eq3A_349 = arith.cmpi eq, %get3A_141, %eq3A_348 : vector<16xi32>
        %select_n3A_350 = arith.select %eq3A_349, %get3A_344, %mul3A_151 : vector<16xi1>, vector<16xf32>
        %add3A_351 = arith.addf %add3A_337, %select_n3A_350 : vector<16xf32>
        %get3A_352 = arith.constant 15 : i32
        %get3A_353 = arith.constant 1 : i32
        %get3A_354 = arith.index_cast %get3A_352 : i32 to index
        %get3A_355 = arith.index_cast %get3A_353 : i32 to index
        %get3A_356 = arith.index_cast %mul3A_137 : i32 to index
        %get3A_357 = tpu.vector_load %arg6[%get3A_354, %get3A_355, %get3A_356] {strides = array<i32>} : memref<19x8x512xf32, #tpu.memory_space<vmem>>, vector<1x1x16xf32>,
        %get3A_358 = vector.shape_cast %get3A_357 : vector<1x1x16xf32> to vector<16xf32>
        %exp3A_359 = math.exp %get3A_358 : vector<16xf32>
        %add3A_360 = arith.addf %add3A_346, %exp3A_359 : vector<16xf32>
        %eq3A_361 = arith.constant 15 : i32
        %eq3A_362 = vector.broadcast %eq3A_361 : i32 to vector<16xi32>
        %eq3A_363 = arith.cmpi eq, %get3A_141, %eq3A_362 : vector<16xi32>
        %select_n3A_364 = arith.select %eq3A_363, %get3A_358, %mul3A_151 : vector<16xi1>, vector<16xf32>
        %add3A_365 = arith.addf %add3A_351, %select_n3A_364 : vector<16xf32>
        %get3A_366 = arith.constant 16 : i32
        %get3A_367 = arith.constant 1 : i32
        %get3A_368 = arith.index_cast %get3A_366 : i32 to index
        %get3A_369 = arith.index_cast %get3A_367 : i32 to index
        %get3A_370 = arith.index_cast %mul3A_137 : i32 to index
        %get3A_371 = tpu.vector_load %arg6[%get3A_368, %get3A_369, %get3A_370] {strides = array<i32>} : memref<19x8x512xf32, #tpu.memory_space<vmem>>, vector<1x1x16xf32>,
        %get3A_372 = vector.shape_cast %get3A_371 : vector<1x1x16xf32> to vector<16xf32>
        %exp3A_373 = math.exp %get3A_372 : vector<16xf32>
        %add3A_374 = arith.addf %add3A_360, %exp3A_373 : vector<16xf32>
        %eq3A_375 = arith.constant 16 : i32
        %eq3A_376 = vector.broadcast %eq3A_375 : i32 to vector<16xi32>
        %eq3A_377 = arith.cmpi eq, %get3A_141, %eq3A_376 : vector<16xi32>
        %select_n3A_378 = arith.select %eq3A_377, %get3A_372, %mul3A_151 : vector<16xi1>, vector<16xf32>
        %add3A_379 = arith.addf %add3A_365, %select_n3A_378 : vector<16xf32>
        %get3A_380 = arith.constant 17 : i32
        %get3A_381 = arith.constant 1 : i32
        %get3A_382 = arith.index_cast %get3A_380 : i32 to index
        %get3A_383 = arith.index_cast %get3A_381 : i32 to index
        %get3A_384 = arith.index_cast %mul3A_137 : i32 to index
        %get3A_385 = tpu.vector_load %arg6[%get3A_382, %get3A_383, %get3A_384] {strides = array<i32>} : memref<19x8x512xf32, #tpu.memory_space<vmem>>, vector<1x1x16xf32>,
        %get3A_386 = vector.shape_cast %get3A_385 : vector<1x1x16xf32> to vector<16xf32>
        %exp3A_387 = math.exp %get3A_386 : vector<16xf32>
        %add3A_388 = arith.addf %add3A_374, %exp3A_387 : vector<16xf32>
        %eq3A_389 = arith.constant 17 : i32
        %eq3A_390 = vector.broadcast %eq3A_389 : i32 to vector<16xi32>
        %eq3A_391 = arith.cmpi eq, %get3A_141, %eq3A_390 : vector<16xi32>
        %select_n3A_392 = arith.select %eq3A_391, %get3A_386, %mul3A_151 : vector<16xi1>, vector<16xf32>
        %add3A_393 = arith.addf %add3A_379, %select_n3A_392 : vector<16xf32>
        %get3A_394 = arith.constant 18 : i32
        %get3A_395 = arith.constant 1 : i32
        %get3A_396 = arith.index_cast %get3A_394 : i32 to index
        %get3A_397 = arith.index_cast %get3A_395 : i32 to index
        %get3A_398 = arith.index_cast %mul3A_137 : i32 to index
        %get3A_399 = tpu.vector_load %arg6[%get3A_396, %get3A_397, %get3A_398] {strides = array<i32>} : memref<19x8x512xf32, #tpu.memory_space<vmem>>, vector<1x1x16xf32>,
        %get3A_400 = vector.shape_cast %get3A_399 : vector<1x1x16xf32> to vector<16xf32>
        %exp3A_401 = math.exp %get3A_400 : vector<16xf32>
        %add3A_402 = arith.addf %add3A_388, %exp3A_401 : vector<16xf32>
        %eq3A_403 = arith.constant 18 : i32
        %eq3A_404 = vector.broadcast %eq3A_403 : i32 to vector<16xi32>
        %eq3A_405 = arith.cmpi eq, %get3A_141, %eq3A_404 : vector<16xi32>
        %select_n3A_406 = arith.select %eq3A_405, %get3A_400, %mul3A_151 : vector<16xi1>, vector<16xf32>
        %add3A_407 = arith.addf %add3A_393, %select_n3A_406 : vector<16xf32>
        %ne3A_408 = arith.constant 255 : i32
        %ne3A_409 = vector.broadcast %ne3A_408 : i32 to vector<16xi32>
        %ne3A_410 = arith.cmpi ne, %get3A_141, %ne3A_409 : vector<16xi32>
        %neg3A = arith.constant 0.000000e+00 : f32
        %neg3A_411 = vector.broadcast %neg3A : f32 to vector<16xf32>
        %neg3A_412 = arith.subf %neg3A_411, %add3A_407 : vector<16xf32>
        %exp3A_413 = math.exp %neg3A_412 : vector<16xf32>
        %mul3A_414 = arith.mulf %add3A_402, %exp3A_413 : vector<16xf32>
        %add3A_415 = arith.constant 1.000000e+00 : f32
        %add3A_416 = vector.broadcast %add3A_415 : f32 to vector<16xf32>
        %add3A_417 = arith.addf %mul3A_151, %add3A_416 : vector<16xf32>
        %select_n3A_418 = arith.select %ne3A_410, %mul3A_414, %add3A_417 : vector<16xi1>, vector<16xf32>
        %add3A_419 = arith.constant 512 : i32
        %add3A_420 = arith.addi %add3A_419, %mul3A_137 : i32
        %swap3A_421 = arith.index_cast %add3A_420 : i32 to index
        %swap3A_422 = tpu.vector_load %arg8[%swap3A_421] {strides = array<i32>} : memref<4096xf32, #tpu.memory_space<vmem>>, vector<16xf32>,
        %swap3A_423 = vector.shape_cast %swap3A_422 : vector<16xf32> to vector<16xf32>
        %swap3A_424 = vector.shape_cast %select_n3A_418 : vector<16xf32> to vector<16xf32>
        tpu.vector_store %arg8[%swap3A_421], %swap3A_424 {strides = array<i32>} : memref<4096xf32, #tpu.memory_space<vmem>>, vector<16xf32>,
        %mul3A_425 = arith.constant 0 : i32
        %mul3A_426 = vector.broadcast %mul3A_425 : i32 to vector<16xi32>
        %mul3A_427 = arith.muli %get3A_141, %mul3A_426 : vector<16xi32>
        %add3A_428 = arith.constant 1 : i32
        %add3A_429 = vector.broadcast %add3A_428 : i32 to vector<16xi32>
        %add3A_430 = arith.addi %mul3A_427, %add3A_429 : vector<16xi32>
        %select_n3A_431 = arith.select %ne3A_410, %add3A_430, %mul3A_427 : vector<16xi1>, vector<16xi32>
        %add3A_432 = arith.addi %scan3A_135, %select_n3A_431 : vector<16xi32>
        scf.yield %add3A_432 : vector<16xi32>
      }
      %scan3A_97 = arith.constant 32 : i32
      %scan3A_98 = arith.constant 0 : i32
      %scan3A_99 = arith.constant 32 : i32
      %scan3A_100 = arith.addi %scan3A_98, %scan3A_99 : i32
      %scan3A_101 = arith.constant 1 : i32
      %scan3A_102 = scf.for %scan3A_134 = %scan3A_98 to %scan3A_100 step %scan3A_101 iter_args(%scan3A_135 = %scan3A_96) -> (vector<16xi32>)  : i32 {
        %mul3A_136 = arith.constant 16 : i32
        %mul3A_137 = arith.muli %scan3A_134, %mul3A_136 : i32
        %get3A = arith.constant 2 : i32
        %get3A_138 = arith.index_cast %get3A : i32 to index
        %get3A_139 = arith.index_cast %mul3A_137 : i32 to index
        %get3A_140 = tpu.vector_load %arg7[%get3A_138, %get3A_139] {strides = array<i32>} : memref<8x512xi32, #tpu.memory_space<vmem>>, vector<1x16xi32>,
        %get3A_141 = vector.shape_cast %get3A_140 : vector<1x16xi32> to vector<16xi32>
        %get3A_142 = arith.constant 0 : i32
        %get3A_143 = arith.constant 2 : i32
        %get3A_144 = arith.index_cast %get3A_142 : i32 to index
        %get3A_145 = arith.index_cast %get3A_143 : i32 to index
        %get3A_146 = arith.index_cast %mul3A_137 : i32 to index
        %get3A_147 = tpu.vector_load %arg6[%get3A_144, %get3A_145, %get3A_146] {strides = array<i32>} : memref<19x8x512xf32, #tpu.memory_space<vmem>>, vector<1x1x16xf32>,
        %get3A_148 = vector.shape_cast %get3A_147 : vector<1x1x16xf32> to vector<16xf32>
        %mul3A_149 = arith.constant 0.000000e+00 : f32
        %mul3A_150 = vector.broadcast %mul3A_149 : f32 to vector<16xf32>
        %mul3A_151 = arith.mulf %get3A_148, %mul3A_150 : vector<16xf32>
        %exp3A = math.exp %get3A_148 : vector<16xf32>
        %eq3A_152 = arith.constant 0 : i32
        %eq3A_153 = vector.broadcast %eq3A_152 : i32 to vector<16xi32>
        %eq3A_154 = arith.cmpi eq, %get3A_141, %eq3A_153 : vector<16xi32>
        %select_n3A_155 = arith.select %eq3A_154, %get3A_148, %mul3A_151 : vector<16xi1>, vector<16xf32>
        %get3A_156 = arith.constant 1 : i32
        %get3A_157 = arith.constant 2 : i32
        %get3A_158 = arith.index_cast %get3A_156 : i32 to index
        %get3A_159 = arith.index_cast %get3A_157 : i32 to index
        %get3A_160 = arith.index_cast %mul3A_137 : i32 to index
        %get3A_161 = tpu.vector_load %arg6[%get3A_158, %get3A_159, %get3A_160] {strides = array<i32>} : memref<19x8x512xf32, #tpu.memory_space<vmem>>, vector<1x1x16xf32>,
        %get3A_162 = vector.shape_cast %get3A_161 : vector<1x1x16xf32> to vector<16xf32>
        %exp3A_163 = math.exp %get3A_162 : vector<16xf32>
        %add3A_164 = arith.addf %exp3A, %exp3A_163 : vector<16xf32>
        %eq3A_165 = arith.constant 1 : i32
        %eq3A_166 = vector.broadcast %eq3A_165 : i32 to vector<16xi32>
        %eq3A_167 = arith.cmpi eq, %get3A_141, %eq3A_166 : vector<16xi32>
        %select_n3A_168 = arith.select %eq3A_167, %get3A_162, %mul3A_151 : vector<16xi1>, vector<16xf32>
        %add3A_169 = arith.addf %select_n3A_155, %select_n3A_168 : vector<16xf32>
        %get3A_170 = arith.constant 2 : i32
        %get3A_171 = arith.constant 2 : i32
        %get3A_172 = arith.index_cast %get3A_170 : i32 to index
        %get3A_173 = arith.index_cast %get3A_171 : i32 to index
        %get3A_174 = arith.index_cast %mul3A_137 : i32 to index
        %get3A_175 = tpu.vector_load %arg6[%get3A_172, %get3A_173, %get3A_174] {strides = array<i32>} : memref<19x8x512xf32, #tpu.memory_space<vmem>>, vector<1x1x16xf32>,
        %get3A_176 = vector.shape_cast %get3A_175 : vector<1x1x16xf32> to vector<16xf32>
        %exp3A_177 = math.exp %get3A_176 : vector<16xf32>
        %add3A_178 = arith.addf %add3A_164, %exp3A_177 : vector<16xf32>
        %eq3A_179 = arith.constant 2 : i32
        %eq3A_180 = vector.broadcast %eq3A_179 : i32 to vector<16xi32>
        %eq3A_181 = arith.cmpi eq, %get3A_141, %eq3A_180 : vector<16xi32>
        %select_n3A_182 = arith.select %eq3A_181, %get3A_176, %mul3A_151 : vector<16xi1>, vector<16xf32>
        %add3A_183 = arith.addf %add3A_169, %select_n3A_182 : vector<16xf32>
        %get3A_184 = arith.constant 3 : i32
        %get3A_185 = arith.constant 2 : i32
        %get3A_186 = arith.index_cast %get3A_184 : i32 to index
        %get3A_187 = arith.index_cast %get3A_185 : i32 to index
        %get3A_188 = arith.index_cast %mul3A_137 : i32 to index
        %get3A_189 = tpu.vector_load %arg6[%get3A_186, %get3A_187, %get3A_188] {strides = array<i32>} : memref<19x8x512xf32, #tpu.memory_space<vmem>>, vector<1x1x16xf32>,
        %get3A_190 = vector.shape_cast %get3A_189 : vector<1x1x16xf32> to vector<16xf32>
        %exp3A_191 = math.exp %get3A_190 : vector<16xf32>
        %add3A_192 = arith.addf %add3A_178, %exp3A_191 : vector<16xf32>
        %eq3A_193 = arith.constant 3 : i32
        %eq3A_194 = vector.broadcast %eq3A_193 : i32 to vector<16xi32>
        %eq3A_195 = arith.cmpi eq, %get3A_141, %eq3A_194 : vector<16xi32>
        %select_n3A_196 = arith.select %eq3A_195, %get3A_190, %mul3A_151 : vector<16xi1>, vector<16xf32>
        %add3A_197 = arith.addf %add3A_183, %select_n3A_196 : vector<16xf32>
        %get3A_198 = arith.constant 4 : i32
        %get3A_199 = arith.constant 2 : i32
        %get3A_200 = arith.index_cast %get3A_198 : i32 to index
        %get3A_201 = arith.index_cast %get3A_199 : i32 to index
        %get3A_202 = arith.index_cast %mul3A_137 : i32 to index
        %get3A_203 = tpu.vector_load %arg6[%get3A_200, %get3A_201, %get3A_202] {strides = array<i32>} : memref<19x8x512xf32, #tpu.memory_space<vmem>>, vector<1x1x16xf32>,
        %get3A_204 = vector.shape_cast %get3A_203 : vector<1x1x16xf32> to vector<16xf32>
        %exp3A_205 = math.exp %get3A_204 : vector<16xf32>
        %add3A_206 = arith.addf %add3A_192, %exp3A_205 : vector<16xf32>
        %eq3A_207 = arith.constant 4 : i32
        %eq3A_208 = vector.broadcast %eq3A_207 : i32 to vector<16xi32>
        %eq3A_209 = arith.cmpi eq, %get3A_141, %eq3A_208 : vector<16xi32>
        %select_n3A_210 = arith.select %eq3A_209, %get3A_204, %mul3A_151 : vector<16xi1>, vector<16xf32>
        %add3A_211 = arith.addf %add3A_197, %select_n3A_210 : vector<16xf32>
        %get3A_212 = arith.constant 5 : i32
        %get3A_213 = arith.constant 2 : i32
        %get3A_214 = arith.index_cast %get3A_212 : i32 to index
        %get3A_215 = arith.index_cast %get3A_213 : i32 to index
        %get3A_216 = arith.index_cast %mul3A_137 : i32 to index
        %get3A_217 = tpu.vector_load %arg6[%get3A_214, %get3A_215, %get3A_216] {strides = array<i32>} : memref<19x8x512xf32, #tpu.memory_space<vmem>>, vector<1x1x16xf32>,
        %get3A_218 = vector.shape_cast %get3A_217 : vector<1x1x16xf32> to vector<16xf32>
        %exp3A_219 = math.exp %get3A_218 : vector<16xf32>
        %add3A_220 = arith.addf %add3A_206, %exp3A_219 : vector<16xf32>
        %eq3A_221 = arith.constant 5 : i32
        %eq3A_222 = vector.broadcast %eq3A_221 : i32 to vector<16xi32>
        %eq3A_223 = arith.cmpi eq, %get3A_141, %eq3A_222 : vector<16xi32>
        %select_n3A_224 = arith.select %eq3A_223, %get3A_218, %mul3A_151 : vector<16xi1>, vector<16xf32>
        %add3A_225 = arith.addf %add3A_211, %select_n3A_224 : vector<16xf32>
        %get3A_226 = arith.constant 6 : i32
        %get3A_227 = arith.constant 2 : i32
        %get3A_228 = arith.index_cast %get3A_226 : i32 to index
        %get3A_229 = arith.index_cast %get3A_227 : i32 to index
        %get3A_230 = arith.index_cast %mul3A_137 : i32 to index
        %get3A_231 = tpu.vector_load %arg6[%get3A_228, %get3A_229, %get3A_230] {strides = array<i32>} : memref<19x8x512xf32, #tpu.memory_space<vmem>>, vector<1x1x16xf32>,
        %get3A_232 = vector.shape_cast %get3A_231 : vector<1x1x16xf32> to vector<16xf32>
        %exp3A_233 = math.exp %get3A_232 : vector<16xf32>
        %add3A_234 = arith.addf %add3A_220, %exp3A_233 : vector<16xf32>
        %eq3A_235 = arith.constant 6 : i32
        %eq3A_236 = vector.broadcast %eq3A_235 : i32 to vector<16xi32>
        %eq3A_237 = arith.cmpi eq, %get3A_141, %eq3A_236 : vector<16xi32>
        %select_n3A_238 = arith.select %eq3A_237, %get3A_232, %mul3A_151 : vector<16xi1>, vector<16xf32>
        %add3A_239 = arith.addf %add3A_225, %select_n3A_238 : vector<16xf32>
        %get3A_240 = arith.constant 7 : i32
        %get3A_241 = arith.constant 2 : i32
        %get3A_242 = arith.index_cast %get3A_240 : i32 to index
        %get3A_243 = arith.index_cast %get3A_241 : i32 to index
        %get3A_244 = arith.index_cast %mul3A_137 : i32 to index
        %get3A_245 = tpu.vector_load %arg6[%get3A_242, %get3A_243, %get3A_244] {strides = array<i32>} : memref<19x8x512xf32, #tpu.memory_space<vmem>>, vector<1x1x16xf32>,
        %get3A_246 = vector.shape_cast %get3A_245 : vector<1x1x16xf32> to vector<16xf32>
        %exp3A_247 = math.exp %get3A_246 : vector<16xf32>
        %add3A_248 = arith.addf %add3A_234, %exp3A_247 : vector<16xf32>
        %eq3A_249 = arith.constant 7 : i32
        %eq3A_250 = vector.broadcast %eq3A_249 : i32 to vector<16xi32>
        %eq3A_251 = arith.cmpi eq, %get3A_141, %eq3A_250 : vector<16xi32>
        %select_n3A_252 = arith.select %eq3A_251, %get3A_246, %mul3A_151 : vector<16xi1>, vector<16xf32>
        %add3A_253 = arith.addf %add3A_239, %select_n3A_252 : vector<16xf32>
        %get3A_254 = arith.constant 8 : i32
        %get3A_255 = arith.constant 2 : i32
        %get3A_256 = arith.index_cast %get3A_254 : i32 to index
        %get3A_257 = arith.index_cast %get3A_255 : i32 to index
        %get3A_258 = arith.index_cast %mul3A_137 : i32 to index
        %get3A_259 = tpu.vector_load %arg6[%get3A_256, %get3A_257, %get3A_258] {strides = array<i32>} : memref<19x8x512xf32, #tpu.memory_space<vmem>>, vector<1x1x16xf32>,
        %get3A_260 = vector.shape_cast %get3A_259 : vector<1x1x16xf32> to vector<16xf32>
        %exp3A_261 = math.exp %get3A_260 : vector<16xf32>
        %add3A_262 = arith.addf %add3A_248, %exp3A_261 : vector<16xf32>
        %eq3A_263 = arith.constant 8 : i32
        %eq3A_264 = vector.broadcast %eq3A_263 : i32 to vector<16xi32>
        %eq3A_265 = arith.cmpi eq, %get3A_141, %eq3A_264 : vector<16xi32>
        %select_n3A_266 = arith.select %eq3A_265, %get3A_260, %mul3A_151 : vector<16xi1>, vector<16xf32>
        %add3A_267 = arith.addf %add3A_253, %select_n3A_266 : vector<16xf32>
        %get3A_268 = arith.constant 9 : i32
        %get3A_269 = arith.constant 2 : i32
        %get3A_270 = arith.index_cast %get3A_268 : i32 to index
        %get3A_271 = arith.index_cast %get3A_269 : i32 to index
        %get3A_272 = arith.index_cast %mul3A_137 : i32 to index
        %get3A_273 = tpu.vector_load %arg6[%get3A_270, %get3A_271, %get3A_272] {strides = array<i32>} : memref<19x8x512xf32, #tpu.memory_space<vmem>>, vector<1x1x16xf32>,
        %get3A_274 = vector.shape_cast %get3A_273 : vector<1x1x16xf32> to vector<16xf32>
        %exp3A_275 = math.exp %get3A_274 : vector<16xf32>
        %add3A_276 = arith.addf %add3A_262, %exp3A_275 : vector<16xf32>
        %eq3A_277 = arith.constant 9 : i32
        %eq3A_278 = vector.broadcast %eq3A_277 : i32 to vector<16xi32>
        %eq3A_279 = arith.cmpi eq, %get3A_141, %eq3A_278 : vector<16xi32>
        %select_n3A_280 = arith.select %eq3A_279, %get3A_274, %mul3A_151 : vector<16xi1>, vector<16xf32>
        %add3A_281 = arith.addf %add3A_267, %select_n3A_280 : vector<16xf32>
        %get3A_282 = arith.constant 10 : i32
        %get3A_283 = arith.constant 2 : i32
        %get3A_284 = arith.index_cast %get3A_282 : i32 to index
        %get3A_285 = arith.index_cast %get3A_283 : i32 to index
        %get3A_286 = arith.index_cast %mul3A_137 : i32 to index
        %get3A_287 = tpu.vector_load %arg6[%get3A_284, %get3A_285, %get3A_286] {strides = array<i32>} : memref<19x8x512xf32, #tpu.memory_space<vmem>>, vector<1x1x16xf32>,
        %get3A_288 = vector.shape_cast %get3A_287 : vector<1x1x16xf32> to vector<16xf32>
        %exp3A_289 = math.exp %get3A_288 : vector<16xf32>
        %add3A_290 = arith.addf %add3A_276, %exp3A_289 : vector<16xf32>
        %eq3A_291 = arith.constant 10 : i32
        %eq3A_292 = vector.broadcast %eq3A_291 : i32 to vector<16xi32>
        %eq3A_293 = arith.cmpi eq, %get3A_141, %eq3A_292 : vector<16xi32>
        %select_n3A_294 = arith.select %eq3A_293, %get3A_288, %mul3A_151 : vector<16xi1>, vector<16xf32>
        %add3A_295 = arith.addf %add3A_281, %select_n3A_294 : vector<16xf32>
        %get3A_296 = arith.constant 11 : i32
        %get3A_297 = arith.constant 2 : i32
        %get3A_298 = arith.index_cast %get3A_296 : i32 to index
        %get3A_299 = arith.index_cast %get3A_297 : i32 to index
        %get3A_300 = arith.index_cast %mul3A_137 : i32 to index
        %get3A_301 = tpu.vector_load %arg6[%get3A_298, %get3A_299, %get3A_300] {strides = array<i32>} : memref<19x8x512xf32, #tpu.memory_space<vmem>>, vector<1x1x16xf32>,
        %get3A_302 = vector.shape_cast %get3A_301 : vector<1x1x16xf32> to vector<16xf32>
        %exp3A_303 = math.exp %get3A_302 : vector<16xf32>
        %add3A_304 = arith.addf %add3A_290, %exp3A_303 : vector<16xf32>
        %eq3A_305 = arith.constant 11 : i32
        %eq3A_306 = vector.broadcast %eq3A_305 : i32 to vector<16xi32>
        %eq3A_307 = arith.cmpi eq, %get3A_141, %eq3A_306 : vector<16xi32>
        %select_n3A_308 = arith.select %eq3A_307, %get3A_302, %mul3A_151 : vector<16xi1>, vector<16xf32>
        %add3A_309 = arith.addf %add3A_295, %select_n3A_308 : vector<16xf32>
        %get3A_310 = arith.constant 12 : i32
        %get3A_311 = arith.constant 2 : i32
        %get3A_312 = arith.index_cast %get3A_310 : i32 to index
        %get3A_313 = arith.index_cast %get3A_311 : i32 to index
        %get3A_314 = arith.index_cast %mul3A_137 : i32 to index
        %get3A_315 = tpu.vector_load %arg6[%get3A_312, %get3A_313, %get3A_314] {strides = array<i32>} : memref<19x8x512xf32, #tpu.memory_space<vmem>>, vector<1x1x16xf32>,
        %get3A_316 = vector.shape_cast %get3A_315 : vector<1x1x16xf32> to vector<16xf32>
        %exp3A_317 = math.exp %get3A_316 : vector<16xf32>
        %add3A_318 = arith.addf %add3A_304, %exp3A_317 : vector<16xf32>
        %eq3A_319 = arith.constant 12 : i32
        %eq3A_320 = vector.broadcast %eq3A_319 : i32 to vector<16xi32>
        %eq3A_321 = arith.cmpi eq, %get3A_141, %eq3A_320 : vector<16xi32>
        %select_n3A_322 = arith.select %eq3A_321, %get3A_316, %mul3A_151 : vector<16xi1>, vector<16xf32>
        %add3A_323 = arith.addf %add3A_309, %select_n3A_322 : vector<16xf32>
        %get3A_324 = arith.constant 13 : i32
        %get3A_325 = arith.constant 2 : i32
        %get3A_326 = arith.index_cast %get3A_324 : i32 to index
        %get3A_327 = arith.index_cast %get3A_325 : i32 to index
        %get3A_328 = arith.index_cast %mul3A_137 : i32 to index
        %get3A_329 = tpu.vector_load %arg6[%get3A_326, %get3A_327, %get3A_328] {strides = array<i32>} : memref<19x8x512xf32, #tpu.memory_space<vmem>>, vector<1x1x16xf32>,
        %get3A_330 = vector.shape_cast %get3A_329 : vector<1x1x16xf32> to vector<16xf32>
        %exp3A_331 = math.exp %get3A_330 : vector<16xf32>
        %add3A_332 = arith.addf %add3A_318, %exp3A_331 : vector<16xf32>
        %eq3A_333 = arith.constant 13 : i32
        %eq3A_334 = vector.broadcast %eq3A_333 : i32 to vector<16xi32>
        %eq3A_335 = arith.cmpi eq, %get3A_141, %eq3A_334 : vector<16xi32>
        %select_n3A_336 = arith.select %eq3A_335, %get3A_330, %mul3A_151 : vector<16xi1>, vector<16xf32>
        %add3A_337 = arith.addf %add3A_323, %select_n3A_336 : vector<16xf32>
        %get3A_338 = arith.constant 14 : i32
        %get3A_339 = arith.constant 2 : i32
        %get3A_340 = arith.index_cast %get3A_338 : i32 to index
        %get3A_341 = arith.index_cast %get3A_339 : i32 to index
        %get3A_342 = arith.index_cast %mul3A_137 : i32 to index
        %get3A_343 = tpu.vector_load %arg6[%get3A_340, %get3A_341, %get3A_342] {strides = array<i32>} : memref<19x8x512xf32, #tpu.memory_space<vmem>>, vector<1x1x16xf32>,
        %get3A_344 = vector.shape_cast %get3A_343 : vector<1x1x16xf32> to vector<16xf32>
        %exp3A_345 = math.exp %get3A_344 : vector<16xf32>
        %add3A_346 = arith.addf %add3A_332, %exp3A_345 : vector<16xf32>
        %eq3A_347 = arith.constant 14 : i32
        %eq3A_348 = vector.broadcast %eq3A_347 : i32 to vector<16xi32>
        %eq3A_349 = arith.cmpi eq, %get3A_141, %eq3A_348 : vector<16xi32>
        %select_n3A_350 = arith.select %eq3A_349, %get3A_344, %mul3A_151 : vector<16xi1>, vector<16xf32>
        %add3A_351 = arith.addf %add3A_337, %select_n3A_350 : vector<16xf32>
        %get3A_352 = arith.constant 15 : i32
        %get3A_353 = arith.constant 2 : i32
        %get3A_354 = arith.index_cast %get3A_352 : i32 to index
        %get3A_355 = arith.index_cast %get3A_353 : i32 to index
        %get3A_356 = arith.index_cast %mul3A_137 : i32 to index
        %get3A_357 = tpu.vector_load %arg6[%get3A_354, %get3A_355, %get3A_356] {strides = array<i32>} : memref<19x8x512xf32, #tpu.memory_space<vmem>>, vector<1x1x16xf32>,
        %get3A_358 = vector.shape_cast %get3A_357 : vector<1x1x16xf32> to vector<16xf32>
        %exp3A_359 = math.exp %get3A_358 : vector<16xf32>
        %add3A_360 = arith.addf %add3A_346, %exp3A_359 : vector<16xf32>
        %eq3A_361 = arith.constant 15 : i32
        %eq3A_362 = vector.broadcast %eq3A_361 : i32 to vector<16xi32>
        %eq3A_363 = arith.cmpi eq, %get3A_141, %eq3A_362 : vector<16xi32>
        %select_n3A_364 = arith.select %eq3A_363, %get3A_358, %mul3A_151 : vector<16xi1>, vector<16xf32>
        %add3A_365 = arith.addf %add3A_351, %select_n3A_364 : vector<16xf32>
        %get3A_366 = arith.constant 16 : i32
        %get3A_367 = arith.constant 2 : i32
        %get3A_368 = arith.index_cast %get3A_366 : i32 to index
        %get3A_369 = arith.index_cast %get3A_367 : i32 to index
        %get3A_370 = arith.index_cast %mul3A_137 : i32 to index
        %get3A_371 = tpu.vector_load %arg6[%get3A_368, %get3A_369, %get3A_370] {strides = array<i32>} : memref<19x8x512xf32, #tpu.memory_space<vmem>>, vector<1x1x16xf32>,
        %get3A_372 = vector.shape_cast %get3A_371 : vector<1x1x16xf32> to vector<16xf32>
        %exp3A_373 = math.exp %get3A_372 : vector<16xf32>
        %add3A_374 = arith.addf %add3A_360, %exp3A_373 : vector<16xf32>
        %eq3A_375 = arith.constant 16 : i32
        %eq3A_376 = vector.broadcast %eq3A_375 : i32 to vector<16xi32>
        %eq3A_377 = arith.cmpi eq, %get3A_141, %eq3A_376 : vector<16xi32>
        %select_n3A_378 = arith.select %eq3A_377, %get3A_372, %mul3A_151 : vector<16xi1>, vector<16xf32>
        %add3A_379 = arith.addf %add3A_365, %select_n3A_378 : vector<16xf32>
        %get3A_380 = arith.constant 17 : i32
        %get3A_381 = arith.constant 2 : i32
        %get3A_382 = arith.index_cast %get3A_380 : i32 to index
        %get3A_383 = arith.index_cast %get3A_381 : i32 to index
        %get3A_384 = arith.index_cast %mul3A_137 : i32 to index
        %get3A_385 = tpu.vector_load %arg6[%get3A_382, %get3A_383, %get3A_384] {strides = array<i32>} : memref<19x8x512xf32, #tpu.memory_space<vmem>>, vector<1x1x16xf32>,
        %get3A_386 = vector.shape_cast %get3A_385 : vector<1x1x16xf32> to vector<16xf32>
        %exp3A_387 = math.exp %get3A_386 : vector<16xf32>
        %add3A_388 = arith.addf %add3A_374, %exp3A_387 : vector<16xf32>
        %eq3A_389 = arith.constant 17 : i32
        %eq3A_390 = vector.broadcast %eq3A_389 : i32 to vector<16xi32>
        %eq3A_391 = arith.cmpi eq, %get3A_141, %eq3A_390 : vector<16xi32>
        %select_n3A_392 = arith.select %eq3A_391, %get3A_386, %mul3A_151 : vector<16xi1>, vector<16xf32>
        %add3A_393 = arith.addf %add3A_379, %select_n3A_392 : vector<16xf32>
        %get3A_394 = arith.constant 18 : i32
        %get3A_395 = arith.constant 2 : i32
        %get3A_396 = arith.index_cast %get3A_394 : i32 to index
        %get3A_397 = arith.index_cast %get3A_395 : i32 to index
        %get3A_398 = arith.index_cast %mul3A_137 : i32 to index
        %get3A_399 = tpu.vector_load %arg6[%get3A_396, %get3A_397, %get3A_398] {strides = array<i32>} : memref<19x8x512xf32, #tpu.memory_space<vmem>>, vector<1x1x16xf32>,
        %get3A_400 = vector.shape_cast %get3A_399 : vector<1x1x16xf32> to vector<16xf32>
        %exp3A_401 = math.exp %get3A_400 : vector<16xf32>
        %add3A_402 = arith.addf %add3A_388, %exp3A_401 : vector<16xf32>
        %eq3A_403 = arith.constant 18 : i32
        %eq3A_404 = vector.broadcast %eq3A_403 : i32 to vector<16xi32>
        %eq3A_405 = arith.cmpi eq, %get3A_141, %eq3A_404 : vector<16xi32>
        %select_n3A_406 = arith.select %eq3A_405, %get3A_400, %mul3A_151 : vector<16xi1>, vector<16xf32>
        %add3A_407 = arith.addf %add3A_393, %select_n3A_406 : vector<16xf32>
        %ne3A_408 = arith.constant 255 : i32
        %ne3A_409 = vector.broadcast %ne3A_408 : i32 to vector<16xi32>
        %ne3A_410 = arith.cmpi ne, %get3A_141, %ne3A_409 : vector<16xi32>
        %neg3A = arith.constant 0.000000e+00 : f32
        %neg3A_411 = vector.broadcast %neg3A : f32 to vector<16xf32>
        %neg3A_412 = arith.subf %neg3A_411, %add3A_407 : vector<16xf32>
        %exp3A_413 = math.exp %neg3A_412 : vector<16xf32>
        %mul3A_414 = arith.mulf %add3A_402, %exp3A_413 : vector<16xf32>
        %add3A_415 = arith.constant 1.000000e+00 : f32
        %add3A_416 = vector.broadcast %add3A_415 : f32 to vector<16xf32>
        %add3A_417 = arith.addf %mul3A_151, %add3A_416 : vector<16xf32>
        %select_n3A_418 = arith.select %ne3A_410, %mul3A_414, %add3A_417 : vector<16xi1>, vector<16xf32>
        %add3A_419 = arith.constant 1024 : i32
        %add3A_420 = arith.addi %add3A_419, %mul3A_137 : i32
        %swap3A_421 = arith.index_cast %add3A_420 : i32 to index
        %swap3A_422 = tpu.vector_load %arg8[%swap3A_421] {strides = array<i32>} : memref<4096xf32, #tpu.memory_space<vmem>>, vector<16xf32>,
        %swap3A_423 = vector.shape_cast %swap3A_422 : vector<16xf32> to vector<16xf32>
        %swap3A_424 = vector.shape_cast %select_n3A_418 : vector<16xf32> to vector<16xf32>
        tpu.vector_store %arg8[%swap3A_421], %swap3A_424 {strides = array<i32>} : memref<4096xf32, #tpu.memory_space<vmem>>, vector<16xf32>,
        %mul3A_425 = arith.constant 0 : i32
        %mul3A_426 = vector.broadcast %mul3A_425 : i32 to vector<16xi32>
        %mul3A_427 = arith.muli %get3A_141, %mul3A_426 : vector<16xi32>
        %add3A_428 = arith.constant 1 : i32
        %add3A_429 = vector.broadcast %add3A_428 : i32 to vector<16xi32>
        %add3A_430 = arith.addi %mul3A_427, %add3A_429 : vector<16xi32>
        %select_n3A_431 = arith.select %ne3A_410, %add3A_430, %mul3A_427 : vector<16xi1>, vector<16xi32>
        %add3A_432 = arith.addi %scan3A_135, %select_n3A_431 : vector<16xi32>
        scf.yield %add3A_432 : vector<16xi32>
      }
      %scan3A_103 = arith.constant 32 : i32
      %scan3A_104 = arith.constant 0 : i32
      %scan3A_105 = arith.constant 32 : i32
      %scan3A_106 = arith.addi %scan3A_104, %scan3A_105 : i32
      %scan3A_107 = arith.constant 1 : i32
      %scan3A_108 = scf.for %scan3A_134 = %scan3A_104 to %scan3A_106 step %scan3A_107 iter_args(%scan3A_135 = %scan3A_102) -> (vector<16xi32>)  : i32 {
        %mul3A_136 = arith.constant 16 : i32
        %mul3A_137 = arith.muli %scan3A_134, %mul3A_136 : i32
        %get3A = arith.constant 3 : i32
        %get3A_138 = arith.index_cast %get3A : i32 to index
        %get3A_139 = arith.index_cast %mul3A_137 : i32 to index
        %get3A_140 = tpu.vector_load %arg7[%get3A_138, %get3A_139] {strides = array<i32>} : memref<8x512xi32, #tpu.memory_space<vmem>>, vector<1x16xi32>,
        %get3A_141 = vector.shape_cast %get3A_140 : vector<1x16xi32> to vector<16xi32>
        %get3A_142 = arith.constant 0 : i32
        %get3A_143 = arith.constant 3 : i32
        %get3A_144 = arith.index_cast %get3A_142 : i32 to index
        %get3A_145 = arith.index_cast %get3A_143 : i32 to index
        %get3A_146 = arith.index_cast %mul3A_137 : i32 to index
        %get3A_147 = tpu.vector_load %arg6[%get3A_144, %get3A_145, %get3A_146] {strides = array<i32>} : memref<19x8x512xf32, #tpu.memory_space<vmem>>, vector<1x1x16xf32>,
        %get3A_148 = vector.shape_cast %get3A_147 : vector<1x1x16xf32> to vector<16xf32>
        %mul3A_149 = arith.constant 0.000000e+00 : f32
        %mul3A_150 = vector.broadcast %mul3A_149 : f32 to vector<16xf32>
        %mul3A_151 = arith.mulf %get3A_148, %mul3A_150 : vector<16xf32>
        %exp3A = math.exp %get3A_148 : vector<16xf32>
        %eq3A_152 = arith.constant 0 : i32
        %eq3A_153 = vector.broadcast %eq3A_152 : i32 to vector<16xi32>
        %eq3A_154 = arith.cmpi eq, %get3A_141, %eq3A_153 : vector<16xi32>
        %select_n3A_155 = arith.select %eq3A_154, %get3A_148, %mul3A_151 : vector<16xi1>, vector<16xf32>
        %get3A_156 = arith.constant 1 : i32
        %get3A_157 = arith.constant 3 : i32
        %get3A_158 = arith.index_cast %get3A_156 : i32 to index
        %get3A_159 = arith.index_cast %get3A_157 : i32 to index
        %get3A_160 = arith.index_cast %mul3A_137 : i32 to index
        %get3A_161 = tpu.vector_load %arg6[%get3A_158, %get3A_159, %get3A_160] {strides = array<i32>} : memref<19x8x512xf32, #tpu.memory_space<vmem>>, vector<1x1x16xf32>,
        %get3A_162 = vector.shape_cast %get3A_161 : vector<1x1x16xf32> to vector<16xf32>
        %exp3A_163 = math.exp %get3A_162 : vector<16xf32>
        %add3A_164 = arith.addf %exp3A, %exp3A_163 : vector<16xf32>
        %eq3A_165 = arith.constant 1 : i32
        %eq3A_166 = vector.broadcast %eq3A_165 : i32 to vector<16xi32>
        %eq3A_167 = arith.cmpi eq, %get3A_141, %eq3A_166 : vector<16xi32>
        %select_n3A_168 = arith.select %eq3A_167, %get3A_162, %mul3A_151 : vector<16xi1>, vector<16xf32>
        %add3A_169 = arith.addf %select_n3A_155, %select_n3A_168 : vector<16xf32>
        %get3A_170 = arith.constant 2 : i32
        %get3A_171 = arith.constant 3 : i32
        %get3A_172 = arith.index_cast %get3A_170 : i32 to index
        %get3A_173 = arith.index_cast %get3A_171 : i32 to index
        %get3A_174 = arith.index_cast %mul3A_137 : i32 to index
        %get3A_175 = tpu.vector_load %arg6[%get3A_172, %get3A_173, %get3A_174] {strides = array<i32>} : memref<19x8x512xf32, #tpu.memory_space<vmem>>, vector<1x1x16xf32>,
        %get3A_176 = vector.shape_cast %get3A_175 : vector<1x1x16xf32> to vector<16xf32>
        %exp3A_177 = math.exp %get3A_176 : vector<16xf32>
        %add3A_178 = arith.addf %add3A_164, %exp3A_177 : vector<16xf32>
        %eq3A_179 = arith.constant 2 : i32
        %eq3A_180 = vector.broadcast %eq3A_179 : i32 to vector<16xi32>
        %eq3A_181 = arith.cmpi eq, %get3A_141, %eq3A_180 : vector<16xi32>
        %select_n3A_182 = arith.select %eq3A_181, %get3A_176, %mul3A_151 : vector<16xi1>, vector<16xf32>
        %add3A_183 = arith.addf %add3A_169, %select_n3A_182 : vector<16xf32>
        %get3A_184 = arith.constant 3 : i32
        %get3A_185 = arith.constant 3 : i32
        %get3A_186 = arith.index_cast %get3A_184 : i32 to index
        %get3A_187 = arith.index_cast %get3A_185 : i32 to index
        %get3A_188 = arith.index_cast %mul3A_137 : i32 to index
        %get3A_189 = tpu.vector_load %arg6[%get3A_186, %get3A_187, %get3A_188] {strides = array<i32>} : memref<19x8x512xf32, #tpu.memory_space<vmem>>, vector<1x1x16xf32>,
        %get3A_190 = vector.shape_cast %get3A_189 : vector<1x1x16xf32> to vector<16xf32>
        %exp3A_191 = math.exp %get3A_190 : vector<16xf32>
        %add3A_192 = arith.addf %add3A_178, %exp3A_191 : vector<16xf32>
        %eq3A_193 = arith.constant 3 : i32
        %eq3A_194 = vector.broadcast %eq3A_193 : i32 to vector<16xi32>
        %eq3A_195 = arith.cmpi eq, %get3A_141, %eq3A_194 : vector<16xi32>
        %select_n3A_196 = arith.select %eq3A_195, %get3A_190, %mul3A_151 : vector<16xi1>, vector<16xf32>
        %add3A_197 = arith.addf %add3A_183, %select_n3A_196 : vector<16xf32>
        %get3A_198 = arith.constant 4 : i32
        %get3A_199 = arith.constant 3 : i32
        %get3A_200 = arith.index_cast %get3A_198 : i32 to index
        %get3A_201 = arith.index_cast %get3A_199 : i32 to index
        %get3A_202 = arith.index_cast %mul3A_137 : i32 to index
        %get3A_203 = tpu.vector_load %arg6[%get3A_200, %get3A_201, %get3A_202] {strides = array<i32>} : memref<19x8x512xf32, #tpu.memory_space<vmem>>, vector<1x1x16xf32>,
        %get3A_204 = vector.shape_cast %get3A_203 : vector<1x1x16xf32> to vector<16xf32>
        %exp3A_205 = math.exp %get3A_204 : vector<16xf32>
        %add3A_206 = arith.addf %add3A_192, %exp3A_205 : vector<16xf32>
        %eq3A_207 = arith.constant 4 : i32
        %eq3A_208 = vector.broadcast %eq3A_207 : i32 to vector<16xi32>
        %eq3A_209 = arith.cmpi eq, %get3A_141, %eq3A_208 : vector<16xi32>
        %select_n3A_210 = arith.select %eq3A_209, %get3A_204, %mul3A_151 : vector<16xi1>, vector<16xf32>
        %add3A_211 = arith.addf %add3A_197, %select_n3A_210 : vector<16xf32>
        %get3A_212 = arith.constant 5 : i32
        %get3A_213 = arith.constant 3 : i32
        %get3A_214 = arith.index_cast %get3A_212 : i32 to index
        %get3A_215 = arith.index_cast %get3A_213 : i32 to index
        %get3A_216 = arith.index_cast %mul3A_137 : i32 to index
        %get3A_217 = tpu.vector_load %arg6[%get3A_214, %get3A_215, %get3A_216] {strides = array<i32>} : memref<19x8x512xf32, #tpu.memory_space<vmem>>, vector<1x1x16xf32>,
        %get3A_218 = vector.shape_cast %get3A_217 : vector<1x1x16xf32> to vector<16xf32>
        %exp3A_219 = math.exp %get3A_218 : vector<16xf32>
        %add3A_220 = arith.addf %add3A_206, %exp3A_219 : vector<16xf32>
        %eq3A_221 = arith.constant 5 : i32
        %eq3A_222 = vector.broadcast %eq3A_221 : i32 to vector<16xi32>
        %eq3A_223 = arith.cmpi eq, %get3A_141, %eq3A_222 : vector<16xi32>
        %select_n3A_224 = arith.select %eq3A_223, %get3A_218, %mul3A_151 : vector<16xi1>, vector<16xf32>
        %add3A_225 = arith.addf %add3A_211, %select_n3A_224 : vector<16xf32>
        %get3A_226 = arith.constant 6 : i32
        %get3A_227 = arith.constant 3 : i32
        %get3A_228 = arith.index_cast %get3A_226 : i32 to index
        %get3A_229 = arith.index_cast %get3A_227 : i32 to index
        %get3A_230 = arith.index_cast %mul3A_137 : i32 to index
        %get3A_231 = tpu.vector_load %arg6[%get3A_228, %get3A_229, %get3A_230] {strides = array<i32>} : memref<19x8x512xf32, #tpu.memory_space<vmem>>, vector<1x1x16xf32>,
        %get3A_232 = vector.shape_cast %get3A_231 : vector<1x1x16xf32> to vector<16xf32>
        %exp3A_233 = math.exp %get3A_232 : vector<16xf32>
        %add3A_234 = arith.addf %add3A_220, %exp3A_233 : vector<16xf32>
        %eq3A_235 = arith.constant 6 : i32
        %eq3A_236 = vector.broadcast %eq3A_235 : i32 to vector<16xi32>
        %eq3A_237 = arith.cmpi eq, %get3A_141, %eq3A_236 : vector<16xi32>
        %select_n3A_238 = arith.select %eq3A_237, %get3A_232, %mul3A_151 : vector<16xi1>, vector<16xf32>
        %add3A_239 = arith.addf %add3A_225, %select_n3A_238 : vector<16xf32>
        %get3A_240 = arith.constant 7 : i32
        %get3A_241 = arith.constant 3 : i32
        %get3A_242 = arith.index_cast %get3A_240 : i32 to index
        %get3A_243 = arith.index_cast %get3A_241 : i32 to index
        %get3A_244 = arith.index_cast %mul3A_137 : i32 to index
        %get3A_245 = tpu.vector_load %arg6[%get3A_242, %get3A_243, %get3A_244] {strides = array<i32>} : memref<19x8x512xf32, #tpu.memory_space<vmem>>, vector<1x1x16xf32>,
        %get3A_246 = vector.shape_cast %get3A_245 : vector<1x1x16xf32> to vector<16xf32>
        %exp3A_247 = math.exp %get3A_246 : vector<16xf32>
        %add3A_248 = arith.addf %add3A_234, %exp3A_247 : vector<16xf32>
        %eq3A_249 = arith.constant 7 : i32
        %eq3A_250 = vector.broadcast %eq3A_249 : i32 to vector<16xi32>
        %eq3A_251 = arith.cmpi eq, %get3A_141, %eq3A_250 : vector<16xi32>
        %select_n3A_252 = arith.select %eq3A_251, %get3A_246, %mul3A_151 : vector<16xi1>, vector<16xf32>
        %add3A_253 = arith.addf %add3A_239, %select_n3A_252 : vector<16xf32>
        %get3A_254 = arith.constant 8 : i32
        %get3A_255 = arith.constant 3 : i32
        %get3A_256 = arith.index_cast %get3A_254 : i32 to index
        %get3A_257 = arith.index_cast %get3A_255 : i32 to index
        %get3A_258 = arith.index_cast %mul3A_137 : i32 to index
        %get3A_259 = tpu.vector_load %arg6[%get3A_256, %get3A_257, %get3A_258] {strides = array<i32>} : memref<19x8x512xf32, #tpu.memory_space<vmem>>, vector<1x1x16xf32>,
        %get3A_260 = vector.shape_cast %get3A_259 : vector<1x1x16xf32> to vector<16xf32>
        %exp3A_261 = math.exp %get3A_260 : vector<16xf32>
        %add3A_262 = arith.addf %add3A_248, %exp3A_261 : vector<16xf32>
        %eq3A_263 = arith.constant 8 : i32
        %eq3A_264 = vector.broadcast %eq3A_263 : i32 to vector<16xi32>
        %eq3A_265 = arith.cmpi eq, %get3A_141, %eq3A_264 : vector<16xi32>
        %select_n3A_266 = arith.select %eq3A_265, %get3A_260, %mul3A_151 : vector<16xi1>, vector<16xf32>
        %add3A_267 = arith.addf %add3A_253, %select_n3A_266 : vector<16xf32>
        %get3A_268 = arith.constant 9 : i32
        %get3A_269 = arith.constant 3 : i32
        %get3A_270 = arith.index_cast %get3A_268 : i32 to index
        %get3A_271 = arith.index_cast %get3A_269 : i32 to index
        %get3A_272 = arith.index_cast %mul3A_137 : i32 to index
        %get3A_273 = tpu.vector_load %arg6[%get3A_270, %get3A_271, %get3A_272] {strides = array<i32>} : memref<19x8x512xf32, #tpu.memory_space<vmem>>, vector<1x1x16xf32>,
        %get3A_274 = vector.shape_cast %get3A_273 : vector<1x1x16xf32> to vector<16xf32>
        %exp3A_275 = math.exp %get3A_274 : vector<16xf32>
        %add3A_276 = arith.addf %add3A_262, %exp3A_275 : vector<16xf32>
        %eq3A_277 = arith.constant 9 : i32
        %eq3A_278 = vector.broadcast %eq3A_277 : i32 to vector<16xi32>
        %eq3A_279 = arith.cmpi eq, %get3A_141, %eq3A_278 : vector<16xi32>
        %select_n3A_280 = arith.select %eq3A_279, %get3A_274, %mul3A_151 : vector<16xi1>, vector<16xf32>
        %add3A_281 = arith.addf %add3A_267, %select_n3A_280 : vector<16xf32>
        %get3A_282 = arith.constant 10 : i32
        %get3A_283 = arith.constant 3 : i32
        %get3A_284 = arith.index_cast %get3A_282 : i32 to index
        %get3A_285 = arith.index_cast %get3A_283 : i32 to index
        %get3A_286 = arith.index_cast %mul3A_137 : i32 to index
        %get3A_287 = tpu.vector_load %arg6[%get3A_284, %get3A_285, %get3A_286] {strides = array<i32>} : memref<19x8x512xf32, #tpu.memory_space<vmem>>, vector<1x1x16xf32>,
        %get3A_288 = vector.shape_cast %get3A_287 : vector<1x1x16xf32> to vector<16xf32>
        %exp3A_289 = math.exp %get3A_288 : vector<16xf32>
        %add3A_290 = arith.addf %add3A_276, %exp3A_289 : vector<16xf32>
        %eq3A_291 = arith.constant 10 : i32
        %eq3A_292 = vector.broadcast %eq3A_291 : i32 to vector<16xi32>
        %eq3A_293 = arith.cmpi eq, %get3A_141, %eq3A_292 : vector<16xi32>
        %select_n3A_294 = arith.select %eq3A_293, %get3A_288, %mul3A_151 : vector<16xi1>, vector<16xf32>
        %add3A_295 = arith.addf %add3A_281, %select_n3A_294 : vector<16xf32>
        %get3A_296 = arith.constant 11 : i32
        %get3A_297 = arith.constant 3 : i32
        %get3A_298 = arith.index_cast %get3A_296 : i32 to index
        %get3A_299 = arith.index_cast %get3A_297 : i32 to index
        %get3A_300 = arith.index_cast %mul3A_137 : i32 to index
        %get3A_301 = tpu.vector_load %arg6[%get3A_298, %get3A_299, %get3A_300] {strides = array<i32>} : memref<19x8x512xf32, #tpu.memory_space<vmem>>, vector<1x1x16xf32>,
        %get3A_302 = vector.shape_cast %get3A_301 : vector<1x1x16xf32> to vector<16xf32>
        %exp3A_303 = math.exp %get3A_302 : vector<16xf32>
        %add3A_304 = arith.addf %add3A_290, %exp3A_303 : vector<16xf32>
        %eq3A_305 = arith.constant 11 : i32
        %eq3A_306 = vector.broadcast %eq3A_305 : i32 to vector<16xi32>
        %eq3A_307 = arith.cmpi eq, %get3A_141, %eq3A_306 : vector<16xi32>
        %select_n3A_308 = arith.select %eq3A_307, %get3A_302, %mul3A_151 : vector<16xi1>, vector<16xf32>
        %add3A_309 = arith.addf %add3A_295, %select_n3A_308 : vector<16xf32>
        %get3A_310 = arith.constant 12 : i32
        %get3A_311 = arith.constant 3 : i32
        %get3A_312 = arith.index_cast %get3A_310 : i32 to index
        %get3A_313 = arith.index_cast %get3A_311 : i32 to index
        %get3A_314 = arith.index_cast %mul3A_137 : i32 to index
        %get3A_315 = tpu.vector_load %arg6[%get3A_312, %get3A_313, %get3A_314] {strides = array<i32>} : memref<19x8x512xf32, #tpu.memory_space<vmem>>, vector<1x1x16xf32>,
        %get3A_316 = vector.shape_cast %get3A_315 : vector<1x1x16xf32> to vector<16xf32>
        %exp3A_317 = math.exp %get3A_316 : vector<16xf32>
        %add3A_318 = arith.addf %add3A_304, %exp3A_317 : vector<16xf32>
        %eq3A_319 = arith.constant 12 : i32
        %eq3A_320 = vector.broadcast %eq3A_319 : i32 to vector<16xi32>
        %eq3A_321 = arith.cmpi eq, %get3A_141, %eq3A_320 : vector<16xi32>
        %select_n3A_322 = arith.select %eq3A_321, %get3A_316, %mul3A_151 : vector<16xi1>, vector<16xf32>
        %add3A_323 = arith.addf %add3A_309, %select_n3A_322 : vector<16xf32>
        %get3A_324 = arith.constant 13 : i32
        %get3A_325 = arith.constant 3 : i32
        %get3A_326 = arith.index_cast %get3A_324 : i32 to index
        %get3A_327 = arith.index_cast %get3A_325 : i32 to index
        %get3A_328 = arith.index_cast %mul3A_137 : i32 to index
        %get3A_329 = tpu.vector_load %arg6[%get3A_326, %get3A_327, %get3A_328] {strides = array<i32>} : memref<19x8x512xf32, #tpu.memory_space<vmem>>, vector<1x1x16xf32>,
        %get3A_330 = vector.shape_cast %get3A_329 : vector<1x1x16xf32> to vector<16xf32>
        %exp3A_331 = math.exp %get3A_330 : vector<16xf32>
        %add3A_332 = arith.addf %add3A_318, %exp3A_331 : vector<16xf32>
        %eq3A_333 = arith.constant 13 : i32
        %eq3A_334 = vector.broadcast %eq3A_333 : i32 to vector<16xi32>
        %eq3A_335 = arith.cmpi eq, %get3A_141, %eq3A_334 : vector<16xi32>
        %select_n3A_336 = arith.select %eq3A_335, %get3A_330, %mul3A_151 : vector<16xi1>, vector<16xf32>
        %add3A_337 = arith.addf %add3A_323, %select_n3A_336 : vector<16xf32>
        %get3A_338 = arith.constant 14 : i32
        %get3A_339 = arith.constant 3 : i32
        %get3A_340 = arith.index_cast %get3A_338 : i32 to index
        %get3A_341 = arith.index_cast %get3A_339 : i32 to index
        %get3A_342 = arith.index_cast %mul3A_137 : i32 to index
        %get3A_343 = tpu.vector_load %arg6[%get3A_340, %get3A_341, %get3A_342] {strides = array<i32>} : memref<19x8x512xf32, #tpu.memory_space<vmem>>, vector<1x1x16xf32>,
        %get3A_344 = vector.shape_cast %get3A_343 : vector<1x1x16xf32> to vector<16xf32>
        %exp3A_345 = math.exp %get3A_344 : vector<16xf32>
        %add3A_346 = arith.addf %add3A_332, %exp3A_345 : vector<16xf32>
        %eq3A_347 = arith.constant 14 : i32
        %eq3A_348 = vector.broadcast %eq3A_347 : i32 to vector<16xi32>
        %eq3A_349 = arith.cmpi eq, %get3A_141, %eq3A_348 : vector<16xi32>
        %select_n3A_350 = arith.select %eq3A_349, %get3A_344, %mul3A_151 : vector<16xi1>, vector<16xf32>
        %add3A_351 = arith.addf %add3A_337, %select_n3A_350 : vector<16xf32>
        %get3A_352 = arith.constant 15 : i32
        %get3A_353 = arith.constant 3 : i32
        %get3A_354 = arith.index_cast %get3A_352 : i32 to index
        %get3A_355 = arith.index_cast %get3A_353 : i32 to index
        %get3A_356 = arith.index_cast %mul3A_137 : i32 to index
        %get3A_357 = tpu.vector_load %arg6[%get3A_354, %get3A_355, %get3A_356] {strides = array<i32>} : memref<19x8x512xf32, #tpu.memory_space<vmem>>, vector<1x1x16xf32>,
        %get3A_358 = vector.shape_cast %get3A_357 : vector<1x1x16xf32> to vector<16xf32>
        %exp3A_359 = math.exp %get3A_358 : vector<16xf32>
        %add3A_360 = arith.addf %add3A_346, %exp3A_359 : vector<16xf32>
        %eq3A_361 = arith.constant 15 : i32
        %eq3A_362 = vector.broadcast %eq3A_361 : i32 to vector<16xi32>
        %eq3A_363 = arith.cmpi eq, %get3A_141, %eq3A_362 : vector<16xi32>
        %select_n3A_364 = arith.select %eq3A_363, %get3A_358, %mul3A_151 : vector<16xi1>, vector<16xf32>
        %add3A_365 = arith.addf %add3A_351, %select_n3A_364 : vector<16xf32>
        %get3A_366 = arith.constant 16 : i32
        %get3A_367 = arith.constant 3 : i32
        %get3A_368 = arith.index_cast %get3A_366 : i32 to index
        %get3A_369 = arith.index_cast %get3A_367 : i32 to index
        %get3A_370 = arith.index_cast %mul3A_137 : i32 to index
        %get3A_371 = tpu.vector_load %arg6[%get3A_368, %get3A_369, %get3A_370] {strides = array<i32>} : memref<19x8x512xf32, #tpu.memory_space<vmem>>, vector<1x1x16xf32>,
        %get3A_372 = vector.shape_cast %get3A_371 : vector<1x1x16xf32> to vector<16xf32>
        %exp3A_373 = math.exp %get3A_372 : vector<16xf32>
        %add3A_374 = arith.addf %add3A_360, %exp3A_373 : vector<16xf32>
        %eq3A_375 = arith.constant 16 : i32
        %eq3A_376 = vector.broadcast %eq3A_375 : i32 to vector<16xi32>
        %eq3A_377 = arith.cmpi eq, %get3A_141, %eq3A_376 : vector<16xi32>
        %select_n3A_378 = arith.select %eq3A_377, %get3A_372, %mul3A_151 : vector<16xi1>, vector<16xf32>
        %add3A_379 = arith.addf %add3A_365, %select_n3A_378 : vector<16xf32>
        %get3A_380 = arith.constant 17 : i32
        %get3A_381 = arith.constant 3 : i32
        %get3A_382 = arith.index_cast %get3A_380 : i32 to index
        %get3A_383 = arith.index_cast %get3A_381 : i32 to index
        %get3A_384 = arith.index_cast %mul3A_137 : i32 to index
        %get3A_385 = tpu.vector_load %arg6[%get3A_382, %get3A_383, %get3A_384] {strides = array<i32>} : memref<19x8x512xf32, #tpu.memory_space<vmem>>, vector<1x1x16xf32>,
        %get3A_386 = vector.shape_cast %get3A_385 : vector<1x1x16xf32> to vector<16xf32>
        %exp3A_387 = math.exp %get3A_386 : vector<16xf32>
        %add3A_388 = arith.addf %add3A_374, %exp3A_387 : vector<16xf32>
        %eq3A_389 = arith.constant 17 : i32
        %eq3A_390 = vector.broadcast %eq3A_389 : i32 to vector<16xi32>
        %eq3A_391 = arith.cmpi eq, %get3A_141, %eq3A_390 : vector<16xi32>
        %select_n3A_392 = arith.select %eq3A_391, %get3A_386, %mul3A_151 : vector<16xi1>, vector<16xf32>
        %add3A_393 = arith.addf %add3A_379, %select_n3A_392 : vector<16xf32>
        %get3A_394 = arith.constant 18 : i32
        %get3A_395 = arith.constant 3 : i32
        %get3A_396 = arith.index_cast %get3A_394 : i32 to index
        %get3A_397 = arith.index_cast %get3A_395 : i32 to index
        %get3A_398 = arith.index_cast %mul3A_137 : i32 to index
        %get3A_399 = tpu.vector_load %arg6[%get3A_396, %get3A_397, %get3A_398] {strides = array<i32>} : memref<19x8x512xf32, #tpu.memory_space<vmem>>, vector<1x1x16xf32>,
        %get3A_400 = vector.shape_cast %get3A_399 : vector<1x1x16xf32> to vector<16xf32>
        %exp3A_401 = math.exp %get3A_400 : vector<16xf32>
        %add3A_402 = arith.addf %add3A_388, %exp3A_401 : vector<16xf32>
        %eq3A_403 = arith.constant 18 : i32
        %eq3A_404 = vector.broadcast %eq3A_403 : i32 to vector<16xi32>
        %eq3A_405 = arith.cmpi eq, %get3A_141, %eq3A_404 : vector<16xi32>
        %select_n3A_406 = arith.select %eq3A_405, %get3A_400, %mul3A_151 : vector<16xi1>, vector<16xf32>
        %add3A_407 = arith.addf %add3A_393, %select_n3A_406 : vector<16xf32>
        %ne3A_408 = arith.constant 255 : i32
        %ne3A_409 = vector.broadcast %ne3A_408 : i32 to vector<16xi32>
        %ne3A_410 = arith.cmpi ne, %get3A_141, %ne3A_409 : vector<16xi32>
        %neg3A = arith.constant 0.000000e+00 : f32
        %neg3A_411 = vector.broadcast %neg3A : f32 to vector<16xf32>
        %neg3A_412 = arith.subf %neg3A_411, %add3A_407 : vector<16xf32>
        %exp3A_413 = math.exp %neg3A_412 : vector<16xf32>
        %mul3A_414 = arith.mulf %add3A_402, %exp3A_413 : vector<16xf32>
        %add3A_415 = arith.constant 1.000000e+00 : f32
        %add3A_416 = vector.broadcast %add3A_415 : f32 to vector<16xf32>
        %add3A_417 = arith.addf %mul3A_151, %add3A_416 : vector<16xf32>
        %select_n3A_418 = arith.select %ne3A_410, %mul3A_414, %add3A_417 : vector<16xi1>, vector<16xf32>
        %add3A_419 = arith.constant 1536 : i32
        %add3A_420 = arith.addi %add3A_419, %mul3A_137 : i32
        %swap3A_421 = arith.index_cast %add3A_420 : i32 to index
        %swap3A_422 = tpu.vector_load %arg8[%swap3A_421] {strides = array<i32>} : memref<4096xf32, #tpu.memory_space<vmem>>, vector<16xf32>,
        %swap3A_423 = vector.shape_cast %swap3A_422 : vector<16xf32> to vector<16xf32>
        %swap3A_424 = vector.shape_cast %select_n3A_418 : vector<16xf32> to vector<16xf32>
        tpu.vector_store %arg8[%swap3A_421], %swap3A_424 {strides = array<i32>} : memref<4096xf32, #tpu.memory_space<vmem>>, vector<16xf32>,
        %mul3A_425 = arith.constant 0 : i32
        %mul3A_426 = vector.broadcast %mul3A_425 : i32 to vector<16xi32>
        %mul3A_427 = arith.muli %get3A_141, %mul3A_426 : vector<16xi32>
        %add3A_428 = arith.constant 1 : i32
        %add3A_429 = vector.broadcast %add3A_428 : i32 to vector<16xi32>
        %add3A_430 = arith.addi %mul3A_427, %add3A_429 : vector<16xi32>
        %select_n3A_431 = arith.select %ne3A_410, %add3A_430, %mul3A_427 : vector<16xi1>, vector<16xi32>
        %add3A_432 = arith.addi %scan3A_135, %select_n3A_431 : vector<16xi32>
        scf.yield %add3A_432 : vector<16xi32>
      }
      %scan3A_109 = arith.constant 32 : i32
      %scan3A_110 = arith.constant 0 : i32
      %scan3A_111 = arith.constant 32 : i32
      %scan3A_112 = arith.addi %scan3A_110, %scan3A_111 : i32
      %scan3A_113 = arith.constant 1 : i32
      %scan3A_114 = scf.for %scan3A_134 = %scan3A_110 to %scan3A_112 step %scan3A_113 iter_args(%scan3A_135 = %scan3A_108) -> (vector<16xi32>)  : i32 {
        %mul3A_136 = arith.constant 16 : i32
        %mul3A_137 = arith.muli %scan3A_134, %mul3A_136 : i32
        %get3A = arith.constant 4 : i32
        %get3A_138 = arith.index_cast %get3A : i32 to index
        %get3A_139 = arith.index_cast %mul3A_137 : i32 to index
        %get3A_140 = tpu.vector_load %arg7[%get3A_138, %get3A_139] {strides = array<i32>} : memref<8x512xi32, #tpu.memory_space<vmem>>, vector<1x16xi32>,
        %get3A_141 = vector.shape_cast %get3A_140 : vector<1x16xi32> to vector<16xi32>
        %get3A_142 = arith.constant 0 : i32
        %get3A_143 = arith.constant 4 : i32
        %get3A_144 = arith.index_cast %get3A_142 : i32 to index
        %get3A_145 = arith.index_cast %get3A_143 : i32 to index
        %get3A_146 = arith.index_cast %mul3A_137 : i32 to index
        %get3A_147 = tpu.vector_load %arg6[%get3A_144, %get3A_145, %get3A_146] {strides = array<i32>} : memref<19x8x512xf32, #tpu.memory_space<vmem>>, vector<1x1x16xf32>,
        %get3A_148 = vector.shape_cast %get3A_147 : vector<1x1x16xf32> to vector<16xf32>
        %mul3A_149 = arith.constant 0.000000e+00 : f32
        %mul3A_150 = vector.broadcast %mul3A_149 : f32 to vector<16xf32>
        %mul3A_151 = arith.mulf %get3A_148, %mul3A_150 : vector<16xf32>
        %exp3A = math.exp %get3A_148 : vector<16xf32>
        %eq3A_152 = arith.constant 0 : i32
        %eq3A_153 = vector.broadcast %eq3A_152 : i32 to vector<16xi32>
        %eq3A_154 = arith.cmpi eq, %get3A_141, %eq3A_153 : vector<16xi32>
        %select_n3A_155 = arith.select %eq3A_154, %get3A_148, %mul3A_151 : vector<16xi1>, vector<16xf32>
        %get3A_156 = arith.constant 1 : i32
        %get3A_157 = arith.constant 4 : i32
        %get3A_158 = arith.index_cast %get3A_156 : i32 to index
        %get3A_159 = arith.index_cast %get3A_157 : i32 to index
        %get3A_160 = arith.index_cast %mul3A_137 : i32 to index
        %get3A_161 = tpu.vector_load %arg6[%get3A_158, %get3A_159, %get3A_160] {strides = array<i32>} : memref<19x8x512xf32, #tpu.memory_space<vmem>>, vector<1x1x16xf32>,
        %get3A_162 = vector.shape_cast %get3A_161 : vector<1x1x16xf32> to vector<16xf32>
        %exp3A_163 = math.exp %get3A_162 : vector<16xf32>
        %add3A_164 = arith.addf %exp3A, %exp3A_163 : vector<16xf32>
        %eq3A_165 = arith.constant 1 : i32
        %eq3A_166 = vector.broadcast %eq3A_165 : i32 to vector<16xi32>
        %eq3A_167 = arith.cmpi eq, %get3A_141, %eq3A_166 : vector<16xi32>
        %select_n3A_168 = arith.select %eq3A_167, %get3A_162, %mul3A_151 : vector<16xi1>, vector<16xf32>
        %add3A_169 = arith.addf %select_n3A_155, %select_n3A_168 : vector<16xf32>
        %get3A_170 = arith.constant 2 : i32
        %get3A_171 = arith.constant 4 : i32
        %get3A_172 = arith.index_cast %get3A_170 : i32 to index
        %get3A_173 = arith.index_cast %get3A_171 : i32 to index
        %get3A_174 = arith.index_cast %mul3A_137 : i32 to index
        %get3A_175 = tpu.vector_load %arg6[%get3A_172, %get3A_173, %get3A_174] {strides = array<i32>} : memref<19x8x512xf32, #tpu.memory_space<vmem>>, vector<1x1x16xf32>,
        %get3A_176 = vector.shape_cast %get3A_175 : vector<1x1x16xf32> to vector<16xf32>
        %exp3A_177 = math.exp %get3A_176 : vector<16xf32>
        %add3A_178 = arith.addf %add3A_164, %exp3A_177 : vector<16xf32>
        %eq3A_179 = arith.constant 2 : i32
        %eq3A_180 = vector.broadcast %eq3A_179 : i32 to vector<16xi32>
        %eq3A_181 = arith.cmpi eq, %get3A_141, %eq3A_180 : vector<16xi32>
        %select_n3A_182 = arith.select %eq3A_181, %get3A_176, %mul3A_151 : vector<16xi1>, vector<16xf32>
        %add3A_183 = arith.addf %add3A_169, %select_n3A_182 : vector<16xf32>
        %get3A_184 = arith.constant 3 : i32
        %get3A_185 = arith.constant 4 : i32
        %get3A_186 = arith.index_cast %get3A_184 : i32 to index
        %get3A_187 = arith.index_cast %get3A_185 : i32 to index
        %get3A_188 = arith.index_cast %mul3A_137 : i32 to index
        %get3A_189 = tpu.vector_load %arg6[%get3A_186, %get3A_187, %get3A_188] {strides = array<i32>} : memref<19x8x512xf32, #tpu.memory_space<vmem>>, vector<1x1x16xf32>,
        %get3A_190 = vector.shape_cast %get3A_189 : vector<1x1x16xf32> to vector<16xf32>
        %exp3A_191 = math.exp %get3A_190 : vector<16xf32>
        %add3A_192 = arith.addf %add3A_178, %exp3A_191 : vector<16xf32>
        %eq3A_193 = arith.constant 3 : i32
        %eq3A_194 = vector.broadcast %eq3A_193 : i32 to vector<16xi32>
        %eq3A_195 = arith.cmpi eq, %get3A_141, %eq3A_194 : vector<16xi32>
        %select_n3A_196 = arith.select %eq3A_195, %get3A_190, %mul3A_151 : vector<16xi1>, vector<16xf32>
        %add3A_197 = arith.addf %add3A_183, %select_n3A_196 : vector<16xf32>
        %get3A_198 = arith.constant 4 : i32
        %get3A_199 = arith.constant 4 : i32
        %get3A_200 = arith.index_cast %get3A_198 : i32 to index
        %get3A_201 = arith.index_cast %get3A_199 : i32 to index
        %get3A_202 = arith.index_cast %mul3A_137 : i32 to index
        %get3A_203 = tpu.vector_load %arg6[%get3A_200, %get3A_201, %get3A_202] {strides = array<i32>} : memref<19x8x512xf32, #tpu.memory_space<vmem>>, vector<1x1x16xf32>,
        %get3A_204 = vector.shape_cast %get3A_203 : vector<1x1x16xf32> to vector<16xf32>
        %exp3A_205 = math.exp %get3A_204 : vector<16xf32>
        %add3A_206 = arith.addf %add3A_192, %exp3A_205 : vector<16xf32>
        %eq3A_207 = arith.constant 4 : i32
        %eq3A_208 = vector.broadcast %eq3A_207 : i32 to vector<16xi32>
        %eq3A_209 = arith.cmpi eq, %get3A_141, %eq3A_208 : vector<16xi32>
        %select_n3A_210 = arith.select %eq3A_209, %get3A_204, %mul3A_151 : vector<16xi1>, vector<16xf32>
        %add3A_211 = arith.addf %add3A_197, %select_n3A_210 : vector<16xf32>
        %get3A_212 = arith.constant 5 : i32
        %get3A_213 = arith.constant 4 : i32
        %get3A_214 = arith.index_cast %get3A_212 : i32 to index
        %get3A_215 = arith.index_cast %get3A_213 : i32 to index
        %get3A_216 = arith.index_cast %mul3A_137 : i32 to index
        %get3A_217 = tpu.vector_load %arg6[%get3A_214, %get3A_215, %get3A_216] {strides = array<i32>} : memref<19x8x512xf32, #tpu.memory_space<vmem>>, vector<1x1x16xf32>,
        %get3A_218 = vector.shape_cast %get3A_217 : vector<1x1x16xf32> to vector<16xf32>
        %exp3A_219 = math.exp %get3A_218 : vector<16xf32>
        %add3A_220 = arith.addf %add3A_206, %exp3A_219 : vector<16xf32>
        %eq3A_221 = arith.constant 5 : i32
        %eq3A_222 = vector.broadcast %eq3A_221 : i32 to vector<16xi32>
        %eq3A_223 = arith.cmpi eq, %get3A_141, %eq3A_222 : vector<16xi32>
        %select_n3A_224 = arith.select %eq3A_223, %get3A_218, %mul3A_151 : vector<16xi1>, vector<16xf32>
        %add3A_225 = arith.addf %add3A_211, %select_n3A_224 : vector<16xf32>
        %get3A_226 = arith.constant 6 : i32
        %get3A_227 = arith.constant 4 : i32
        %get3A_228 = arith.index_cast %get3A_226 : i32 to index
        %get3A_229 = arith.index_cast %get3A_227 : i32 to index
        %get3A_230 = arith.index_cast %mul3A_137 : i32 to index
        %get3A_231 = tpu.vector_load %arg6[%get3A_228, %get3A_229, %get3A_230] {strides = array<i32>} : memref<19x8x512xf32, #tpu.memory_space<vmem>>, vector<1x1x16xf32>,
        %get3A_232 = vector.shape_cast %get3A_231 : vector<1x1x16xf32> to vector<16xf32>
        %exp3A_233 = math.exp %get3A_232 : vector<16xf32>
        %add3A_234 = arith.addf %add3A_220, %exp3A_233 : vector<16xf32>
        %eq3A_235 = arith.constant 6 : i32
        %eq3A_236 = vector.broadcast %eq3A_235 : i32 to vector<16xi32>
        %eq3A_237 = arith.cmpi eq, %get3A_141, %eq3A_236 : vector<16xi32>
        %select_n3A_238 = arith.select %eq3A_237, %get3A_232, %mul3A_151 : vector<16xi1>, vector<16xf32>
        %add3A_239 = arith.addf %add3A_225, %select_n3A_238 : vector<16xf32>
        %get3A_240 = arith.constant 7 : i32
        %get3A_241 = arith.constant 4 : i32
        %get3A_242 = arith.index_cast %get3A_240 : i32 to index
        %get3A_243 = arith.index_cast %get3A_241 : i32 to index
        %get3A_244 = arith.index_cast %mul3A_137 : i32 to index
        %get3A_245 = tpu.vector_load %arg6[%get3A_242, %get3A_243, %get3A_244] {strides = array<i32>} : memref<19x8x512xf32, #tpu.memory_space<vmem>>, vector<1x1x16xf32>,
        %get3A_246 = vector.shape_cast %get3A_245 : vector<1x1x16xf32> to vector<16xf32>
        %exp3A_247 = math.exp %get3A_246 : vector<16xf32>
        %add3A_248 = arith.addf %add3A_234, %exp3A_247 : vector<16xf32>
        %eq3A_249 = arith.constant 7 : i32
        %eq3A_250 = vector.broadcast %eq3A_249 : i32 to vector<16xi32>
        %eq3A_251 = arith.cmpi eq, %get3A_141, %eq3A_250 : vector<16xi32>
        %select_n3A_252 = arith.select %eq3A_251, %get3A_246, %mul3A_151 : vector<16xi1>, vector<16xf32>
        %add3A_253 = arith.addf %add3A_239, %select_n3A_252 : vector<16xf32>
        %get3A_254 = arith.constant 8 : i32
        %get3A_255 = arith.constant 4 : i32
        %get3A_256 = arith.index_cast %get3A_254 : i32 to index
        %get3A_257 = arith.index_cast %get3A_255 : i32 to index
        %get3A_258 = arith.index_cast %mul3A_137 : i32 to index
        %get3A_259 = tpu.vector_load %arg6[%get3A_256, %get3A_257, %get3A_258] {strides = array<i32>} : memref<19x8x512xf32, #tpu.memory_space<vmem>>, vector<1x1x16xf32>,
        %get3A_260 = vector.shape_cast %get3A_259 : vector<1x1x16xf32> to vector<16xf32>
        %exp3A_261 = math.exp %get3A_260 : vector<16xf32>
        %add3A_262 = arith.addf %add3A_248, %exp3A_261 : vector<16xf32>
        %eq3A_263 = arith.constant 8 : i32
        %eq3A_264 = vector.broadcast %eq3A_263 : i32 to vector<16xi32>
        %eq3A_265 = arith.cmpi eq, %get3A_141, %eq3A_264 : vector<16xi32>
        %select_n3A_266 = arith.select %eq3A_265, %get3A_260, %mul3A_151 : vector<16xi1>, vector<16xf32>
        %add3A_267 = arith.addf %add3A_253, %select_n3A_266 : vector<16xf32>
        %get3A_268 = arith.constant 9 : i32
        %get3A_269 = arith.constant 4 : i32
        %get3A_270 = arith.index_cast %get3A_268 : i32 to index
        %get3A_271 = arith.index_cast %get3A_269 : i32 to index
        %get3A_272 = arith.index_cast %mul3A_137 : i32 to index
        %get3A_273 = tpu.vector_load %arg6[%get3A_270, %get3A_271, %get3A_272] {strides = array<i32>} : memref<19x8x512xf32, #tpu.memory_space<vmem>>, vector<1x1x16xf32>,
        %get3A_274 = vector.shape_cast %get3A_273 : vector<1x1x16xf32> to vector<16xf32>
        %exp3A_275 = math.exp %get3A_274 : vector<16xf32>
        %add3A_276 = arith.addf %add3A_262, %exp3A_275 : vector<16xf32>
        %eq3A_277 = arith.constant 9 : i32
        %eq3A_278 = vector.broadcast %eq3A_277 : i32 to vector<16xi32>
        %eq3A_279 = arith.cmpi eq, %get3A_141, %eq3A_278 : vector<16xi32>
        %select_n3A_280 = arith.select %eq3A_279, %get3A_274, %mul3A_151 : vector<16xi1>, vector<16xf32>
        %add3A_281 = arith.addf %add3A_267, %select_n3A_280 : vector<16xf32>
        %get3A_282 = arith.constant 10 : i32
        %get3A_283 = arith.constant 4 : i32
        %get3A_284 = arith.index_cast %get3A_282 : i32 to index
        %get3A_285 = arith.index_cast %get3A_283 : i32 to index
        %get3A_286 = arith.index_cast %mul3A_137 : i32 to index
        %get3A_287 = tpu.vector_load %arg6[%get3A_284, %get3A_285, %get3A_286] {strides = array<i32>} : memref<19x8x512xf32, #tpu.memory_space<vmem>>, vector<1x1x16xf32>,
        %get3A_288 = vector.shape_cast %get3A_287 : vector<1x1x16xf32> to vector<16xf32>
        %exp3A_289 = math.exp %get3A_288 : vector<16xf32>
        %add3A_290 = arith.addf %add3A_276, %exp3A_289 : vector<16xf32>
        %eq3A_291 = arith.constant 10 : i32
        %eq3A_292 = vector.broadcast %eq3A_291 : i32 to vector<16xi32>
        %eq3A_293 = arith.cmpi eq, %get3A_141, %eq3A_292 : vector<16xi32>
        %select_n3A_294 = arith.select %eq3A_293, %get3A_288, %mul3A_151 : vector<16xi1>, vector<16xf32>
        %add3A_295 = arith.addf %add3A_281, %select_n3A_294 : vector<16xf32>
        %get3A_296 = arith.constant 11 : i32
        %get3A_297 = arith.constant 4 : i32
        %get3A_298 = arith.index_cast %get3A_296 : i32 to index
        %get3A_299 = arith.index_cast %get3A_297 : i32 to index
        %get3A_300 = arith.index_cast %mul3A_137 : i32 to index
        %get3A_301 = tpu.vector_load %arg6[%get3A_298, %get3A_299, %get3A_300] {strides = array<i32>} : memref<19x8x512xf32, #tpu.memory_space<vmem>>, vector<1x1x16xf32>,
        %get3A_302 = vector.shape_cast %get3A_301 : vector<1x1x16xf32> to vector<16xf32>
        %exp3A_303 = math.exp %get3A_302 : vector<16xf32>
        %add3A_304 = arith.addf %add3A_290, %exp3A_303 : vector<16xf32>
        %eq3A_305 = arith.constant 11 : i32
        %eq3A_306 = vector.broadcast %eq3A_305 : i32 to vector<16xi32>
        %eq3A_307 = arith.cmpi eq, %get3A_141, %eq3A_306 : vector<16xi32>
        %select_n3A_308 = arith.select %eq3A_307, %get3A_302, %mul3A_151 : vector<16xi1>, vector<16xf32>
        %add3A_309 = arith.addf %add3A_295, %select_n3A_308 : vector<16xf32>
        %get3A_310 = arith.constant 12 : i32
        %get3A_311 = arith.constant 4 : i32
        %get3A_312 = arith.index_cast %get3A_310 : i32 to index
        %get3A_313 = arith.index_cast %get3A_311 : i32 to index
        %get3A_314 = arith.index_cast %mul3A_137 : i32 to index
        %get3A_315 = tpu.vector_load %arg6[%get3A_312, %get3A_313, %get3A_314] {strides = array<i32>} : memref<19x8x512xf32, #tpu.memory_space<vmem>>, vector<1x1x16xf32>,
        %get3A_316 = vector.shape_cast %get3A_315 : vector<1x1x16xf32> to vector<16xf32>
        %exp3A_317 = math.exp %get3A_316 : vector<16xf32>
        %add3A_318 = arith.addf %add3A_304, %exp3A_317 : vector<16xf32>
        %eq3A_319 = arith.constant 12 : i32
        %eq3A_320 = vector.broadcast %eq3A_319 : i32 to vector<16xi32>
        %eq3A_321 = arith.cmpi eq, %get3A_141, %eq3A_320 : vector<16xi32>
        %select_n3A_322 = arith.select %eq3A_321, %get3A_316, %mul3A_151 : vector<16xi1>, vector<16xf32>
        %add3A_323 = arith.addf %add3A_309, %select_n3A_322 : vector<16xf32>
        %get3A_324 = arith.constant 13 : i32
        %get3A_325 = arith.constant 4 : i32
        %get3A_326 = arith.index_cast %get3A_324 : i32 to index
        %get3A_327 = arith.index_cast %get3A_325 : i32 to index
        %get3A_328 = arith.index_cast %mul3A_137 : i32 to index
        %get3A_329 = tpu.vector_load %arg6[%get3A_326, %get3A_327, %get3A_328] {strides = array<i32>} : memref<19x8x512xf32, #tpu.memory_space<vmem>>, vector<1x1x16xf32>,
        %get3A_330 = vector.shape_cast %get3A_329 : vector<1x1x16xf32> to vector<16xf32>
        %exp3A_331 = math.exp %get3A_330 : vector<16xf32>
        %add3A_332 = arith.addf %add3A_318, %exp3A_331 : vector<16xf32>
        %eq3A_333 = arith.constant 13 : i32
        %eq3A_334 = vector.broadcast %eq3A_333 : i32 to vector<16xi32>
        %eq3A_335 = arith.cmpi eq, %get3A_141, %eq3A_334 : vector<16xi32>
        %select_n3A_336 = arith.select %eq3A_335, %get3A_330, %mul3A_151 : vector<16xi1>, vector<16xf32>
        %add3A_337 = arith.addf %add3A_323, %select_n3A_336 : vector<16xf32>
        %get3A_338 = arith.constant 14 : i32
        %get3A_339 = arith.constant 4 : i32
        %get3A_340 = arith.index_cast %get3A_338 : i32 to index
        %get3A_341 = arith.index_cast %get3A_339 : i32 to index
        %get3A_342 = arith.index_cast %mul3A_137 : i32 to index
        %get3A_343 = tpu.vector_load %arg6[%get3A_340, %get3A_341, %get3A_342] {strides = array<i32>} : memref<19x8x512xf32, #tpu.memory_space<vmem>>, vector<1x1x16xf32>,
        %get3A_344 = vector.shape_cast %get3A_343 : vector<1x1x16xf32> to vector<16xf32>
        %exp3A_345 = math.exp %get3A_344 : vector<16xf32>
        %add3A_346 = arith.addf %add3A_332, %exp3A_345 : vector<16xf32>
        %eq3A_347 = arith.constant 14 : i32
        %eq3A_348 = vector.broadcast %eq3A_347 : i32 to vector<16xi32>
        %eq3A_349 = arith.cmpi eq, %get3A_141, %eq3A_348 : vector<16xi32>
        %select_n3A_350 = arith.select %eq3A_349, %get3A_344, %mul3A_151 : vector<16xi1>, vector<16xf32>
        %add3A_351 = arith.addf %add3A_337, %select_n3A_350 : vector<16xf32>
        %get3A_352 = arith.constant 15 : i32
        %get3A_353 = arith.constant 4 : i32
        %get3A_354 = arith.index_cast %get3A_352 : i32 to index
        %get3A_355 = arith.index_cast %get3A_353 : i32 to index
        %get3A_356 = arith.index_cast %mul3A_137 : i32 to index
        %get3A_357 = tpu.vector_load %arg6[%get3A_354, %get3A_355, %get3A_356] {strides = array<i32>} : memref<19x8x512xf32, #tpu.memory_space<vmem>>, vector<1x1x16xf32>,
        %get3A_358 = vector.shape_cast %get3A_357 : vector<1x1x16xf32> to vector<16xf32>
        %exp3A_359 = math.exp %get3A_358 : vector<16xf32>
        %add3A_360 = arith.addf %add3A_346, %exp3A_359 : vector<16xf32>
        %eq3A_361 = arith.constant 15 : i32
        %eq3A_362 = vector.broadcast %eq3A_361 : i32 to vector<16xi32>
        %eq3A_363 = arith.cmpi eq, %get3A_141, %eq3A_362 : vector<16xi32>
        %select_n3A_364 = arith.select %eq3A_363, %get3A_358, %mul3A_151 : vector<16xi1>, vector<16xf32>
        %add3A_365 = arith.addf %add3A_351, %select_n3A_364 : vector<16xf32>
        %get3A_366 = arith.constant 16 : i32
        %get3A_367 = arith.constant 4 : i32
        %get3A_368 = arith.index_cast %get3A_366 : i32 to index
        %get3A_369 = arith.index_cast %get3A_367 : i32 to index
        %get3A_370 = arith.index_cast %mul3A_137 : i32 to index
        %get3A_371 = tpu.vector_load %arg6[%get3A_368, %get3A_369, %get3A_370] {strides = array<i32>} : memref<19x8x512xf32, #tpu.memory_space<vmem>>, vector<1x1x16xf32>,
        %get3A_372 = vector.shape_cast %get3A_371 : vector<1x1x16xf32> to vector<16xf32>
        %exp3A_373 = math.exp %get3A_372 : vector<16xf32>
        %add3A_374 = arith.addf %add3A_360, %exp3A_373 : vector<16xf32>
        %eq3A_375 = arith.constant 16 : i32
        %eq3A_376 = vector.broadcast %eq3A_375 : i32 to vector<16xi32>
        %eq3A_377 = arith.cmpi eq, %get3A_141, %eq3A_376 : vector<16xi32>
        %select_n3A_378 = arith.select %eq3A_377, %get3A_372, %mul3A_151 : vector<16xi1>, vector<16xf32>
        %add3A_379 = arith.addf %add3A_365, %select_n3A_378 : vector<16xf32>
        %get3A_380 = arith.constant 17 : i32
        %get3A_381 = arith.constant 4 : i32
        %get3A_382 = arith.index_cast %get3A_380 : i32 to index
        %get3A_383 = arith.index_cast %get3A_381 : i32 to index
        %get3A_384 = arith.index_cast %mul3A_137 : i32 to index
        %get3A_385 = tpu.vector_load %arg6[%get3A_382, %get3A_383, %get3A_384] {strides = array<i32>} : memref<19x8x512xf32, #tpu.memory_space<vmem>>, vector<1x1x16xf32>,
        %get3A_386 = vector.shape_cast %get3A_385 : vector<1x1x16xf32> to vector<16xf32>
        %exp3A_387 = math.exp %get3A_386 : vector<16xf32>
        %add3A_388 = arith.addf %add3A_374, %exp3A_387 : vector<16xf32>
        %eq3A_389 = arith.constant 17 : i32
        %eq3A_390 = vector.broadcast %eq3A_389 : i32 to vector<16xi32>
        %eq3A_391 = arith.cmpi eq, %get3A_141, %eq3A_390 : vector<16xi32>
        %select_n3A_392 = arith.select %eq3A_391, %get3A_386, %mul3A_151 : vector<16xi1>, vector<16xf32>
        %add3A_393 = arith.addf %add3A_379, %select_n3A_392 : vector<16xf32>
        %get3A_394 = arith.constant 18 : i32
        %get3A_395 = arith.constant 4 : i32
        %get3A_396 = arith.index_cast %get3A_394 : i32 to index
        %get3A_397 = arith.index_cast %get3A_395 : i32 to index
        %get3A_398 = arith.index_cast %mul3A_137 : i32 to index
        %get3A_399 = tpu.vector_load %arg6[%get3A_396, %get3A_397, %get3A_398] {strides = array<i32>} : memref<19x8x512xf32, #tpu.memory_space<vmem>>, vector<1x1x16xf32>,
        %get3A_400 = vector.shape_cast %get3A_399 : vector<1x1x16xf32> to vector<16xf32>
        %exp3A_401 = math.exp %get3A_400 : vector<16xf32>
        %add3A_402 = arith.addf %add3A_388, %exp3A_401 : vector<16xf32>
        %eq3A_403 = arith.constant 18 : i32
        %eq3A_404 = vector.broadcast %eq3A_403 : i32 to vector<16xi32>
        %eq3A_405 = arith.cmpi eq, %get3A_141, %eq3A_404 : vector<16xi32>
        %select_n3A_406 = arith.select %eq3A_405, %get3A_400, %mul3A_151 : vector<16xi1>, vector<16xf32>
        %add3A_407 = arith.addf %add3A_393, %select_n3A_406 : vector<16xf32>
        %ne3A_408 = arith.constant 255 : i32
        %ne3A_409 = vector.broadcast %ne3A_408 : i32 to vector<16xi32>
        %ne3A_410 = arith.cmpi ne, %get3A_141, %ne3A_409 : vector<16xi32>
        %neg3A = arith.constant 0.000000e+00 : f32
        %neg3A_411 = vector.broadcast %neg3A : f32 to vector<16xf32>
        %neg3A_412 = arith.subf %neg3A_411, %add3A_407 : vector<16xf32>
        %exp3A_413 = math.exp %neg3A_412 : vector<16xf32>
        %mul3A_414 = arith.mulf %add3A_402, %exp3A_413 : vector<16xf32>
        %add3A_415 = arith.constant 1.000000e+00 : f32
        %add3A_416 = vector.broadcast %add3A_415 : f32 to vector<16xf32>
        %add3A_417 = arith.addf %mul3A_151, %add3A_416 : vector<16xf32>
        %select_n3A_418 = arith.select %ne3A_410, %mul3A_414, %add3A_417 : vector<16xi1>, vector<16xf32>
        %add3A_419 = arith.constant 2048 : i32
        %add3A_420 = arith.addi %add3A_419, %mul3A_137 : i32
        %swap3A_421 = arith.index_cast %add3A_420 : i32 to index
        %swap3A_422 = tpu.vector_load %arg8[%swap3A_421] {strides = array<i32>} : memref<4096xf32, #tpu.memory_space<vmem>>, vector<16xf32>,
        %swap3A_423 = vector.shape_cast %swap3A_422 : vector<16xf32> to vector<16xf32>
        %swap3A_424 = vector.shape_cast %select_n3A_418 : vector<16xf32> to vector<16xf32>
        tpu.vector_store %arg8[%swap3A_421], %swap3A_424 {strides = array<i32>} : memref<4096xf32, #tpu.memory_space<vmem>>, vector<16xf32>,
        %mul3A_425 = arith.constant 0 : i32
        %mul3A_426 = vector.broadcast %mul3A_425 : i32 to vector<16xi32>
        %mul3A_427 = arith.muli %get3A_141, %mul3A_426 : vector<16xi32>
        %add3A_428 = arith.constant 1 : i32
        %add3A_429 = vector.broadcast %add3A_428 : i32 to vector<16xi32>
        %add3A_430 = arith.addi %mul3A_427, %add3A_429 : vector<16xi32>
        %select_n3A_431 = arith.select %ne3A_410, %add3A_430, %mul3A_427 : vector<16xi1>, vector<16xi32>
        %add3A_432 = arith.addi %scan3A_135, %select_n3A_431 : vector<16xi32>
        scf.yield %add3A_432 : vector<16xi32>
      }
      %scan3A_115 = arith.constant 32 : i32
      %scan3A_116 = arith.constant 0 : i32
      %scan3A_117 = arith.constant 32 : i32
      %scan3A_118 = arith.addi %scan3A_116, %scan3A_117 : i32
      %scan3A_119 = arith.constant 1 : i32
      %scan3A_120 = scf.for %scan3A_134 = %scan3A_116 to %scan3A_118 step %scan3A_119 iter_args(%scan3A_135 = %scan3A_114) -> (vector<16xi32>)  : i32 {
        %mul3A_136 = arith.constant 16 : i32
        %mul3A_137 = arith.muli %scan3A_134, %mul3A_136 : i32
        %get3A = arith.constant 5 : i32
        %get3A_138 = arith.index_cast %get3A : i32 to index
        %get3A_139 = arith.index_cast %mul3A_137 : i32 to index
        %get3A_140 = tpu.vector_load %arg7[%get3A_138, %get3A_139] {strides = array<i32>} : memref<8x512xi32, #tpu.memory_space<vmem>>, vector<1x16xi32>,
        %get3A_141 = vector.shape_cast %get3A_140 : vector<1x16xi32> to vector<16xi32>
        %get3A_142 = arith.constant 0 : i32
        %get3A_143 = arith.constant 5 : i32
        %get3A_144 = arith.index_cast %get3A_142 : i32 to index
        %get3A_145 = arith.index_cast %get3A_143 : i32 to index
        %get3A_146 = arith.index_cast %mul3A_137 : i32 to index
        %get3A_147 = tpu.vector_load %arg6[%get3A_144, %get3A_145, %get3A_146] {strides = array<i32>} : memref<19x8x512xf32, #tpu.memory_space<vmem>>, vector<1x1x16xf32>,
        %get3A_148 = vector.shape_cast %get3A_147 : vector<1x1x16xf32> to vector<16xf32>
        %mul3A_149 = arith.constant 0.000000e+00 : f32
        %mul3A_150 = vector.broadcast %mul3A_149 : f32 to vector<16xf32>
        %mul3A_151 = arith.mulf %get3A_148, %mul3A_150 : vector<16xf32>
        %exp3A = math.exp %get3A_148 : vector<16xf32>
        %eq3A_152 = arith.constant 0 : i32
        %eq3A_153 = vector.broadcast %eq3A_152 : i32 to vector<16xi32>
        %eq3A_154 = arith.cmpi eq, %get3A_141, %eq3A_153 : vector<16xi32>
        %select_n3A_155 = arith.select %eq3A_154, %get3A_148, %mul3A_151 : vector<16xi1>, vector<16xf32>
        %get3A_156 = arith.constant 1 : i32
        %get3A_157 = arith.constant 5 : i32
        %get3A_158 = arith.index_cast %get3A_156 : i32 to index
        %get3A_159 = arith.index_cast %get3A_157 : i32 to index
        %get3A_160 = arith.index_cast %mul3A_137 : i32 to index
        %get3A_161 = tpu.vector_load %arg6[%get3A_158, %get3A_159, %get3A_160] {strides = array<i32>} : memref<19x8x512xf32, #tpu.memory_space<vmem>>, vector<1x1x16xf32>,
        %get3A_162 = vector.shape_cast %get3A_161 : vector<1x1x16xf32> to vector<16xf32>
        %exp3A_163 = math.exp %get3A_162 : vector<16xf32>
        %add3A_164 = arith.addf %exp3A, %exp3A_163 : vector<16xf32>
        %eq3A_165 = arith.constant 1 : i32
        %eq3A_166 = vector.broadcast %eq3A_165 : i32 to vector<16xi32>
        %eq3A_167 = arith.cmpi eq, %get3A_141, %eq3A_166 : vector<16xi32>
        %select_n3A_168 = arith.select %eq3A_167, %get3A_162, %mul3A_151 : vector<16xi1>, vector<16xf32>
        %add3A_169 = arith.addf %select_n3A_155, %select_n3A_168 : vector<16xf32>
        %get3A_170 = arith.constant 2 : i32
        %get3A_171 = arith.constant 5 : i32
        %get3A_172 = arith.index_cast %get3A_170 : i32 to index
        %get3A_173 = arith.index_cast %get3A_171 : i32 to index
        %get3A_174 = arith.index_cast %mul3A_137 : i32 to index
        %get3A_175 = tpu.vector_load %arg6[%get3A_172, %get3A_173, %get3A_174] {strides = array<i32>} : memref<19x8x512xf32, #tpu.memory_space<vmem>>, vector<1x1x16xf32>,
        %get3A_176 = vector.shape_cast %get3A_175 : vector<1x1x16xf32> to vector<16xf32>
        %exp3A_177 = math.exp %get3A_176 : vector<16xf32>
        %add3A_178 = arith.addf %add3A_164, %exp3A_177 : vector<16xf32>
        %eq3A_179 = arith.constant 2 : i32
        %eq3A_180 = vector.broadcast %eq3A_179 : i32 to vector<16xi32>
        %eq3A_181 = arith.cmpi eq, %get3A_141, %eq3A_180 : vector<16xi32>
        %select_n3A_182 = arith.select %eq3A_181, %get3A_176, %mul3A_151 : vector<16xi1>, vector<16xf32>
        %add3A_183 = arith.addf %add3A_169, %select_n3A_182 : vector<16xf32>
        %get3A_184 = arith.constant 3 : i32
        %get3A_185 = arith.constant 5 : i32
        %get3A_186 = arith.index_cast %get3A_184 : i32 to index
        %get3A_187 = arith.index_cast %get3A_185 : i32 to index
        %get3A_188 = arith.index_cast %mul3A_137 : i32 to index
        %get3A_189 = tpu.vector_load %arg6[%get3A_186, %get3A_187, %get3A_188] {strides = array<i32>} : memref<19x8x512xf32, #tpu.memory_space<vmem>>, vector<1x1x16xf32>,
        %get3A_190 = vector.shape_cast %get3A_189 : vector<1x1x16xf32> to vector<16xf32>
        %exp3A_191 = math.exp %get3A_190 : vector<16xf32>
        %add3A_192 = arith.addf %add3A_178, %exp3A_191 : vector<16xf32>
        %eq3A_193 = arith.constant 3 : i32
        %eq3A_194 = vector.broadcast %eq3A_193 : i32 to vector<16xi32>
        %eq3A_195 = arith.cmpi eq, %get3A_141, %eq3A_194 : vector<16xi32>
        %select_n3A_196 = arith.select %eq3A_195, %get3A_190, %mul3A_151 : vector<16xi1>, vector<16xf32>
        %add3A_197 = arith.addf %add3A_183, %select_n3A_196 : vector<16xf32>
        %get3A_198 = arith.constant 4 : i32
        %get3A_199 = arith.constant 5 : i32
        %get3A_200 = arith.index_cast %get3A_198 : i32 to index
        %get3A_201 = arith.index_cast %get3A_199 : i32 to index
        %get3A_202 = arith.index_cast %mul3A_137 : i32 to index
        %get3A_203 = tpu.vector_load %arg6[%get3A_200, %get3A_201, %get3A_202] {strides = array<i32>} : memref<19x8x512xf32, #tpu.memory_space<vmem>>, vector<1x1x16xf32>,
        %get3A_204 = vector.shape_cast %get3A_203 : vector<1x1x16xf32> to vector<16xf32>
        %exp3A_205 = math.exp %get3A_204 : vector<16xf32>
        %add3A_206 = arith.addf %add3A_192, %exp3A_205 : vector<16xf32>
        %eq3A_207 = arith.constant 4 : i32
        %eq3A_208 = vector.broadcast %eq3A_207 : i32 to vector<16xi32>
        %eq3A_209 = arith.cmpi eq, %get3A_141, %eq3A_208 : vector<16xi32>
        %select_n3A_210 = arith.select %eq3A_209, %get3A_204, %mul3A_151 : vector<16xi1>, vector<16xf32>
        %add3A_211 = arith.addf %add3A_197, %select_n3A_210 : vector<16xf32>
        %get3A_212 = arith.constant 5 : i32
        %get3A_213 = arith.constant 5 : i32
        %get3A_214 = arith.index_cast %get3A_212 : i32 to index
        %get3A_215 = arith.index_cast %get3A_213 : i32 to index
        %get3A_216 = arith.index_cast %mul3A_137 : i32 to index
        %get3A_217 = tpu.vector_load %arg6[%get3A_214, %get3A_215, %get3A_216] {strides = array<i32>} : memref<19x8x512xf32, #tpu.memory_space<vmem>>, vector<1x1x16xf32>,
        %get3A_218 = vector.shape_cast %get3A_217 : vector<1x1x16xf32> to vector<16xf32>
        %exp3A_219 = math.exp %get3A_218 : vector<16xf32>
        %add3A_220 = arith.addf %add3A_206, %exp3A_219 : vector<16xf32>
        %eq3A_221 = arith.constant 5 : i32
        %eq3A_222 = vector.broadcast %eq3A_221 : i32 to vector<16xi32>
        %eq3A_223 = arith.cmpi eq, %get3A_141, %eq3A_222 : vector<16xi32>
        %select_n3A_224 = arith.select %eq3A_223, %get3A_218, %mul3A_151 : vector<16xi1>, vector<16xf32>
        %add3A_225 = arith.addf %add3A_211, %select_n3A_224 : vector<16xf32>
        %get3A_226 = arith.constant 6 : i32
        %get3A_227 = arith.constant 5 : i32
        %get3A_228 = arith.index_cast %get3A_226 : i32 to index
        %get3A_229 = arith.index_cast %get3A_227 : i32 to index
        %get3A_230 = arith.index_cast %mul3A_137 : i32 to index
        %get3A_231 = tpu.vector_load %arg6[%get3A_228, %get3A_229, %get3A_230] {strides = array<i32>} : memref<19x8x512xf32, #tpu.memory_space<vmem>>, vector<1x1x16xf32>,
        %get3A_232 = vector.shape_cast %get3A_231 : vector<1x1x16xf32> to vector<16xf32>
        %exp3A_233 = math.exp %get3A_232 : vector<16xf32>
        %add3A_234 = arith.addf %add3A_220, %exp3A_233 : vector<16xf32>
        %eq3A_235 = arith.constant 6 : i32
        %eq3A_236 = vector.broadcast %eq3A_235 : i32 to vector<16xi32>
        %eq3A_237 = arith.cmpi eq, %get3A_141, %eq3A_236 : vector<16xi32>
        %select_n3A_238 = arith.select %eq3A_237, %get3A_232, %mul3A_151 : vector<16xi1>, vector<16xf32>
        %add3A_239 = arith.addf %add3A_225, %select_n3A_238 : vector<16xf32>
        %get3A_240 = arith.constant 7 : i32
        %get3A_241 = arith.constant 5 : i32
        %get3A_242 = arith.index_cast %get3A_240 : i32 to index
        %get3A_243 = arith.index_cast %get3A_241 : i32 to index
        %get3A_244 = arith.index_cast %mul3A_137 : i32 to index
        %get3A_245 = tpu.vector_load %arg6[%get3A_242, %get3A_243, %get3A_244] {strides = array<i32>} : memref<19x8x512xf32, #tpu.memory_space<vmem>>, vector<1x1x16xf32>,
        %get3A_246 = vector.shape_cast %get3A_245 : vector<1x1x16xf32> to vector<16xf32>
        %exp3A_247 = math.exp %get3A_246 : vector<16xf32>
        %add3A_248 = arith.addf %add3A_234, %exp3A_247 : vector<16xf32>
        %eq3A_249 = arith.constant 7 : i32
        %eq3A_250 = vector.broadcast %eq3A_249 : i32 to vector<16xi32>
        %eq3A_251 = arith.cmpi eq, %get3A_141, %eq3A_250 : vector<16xi32>
        %select_n3A_252 = arith.select %eq3A_251, %get3A_246, %mul3A_151 : vector<16xi1>, vector<16xf32>
        %add3A_253 = arith.addf %add3A_239, %select_n3A_252 : vector<16xf32>
        %get3A_254 = arith.constant 8 : i32
        %get3A_255 = arith.constant 5 : i32
        %get3A_256 = arith.index_cast %get3A_254 : i32 to index
        %get3A_257 = arith.index_cast %get3A_255 : i32 to index
        %get3A_258 = arith.index_cast %mul3A_137 : i32 to index
        %get3A_259 = tpu.vector_load %arg6[%get3A_256, %get3A_257, %get3A_258] {strides = array<i32>} : memref<19x8x512xf32, #tpu.memory_space<vmem>>, vector<1x1x16xf32>,
        %get3A_260 = vector.shape_cast %get3A_259 : vector<1x1x16xf32> to vector<16xf32>
        %exp3A_261 = math.exp %get3A_260 : vector<16xf32>
        %add3A_262 = arith.addf %add3A_248, %exp3A_261 : vector<16xf32>
        %eq3A_263 = arith.constant 8 : i32
        %eq3A_264 = vector.broadcast %eq3A_263 : i32 to vector<16xi32>
        %eq3A_265 = arith.cmpi eq, %get3A_141, %eq3A_264 : vector<16xi32>
        %select_n3A_266 = arith.select %eq3A_265, %get3A_260, %mul3A_151 : vector<16xi1>, vector<16xf32>
        %add3A_267 = arith.addf %add3A_253, %select_n3A_266 : vector<16xf32>
        %get3A_268 = arith.constant 9 : i32
        %get3A_269 = arith.constant 5 : i32
        %get3A_270 = arith.index_cast %get3A_268 : i32 to index
        %get3A_271 = arith.index_cast %get3A_269 : i32 to index
        %get3A_272 = arith.index_cast %mul3A_137 : i32 to index
        %get3A_273 = tpu.vector_load %arg6[%get3A_270, %get3A_271, %get3A_272] {strides = array<i32>} : memref<19x8x512xf32, #tpu.memory_space<vmem>>, vector<1x1x16xf32>,
        %get3A_274 = vector.shape_cast %get3A_273 : vector<1x1x16xf32> to vector<16xf32>
        %exp3A_275 = math.exp %get3A_274 : vector<16xf32>
        %add3A_276 = arith.addf %add3A_262, %exp3A_275 : vector<16xf32>
        %eq3A_277 = arith.constant 9 : i32
        %eq3A_278 = vector.broadcast %eq3A_277 : i32 to vector<16xi32>
        %eq3A_279 = arith.cmpi eq, %get3A_141, %eq3A_278 : vector<16xi32>
        %select_n3A_280 = arith.select %eq3A_279, %get3A_274, %mul3A_151 : vector<16xi1>, vector<16xf32>
        %add3A_281 = arith.addf %add3A_267, %select_n3A_280 : vector<16xf32>
        %get3A_282 = arith.constant 10 : i32
        %get3A_283 = arith.constant 5 : i32
        %get3A_284 = arith.index_cast %get3A_282 : i32 to index
        %get3A_285 = arith.index_cast %get3A_283 : i32 to index
        %get3A_286 = arith.index_cast %mul3A_137 : i32 to index
        %get3A_287 = tpu.vector_load %arg6[%get3A_284, %get3A_285, %get3A_286] {strides = array<i32>} : memref<19x8x512xf32, #tpu.memory_space<vmem>>, vector<1x1x16xf32>,
        %get3A_288 = vector.shape_cast %get3A_287 : vector<1x1x16xf32> to vector<16xf32>
        %exp3A_289 = math.exp %get3A_288 : vector<16xf32>
        %add3A_290 = arith.addf %add3A_276, %exp3A_289 : vector<16xf32>
        %eq3A_291 = arith.constant 10 : i32
        %eq3A_292 = vector.broadcast %eq3A_291 : i32 to vector<16xi32>
        %eq3A_293 = arith.cmpi eq, %get3A_141, %eq3A_292 : vector<16xi32>
        %select_n3A_294 = arith.select %eq3A_293, %get3A_288, %mul3A_151 : vector<16xi1>, vector<16xf32>
        %add3A_295 = arith.addf %add3A_281, %select_n3A_294 : vector<16xf32>
        %get3A_296 = arith.constant 11 : i32
        %get3A_297 = arith.constant 5 : i32
        %get3A_298 = arith.index_cast %get3A_296 : i32 to index
        %get3A_299 = arith.index_cast %get3A_297 : i32 to index
        %get3A_300 = arith.index_cast %mul3A_137 : i32 to index
        %get3A_301 = tpu.vector_load %arg6[%get3A_298, %get3A_299, %get3A_300] {strides = array<i32>} : memref<19x8x512xf32, #tpu.memory_space<vmem>>, vector<1x1x16xf32>,
        %get3A_302 = vector.shape_cast %get3A_301 : vector<1x1x16xf32> to vector<16xf32>
        %exp3A_303 = math.exp %get3A_302 : vector<16xf32>
        %add3A_304 = arith.addf %add3A_290, %exp3A_303 : vector<16xf32>
        %eq3A_305 = arith.constant 11 : i32
        %eq3A_306 = vector.broadcast %eq3A_305 : i32 to vector<16xi32>
        %eq3A_307 = arith.cmpi eq, %get3A_141, %eq3A_306 : vector<16xi32>
        %select_n3A_308 = arith.select %eq3A_307, %get3A_302, %mul3A_151 : vector<16xi1>, vector<16xf32>
        %add3A_309 = arith.addf %add3A_295, %select_n3A_308 : vector<16xf32>
        %get3A_310 = arith.constant 12 : i32
        %get3A_311 = arith.constant 5 : i32
        %get3A_312 = arith.index_cast %get3A_310 : i32 to index
        %get3A_313 = arith.index_cast %get3A_311 : i32 to index
        %get3A_314 = arith.index_cast %mul3A_137 : i32 to index
        %get3A_315 = tpu.vector_load %arg6[%get3A_312, %get3A_313, %get3A_314] {strides = array<i32>} : memref<19x8x512xf32, #tpu.memory_space<vmem>>, vector<1x1x16xf32>,
        %get3A_316 = vector.shape_cast %get3A_315 : vector<1x1x16xf32> to vector<16xf32>
        %exp3A_317 = math.exp %get3A_316 : vector<16xf32>
        %add3A_318 = arith.addf %add3A_304, %exp3A_317 : vector<16xf32>
        %eq3A_319 = arith.constant 12 : i32
        %eq3A_320 = vector.broadcast %eq3A_319 : i32 to vector<16xi32>
        %eq3A_321 = arith.cmpi eq, %get3A_141, %eq3A_320 : vector<16xi32>
        %select_n3A_322 = arith.select %eq3A_321, %get3A_316, %mul3A_151 : vector<16xi1>, vector<16xf32>
        %add3A_323 = arith.addf %add3A_309, %select_n3A_322 : vector<16xf32>
        %get3A_324 = arith.constant 13 : i32
        %get3A_325 = arith.constant 5 : i32
        %get3A_326 = arith.index_cast %get3A_324 : i32 to index
        %get3A_327 = arith.index_cast %get3A_325 : i32 to index
        %get3A_328 = arith.index_cast %mul3A_137 : i32 to index
        %get3A_329 = tpu.vector_load %arg6[%get3A_326, %get3A_327, %get3A_328] {strides = array<i32>} : memref<19x8x512xf32, #tpu.memory_space<vmem>>, vector<1x1x16xf32>,
        %get3A_330 = vector.shape_cast %get3A_329 : vector<1x1x16xf32> to vector<16xf32>
        %exp3A_331 = math.exp %get3A_330 : vector<16xf32>
        %add3A_332 = arith.addf %add3A_318, %exp3A_331 : vector<16xf32>
        %eq3A_333 = arith.constant 13 : i32
        %eq3A_334 = vector.broadcast %eq3A_333 : i32 to vector<16xi32>
        %eq3A_335 = arith.cmpi eq, %get3A_141, %eq3A_334 : vector<16xi32>
        %select_n3A_336 = arith.select %eq3A_335, %get3A_330, %mul3A_151 : vector<16xi1>, vector<16xf32>
        %add3A_337 = arith.addf %add3A_323, %select_n3A_336 : vector<16xf32>
        %get3A_338 = arith.constant 14 : i32
        %get3A_339 = arith.constant 5 : i32
        %get3A_340 = arith.index_cast %get3A_338 : i32 to index
        %get3A_341 = arith.index_cast %get3A_339 : i32 to index
        %get3A_342 = arith.index_cast %mul3A_137 : i32 to index
        %get3A_343 = tpu.vector_load %arg6[%get3A_340, %get3A_341, %get3A_342] {strides = array<i32>} : memref<19x8x512xf32, #tpu.memory_space<vmem>>, vector<1x1x16xf32>,
        %get3A_344 = vector.shape_cast %get3A_343 : vector<1x1x16xf32> to vector<16xf32>
        %exp3A_345 = math.exp %get3A_344 : vector<16xf32>
        %add3A_346 = arith.addf %add3A_332, %exp3A_345 : vector<16xf32>
        %eq3A_347 = arith.constant 14 : i32
        %eq3A_348 = vector.broadcast %eq3A_347 : i32 to vector<16xi32>
        %eq3A_349 = arith.cmpi eq, %get3A_141, %eq3A_348 : vector<16xi32>
        %select_n3A_350 = arith.select %eq3A_349, %get3A_344, %mul3A_151 : vector<16xi1>, vector<16xf32>
        %add3A_351 = arith.addf %add3A_337, %select_n3A_350 : vector<16xf32>
        %get3A_352 = arith.constant 15 : i32
        %get3A_353 = arith.constant 5 : i32
        %get3A_354 = arith.index_cast %get3A_352 : i32 to index
        %get3A_355 = arith.index_cast %get3A_353 : i32 to index
        %get3A_356 = arith.index_cast %mul3A_137 : i32 to index
        %get3A_357 = tpu.vector_load %arg6[%get3A_354, %get3A_355, %get3A_356] {strides = array<i32>} : memref<19x8x512xf32, #tpu.memory_space<vmem>>, vector<1x1x16xf32>,
        %get3A_358 = vector.shape_cast %get3A_357 : vector<1x1x16xf32> to vector<16xf32>
        %exp3A_359 = math.exp %get3A_358 : vector<16xf32>
        %add3A_360 = arith.addf %add3A_346, %exp3A_359 : vector<16xf32>
        %eq3A_361 = arith.constant 15 : i32
        %eq3A_362 = vector.broadcast %eq3A_361 : i32 to vector<16xi32>
        %eq3A_363 = arith.cmpi eq, %get3A_141, %eq3A_362 : vector<16xi32>
        %select_n3A_364 = arith.select %eq3A_363, %get3A_358, %mul3A_151 : vector<16xi1>, vector<16xf32>
        %add3A_365 = arith.addf %add3A_351, %select_n3A_364 : vector<16xf32>
        %get3A_366 = arith.constant 16 : i32
        %get3A_367 = arith.constant 5 : i32
        %get3A_368 = arith.index_cast %get3A_366 : i32 to index
        %get3A_369 = arith.index_cast %get3A_367 : i32 to index
        %get3A_370 = arith.index_cast %mul3A_137 : i32 to index
        %get3A_371 = tpu.vector_load %arg6[%get3A_368, %get3A_369, %get3A_370] {strides = array<i32>} : memref<19x8x512xf32, #tpu.memory_space<vmem>>, vector<1x1x16xf32>,
        %get3A_372 = vector.shape_cast %get3A_371 : vector<1x1x16xf32> to vector<16xf32>
        %exp3A_373 = math.exp %get3A_372 : vector<16xf32>
        %add3A_374 = arith.addf %add3A_360, %exp3A_373 : vector<16xf32>
        %eq3A_375 = arith.constant 16 : i32
        %eq3A_376 = vector.broadcast %eq3A_375 : i32 to vector<16xi32>
        %eq3A_377 = arith.cmpi eq, %get3A_141, %eq3A_376 : vector<16xi32>
        %select_n3A_378 = arith.select %eq3A_377, %get3A_372, %mul3A_151 : vector<16xi1>, vector<16xf32>
        %add3A_379 = arith.addf %add3A_365, %select_n3A_378 : vector<16xf32>
        %get3A_380 = arith.constant 17 : i32
        %get3A_381 = arith.constant 5 : i32
        %get3A_382 = arith.index_cast %get3A_380 : i32 to index
        %get3A_383 = arith.index_cast %get3A_381 : i32 to index
        %get3A_384 = arith.index_cast %mul3A_137 : i32 to index
        %get3A_385 = tpu.vector_load %arg6[%get3A_382, %get3A_383, %get3A_384] {strides = array<i32>} : memref<19x8x512xf32, #tpu.memory_space<vmem>>, vector<1x1x16xf32>,
        %get3A_386 = vector.shape_cast %get3A_385 : vector<1x1x16xf32> to vector<16xf32>
        %exp3A_387 = math.exp %get3A_386 : vector<16xf32>
        %add3A_388 = arith.addf %add3A_374, %exp3A_387 : vector<16xf32>
        %eq3A_389 = arith.constant 17 : i32
        %eq3A_390 = vector.broadcast %eq3A_389 : i32 to vector<16xi32>
        %eq3A_391 = arith.cmpi eq, %get3A_141, %eq3A_390 : vector<16xi32>
        %select_n3A_392 = arith.select %eq3A_391, %get3A_386, %mul3A_151 : vector<16xi1>, vector<16xf32>
        %add3A_393 = arith.addf %add3A_379, %select_n3A_392 : vector<16xf32>
        %get3A_394 = arith.constant 18 : i32
        %get3A_395 = arith.constant 5 : i32
        %get3A_396 = arith.index_cast %get3A_394 : i32 to index
        %get3A_397 = arith.index_cast %get3A_395 : i32 to index
        %get3A_398 = arith.index_cast %mul3A_137 : i32 to index
        %get3A_399 = tpu.vector_load %arg6[%get3A_396, %get3A_397, %get3A_398] {strides = array<i32>} : memref<19x8x512xf32, #tpu.memory_space<vmem>>, vector<1x1x16xf32>,
        %get3A_400 = vector.shape_cast %get3A_399 : vector<1x1x16xf32> to vector<16xf32>
        %exp3A_401 = math.exp %get3A_400 : vector<16xf32>
        %add3A_402 = arith.addf %add3A_388, %exp3A_401 : vector<16xf32>
        %eq3A_403 = arith.constant 18 : i32
        %eq3A_404 = vector.broadcast %eq3A_403 : i32 to vector<16xi32>
        %eq3A_405 = arith.cmpi eq, %get3A_141, %eq3A_404 : vector<16xi32>
        %select_n3A_406 = arith.select %eq3A_405, %get3A_400, %mul3A_151 : vector<16xi1>, vector<16xf32>
        %add3A_407 = arith.addf %add3A_393, %select_n3A_406 : vector<16xf32>
        %ne3A_408 = arith.constant 255 : i32
        %ne3A_409 = vector.broadcast %ne3A_408 : i32 to vector<16xi32>
        %ne3A_410 = arith.cmpi ne, %get3A_141, %ne3A_409 : vector<16xi32>
        %neg3A = arith.constant 0.000000e+00 : f32
        %neg3A_411 = vector.broadcast %neg3A : f32 to vector<16xf32>
        %neg3A_412 = arith.subf %neg3A_411, %add3A_407 : vector<16xf32>
        %exp3A_413 = math.exp %neg3A_412 : vector<16xf32>
        %mul3A_414 = arith.mulf %add3A_402, %exp3A_413 : vector<16xf32>
        %add3A_415 = arith.constant 1.000000e+00 : f32
        %add3A_416 = vector.broadcast %add3A_415 : f32 to vector<16xf32>
        %add3A_417 = arith.addf %mul3A_151, %add3A_416 : vector<16xf32>
        %select_n3A_418 = arith.select %ne3A_410, %mul3A_414, %add3A_417 : vector<16xi1>, vector<16xf32>
        %add3A_419 = arith.constant 2560 : i32
        %add3A_420 = arith.addi %add3A_419, %mul3A_137 : i32
        %swap3A_421 = arith.index_cast %add3A_420 : i32 to index
        %swap3A_422 = tpu.vector_load %arg8[%swap3A_421] {strides = array<i32>} : memref<4096xf32, #tpu.memory_space<vmem>>, vector<16xf32>,
        %swap3A_423 = vector.shape_cast %swap3A_422 : vector<16xf32> to vector<16xf32>
        %swap3A_424 = vector.shape_cast %select_n3A_418 : vector<16xf32> to vector<16xf32>
        tpu.vector_store %arg8[%swap3A_421], %swap3A_424 {strides = array<i32>} : memref<4096xf32, #tpu.memory_space<vmem>>, vector<16xf32>,
        %mul3A_425 = arith.constant 0 : i32
        %mul3A_426 = vector.broadcast %mul3A_425 : i32 to vector<16xi32>
        %mul3A_427 = arith.muli %get3A_141, %mul3A_426 : vector<16xi32>
        %add3A_428 = arith.constant 1 : i32
        %add3A_429 = vector.broadcast %add3A_428 : i32 to vector<16xi32>
        %add3A_430 = arith.addi %mul3A_427, %add3A_429 : vector<16xi32>
        %select_n3A_431 = arith.select %ne3A_410, %add3A_430, %mul3A_427 : vector<16xi1>, vector<16xi32>
        %add3A_432 = arith.addi %scan3A_135, %select_n3A_431 : vector<16xi32>
        scf.yield %add3A_432 : vector<16xi32>
      }
      %scan3A_121 = arith.constant 32 : i32
      %scan3A_122 = arith.constant 0 : i32
      %scan3A_123 = arith.constant 32 : i32
      %scan3A_124 = arith.addi %scan3A_122, %scan3A_123 : i32
      %scan3A_125 = arith.constant 1 : i32
      %scan3A_126 = scf.for %scan3A_134 = %scan3A_122 to %scan3A_124 step %scan3A_125 iter_args(%scan3A_135 = %scan3A_120) -> (vector<16xi32>)  : i32 {
        %mul3A_136 = arith.constant 16 : i32
        %mul3A_137 = arith.muli %scan3A_134, %mul3A_136 : i32
        %get3A = arith.constant 6 : i32
        %get3A_138 = arith.index_cast %get3A : i32 to index
        %get3A_139 = arith.index_cast %mul3A_137 : i32 to index
        %get3A_140 = tpu.vector_load %arg7[%get3A_138, %get3A_139] {strides = array<i32>} : memref<8x512xi32, #tpu.memory_space<vmem>>, vector<1x16xi32>,
        %get3A_141 = vector.shape_cast %get3A_140 : vector<1x16xi32> to vector<16xi32>
        %get3A_142 = arith.constant 0 : i32
        %get3A_143 = arith.constant 6 : i32
        %get3A_144 = arith.index_cast %get3A_142 : i32 to index
        %get3A_145 = arith.index_cast %get3A_143 : i32 to index
        %get3A_146 = arith.index_cast %mul3A_137 : i32 to index
        %get3A_147 = tpu.vector_load %arg6[%get3A_144, %get3A_145, %get3A_146] {strides = array<i32>} : memref<19x8x512xf32, #tpu.memory_space<vmem>>, vector<1x1x16xf32>,
        %get3A_148 = vector.shape_cast %get3A_147 : vector<1x1x16xf32> to vector<16xf32>
        %mul3A_149 = arith.constant 0.000000e+00 : f32
        %mul3A_150 = vector.broadcast %mul3A_149 : f32 to vector<16xf32>
        %mul3A_151 = arith.mulf %get3A_148, %mul3A_150 : vector<16xf32>
        %exp3A = math.exp %get3A_148 : vector<16xf32>
        %eq3A_152 = arith.constant 0 : i32
        %eq3A_153 = vector.broadcast %eq3A_152 : i32 to vector<16xi32>
        %eq3A_154 = arith.cmpi eq, %get3A_141, %eq3A_153 : vector<16xi32>
        %select_n3A_155 = arith.select %eq3A_154, %get3A_148, %mul3A_151 : vector<16xi1>, vector<16xf32>
        %get3A_156 = arith.constant 1 : i32
        %get3A_157 = arith.constant 6 : i32
        %get3A_158 = arith.index_cast %get3A_156 : i32 to index
        %get3A_159 = arith.index_cast %get3A_157 : i32 to index
        %get3A_160 = arith.index_cast %mul3A_137 : i32 to index
        %get3A_161 = tpu.vector_load %arg6[%get3A_158, %get3A_159, %get3A_160] {strides = array<i32>} : memref<19x8x512xf32, #tpu.memory_space<vmem>>, vector<1x1x16xf32>,
        %get3A_162 = vector.shape_cast %get3A_161 : vector<1x1x16xf32> to vector<16xf32>
        %exp3A_163 = math.exp %get3A_162 : vector<16xf32>
        %add3A_164 = arith.addf %exp3A, %exp3A_163 : vector<16xf32>
        %eq3A_165 = arith.constant 1 : i32
        %eq3A_166 = vector.broadcast %eq3A_165 : i32 to vector<16xi32>
        %eq3A_167 = arith.cmpi eq, %get3A_141, %eq3A_166 : vector<16xi32>
        %select_n3A_168 = arith.select %eq3A_167, %get3A_162, %mul3A_151 : vector<16xi1>, vector<16xf32>
        %add3A_169 = arith.addf %select_n3A_155, %select_n3A_168 : vector<16xf32>
        %get3A_170 = arith.constant 2 : i32
        %get3A_171 = arith.constant 6 : i32
        %get3A_172 = arith.index_cast %get3A_170 : i32 to index
        %get3A_173 = arith.index_cast %get3A_171 : i32 to index
        %get3A_174 = arith.index_cast %mul3A_137 : i32 to index
        %get3A_175 = tpu.vector_load %arg6[%get3A_172, %get3A_173, %get3A_174] {strides = array<i32>} : memref<19x8x512xf32, #tpu.memory_space<vmem>>, vector<1x1x16xf32>,
        %get3A_176 = vector.shape_cast %get3A_175 : vector<1x1x16xf32> to vector<16xf32>
        %exp3A_177 = math.exp %get3A_176 : vector<16xf32>
        %add3A_178 = arith.addf %add3A_164, %exp3A_177 : vector<16xf32>
        %eq3A_179 = arith.constant 2 : i32
        %eq3A_180 = vector.broadcast %eq3A_179 : i32 to vector<16xi32>
        %eq3A_181 = arith.cmpi eq, %get3A_141, %eq3A_180 : vector<16xi32>
        %select_n3A_182 = arith.select %eq3A_181, %get3A_176, %mul3A_151 : vector<16xi1>, vector<16xf32>
        %add3A_183 = arith.addf %add3A_169, %select_n3A_182 : vector<16xf32>
        %get3A_184 = arith.constant 3 : i32
        %get3A_185 = arith.constant 6 : i32
        %get3A_186 = arith.index_cast %get3A_184 : i32 to index
        %get3A_187 = arith.index_cast %get3A_185 : i32 to index
        %get3A_188 = arith.index_cast %mul3A_137 : i32 to index
        %get3A_189 = tpu.vector_load %arg6[%get3A_186, %get3A_187, %get3A_188] {strides = array<i32>} : memref<19x8x512xf32, #tpu.memory_space<vmem>>, vector<1x1x16xf32>,
        %get3A_190 = vector.shape_cast %get3A_189 : vector<1x1x16xf32> to vector<16xf32>
        %exp3A_191 = math.exp %get3A_190 : vector<16xf32>
        %add3A_192 = arith.addf %add3A_178, %exp3A_191 : vector<16xf32>
        %eq3A_193 = arith.constant 3 : i32
        %eq3A_194 = vector.broadcast %eq3A_193 : i32 to vector<16xi32>
        %eq3A_195 = arith.cmpi eq, %get3A_141, %eq3A_194 : vector<16xi32>
        %select_n3A_196 = arith.select %eq3A_195, %get3A_190, %mul3A_151 : vector<16xi1>, vector<16xf32>
        %add3A_197 = arith.addf %add3A_183, %select_n3A_196 : vector<16xf32>
        %get3A_198 = arith.constant 4 : i32
        %get3A_199 = arith.constant 6 : i32
        %get3A_200 = arith.index_cast %get3A_198 : i32 to index
        %get3A_201 = arith.index_cast %get3A_199 : i32 to index
        %get3A_202 = arith.index_cast %mul3A_137 : i32 to index
        %get3A_203 = tpu.vector_load %arg6[%get3A_200, %get3A_201, %get3A_202] {strides = array<i32>} : memref<19x8x512xf32, #tpu.memory_space<vmem>>, vector<1x1x16xf32>,
        %get3A_204 = vector.shape_cast %get3A_203 : vector<1x1x16xf32> to vector<16xf32>
        %exp3A_205 = math.exp %get3A_204 : vector<16xf32>
        %add3A_206 = arith.addf %add3A_192, %exp3A_205 : vector<16xf32>
        %eq3A_207 = arith.constant 4 : i32
        %eq3A_208 = vector.broadcast %eq3A_207 : i32 to vector<16xi32>
        %eq3A_209 = arith.cmpi eq, %get3A_141, %eq3A_208 : vector<16xi32>
        %select_n3A_210 = arith.select %eq3A_209, %get3A_204, %mul3A_151 : vector<16xi1>, vector<16xf32>
        %add3A_211 = arith.addf %add3A_197, %select_n3A_210 : vector<16xf32>
        %get3A_212 = arith.constant 5 : i32
        %get3A_213 = arith.constant 6 : i32
        %get3A_214 = arith.index_cast %get3A_212 : i32 to index
        %get3A_215 = arith.index_cast %get3A_213 : i32 to index
        %get3A_216 = arith.index_cast %mul3A_137 : i32 to index
        %get3A_217 = tpu.vector_load %arg6[%get3A_214, %get3A_215, %get3A_216] {strides = array<i32>} : memref<19x8x512xf32, #tpu.memory_space<vmem>>, vector<1x1x16xf32>,
        %get3A_218 = vector.shape_cast %get3A_217 : vector<1x1x16xf32> to vector<16xf32>
        %exp3A_219 = math.exp %get3A_218 : vector<16xf32>
        %add3A_220 = arith.addf %add3A_206, %exp3A_219 : vector<16xf32>
        %eq3A_221 = arith.constant 5 : i32
        %eq3A_222 = vector.broadcast %eq3A_221 : i32 to vector<16xi32>
        %eq3A_223 = arith.cmpi eq, %get3A_141, %eq3A_222 : vector<16xi32>
        %select_n3A_224 = arith.select %eq3A_223, %get3A_218, %mul3A_151 : vector<16xi1>, vector<16xf32>
        %add3A_225 = arith.addf %add3A_211, %select_n3A_224 : vector<16xf32>
        %get3A_226 = arith.constant 6 : i32
        %get3A_227 = arith.constant 6 : i32
        %get3A_228 = arith.index_cast %get3A_226 : i32 to index
        %get3A_229 = arith.index_cast %get3A_227 : i32 to index
        %get3A_230 = arith.index_cast %mul3A_137 : i32 to index
        %get3A_231 = tpu.vector_load %arg6[%get3A_228, %get3A_229, %get3A_230] {strides = array<i32>} : memref<19x8x512xf32, #tpu.memory_space<vmem>>, vector<1x1x16xf32>,
        %get3A_232 = vector.shape_cast %get3A_231 : vector<1x1x16xf32> to vector<16xf32>
        %exp3A_233 = math.exp %get3A_232 : vector<16xf32>
        %add3A_234 = arith.addf %add3A_220, %exp3A_233 : vector<16xf32>
        %eq3A_235 = arith.constant 6 : i32
        %eq3A_236 = vector.broadcast %eq3A_235 : i32 to vector<16xi32>
        %eq3A_237 = arith.cmpi eq, %get3A_141, %eq3A_236 : vector<16xi32>
        %select_n3A_238 = arith.select %eq3A_237, %get3A_232, %mul3A_151 : vector<16xi1>, vector<16xf32>
        %add3A_239 = arith.addf %add3A_225, %select_n3A_238 : vector<16xf32>
        %get3A_240 = arith.constant 7 : i32
        %get3A_241 = arith.constant 6 : i32
        %get3A_242 = arith.index_cast %get3A_240 : i32 to index
        %get3A_243 = arith.index_cast %get3A_241 : i32 to index
        %get3A_244 = arith.index_cast %mul3A_137 : i32 to index
        %get3A_245 = tpu.vector_load %arg6[%get3A_242, %get3A_243, %get3A_244] {strides = array<i32>} : memref<19x8x512xf32, #tpu.memory_space<vmem>>, vector<1x1x16xf32>,
        %get3A_246 = vector.shape_cast %get3A_245 : vector<1x1x16xf32> to vector<16xf32>
        %exp3A_247 = math.exp %get3A_246 : vector<16xf32>
        %add3A_248 = arith.addf %add3A_234, %exp3A_247 : vector<16xf32>
        %eq3A_249 = arith.constant 7 : i32
        %eq3A_250 = vector.broadcast %eq3A_249 : i32 to vector<16xi32>
        %eq3A_251 = arith.cmpi eq, %get3A_141, %eq3A_250 : vector<16xi32>
        %select_n3A_252 = arith.select %eq3A_251, %get3A_246, %mul3A_151 : vector<16xi1>, vector<16xf32>
        %add3A_253 = arith.addf %add3A_239, %select_n3A_252 : vector<16xf32>
        %get3A_254 = arith.constant 8 : i32
        %get3A_255 = arith.constant 6 : i32
        %get3A_256 = arith.index_cast %get3A_254 : i32 to index
        %get3A_257 = arith.index_cast %get3A_255 : i32 to index
        %get3A_258 = arith.index_cast %mul3A_137 : i32 to index
        %get3A_259 = tpu.vector_load %arg6[%get3A_256, %get3A_257, %get3A_258] {strides = array<i32>} : memref<19x8x512xf32, #tpu.memory_space<vmem>>, vector<1x1x16xf32>,
        %get3A_260 = vector.shape_cast %get3A_259 : vector<1x1x16xf32> to vector<16xf32>
        %exp3A_261 = math.exp %get3A_260 : vector<16xf32>
        %add3A_262 = arith.addf %add3A_248, %exp3A_261 : vector<16xf32>
        %eq3A_263 = arith.constant 8 : i32
        %eq3A_264 = vector.broadcast %eq3A_263 : i32 to vector<16xi32>
        %eq3A_265 = arith.cmpi eq, %get3A_141, %eq3A_264 : vector<16xi32>
        %select_n3A_266 = arith.select %eq3A_265, %get3A_260, %mul3A_151 : vector<16xi1>, vector<16xf32>
        %add3A_267 = arith.addf %add3A_253, %select_n3A_266 : vector<16xf32>
        %get3A_268 = arith.constant 9 : i32
        %get3A_269 = arith.constant 6 : i32
        %get3A_270 = arith.index_cast %get3A_268 : i32 to index
        %get3A_271 = arith.index_cast %get3A_269 : i32 to index
        %get3A_272 = arith.index_cast %mul3A_137 : i32 to index
        %get3A_273 = tpu.vector_load %arg6[%get3A_270, %get3A_271, %get3A_272] {strides = array<i32>} : memref<19x8x512xf32, #tpu.memory_space<vmem>>, vector<1x1x16xf32>,
        %get3A_274 = vector.shape_cast %get3A_273 : vector<1x1x16xf32> to vector<16xf32>
        %exp3A_275 = math.exp %get3A_274 : vector<16xf32>
        %add3A_276 = arith.addf %add3A_262, %exp3A_275 : vector<16xf32>
        %eq3A_277 = arith.constant 9 : i32
        %eq3A_278 = vector.broadcast %eq3A_277 : i32 to vector<16xi32>
        %eq3A_279 = arith.cmpi eq, %get3A_141, %eq3A_278 : vector<16xi32>
        %select_n3A_280 = arith.select %eq3A_279, %get3A_274, %mul3A_151 : vector<16xi1>, vector<16xf32>
        %add3A_281 = arith.addf %add3A_267, %select_n3A_280 : vector<16xf32>
        %get3A_282 = arith.constant 10 : i32
        %get3A_283 = arith.constant 6 : i32
        %get3A_284 = arith.index_cast %get3A_282 : i32 to index
        %get3A_285 = arith.index_cast %get3A_283 : i32 to index
        %get3A_286 = arith.index_cast %mul3A_137 : i32 to index
        %get3A_287 = tpu.vector_load %arg6[%get3A_284, %get3A_285, %get3A_286] {strides = array<i32>} : memref<19x8x512xf32, #tpu.memory_space<vmem>>, vector<1x1x16xf32>,
        %get3A_288 = vector.shape_cast %get3A_287 : vector<1x1x16xf32> to vector<16xf32>
        %exp3A_289 = math.exp %get3A_288 : vector<16xf32>
        %add3A_290 = arith.addf %add3A_276, %exp3A_289 : vector<16xf32>
        %eq3A_291 = arith.constant 10 : i32
        %eq3A_292 = vector.broadcast %eq3A_291 : i32 to vector<16xi32>
        %eq3A_293 = arith.cmpi eq, %get3A_141, %eq3A_292 : vector<16xi32>
        %select_n3A_294 = arith.select %eq3A_293, %get3A_288, %mul3A_151 : vector<16xi1>, vector<16xf32>
        %add3A_295 = arith.addf %add3A_281, %select_n3A_294 : vector<16xf32>
        %get3A_296 = arith.constant 11 : i32
        %get3A_297 = arith.constant 6 : i32
        %get3A_298 = arith.index_cast %get3A_296 : i32 to index
        %get3A_299 = arith.index_cast %get3A_297 : i32 to index
        %get3A_300 = arith.index_cast %mul3A_137 : i32 to index
        %get3A_301 = tpu.vector_load %arg6[%get3A_298, %get3A_299, %get3A_300] {strides = array<i32>} : memref<19x8x512xf32, #tpu.memory_space<vmem>>, vector<1x1x16xf32>,
        %get3A_302 = vector.shape_cast %get3A_301 : vector<1x1x16xf32> to vector<16xf32>
        %exp3A_303 = math.exp %get3A_302 : vector<16xf32>
        %add3A_304 = arith.addf %add3A_290, %exp3A_303 : vector<16xf32>
        %eq3A_305 = arith.constant 11 : i32
        %eq3A_306 = vector.broadcast %eq3A_305 : i32 to vector<16xi32>
        %eq3A_307 = arith.cmpi eq, %get3A_141, %eq3A_306 : vector<16xi32>
        %select_n3A_308 = arith.select %eq3A_307, %get3A_302, %mul3A_151 : vector<16xi1>, vector<16xf32>
        %add3A_309 = arith.addf %add3A_295, %select_n3A_308 : vector<16xf32>
        %get3A_310 = arith.constant 12 : i32
        %get3A_311 = arith.constant 6 : i32
        %get3A_312 = arith.index_cast %get3A_310 : i32 to index
        %get3A_313 = arith.index_cast %get3A_311 : i32 to index
        %get3A_314 = arith.index_cast %mul3A_137 : i32 to index
        %get3A_315 = tpu.vector_load %arg6[%get3A_312, %get3A_313, %get3A_314] {strides = array<i32>} : memref<19x8x512xf32, #tpu.memory_space<vmem>>, vector<1x1x16xf32>,
        %get3A_316 = vector.shape_cast %get3A_315 : vector<1x1x16xf32> to vector<16xf32>
        %exp3A_317 = math.exp %get3A_316 : vector<16xf32>
        %add3A_318 = arith.addf %add3A_304, %exp3A_317 : vector<16xf32>
        %eq3A_319 = arith.constant 12 : i32
        %eq3A_320 = vector.broadcast %eq3A_319 : i32 to vector<16xi32>
        %eq3A_321 = arith.cmpi eq, %get3A_141, %eq3A_320 : vector<16xi32>
        %select_n3A_322 = arith.select %eq3A_321, %get3A_316, %mul3A_151 : vector<16xi1>, vector<16xf32>
        %add3A_323 = arith.addf %add3A_309, %select_n3A_322 : vector<16xf32>
        %get3A_324 = arith.constant 13 : i32
        %get3A_325 = arith.constant 6 : i32
        %get3A_326 = arith.index_cast %get3A_324 : i32 to index
        %get3A_327 = arith.index_cast %get3A_325 : i32 to index
        %get3A_328 = arith.index_cast %mul3A_137 : i32 to index
        %get3A_329 = tpu.vector_load %arg6[%get3A_326, %get3A_327, %get3A_328] {strides = array<i32>} : memref<19x8x512xf32, #tpu.memory_space<vmem>>, vector<1x1x16xf32>,
        %get3A_330 = vector.shape_cast %get3A_329 : vector<1x1x16xf32> to vector<16xf32>
        %exp3A_331 = math.exp %get3A_330 : vector<16xf32>
        %add3A_332 = arith.addf %add3A_318, %exp3A_331 : vector<16xf32>
        %eq3A_333 = arith.constant 13 : i32
        %eq3A_334 = vector.broadcast %eq3A_333 : i32 to vector<16xi32>
        %eq3A_335 = arith.cmpi eq, %get3A_141, %eq3A_334 : vector<16xi32>
        %select_n3A_336 = arith.select %eq3A_335, %get3A_330, %mul3A_151 : vector<16xi1>, vector<16xf32>
        %add3A_337 = arith.addf %add3A_323, %select_n3A_336 : vector<16xf32>
        %get3A_338 = arith.constant 14 : i32
        %get3A_339 = arith.constant 6 : i32
        %get3A_340 = arith.index_cast %get3A_338 : i32 to index
        %get3A_341 = arith.index_cast %get3A_339 : i32 to index
        %get3A_342 = arith.index_cast %mul3A_137 : i32 to index
        %get3A_343 = tpu.vector_load %arg6[%get3A_340, %get3A_341, %get3A_342] {strides = array<i32>} : memref<19x8x512xf32, #tpu.memory_space<vmem>>, vector<1x1x16xf32>,
        %get3A_344 = vector.shape_cast %get3A_343 : vector<1x1x16xf32> to vector<16xf32>
        %exp3A_345 = math.exp %get3A_344 : vector<16xf32>
        %add3A_346 = arith.addf %add3A_332, %exp3A_345 : vector<16xf32>
        %eq3A_347 = arith.constant 14 : i32
        %eq3A_348 = vector.broadcast %eq3A_347 : i32 to vector<16xi32>
        %eq3A_349 = arith.cmpi eq, %get3A_141, %eq3A_348 : vector<16xi32>
        %select_n3A_350 = arith.select %eq3A_349, %get3A_344, %mul3A_151 : vector<16xi1>, vector<16xf32>
        %add3A_351 = arith.addf %add3A_337, %select_n3A_350 : vector<16xf32>
        %get3A_352 = arith.constant 15 : i32
        %get3A_353 = arith.constant 6 : i32
        %get3A_354 = arith.index_cast %get3A_352 : i32 to index
        %get3A_355 = arith.index_cast %get3A_353 : i32 to index
        %get3A_356 = arith.index_cast %mul3A_137 : i32 to index
        %get3A_357 = tpu.vector_load %arg6[%get3A_354, %get3A_355, %get3A_356] {strides = array<i32>} : memref<19x8x512xf32, #tpu.memory_space<vmem>>, vector<1x1x16xf32>,
        %get3A_358 = vector.shape_cast %get3A_357 : vector<1x1x16xf32> to vector<16xf32>
        %exp3A_359 = math.exp %get3A_358 : vector<16xf32>
        %add3A_360 = arith.addf %add3A_346, %exp3A_359 : vector<16xf32>
        %eq3A_361 = arith.constant 15 : i32
        %eq3A_362 = vector.broadcast %eq3A_361 : i32 to vector<16xi32>
        %eq3A_363 = arith.cmpi eq, %get3A_141, %eq3A_362 : vector<16xi32>
        %select_n3A_364 = arith.select %eq3A_363, %get3A_358, %mul3A_151 : vector<16xi1>, vector<16xf32>
        %add3A_365 = arith.addf %add3A_351, %select_n3A_364 : vector<16xf32>
        %get3A_366 = arith.constant 16 : i32
        %get3A_367 = arith.constant 6 : i32
        %get3A_368 = arith.index_cast %get3A_366 : i32 to index
        %get3A_369 = arith.index_cast %get3A_367 : i32 to index
        %get3A_370 = arith.index_cast %mul3A_137 : i32 to index
        %get3A_371 = tpu.vector_load %arg6[%get3A_368, %get3A_369, %get3A_370] {strides = array<i32>} : memref<19x8x512xf32, #tpu.memory_space<vmem>>, vector<1x1x16xf32>,
        %get3A_372 = vector.shape_cast %get3A_371 : vector<1x1x16xf32> to vector<16xf32>
        %exp3A_373 = math.exp %get3A_372 : vector<16xf32>
        %add3A_374 = arith.addf %add3A_360, %exp3A_373 : vector<16xf32>
        %eq3A_375 = arith.constant 16 : i32
        %eq3A_376 = vector.broadcast %eq3A_375 : i32 to vector<16xi32>
        %eq3A_377 = arith.cmpi eq, %get3A_141, %eq3A_376 : vector<16xi32>
        %select_n3A_378 = arith.select %eq3A_377, %get3A_372, %mul3A_151 : vector<16xi1>, vector<16xf32>
        %add3A_379 = arith.addf %add3A_365, %select_n3A_378 : vector<16xf32>
        %get3A_380 = arith.constant 17 : i32
        %get3A_381 = arith.constant 6 : i32
        %get3A_382 = arith.index_cast %get3A_380 : i32 to index
        %get3A_383 = arith.index_cast %get3A_381 : i32 to index
        %get3A_384 = arith.index_cast %mul3A_137 : i32 to index
        %get3A_385 = tpu.vector_load %arg6[%get3A_382, %get3A_383, %get3A_384] {strides = array<i32>} : memref<19x8x512xf32, #tpu.memory_space<vmem>>, vector<1x1x16xf32>,
        %get3A_386 = vector.shape_cast %get3A_385 : vector<1x1x16xf32> to vector<16xf32>
        %exp3A_387 = math.exp %get3A_386 : vector<16xf32>
        %add3A_388 = arith.addf %add3A_374, %exp3A_387 : vector<16xf32>
        %eq3A_389 = arith.constant 17 : i32
        %eq3A_390 = vector.broadcast %eq3A_389 : i32 to vector<16xi32>
        %eq3A_391 = arith.cmpi eq, %get3A_141, %eq3A_390 : vector<16xi32>
        %select_n3A_392 = arith.select %eq3A_391, %get3A_386, %mul3A_151 : vector<16xi1>, vector<16xf32>
        %add3A_393 = arith.addf %add3A_379, %select_n3A_392 : vector<16xf32>
        %get3A_394 = arith.constant 18 : i32
        %get3A_395 = arith.constant 6 : i32
        %get3A_396 = arith.index_cast %get3A_394 : i32 to index
        %get3A_397 = arith.index_cast %get3A_395 : i32 to index
        %get3A_398 = arith.index_cast %mul3A_137 : i32 to index
        %get3A_399 = tpu.vector_load %arg6[%get3A_396, %get3A_397, %get3A_398] {strides = array<i32>} : memref<19x8x512xf32, #tpu.memory_space<vmem>>, vector<1x1x16xf32>,
        %get3A_400 = vector.shape_cast %get3A_399 : vector<1x1x16xf32> to vector<16xf32>
        %exp3A_401 = math.exp %get3A_400 : vector<16xf32>
        %add3A_402 = arith.addf %add3A_388, %exp3A_401 : vector<16xf32>
        %eq3A_403 = arith.constant 18 : i32
        %eq3A_404 = vector.broadcast %eq3A_403 : i32 to vector<16xi32>
        %eq3A_405 = arith.cmpi eq, %get3A_141, %eq3A_404 : vector<16xi32>
        %select_n3A_406 = arith.select %eq3A_405, %get3A_400, %mul3A_151 : vector<16xi1>, vector<16xf32>
        %add3A_407 = arith.addf %add3A_393, %select_n3A_406 : vector<16xf32>
        %ne3A_408 = arith.constant 255 : i32
        %ne3A_409 = vector.broadcast %ne3A_408 : i32 to vector<16xi32>
        %ne3A_410 = arith.cmpi ne, %get3A_141, %ne3A_409 : vector<16xi32>
        %neg3A = arith.constant 0.000000e+00 : f32
        %neg3A_411 = vector.broadcast %neg3A : f32 to vector<16xf32>
        %neg3A_412 = arith.subf %neg3A_411, %add3A_407 : vector<16xf32>
        %exp3A_413 = math.exp %neg3A_412 : vector<16xf32>
        %mul3A_414 = arith.mulf %add3A_402, %exp3A_413 : vector<16xf32>
        %add3A_415 = arith.constant 1.000000e+00 : f32
        %add3A_416 = vector.broadcast %add3A_415 : f32 to vector<16xf32>
        %add3A_417 = arith.addf %mul3A_151, %add3A_416 : vector<16xf32>
        %select_n3A_418 = arith.select %ne3A_410, %mul3A_414, %add3A_417 : vector<16xi1>, vector<16xf32>
        %add3A_419 = arith.constant 3072 : i32
        %add3A_420 = arith.addi %add3A_419, %mul3A_137 : i32
        %swap3A_421 = arith.index_cast %add3A_420 : i32 to index
        %swap3A_422 = tpu.vector_load %arg8[%swap3A_421] {strides = array<i32>} : memref<4096xf32, #tpu.memory_space<vmem>>, vector<16xf32>,
        %swap3A_423 = vector.shape_cast %swap3A_422 : vector<16xf32> to vector<16xf32>
        %swap3A_424 = vector.shape_cast %select_n3A_418 : vector<16xf32> to vector<16xf32>
        tpu.vector_store %arg8[%swap3A_421], %swap3A_424 {strides = array<i32>} : memref<4096xf32, #tpu.memory_space<vmem>>, vector<16xf32>,
        %mul3A_425 = arith.constant 0 : i32
        %mul3A_426 = vector.broadcast %mul3A_425 : i32 to vector<16xi32>
        %mul3A_427 = arith.muli %get3A_141, %mul3A_426 : vector<16xi32>
        %add3A_428 = arith.constant 1 : i32
        %add3A_429 = vector.broadcast %add3A_428 : i32 to vector<16xi32>
        %add3A_430 = arith.addi %mul3A_427, %add3A_429 : vector<16xi32>
        %select_n3A_431 = arith.select %ne3A_410, %add3A_430, %mul3A_427 : vector<16xi1>, vector<16xi32>
        %add3A_432 = arith.addi %scan3A_135, %select_n3A_431 : vector<16xi32>
        scf.yield %add3A_432 : vector<16xi32>
      }
      %scan3A_127 = arith.constant 32 : i32
      %scan3A_128 = arith.constant 0 : i32
      %scan3A_129 = arith.constant 32 : i32
      %scan3A_130 = arith.addi %scan3A_128, %scan3A_129 : i32
      %scan3A_131 = arith.constant 1 : i32
      %scan3A_132 = scf.for %scan3A_134 = %scan3A_128 to %scan3A_130 step %scan3A_131 iter_args(%scan3A_135 = %scan3A_126) -> (vector<16xi32>)  : i32 {
        %mul3A_136 = arith.constant 16 : i32
        %mul3A_137 = arith.muli %scan3A_134, %mul3A_136 : i32
        %get3A = arith.constant 7 : i32
        %get3A_138 = arith.index_cast %get3A : i32 to index
        %get3A_139 = arith.index_cast %mul3A_137 : i32 to index
        %get3A_140 = tpu.vector_load %arg7[%get3A_138, %get3A_139] {strides = array<i32>} : memref<8x512xi32, #tpu.memory_space<vmem>>, vector<1x16xi32>,
        %get3A_141 = vector.shape_cast %get3A_140 : vector<1x16xi32> to vector<16xi32>
        %get3A_142 = arith.constant 0 : i32
        %get3A_143 = arith.constant 7 : i32
        %get3A_144 = arith.index_cast %get3A_142 : i32 to index
        %get3A_145 = arith.index_cast %get3A_143 : i32 to index
        %get3A_146 = arith.index_cast %mul3A_137 : i32 to index
        %get3A_147 = tpu.vector_load %arg6[%get3A_144, %get3A_145, %get3A_146] {strides = array<i32>} : memref<19x8x512xf32, #tpu.memory_space<vmem>>, vector<1x1x16xf32>,
        %get3A_148 = vector.shape_cast %get3A_147 : vector<1x1x16xf32> to vector<16xf32>
        %mul3A_149 = arith.constant 0.000000e+00 : f32
        %mul3A_150 = vector.broadcast %mul3A_149 : f32 to vector<16xf32>
        %mul3A_151 = arith.mulf %get3A_148, %mul3A_150 : vector<16xf32>
        %exp3A = math.exp %get3A_148 : vector<16xf32>
        %eq3A_152 = arith.constant 0 : i32
        %eq3A_153 = vector.broadcast %eq3A_152 : i32 to vector<16xi32>
        %eq3A_154 = arith.cmpi eq, %get3A_141, %eq3A_153 : vector<16xi32>
        %select_n3A_155 = arith.select %eq3A_154, %get3A_148, %mul3A_151 : vector<16xi1>, vector<16xf32>
        %get3A_156 = arith.constant 1 : i32
        %get3A_157 = arith.constant 7 : i32
        %get3A_158 = arith.index_cast %get3A_156 : i32 to index
        %get3A_159 = arith.index_cast %get3A_157 : i32 to index
        %get3A_160 = arith.index_cast %mul3A_137 : i32 to index
        %get3A_161 = tpu.vector_load %arg6[%get3A_158, %get3A_159, %get3A_160] {strides = array<i32>} : memref<19x8x512xf32, #tpu.memory_space<vmem>>, vector<1x1x16xf32>,
        %get3A_162 = vector.shape_cast %get3A_161 : vector<1x1x16xf32> to vector<16xf32>
        %exp3A_163 = math.exp %get3A_162 : vector<16xf32>
        %add3A_164 = arith.addf %exp3A, %exp3A_163 : vector<16xf32>
        %eq3A_165 = arith.constant 1 : i32
        %eq3A_166 = vector.broadcast %eq3A_165 : i32 to vector<16xi32>
        %eq3A_167 = arith.cmpi eq, %get3A_141, %eq3A_166 : vector<16xi32>
        %select_n3A_168 = arith.select %eq3A_167, %get3A_162, %mul3A_151 : vector<16xi1>, vector<16xf32>
        %add3A_169 = arith.addf %select_n3A_155, %select_n3A_168 : vector<16xf32>
        %get3A_170 = arith.constant 2 : i32
        %get3A_171 = arith.constant 7 : i32
        %get3A_172 = arith.index_cast %get3A_170 : i32 to index
        %get3A_173 = arith.index_cast %get3A_171 : i32 to index
        %get3A_174 = arith.index_cast %mul3A_137 : i32 to index
        %get3A_175 = tpu.vector_load %arg6[%get3A_172, %get3A_173, %get3A_174] {strides = array<i32>} : memref<19x8x512xf32, #tpu.memory_space<vmem>>, vector<1x1x16xf32>,
        %get3A_176 = vector.shape_cast %get3A_175 : vector<1x1x16xf32> to vector<16xf32>
        %exp3A_177 = math.exp %get3A_176 : vector<16xf32>
        %add3A_178 = arith.addf %add3A_164, %exp3A_177 : vector<16xf32>
        %eq3A_179 = arith.constant 2 : i32
        %eq3A_180 = vector.broadcast %eq3A_179 : i32 to vector<16xi32>
        %eq3A_181 = arith.cmpi eq, %get3A_141, %eq3A_180 : vector<16xi32>
        %select_n3A_182 = arith.select %eq3A_181, %get3A_176, %mul3A_151 : vector<16xi1>, vector<16xf32>
        %add3A_183 = arith.addf %add3A_169, %select_n3A_182 : vector<16xf32>
        %get3A_184 = arith.constant 3 : i32
        %get3A_185 = arith.constant 7 : i32
        %get3A_186 = arith.index_cast %get3A_184 : i32 to index
        %get3A_187 = arith.index_cast %get3A_185 : i32 to index
        %get3A_188 = arith.index_cast %mul3A_137 : i32 to index
        %get3A_189 = tpu.vector_load %arg6[%get3A_186, %get3A_187, %get3A_188] {strides = array<i32>} : memref<19x8x512xf32, #tpu.memory_space<vmem>>, vector<1x1x16xf32>,
        %get3A_190 = vector.shape_cast %get3A_189 : vector<1x1x16xf32> to vector<16xf32>
        %exp3A_191 = math.exp %get3A_190 : vector<16xf32>
        %add3A_192 = arith.addf %add3A_178, %exp3A_191 : vector<16xf32>
        %eq3A_193 = arith.constant 3 : i32
        %eq3A_194 = vector.broadcast %eq3A_193 : i32 to vector<16xi32>
        %eq3A_195 = arith.cmpi eq, %get3A_141, %eq3A_194 : vector<16xi32>
        %select_n3A_196 = arith.select %eq3A_195, %get3A_190, %mul3A_151 : vector<16xi1>, vector<16xf32>
        %add3A_197 = arith.addf %add3A_183, %select_n3A_196 : vector<16xf32>
        %get3A_198 = arith.constant 4 : i32
        %get3A_199 = arith.constant 7 : i32
        %get3A_200 = arith.index_cast %get3A_198 : i32 to index
        %get3A_201 = arith.index_cast %get3A_199 : i32 to index
        %get3A_202 = arith.index_cast %mul3A_137 : i32 to index
        %get3A_203 = tpu.vector_load %arg6[%get3A_200, %get3A_201, %get3A_202] {strides = array<i32>} : memref<19x8x512xf32, #tpu.memory_space<vmem>>, vector<1x1x16xf32>,
        %get3A_204 = vector.shape_cast %get3A_203 : vector<1x1x16xf32> to vector<16xf32>
        %exp3A_205 = math.exp %get3A_204 : vector<16xf32>
        %add3A_206 = arith.addf %add3A_192, %exp3A_205 : vector<16xf32>
        %eq3A_207 = arith.constant 4 : i32
        %eq3A_208 = vector.broadcast %eq3A_207 : i32 to vector<16xi32>
        %eq3A_209 = arith.cmpi eq, %get3A_141, %eq3A_208 : vector<16xi32>
        %select_n3A_210 = arith.select %eq3A_209, %get3A_204, %mul3A_151 : vector<16xi1>, vector<16xf32>
        %add3A_211 = arith.addf %add3A_197, %select_n3A_210 : vector<16xf32>
        %get3A_212 = arith.constant 5 : i32
        %get3A_213 = arith.constant 7 : i32
        %get3A_214 = arith.index_cast %get3A_212 : i32 to index
        %get3A_215 = arith.index_cast %get3A_213 : i32 to index
        %get3A_216 = arith.index_cast %mul3A_137 : i32 to index
        %get3A_217 = tpu.vector_load %arg6[%get3A_214, %get3A_215, %get3A_216] {strides = array<i32>} : memref<19x8x512xf32, #tpu.memory_space<vmem>>, vector<1x1x16xf32>,
        %get3A_218 = vector.shape_cast %get3A_217 : vector<1x1x16xf32> to vector<16xf32>
        %exp3A_219 = math.exp %get3A_218 : vector<16xf32>
        %add3A_220 = arith.addf %add3A_206, %exp3A_219 : vector<16xf32>
        %eq3A_221 = arith.constant 5 : i32
        %eq3A_222 = vector.broadcast %eq3A_221 : i32 to vector<16xi32>
        %eq3A_223 = arith.cmpi eq, %get3A_141, %eq3A_222 : vector<16xi32>
        %select_n3A_224 = arith.select %eq3A_223, %get3A_218, %mul3A_151 : vector<16xi1>, vector<16xf32>
        %add3A_225 = arith.addf %add3A_211, %select_n3A_224 : vector<16xf32>
        %get3A_226 = arith.constant 6 : i32
        %get3A_227 = arith.constant 7 : i32
        %get3A_228 = arith.index_cast %get3A_226 : i32 to index
        %get3A_229 = arith.index_cast %get3A_227 : i32 to index
        %get3A_230 = arith.index_cast %mul3A_137 : i32 to index
        %get3A_231 = tpu.vector_load %arg6[%get3A_228, %get3A_229, %get3A_230] {strides = array<i32>} : memref<19x8x512xf32, #tpu.memory_space<vmem>>, vector<1x1x16xf32>,
        %get3A_232 = vector.shape_cast %get3A_231 : vector<1x1x16xf32> to vector<16xf32>
        %exp3A_233 = math.exp %get3A_232 : vector<16xf32>
        %add3A_234 = arith.addf %add3A_220, %exp3A_233 : vector<16xf32>
        %eq3A_235 = arith.constant 6 : i32
        %eq3A_236 = vector.broadcast %eq3A_235 : i32 to vector<16xi32>
        %eq3A_237 = arith.cmpi eq, %get3A_141, %eq3A_236 : vector<16xi32>
        %select_n3A_238 = arith.select %eq3A_237, %get3A_232, %mul3A_151 : vector<16xi1>, vector<16xf32>
        %add3A_239 = arith.addf %add3A_225, %select_n3A_238 : vector<16xf32>
        %get3A_240 = arith.constant 7 : i32
        %get3A_241 = arith.constant 7 : i32
        %get3A_242 = arith.index_cast %get3A_240 : i32 to index
        %get3A_243 = arith.index_cast %get3A_241 : i32 to index
        %get3A_244 = arith.index_cast %mul3A_137 : i32 to index
        %get3A_245 = tpu.vector_load %arg6[%get3A_242, %get3A_243, %get3A_244] {strides = array<i32>} : memref<19x8x512xf32, #tpu.memory_space<vmem>>, vector<1x1x16xf32>,
        %get3A_246 = vector.shape_cast %get3A_245 : vector<1x1x16xf32> to vector<16xf32>
        %exp3A_247 = math.exp %get3A_246 : vector<16xf32>
        %add3A_248 = arith.addf %add3A_234, %exp3A_247 : vector<16xf32>
        %eq3A_249 = arith.constant 7 : i32
        %eq3A_250 = vector.broadcast %eq3A_249 : i32 to vector<16xi32>
        %eq3A_251 = arith.cmpi eq, %get3A_141, %eq3A_250 : vector<16xi32>
        %select_n3A_252 = arith.select %eq3A_251, %get3A_246, %mul3A_151 : vector<16xi1>, vector<16xf32>
        %add3A_253 = arith.addf %add3A_239, %select_n3A_252 : vector<16xf32>
        %get3A_254 = arith.constant 8 : i32
        %get3A_255 = arith.constant 7 : i32
        %get3A_256 = arith.index_cast %get3A_254 : i32 to index
        %get3A_257 = arith.index_cast %get3A_255 : i32 to index
        %get3A_258 = arith.index_cast %mul3A_137 : i32 to index
        %get3A_259 = tpu.vector_load %arg6[%get3A_256, %get3A_257, %get3A_258] {strides = array<i32>} : memref<19x8x512xf32, #tpu.memory_space<vmem>>, vector<1x1x16xf32>,
        %get3A_260 = vector.shape_cast %get3A_259 : vector<1x1x16xf32> to vector<16xf32>
        %exp3A_261 = math.exp %get3A_260 : vector<16xf32>
        %add3A_262 = arith.addf %add3A_248, %exp3A_261 : vector<16xf32>
        %eq3A_263 = arith.constant 8 : i32
        %eq3A_264 = vector.broadcast %eq3A_263 : i32 to vector<16xi32>
        %eq3A_265 = arith.cmpi eq, %get3A_141, %eq3A_264 : vector<16xi32>
        %select_n3A_266 = arith.select %eq3A_265, %get3A_260, %mul3A_151 : vector<16xi1>, vector<16xf32>
        %add3A_267 = arith.addf %add3A_253, %select_n3A_266 : vector<16xf32>
        %get3A_268 = arith.constant 9 : i32
        %get3A_269 = arith.constant 7 : i32
        %get3A_270 = arith.index_cast %get3A_268 : i32 to index
        %get3A_271 = arith.index_cast %get3A_269 : i32 to index
        %get3A_272 = arith.index_cast %mul3A_137 : i32 to index
        %get3A_273 = tpu.vector_load %arg6[%get3A_270, %get3A_271, %get3A_272] {strides = array<i32>} : memref<19x8x512xf32, #tpu.memory_space<vmem>>, vector<1x1x16xf32>,
        %get3A_274 = vector.shape_cast %get3A_273 : vector<1x1x16xf32> to vector<16xf32>
        %exp3A_275 = math.exp %get3A_274 : vector<16xf32>
        %add3A_276 = arith.addf %add3A_262, %exp3A_275 : vector<16xf32>
        %eq3A_277 = arith.constant 9 : i32
        %eq3A_278 = vector.broadcast %eq3A_277 : i32 to vector<16xi32>
        %eq3A_279 = arith.cmpi eq, %get3A_141, %eq3A_278 : vector<16xi32>
        %select_n3A_280 = arith.select %eq3A_279, %get3A_274, %mul3A_151 : vector<16xi1>, vector<16xf32>
        %add3A_281 = arith.addf %add3A_267, %select_n3A_280 : vector<16xf32>
        %get3A_282 = arith.constant 10 : i32
        %get3A_283 = arith.constant 7 : i32
        %get3A_284 = arith.index_cast %get3A_282 : i32 to index
        %get3A_285 = arith.index_cast %get3A_283 : i32 to index
        %get3A_286 = arith.index_cast %mul3A_137 : i32 to index
        %get3A_287 = tpu.vector_load %arg6[%get3A_284, %get3A_285, %get3A_286] {strides = array<i32>} : memref<19x8x512xf32, #tpu.memory_space<vmem>>, vector<1x1x16xf32>,
        %get3A_288 = vector.shape_cast %get3A_287 : vector<1x1x16xf32> to vector<16xf32>
        %exp3A_289 = math.exp %get3A_288 : vector<16xf32>
        %add3A_290 = arith.addf %add3A_276, %exp3A_289 : vector<16xf32>
        %eq3A_291 = arith.constant 10 : i32
        %eq3A_292 = vector.broadcast %eq3A_291 : i32 to vector<16xi32>
        %eq3A_293 = arith.cmpi eq, %get3A_141, %eq3A_292 : vector<16xi32>
        %select_n3A_294 = arith.select %eq3A_293, %get3A_288, %mul3A_151 : vector<16xi1>, vector<16xf32>
        %add3A_295 = arith.addf %add3A_281, %select_n3A_294 : vector<16xf32>
        %get3A_296 = arith.constant 11 : i32
        %get3A_297 = arith.constant 7 : i32
        %get3A_298 = arith.index_cast %get3A_296 : i32 to index
        %get3A_299 = arith.index_cast %get3A_297 : i32 to index
        %get3A_300 = arith.index_cast %mul3A_137 : i32 to index
        %get3A_301 = tpu.vector_load %arg6[%get3A_298, %get3A_299, %get3A_300] {strides = array<i32>} : memref<19x8x512xf32, #tpu.memory_space<vmem>>, vector<1x1x16xf32>,
        %get3A_302 = vector.shape_cast %get3A_301 : vector<1x1x16xf32> to vector<16xf32>
        %exp3A_303 = math.exp %get3A_302 : vector<16xf32>
        %add3A_304 = arith.addf %add3A_290, %exp3A_303 : vector<16xf32>
        %eq3A_305 = arith.constant 11 : i32
        %eq3A_306 = vector.broadcast %eq3A_305 : i32 to vector<16xi32>
        %eq3A_307 = arith.cmpi eq, %get3A_141, %eq3A_306 : vector<16xi32>
        %select_n3A_308 = arith.select %eq3A_307, %get3A_302, %mul3A_151 : vector<16xi1>, vector<16xf32>
        %add3A_309 = arith.addf %add3A_295, %select_n3A_308 : vector<16xf32>
        %get3A_310 = arith.constant 12 : i32
        %get3A_311 = arith.constant 7 : i32
        %get3A_312 = arith.index_cast %get3A_310 : i32 to index
        %get3A_313 = arith.index_cast %get3A_311 : i32 to index
        %get3A_314 = arith.index_cast %mul3A_137 : i32 to index
        %get3A_315 = tpu.vector_load %arg6[%get3A_312, %get3A_313, %get3A_314] {strides = array<i32>} : memref<19x8x512xf32, #tpu.memory_space<vmem>>, vector<1x1x16xf32>,
        %get3A_316 = vector.shape_cast %get3A_315 : vector<1x1x16xf32> to vector<16xf32>
        %exp3A_317 = math.exp %get3A_316 : vector<16xf32>
        %add3A_318 = arith.addf %add3A_304, %exp3A_317 : vector<16xf32>
        %eq3A_319 = arith.constant 12 : i32
        %eq3A_320 = vector.broadcast %eq3A_319 : i32 to vector<16xi32>
        %eq3A_321 = arith.cmpi eq, %get3A_141, %eq3A_320 : vector<16xi32>
        %select_n3A_322 = arith.select %eq3A_321, %get3A_316, %mul3A_151 : vector<16xi1>, vector<16xf32>
        %add3A_323 = arith.addf %add3A_309, %select_n3A_322 : vector<16xf32>
        %get3A_324 = arith.constant 13 : i32
        %get3A_325 = arith.constant 7 : i32
        %get3A_326 = arith.index_cast %get3A_324 : i32 to index
        %get3A_327 = arith.index_cast %get3A_325 : i32 to index
        %get3A_328 = arith.index_cast %mul3A_137 : i32 to index
        %get3A_329 = tpu.vector_load %arg6[%get3A_326, %get3A_327, %get3A_328] {strides = array<i32>} : memref<19x8x512xf32, #tpu.memory_space<vmem>>, vector<1x1x16xf32>,
        %get3A_330 = vector.shape_cast %get3A_329 : vector<1x1x16xf32> to vector<16xf32>
        %exp3A_331 = math.exp %get3A_330 : vector<16xf32>
        %add3A_332 = arith.addf %add3A_318, %exp3A_331 : vector<16xf32>
        %eq3A_333 = arith.constant 13 : i32
        %eq3A_334 = vector.broadcast %eq3A_333 : i32 to vector<16xi32>
        %eq3A_335 = arith.cmpi eq, %get3A_141, %eq3A_334 : vector<16xi32>
        %select_n3A_336 = arith.select %eq3A_335, %get3A_330, %mul3A_151 : vector<16xi1>, vector<16xf32>
        %add3A_337 = arith.addf %add3A_323, %select_n3A_336 : vector<16xf32>
        %get3A_338 = arith.constant 14 : i32
        %get3A_339 = arith.constant 7 : i32
        %get3A_340 = arith.index_cast %get3A_338 : i32 to index
        %get3A_341 = arith.index_cast %get3A_339 : i32 to index
        %get3A_342 = arith.index_cast %mul3A_137 : i32 to index
        %get3A_343 = tpu.vector_load %arg6[%get3A_340, %get3A_341, %get3A_342] {strides = array<i32>} : memref<19x8x512xf32, #tpu.memory_space<vmem>>, vector<1x1x16xf32>,
        %get3A_344 = vector.shape_cast %get3A_343 : vector<1x1x16xf32> to vector<16xf32>
        %exp3A_345 = math.exp %get3A_344 : vector<16xf32>
        %add3A_346 = arith.addf %add3A_332, %exp3A_345 : vector<16xf32>
        %eq3A_347 = arith.constant 14 : i32
        %eq3A_348 = vector.broadcast %eq3A_347 : i32 to vector<16xi32>
        %eq3A_349 = arith.cmpi eq, %get3A_141, %eq3A_348 : vector<16xi32>
        %select_n3A_350 = arith.select %eq3A_349, %get3A_344, %mul3A_151 : vector<16xi1>, vector<16xf32>
        %add3A_351 = arith.addf %add3A_337, %select_n3A_350 : vector<16xf32>
        %get3A_352 = arith.constant 15 : i32
        %get3A_353 = arith.constant 7 : i32
        %get3A_354 = arith.index_cast %get3A_352 : i32 to index
        %get3A_355 = arith.index_cast %get3A_353 : i32 to index
        %get3A_356 = arith.index_cast %mul3A_137 : i32 to index
        %get3A_357 = tpu.vector_load %arg6[%get3A_354, %get3A_355, %get3A_356] {strides = array<i32>} : memref<19x8x512xf32, #tpu.memory_space<vmem>>, vector<1x1x16xf32>,
        %get3A_358 = vector.shape_cast %get3A_357 : vector<1x1x16xf32> to vector<16xf32>
        %exp3A_359 = math.exp %get3A_358 : vector<16xf32>
        %add3A_360 = arith.addf %add3A_346, %exp3A_359 : vector<16xf32>
        %eq3A_361 = arith.constant 15 : i32
        %eq3A_362 = vector.broadcast %eq3A_361 : i32 to vector<16xi32>
        %eq3A_363 = arith.cmpi eq, %get3A_141, %eq3A_362 : vector<16xi32>
        %select_n3A_364 = arith.select %eq3A_363, %get3A_358, %mul3A_151 : vector<16xi1>, vector<16xf32>
        %add3A_365 = arith.addf %add3A_351, %select_n3A_364 : vector<16xf32>
        %get3A_366 = arith.constant 16 : i32
        %get3A_367 = arith.constant 7 : i32
        %get3A_368 = arith.index_cast %get3A_366 : i32 to index
        %get3A_369 = arith.index_cast %get3A_367 : i32 to index
        %get3A_370 = arith.index_cast %mul3A_137 : i32 to index
        %get3A_371 = tpu.vector_load %arg6[%get3A_368, %get3A_369, %get3A_370] {strides = array<i32>} : memref<19x8x512xf32, #tpu.memory_space<vmem>>, vector<1x1x16xf32>,
        %get3A_372 = vector.shape_cast %get3A_371 : vector<1x1x16xf32> to vector<16xf32>
        %exp3A_373 = math.exp %get3A_372 : vector<16xf32>
        %add3A_374 = arith.addf %add3A_360, %exp3A_373 : vector<16xf32>
        %eq3A_375 = arith.constant 16 : i32
        %eq3A_376 = vector.broadcast %eq3A_375 : i32 to vector<16xi32>
        %eq3A_377 = arith.cmpi eq, %get3A_141, %eq3A_376 : vector<16xi32>
        %select_n3A_378 = arith.select %eq3A_377, %get3A_372, %mul3A_151 : vector<16xi1>, vector<16xf32>
        %add3A_379 = arith.addf %add3A_365, %select_n3A_378 : vector<16xf32>
        %get3A_380 = arith.constant 17 : i32
        %get3A_381 = arith.constant 7 : i32
        %get3A_382 = arith.index_cast %get3A_380 : i32 to index
        %get3A_383 = arith.index_cast %get3A_381 : i32 to index
        %get3A_384 = arith.index_cast %mul3A_137 : i32 to index
        %get3A_385 = tpu.vector_load %arg6[%get3A_382, %get3A_383, %get3A_384] {strides = array<i32>} : memref<19x8x512xf32, #tpu.memory_space<vmem>>, vector<1x1x16xf32>,
        %get3A_386 = vector.shape_cast %get3A_385 : vector<1x1x16xf32> to vector<16xf32>
        %exp3A_387 = math.exp %get3A_386 : vector<16xf32>
        %add3A_388 = arith.addf %add3A_374, %exp3A_387 : vector<16xf32>
        %eq3A_389 = arith.constant 17 : i32
        %eq3A_390 = vector.broadcast %eq3A_389 : i32 to vector<16xi32>
        %eq3A_391 = arith.cmpi eq, %get3A_141, %eq3A_390 : vector<16xi32>
        %select_n3A_392 = arith.select %eq3A_391, %get3A_386, %mul3A_151 : vector<16xi1>, vector<16xf32>
        %add3A_393 = arith.addf %add3A_379, %select_n3A_392 : vector<16xf32>
        %get3A_394 = arith.constant 18 : i32
        %get3A_395 = arith.constant 7 : i32
        %get3A_396 = arith.index_cast %get3A_394 : i32 to index
        %get3A_397 = arith.index_cast %get3A_395 : i32 to index
        %get3A_398 = arith.index_cast %mul3A_137 : i32 to index
        %get3A_399 = tpu.vector_load %arg6[%get3A_396, %get3A_397, %get3A_398] {strides = array<i32>} : memref<19x8x512xf32, #tpu.memory_space<vmem>>, vector<1x1x16xf32>,
        %get3A_400 = vector.shape_cast %get3A_399 : vector<1x1x16xf32> to vector<16xf32>
        %exp3A_401 = math.exp %get3A_400 : vector<16xf32>
        %add3A_402 = arith.addf %add3A_388, %exp3A_401 : vector<16xf32>
        %eq3A_403 = arith.constant 18 : i32
        %eq3A_404 = vector.broadcast %eq3A_403 : i32 to vector<16xi32>
        %eq3A_405 = arith.cmpi eq, %get3A_141, %eq3A_404 : vector<16xi32>
        %select_n3A_406 = arith.select %eq3A_405, %get3A_400, %mul3A_151 : vector<16xi1>, vector<16xf32>
        %add3A_407 = arith.addf %add3A_393, %select_n3A_406 : vector<16xf32>
        %ne3A_408 = arith.constant 255 : i32
        %ne3A_409 = vector.broadcast %ne3A_408 : i32 to vector<16xi32>
        %ne3A_410 = arith.cmpi ne, %get3A_141, %ne3A_409 : vector<16xi32>
        %neg3A = arith.constant 0.000000e+00 : f32
        %neg3A_411 = vector.broadcast %neg3A : f32 to vector<16xf32>
        %neg3A_412 = arith.subf %neg3A_411, %add3A_407 : vector<16xf32>
        %exp3A_413 = math.exp %neg3A_412 : vector<16xf32>
        %mul3A_414 = arith.mulf %add3A_402, %exp3A_413 : vector<16xf32>
        %add3A_415 = arith.constant 1.000000e+00 : f32
        %add3A_416 = vector.broadcast %add3A_415 : f32 to vector<16xf32>
        %add3A_417 = arith.addf %mul3A_151, %add3A_416 : vector<16xf32>
        %select_n3A_418 = arith.select %ne3A_410, %mul3A_414, %add3A_417 : vector<16xi1>, vector<16xf32>
        %add3A_419 = arith.constant 3584 : i32
        %add3A_420 = arith.addi %add3A_419, %mul3A_137 : i32
        %swap3A_421 = arith.index_cast %add3A_420 : i32 to index
        %swap3A_422 = tpu.vector_load %arg8[%swap3A_421] {strides = array<i32>} : memref<4096xf32, #tpu.memory_space<vmem>>, vector<16xf32>,
        %swap3A_423 = vector.shape_cast %swap3A_422 : vector<16xf32> to vector<16xf32>
        %swap3A_424 = vector.shape_cast %select_n3A_418 : vector<16xf32> to vector<16xf32>
        tpu.vector_store %arg8[%swap3A_421], %swap3A_424 {strides = array<i32>} : memref<4096xf32, #tpu.memory_space<vmem>>, vector<16xf32>,
        %mul3A_425 = arith.constant 0 : i32
        %mul3A_426 = vector.broadcast %mul3A_425 : i32 to vector<16xi32>
        %mul3A_427 = arith.muli %get3A_141, %mul3A_426 : vector<16xi32>
        %add3A_428 = arith.constant 1 : i32
        %add3A_429 = vector.broadcast %add3A_428 : i32 to vector<16xi32>
        %add3A_430 = arith.addi %mul3A_427, %add3A_429 : vector<16xi32>
        %select_n3A_431 = arith.select %ne3A_410, %add3A_430, %mul3A_427 : vector<16xi1>, vector<16xi32>
        %add3A_432 = arith.addi %scan3A_135, %select_n3A_431 : vector<16xi32>
        scf.yield %add3A_432 : vector<16xi32>
      }
      %scan3A_133 = arith.constant 32 : i32
      "tpu.region"() ({
        %run_scoped3A_134 = tpu.sem_alloc : memref<!tpu.dma_semaphore, #tpu.memory_space<semaphore_mem>>
        %dma_start3A = arith.constant 0 : i32
        %dma_start3A_135 = tpu.memref_slice %arg4[%select_n3A, %select_n3A_44, %dma_start3A] : memref<3x64x4096xf32, #tpu.memory_space<hbm>> -> memref<1x1x4096xf32, #tpu.memory_space<hbm>>
        %dma_start3A_136 = tpu.memref_squeeze %dma_start3A_135 : memref<1x1x4096xf32, #tpu.memory_space<hbm>> -> memref<4096xf32, #tpu.memory_space<hbm>>
        %dma_start3A_137 = arith.constant 0 : i32
        %dma_start3A_138 = tpu.memref_slice %arg4[%select_n3A, %select_n3A_44, %dma_start3A_137] : memref<3x64x4096xf32, #tpu.memory_space<hbm>> -> memref<1x1x4096xf32, #tpu.memory_space<hbm>>
        %dma_start3A_139 = tpu.memref_squeeze %dma_start3A_138 : memref<1x1x4096xf32, #tpu.memory_space<hbm>> -> memref<4096xf32, #tpu.memory_space<hbm>>
        tpu.enqueue_dma source(%arg8 : memref<4096xf32, #tpu.memory_space<vmem>>) target(%dma_start3A_139 : memref<4096xf32, #tpu.memory_space<hbm>>) target_semaphore(%run_scoped3A_134 : memref<!tpu.dma_semaphore, #tpu.memory_space<semaphore_mem>>)
        %dma_wait3A = arith.constant 0 : i32
        %dma_wait3A_140 = tpu.memref_slice %arg4[%select_n3A, %select_n3A_44, %dma_wait3A] : memref<3x64x4096xf32, #tpu.memory_space<hbm>> -> memref<1x1x4096xf32, #tpu.memory_space<hbm>>
        %dma_wait3A_141 = tpu.memref_squeeze %dma_wait3A_140 : memref<1x1x4096xf32, #tpu.memory_space<hbm>> -> memref<4096xf32, #tpu.memory_space<hbm>>
        %dma_wait3A_142 = arith.constant 0 : i32
        %dma_wait3A_143 = tpu.memref_slice %arg4[%select_n3A, %select_n3A_44, %dma_wait3A_142] : memref<3x64x4096xf32, #tpu.memory_space<hbm>> -> memref<1x1x4096xf32, #tpu.memory_space<hbm>>
        %dma_wait3A_144 = tpu.memref_squeeze %dma_wait3A_143 : memref<1x1x4096xf32, #tpu.memory_space<hbm>> -> memref<4096xf32, #tpu.memory_space<hbm>>
        tpu.wait_dma2 semaphore(%run_scoped3A_134 : memref<!tpu.dma_semaphore, #tpu.memory_space<semaphore_mem>>) src(%arg8 : memref<4096xf32, #tpu.memory_space<vmem>>) dst(%dma_wait3A_144 : memref<4096xf32, #tpu.memory_space<hbm>>)
        tpu.yield
      }) : () -> ()
      scf.yield %scan3A_132 : vector<16xi32>
    }
    %scan3A_6 = arith.constant 6 : i32
    %swap3A = arith.constant 0 : index
    %swap3A_7 = tpu.vector_load %arg9[%swap3A] {strides = array<i32>} : memref<16xi32, #tpu.memory_space<vmem>>, vector<16xi32>,
    %swap3A_8 = vector.shape_cast %swap3A_7 : vector<16xi32> to vector<16xi32>
    %swap3A_9 = vector.shape_cast %scan3A_5 : vector<16xi32> to vector<16xi32>
    tpu.vector_store %arg9[%swap3A], %swap3A_9 {strides = array<i32>} : memref<16xi32, #tpu.memory_space<vmem>>, vector<16xi32>,
    "tpu.region"() ({
      %run_scoped3A = tpu.sem_alloc : memref<!tpu.dma_semaphore, #tpu.memory_space<semaphore_mem>>
      %dma_start3A = arith.constant 0 : i32
      %dma_start3A_10 = tpu.memref_slice %arg5[%add3A, %dma_start3A] : memref<32x16xi32, #tpu.memory_space<hbm>> -> memref<1x16xi32, #tpu.memory_space<hbm>>
      %dma_start3A_11 = tpu.memref_squeeze %dma_start3A_10 : memref<1x16xi32, #tpu.memory_space<hbm>> -> memref<16xi32, #tpu.memory_space<hbm>>
      %dma_start3A_12 = arith.constant 0 : i32
      %dma_start3A_13 = tpu.memref_slice %arg5[%add3A, %dma_start3A_12] : memref<32x16xi32, #tpu.memory_space<hbm>> -> memref<1x16xi32, #tpu.memory_space<hbm>>
      %dma_start3A_14 = tpu.memref_squeeze %dma_start3A_13 : memref<1x16xi32, #tpu.memory_space<hbm>> -> memref<16xi32, #tpu.memory_space<hbm>>
      tpu.enqueue_dma source(%arg9 : memref<16xi32, #tpu.memory_space<vmem>>) target(%dma_start3A_14 : memref<16xi32, #tpu.memory_space<hbm>>) target_semaphore(%run_scoped3A : memref<!tpu.dma_semaphore, #tpu.memory_space<semaphore_mem>>)
      %dma_wait3A = arith.constant 0 : i32
      %dma_wait3A_15 = tpu.memref_slice %arg5[%add3A, %dma_wait3A] : memref<32x16xi32, #tpu.memory_space<hbm>> -> memref<1x16xi32, #tpu.memory_space<hbm>>
      %dma_wait3A_16 = tpu.memref_squeeze %dma_wait3A_15 : memref<1x16xi32, #tpu.memory_space<hbm>> -> memref<16xi32, #tpu.memory_space<hbm>>
      %dma_wait3A_17 = arith.constant 0 : i32
      %dma_wait3A_18 = tpu.memref_slice %arg5[%add3A, %dma_wait3A_17] : memref<32x16xi32, #tpu.memory_space<hbm>> -> memref<1x16xi32, #tpu.memory_space<hbm>>
      %dma_wait3A_19 = tpu.memref_squeeze %dma_wait3A_18 : memref<1x16xi32, #tpu.memory_space<hbm>> -> memref<16xi32, #tpu.memory_space<hbm>>
      tpu.wait_dma2 semaphore(%run_scoped3A : memref<!tpu.dma_semaphore, #tpu.memory_space<semaphore_mem>>) src(%arg9 : memref<16xi32, #tpu.memory_space<vmem>>) dst(%dma_wait3A_19 : memref<16xi32, #tpu.memory_space<hbm>>)
      tpu.yield
    }) : () -> ()
    return
  }
}

module attributes {stable_mosaic.version = 14 : i64} {
  func.func @_main_kernel(%arg0: i32, %arg1: i32, %arg2: memref<1x19x64x512xf32, #tpu.memory_space<vmem>>, %arg3: memref<1x1x64x512xi32, #tpu.memory_space<vmem>>, %arg4: memref<5x3xf32, #tpu.memory_space<smem>>, %arg5: memref<3x64x512xf32, #tpu.memory_space<vmem>>) attributes {dimension_semantics = [#tpu.dimension_semantics<parallel>, #tpu.dimension_semantics<arbitrary>], iteration_bounds = array<i64: 5, 8>, scalar_prefetch = 0 : i64, scratch_operands = 1 : i64, tpu.core_type = #tpu.core_type<tc>, window_params = [{transform_indices = @transform_0, window_bounds = array<i64: 1, 19, 64, 512>}, {transform_indices = @transform_1, window_bounds = array<i64: 1, 1, 64, 512>}, {transform_indices = @transform_2, window_bounds = array<i64: 5, 3>}]} {
    %eq3A = arith.constant 0 : i32
    %eq3A_0 = arith.cmpi eq, %arg1, %eq3A : i32
    %eq3A_1 = arith.constant 7 : i32
    %eq3A_2 = arith.cmpi eq, %arg1, %eq3A_1 : i32
    %get3A = arith.constant 0 : index
    %get3A_3 = arith.constant 0 : index
    %get3A_4 = arith.constant 0 : index
    %get3A_5 = arith.constant 0 : index
    %get3A_6 = vector.load %arg2[%get3A, %get3A_3, %get3A_4, %get3A_5] : memref<1x19x64x512xf32, #tpu.memory_space<vmem>>, vector<1x19x64x512xf32>
    %get3A_7 = vector.shape_cast %get3A_6 : vector<1x19x64x512xf32> to vector<19x64x512xf32>
    %get3A_8 = arith.constant 0 : index
    %get3A_9 = arith.constant 0 : index
    %get3A_10 = arith.constant 0 : index
    %get3A_11 = arith.constant 0 : index
    %get3A_12 = vector.load %arg3[%get3A_8, %get3A_9, %get3A_10, %get3A_11] : memref<1x1x64x512xi32, #tpu.memory_space<vmem>>, vector<1x1x64x512xi32>
    %get3A_13 = vector.shape_cast %get3A_12 : vector<1x1x64x512xi32> to vector<64x512xi32>
    %exp3A = math.exp %get3A_7 : vector<19x64x512xf32>
    %reduce_sum3A = arith.constant dense<0.000000e+00> : vector<64x512xf32>
    %reduce_sum3A_14 = vector.multi_reduction <add>, %exp3A, %reduce_sum3A [0] : vector<19x64x512xf32> to vector<64x512xf32>
    %log3A = math.log %reduce_sum3A_14 : vector<64x512xf32>
    %iota3A = tpu.iota {dimensions = array<i32: 0>} : vector<19x64x512xi32>
    %broadcast_in_dim3A = vector.shape_cast %get3A_13 : vector<64x512xi32> to vector<1x64x512xi32>
    %eq3A_15 = vector.broadcast %broadcast_in_dim3A : vector<1x64x512xi32> to vector<19x64x512xi32>
    %eq3A_16 = arith.cmpi eq, %iota3A, %eq3A_15 : vector<19x64x512xi32>
    %jit3A = arith.constant 0.000000e+00 : f32
    %broadcast_in_dim3A_17 = vector.broadcast %jit3A : f32 to vector<19x64x512xf32>
    %select_n3A = arith.select %eq3A_16, %get3A_7, %broadcast_in_dim3A_17 : vector<19x64x512xi1>, vector<19x64x512xf32>
    %reduce_sum3A_18 = arith.constant dense<0.000000e+00> : vector<64x512xf32>
    %reduce_sum3A_19 = vector.multi_reduction <add>, %select_n3A, %reduce_sum3A_18 [0] : vector<19x64x512xf32> to vector<64x512xf32>
    %ne3A = arith.constant 255 : i32
    %ne3A_20 = vector.broadcast %ne3A : i32 to vector<64x512xi32>
    %ne3A_21 = arith.cmpi ne, %get3A_13, %ne3A_20 : vector<64x512xi32>
    %sub3A = arith.subf %log3A, %reduce_sum3A_19 : vector<64x512xf32>
    %jit3A_22 = arith.constant 0.000000e+00 : f32
    %broadcast_in_dim3A_23 = vector.broadcast %jit3A_22 : f32 to vector<64x512xf32>
    %select_n3A_24 = arith.select %ne3A_21, %sub3A, %broadcast_in_dim3A_23 : vector<64x512xi1>, vector<64x512xf32>
    %gt3A = arith.constant 0.356674939 : f32
    %gt3A_25 = vector.broadcast %gt3A : f32 to vector<64x512xf32>
    %gt3A_26 = arith.cmpf ogt, %select_n3A_24, %gt3A_25 : vector<64x512xf32>
    %convert_element_type3A = arith.extui %gt3A_26 : vector<64x512xi1> to vector<64x512xi32>
    %convert_element_type3A_27 = arith.sitofp %convert_element_type3A : vector<64x512xi32> to vector<64x512xf32>
    %jit3A_28 = arith.constant 0.000000e+00 : f32
    %broadcast_in_dim3A_29 = vector.broadcast %jit3A_28 : f32 to vector<64x512xf32>
    %select_n3A_30 = arith.select %gt3A_26, %select_n3A_24, %broadcast_in_dim3A_29 : vector<64x512xi1>, vector<64x512xf32>
    %convert_element_type3A_31 = arith.extui %ne3A_21 : vector<64x512xi1> to vector<64x512xi32>
    %convert_element_type3A_32 = arith.sitofp %convert_element_type3A_31 : vector<64x512xi32> to vector<64x512xf32>
    %convert_element_type3A_33 = arith.extui %eq3A_0 : i1 to i32
    %cond3A = arith.constant 0 : i32
    %cond3A_34 = arith.cmpi ne, %convert_element_type3A_33, %cond3A : i32
    scf.if %cond3A_34 {
      %swap3A = arith.constant 0 : index
      %swap3A_42 = arith.constant 0 : index
      %swap3A_43 = arith.constant 0 : index
      %swap3A_44 = vector.load %arg5[%swap3A, %swap3A_42, %swap3A_43] : memref<3x64x512xf32, #tpu.memory_space<vmem>>, vector<1x64x512xf32>
      %swap3A_45 = vector.shape_cast %swap3A_44 : vector<1x64x512xf32> to vector<64x512xf32>
      %swap3A_46 = vector.shape_cast %convert_element_type3A_27 : vector<64x512xf32> to vector<1x64x512xf32>
      tpu.vector_store %arg5[%swap3A, %swap3A_42, %swap3A_43], %swap3A_46 {strides = array<i32>} : memref<3x64x512xf32, #tpu.memory_space<vmem>>, vector<1x64x512xf32>,
      %swap3A_47 = arith.constant 1 : index
      %swap3A_48 = arith.constant 0 : index
      %swap3A_49 = arith.constant 0 : index
      %swap3A_50 = vector.load %arg5[%swap3A_47, %swap3A_48, %swap3A_49] : memref<3x64x512xf32, #tpu.memory_space<vmem>>, vector<1x64x512xf32>
      %swap3A_51 = vector.shape_cast %swap3A_50 : vector<1x64x512xf32> to vector<64x512xf32>
      %swap3A_52 = vector.shape_cast %select_n3A_30 : vector<64x512xf32> to vector<1x64x512xf32>
      tpu.vector_store %arg5[%swap3A_47, %swap3A_48, %swap3A_49], %swap3A_52 {strides = array<i32>} : memref<3x64x512xf32, #tpu.memory_space<vmem>>, vector<1x64x512xf32>,
      %swap3A_53 = arith.constant 2 : index
      %swap3A_54 = arith.constant 0 : index
      %swap3A_55 = arith.constant 0 : index
      %swap3A_56 = vector.load %arg5[%swap3A_53, %swap3A_54, %swap3A_55] : memref<3x64x512xf32, #tpu.memory_space<vmem>>, vector<1x64x512xf32>
      %swap3A_57 = vector.shape_cast %swap3A_56 : vector<1x64x512xf32> to vector<64x512xf32>
      %swap3A_58 = vector.shape_cast %convert_element_type3A_32 : vector<64x512xf32> to vector<1x64x512xf32>
      tpu.vector_store %arg5[%swap3A_53, %swap3A_54, %swap3A_55], %swap3A_58 {strides = array<i32>} : memref<3x64x512xf32, #tpu.memory_space<vmem>>, vector<1x64x512xf32>,
    } else {
    }
    %not3A = arith.constant true
    %not3A_35 = arith.xori %eq3A_0, %not3A : i1
    %convert_element_type3A_36 = arith.extui %not3A_35 : i1 to i32
    %cond3A_37 = arith.constant 0 : i32
    %cond3A_38 = arith.cmpi ne, %convert_element_type3A_36, %cond3A_37 : i32
    scf.if %cond3A_38 {
      %get3A_42 = arith.constant 0 : index
      %get3A_43 = arith.constant 0 : index
      %get3A_44 = arith.constant 0 : index
      %get3A_45 = vector.load %arg5[%get3A_42, %get3A_43, %get3A_44] : memref<3x64x512xf32, #tpu.memory_space<vmem>>, vector<1x64x512xf32>
      %get3A_46 = vector.shape_cast %get3A_45 : vector<1x64x512xf32> to vector<64x512xf32>
      %add3A = arith.addf %get3A_46, %convert_element_type3A_27 : vector<64x512xf32>
      %swap3A = arith.constant 0 : index
      %swap3A_47 = arith.constant 0 : index
      %swap3A_48 = arith.constant 0 : index
      %swap3A_49 = vector.load %arg5[%swap3A, %swap3A_47, %swap3A_48] : memref<3x64x512xf32, #tpu.memory_space<vmem>>, vector<1x64x512xf32>
      %swap3A_50 = vector.shape_cast %swap3A_49 : vector<1x64x512xf32> to vector<64x512xf32>
      %swap3A_51 = vector.shape_cast %add3A : vector<64x512xf32> to vector<1x64x512xf32>
      tpu.vector_store %arg5[%swap3A, %swap3A_47, %swap3A_48], %swap3A_51 {strides = array<i32>} : memref<3x64x512xf32, #tpu.memory_space<vmem>>, vector<1x64x512xf32>,
      %get3A_52 = arith.constant 1 : index
      %get3A_53 = arith.constant 0 : index
      %get3A_54 = arith.constant 0 : index
      %get3A_55 = vector.load %arg5[%get3A_52, %get3A_53, %get3A_54] : memref<3x64x512xf32, #tpu.memory_space<vmem>>, vector<1x64x512xf32>
      %get3A_56 = vector.shape_cast %get3A_55 : vector<1x64x512xf32> to vector<64x512xf32>
      %add3A_57 = arith.addf %get3A_56, %select_n3A_30 : vector<64x512xf32>
      %swap3A_58 = arith.constant 1 : index
      %swap3A_59 = arith.constant 0 : index
      %swap3A_60 = arith.constant 0 : index
      %swap3A_61 = vector.load %arg5[%swap3A_58, %swap3A_59, %swap3A_60] : memref<3x64x512xf32, #tpu.memory_space<vmem>>, vector<1x64x512xf32>
      %swap3A_62 = vector.shape_cast %swap3A_61 : vector<1x64x512xf32> to vector<64x512xf32>
      %swap3A_63 = vector.shape_cast %add3A_57 : vector<64x512xf32> to vector<1x64x512xf32>
      tpu.vector_store %arg5[%swap3A_58, %swap3A_59, %swap3A_60], %swap3A_63 {strides = array<i32>} : memref<3x64x512xf32, #tpu.memory_space<vmem>>, vector<1x64x512xf32>,
      %get3A_64 = arith.constant 2 : index
      %get3A_65 = arith.constant 0 : index
      %get3A_66 = arith.constant 0 : index
      %get3A_67 = vector.load %arg5[%get3A_64, %get3A_65, %get3A_66] : memref<3x64x512xf32, #tpu.memory_space<vmem>>, vector<1x64x512xf32>
      %get3A_68 = vector.shape_cast %get3A_67 : vector<1x64x512xf32> to vector<64x512xf32>
      %add3A_69 = arith.addf %get3A_68, %convert_element_type3A_32 : vector<64x512xf32>
      %swap3A_70 = arith.constant 2 : index
      %swap3A_71 = arith.constant 0 : index
      %swap3A_72 = arith.constant 0 : index
      %swap3A_73 = vector.load %arg5[%swap3A_70, %swap3A_71, %swap3A_72] : memref<3x64x512xf32, #tpu.memory_space<vmem>>, vector<1x64x512xf32>
      %swap3A_74 = vector.shape_cast %swap3A_73 : vector<1x64x512xf32> to vector<64x512xf32>
      %swap3A_75 = vector.shape_cast %add3A_69 : vector<64x512xf32> to vector<1x64x512xf32>
      tpu.vector_store %arg5[%swap3A_70, %swap3A_71, %swap3A_72], %swap3A_75 {strides = array<i32>} : memref<3x64x512xf32, #tpu.memory_space<vmem>>, vector<1x64x512xf32>,
    } else {
    }
    %convert_element_type3A_39 = arith.extui %eq3A_2 : i1 to i32
    %cond3A_40 = arith.constant 0 : i32
    %cond3A_41 = arith.cmpi ne, %convert_element_type3A_39, %cond3A_40 : i32
    scf.if %cond3A_41 {
      %get3A_42 = arith.constant 0 : index
      %get3A_43 = arith.constant 0 : index
      %get3A_44 = arith.constant 0 : index
      %get3A_45 = vector.load %arg5[%get3A_42, %get3A_43, %get3A_44] : memref<3x64x512xf32, #tpu.memory_space<vmem>>, vector<1x64x512xf32>
      %get3A_46 = vector.shape_cast %get3A_45 : vector<1x64x512xf32> to vector<64x512xf32>
      %reduce_sum3A_47 = vector.shape_cast %get3A_46 : vector<64x512xf32> to vector<1x64x512xf32>
      %reduce_sum3A_48 = arith.constant dense<0.000000e+00> : vector<1xf32>
      %reduce_sum3A_49 = vector.multi_reduction <add>, %reduce_sum3A_47, %reduce_sum3A_48 [1, 2] : vector<1x64x512xf32> to vector<1xf32>
      %reduce_sum3A_50 = vector.shape_cast %reduce_sum3A_49 : vector<1xf32> to vector<1x1x1xf32>
      %reduce_sum3A_51 = vector.extract %reduce_sum3A_50[0, 0, 0] : f32 from vector<1x1x1xf32>
      %swap3A = arith.index_cast %arg0 : i32 to index
      %swap3A_52 = arith.constant 0 : index
      %swap3A_53 = memref.load %arg4[%swap3A, %swap3A_52] : memref<5x3xf32, #tpu.memory_space<smem>>
      memref.store %reduce_sum3A_51, %arg4[%swap3A, %swap3A_52] : memref<5x3xf32, #tpu.memory_space<smem>>
      %get3A_54 = arith.constant 1 : index
      %get3A_55 = arith.constant 0 : index
      %get3A_56 = arith.constant 0 : index
      %get3A_57 = vector.load %arg5[%get3A_54, %get3A_55, %get3A_56] : memref<3x64x512xf32, #tpu.memory_space<vmem>>, vector<1x64x512xf32>
      %get3A_58 = vector.shape_cast %get3A_57 : vector<1x64x512xf32> to vector<64x512xf32>
      %reduce_sum3A_59 = vector.shape_cast %get3A_58 : vector<64x512xf32> to vector<1x64x512xf32>
      %reduce_sum3A_60 = arith.constant dense<0.000000e+00> : vector<1xf32>
      %reduce_sum3A_61 = vector.multi_reduction <add>, %reduce_sum3A_59, %reduce_sum3A_60 [1, 2] : vector<1x64x512xf32> to vector<1xf32>
      %reduce_sum3A_62 = vector.shape_cast %reduce_sum3A_61 : vector<1xf32> to vector<1x1x1xf32>
      %reduce_sum3A_63 = vector.extract %reduce_sum3A_62[0, 0, 0] : f32 from vector<1x1x1xf32>
      %swap3A_64 = arith.index_cast %arg0 : i32 to index
      %swap3A_65 = arith.constant 1 : index
      %swap3A_66 = memref.load %arg4[%swap3A_64, %swap3A_65] : memref<5x3xf32, #tpu.memory_space<smem>>
      memref.store %reduce_sum3A_63, %arg4[%swap3A_64, %swap3A_65] : memref<5x3xf32, #tpu.memory_space<smem>>
      %get3A_67 = arith.constant 2 : index
      %get3A_68 = arith.constant 0 : index
      %get3A_69 = arith.constant 0 : index
      %get3A_70 = vector.load %arg5[%get3A_67, %get3A_68, %get3A_69] : memref<3x64x512xf32, #tpu.memory_space<vmem>>, vector<1x64x512xf32>
      %get3A_71 = vector.shape_cast %get3A_70 : vector<1x64x512xf32> to vector<64x512xf32>
      %reduce_sum3A_72 = vector.shape_cast %get3A_71 : vector<64x512xf32> to vector<1x64x512xf32>
      %reduce_sum3A_73 = arith.constant dense<0.000000e+00> : vector<1xf32>
      %reduce_sum3A_74 = vector.multi_reduction <add>, %reduce_sum3A_72, %reduce_sum3A_73 [1, 2] : vector<1x64x512xf32> to vector<1xf32>
      %reduce_sum3A_75 = vector.shape_cast %reduce_sum3A_74 : vector<1xf32> to vector<1x1x1xf32>
      %reduce_sum3A_76 = vector.extract %reduce_sum3A_75[0, 0, 0] : f32 from vector<1x1x1xf32>
      %swap3A_77 = arith.index_cast %arg0 : i32 to index
      %swap3A_78 = arith.constant 2 : index
      %swap3A_79 = memref.load %arg4[%swap3A_77, %swap3A_78] : memref<5x3xf32, #tpu.memory_space<smem>>
      memref.store %reduce_sum3A_76, %arg4[%swap3A_77, %swap3A_78] : memref<5x3xf32, #tpu.memory_space<smem>>
    } else {
    }
    return
  }
  func.func @transform_0(%arg0: i32, %arg1: i32) -> (i32, i32, i32, i32) {
    %c0_i32 = arith.constant 0 : i32
    %c0_i32_0 = arith.constant 0 : i32
    %c0_i32_1 = arith.constant 0 : i32
    return %arg0, %c0_i32, %arg1, %c0_i32_0 : i32, i32, i32, i32
  }
  func.func @transform_1(%arg0: i32, %arg1: i32) -> (i32, i32, i32, i32) {
    %c0_i32 = arith.constant 0 : i32
    %c0_i32_0 = arith.constant 0 : i32
    %c0_i32_1 = arith.constant 0 : i32
    return %arg0, %arg1, %c0_i32, %c0_i32_0 : i32, i32, i32, i32
  }
  func.func @transform_2(%arg0: i32, %arg1: i32) -> (i32, i32) {
    %c0_i32 = arith.constant 0 : i32
    %c0_i32_0 = arith.constant 0 : i32
    %c0_i32_1 = arith.constant 0 : i32
    return %c0_i32, %c0_i32_0 : i32, i32
  }
}

module attributes {stable_mosaic.version = 14 : i64} {
  func.func @_finisher_kernel(%arg0: i32, %arg1: memref<1x64x4096xf32, #tpu.memory_space<vmem>>, %arg2: memref<3x2xf32, #tpu.memory_space<smem>>) attributes {dimension_semantics = [#tpu.dimension_semantics<arbitrary>], iteration_bounds = array<i64: 3>, scalar_prefetch = 0 : i64, scratch_operands = 0 : i64, tpu.core_type = #tpu.core_type<tc>, window_params = [{transform_indices = @transform_0, window_bounds = array<i64: 1, 64, 4096>}, {transform_indices = @transform_1, window_bounds = array<i64: 3, 2>}]} {
    %get3A = arith.constant 0 : index
    %get3A_0 = arith.constant 0 : index
    %get3A_1 = arith.constant 0 : index
    %get3A_2 = vector.load %arg1[%get3A, %get3A_0, %get3A_1] : memref<1x64x4096xf32, #tpu.memory_space<vmem>>, vector<1x64x4096xf32>
    %get3A_3 = vector.shape_cast %get3A_2 : vector<1x64x4096xf32> to vector<64x4096xf32>
    %log3A = math.log %get3A_3 : vector<64x4096xf32>
    %gt3A = arith.constant 0.356674939 : f32
    %gt3A_4 = vector.broadcast %gt3A : f32 to vector<64x4096xf32>
    %gt3A_5 = arith.cmpf ogt, %log3A, %gt3A_4 : vector<64x4096xf32>
    %convert_element_type3A = arith.extui %gt3A_5 : vector<64x4096xi1> to vector<64x4096xi32>
    %convert_element_type3A_6 = arith.sitofp %convert_element_type3A : vector<64x4096xi32> to vector<64x4096xf32>
    %reduce_sum3A = vector.shape_cast %convert_element_type3A_6 : vector<64x4096xf32> to vector<1x64x4096xf32>
    %reduce_sum3A_7 = arith.constant dense<0.000000e+00> : vector<1xf32>
    %reduce_sum3A_8 = vector.multi_reduction <add>, %reduce_sum3A, %reduce_sum3A_7 [1, 2] : vector<1x64x4096xf32> to vector<1xf32>
    %reduce_sum3A_9 = vector.shape_cast %reduce_sum3A_8 : vector<1xf32> to vector<1x1x1xf32>
    %reduce_sum3A_10 = vector.extract %reduce_sum3A_9[0, 0, 0] : f32 from vector<1x1x1xf32>
    %swap3A = arith.index_cast %arg0 : i32 to index
    %swap3A_11 = arith.constant 0 : index
    %swap3A_12 = memref.load %arg2[%swap3A, %swap3A_11] : memref<3x2xf32, #tpu.memory_space<smem>>
    memref.store %reduce_sum3A_10, %arg2[%swap3A, %swap3A_11] : memref<3x2xf32, #tpu.memory_space<smem>>
    %jit3A = arith.constant 0.000000e+00 : f32
    %broadcast_in_dim3A = vector.broadcast %jit3A : f32 to vector<64x4096xf32>
    %select_n3A = arith.select %gt3A_5, %log3A, %broadcast_in_dim3A : vector<64x4096xi1>, vector<64x4096xf32>
    %reduce_sum3A_13 = vector.shape_cast %select_n3A : vector<64x4096xf32> to vector<1x64x4096xf32>
    %reduce_sum3A_14 = arith.constant dense<0.000000e+00> : vector<1xf32>
    %reduce_sum3A_15 = vector.multi_reduction <add>, %reduce_sum3A_13, %reduce_sum3A_14 [1, 2] : vector<1x64x4096xf32> to vector<1xf32>
    %reduce_sum3A_16 = vector.shape_cast %reduce_sum3A_15 : vector<1xf32> to vector<1x1x1xf32>
    %reduce_sum3A_17 = vector.extract %reduce_sum3A_16[0, 0, 0] : f32 from vector<1x1x1xf32>
    %swap3A_18 = arith.index_cast %arg0 : i32 to index
    %swap3A_19 = arith.constant 1 : index
    %swap3A_20 = memref.load %arg2[%swap3A_18, %swap3A_19] : memref<3x2xf32, #tpu.memory_space<smem>>
    memref.store %reduce_sum3A_17, %arg2[%swap3A_18, %swap3A_19] : memref<3x2xf32, #tpu.memory_space<smem>>
    return
  }
  func.func @transform_0(%arg0: i32) -> (i32, i32, i32) {
    %c0_i32 = arith.constant 0 : i32
    %c0_i32_0 = arith.constant 0 : i32
    %c0_i32_1 = arith.constant 0 : i32
    return %arg0, %c0_i32, %c0_i32_0 : i32, i32, i32
  }
  func.func @transform_1(%arg0: i32) -> (i32, i32) {
    %c0_i32 = arith.constant 0 : i32
    %c0_i32_0 = arith.constant 0 : i32
    %c0_i32_1 = arith.constant 0 : i32
    return %c0_i32, %c0_i32_0 : i32, i32
  }
}

module attributes {stable_mosaic.version = 14 : i64} {
  func.func @_hist_kernel(%arg0: i32, %arg1: i32, %arg2: memref<1xi32, #tpu.memory_space<smem>>, %arg3: memref<1x19x2048xf32, #tpu.memory_space<vmem>>, %arg4: memref<1x1x2048xi32, #tpu.memory_space<vmem>>, %arg5: memref<512x1xf32, #tpu.memory_space<vmem>>, %arg6: memref<512x1xf32, #tpu.memory_space<vmem>>, %arg7: memref<512x2xf32, #tpu.memory_space<vmem>>) attributes {dimension_semantics = [#tpu.dimension_semantics<arbitrary>, #tpu.dimension_semantics<arbitrary>], iteration_bounds = array<i64: 8, 128>, scalar_prefetch = 0 : i64, scratch_operands = 1 : i64, tpu.core_type = #tpu.core_type<tc>, window_params = [{transform_indices = @transform_0, window_bounds = array<i64: 1>}, {transform_indices = @transform_1, window_bounds = array<i64: 1, 19, 2048>}, {transform_indices = @transform_2, window_bounds = array<i64: 1, 1, 2048>}, {pipeline_mode = #tpu.pipeline_mode<synchronous>, transform_indices = @transform_3, window_bounds = array<i64: 512, 1>}, {pipeline_mode = #tpu.pipeline_mode<synchronous>, transform_indices = @transform_4, window_bounds = array<i64: 512, 1>}]} {
    %eq3A = arith.constant 0 : i32
    %eq3A_0 = arith.cmpi eq, %arg0, %eq3A : i32
    %eq3A_1 = arith.constant 0 : i32
    %eq3A_2 = arith.cmpi eq, %arg1, %eq3A_1 : i32
    %and3A = arith.andi %eq3A_0, %eq3A_2 : i1
    %eq3A_3 = arith.constant 7 : i32
    %eq3A_4 = arith.cmpi eq, %arg0, %eq3A_3 : i32
    %eq3A_5 = arith.constant 127 : i32
    %eq3A_6 = arith.cmpi eq, %arg1, %eq3A_5 : i32
    %and3A_7 = arith.andi %eq3A_4, %eq3A_6 : i1
    %get3A = arith.constant 0 : index
    %get3A_8 = arith.constant 0 : index
    %get3A_9 = arith.constant 0 : index
    %get3A_10 = vector.load %arg3[%get3A, %get3A_8, %get3A_9] : memref<1x19x2048xf32, #tpu.memory_space<vmem>>, vector<1x19x2048xf32>
    %get3A_11 = vector.shape_cast %get3A_10 : vector<1x19x2048xf32> to vector<19x2048xf32>
    %get3A_12 = arith.constant 0 : index
    %get3A_13 = arith.constant 0 : index
    %get3A_14 = arith.constant 0 : index
    %get3A_15 = vector.load %arg4[%get3A_12, %get3A_13, %get3A_14] : memref<1x1x2048xi32, #tpu.memory_space<vmem>>, vector<1x1x2048xi32>
    %get3A_16 = vector.shape_cast %get3A_15 : vector<1x1x2048xi32> to vector<1x2048xi32>
    %reduce_max3A = arith.constant dense<0xFF800000> : vector<2048xf32>
    %reduce_max3A_17 = vector.multi_reduction <maximumf>, %get3A_11, %reduce_max3A [0] : vector<19x2048xf32> to vector<2048xf32>
    %broadcast_in_dim3A = vector.shape_cast %reduce_max3A_17 : vector<2048xf32> to vector<1x2048xf32>
    %sub3A = vector.broadcast %broadcast_in_dim3A : vector<1x2048xf32> to vector<19x2048xf32>
    %sub3A_18 = arith.subf %get3A_11, %sub3A : vector<19x2048xf32>
    %exp3A = math.exp %sub3A_18 : vector<19x2048xf32>
    %reduce_sum3A = arith.constant dense<0.000000e+00> : vector<2048xf32>
    %reduce_sum3A_19 = vector.multi_reduction <add>, %exp3A, %reduce_sum3A [0] : vector<19x2048xf32> to vector<2048xf32>
    %broadcast_in_dim3A_20 = vector.shape_cast %reduce_sum3A_19 : vector<2048xf32> to vector<1x2048xf32>
    %log3A = math.log %broadcast_in_dim3A_20 : vector<1x2048xf32>
    %add3A = arith.addf %broadcast_in_dim3A, %log3A : vector<1x2048xf32>
    %iota3A = tpu.iota {dimensions = array<i32: 0>} : vector<19x2048xi32>
    %eq3A_21 = vector.broadcast %get3A_16 : vector<1x2048xi32> to vector<19x2048xi32>
    %eq3A_22 = arith.cmpi eq, %iota3A, %eq3A_21 : vector<19x2048xi32>
    %jit3A = arith.constant 0.000000e+00 : f32
    %broadcast_in_dim3A_23 = vector.broadcast %jit3A : f32 to vector<19x2048xf32>
    %select_n3A = arith.select %eq3A_22, %get3A_11, %broadcast_in_dim3A_23 : vector<19x2048xi1>, vector<19x2048xf32>
    %reduce_sum3A_24 = arith.constant dense<0.000000e+00> : vector<2048xf32>
    %reduce_sum3A_25 = vector.multi_reduction <add>, %select_n3A, %reduce_sum3A_24 [0] : vector<19x2048xf32> to vector<2048xf32>
    %broadcast_in_dim3A_26 = vector.shape_cast %reduce_sum3A_25 : vector<2048xf32> to vector<1x2048xf32>
    %ne3A = arith.constant 255 : i32
    %ne3A_27 = vector.broadcast %ne3A : i32 to vector<1x2048xi32>
    %ne3A_28 = arith.cmpi ne, %get3A_16, %ne3A_27 : vector<1x2048xi32>
    %sub3A_29 = arith.subf %add3A, %broadcast_in_dim3A_26 : vector<1x2048xf32>
    %jit3A_30 = arith.constant 0.000000e+00 : f32
    %broadcast_in_dim3A_31 = vector.broadcast %jit3A_30 : f32 to vector<1x2048xf32>
    %select_n3A_32 = arith.select %ne3A_28, %sub3A_29, %broadcast_in_dim3A_31 : vector<1x2048xi1>, vector<1x2048xf32>
    %get3A_33 = arith.constant 0 : index
    %get3A_34 = memref.load %arg2[%get3A_33] : memref<1xi32, #tpu.memory_space<smem>>
    %le3A = arith.constant 0.356674939 : f32
    %le3A_35 = vector.broadcast %le3A : f32 to vector<1x2048xf32>
    %le3A_36 = arith.cmpf ole, %select_n3A_32, %le3A_35 : vector<1x2048xf32>
    %mul3A = arith.constant 1435.48071 : f32
    %mul3A_37 = vector.broadcast %mul3A : f32 to vector<1x2048xf32>
    %mul3A_38 = arith.mulf %select_n3A_32, %mul3A_37 : vector<1x2048xf32>
    %convert_element_type3A = arith.fptosi %mul3A_38 : vector<1x2048xf32> to vector<1x2048xi32>
    %jit3A_39 = arith.constant 0 : i32
    %jit3A_40 = arith.constant 511 : i32
    %max3A = vector.broadcast %jit3A_39 : i32 to vector<1x2048xi32>
    %max3A_41 = arith.maxsi %max3A, %convert_element_type3A : vector<1x2048xi32>
    %min3A = vector.broadcast %jit3A_40 : i32 to vector<1x2048xi32>
    %min3A_42 = arith.minsi %min3A, %max3A_41 : vector<1x2048xi32>
    %convert_element_type3A_43 = arith.sitofp %get3A_34 : i32 to f32
    %sub3A_44 = vector.broadcast %convert_element_type3A_43 : f32 to vector<1x2048xf32>
    %sub3A_45 = arith.subf %mul3A_38, %sub3A_44 : vector<1x2048xf32>
    %mul3A_46 = arith.constant 5.120000e+02 : f32
    %mul3A_47 = vector.broadcast %mul3A_46 : f32 to vector<1x2048xf32>
    %mul3A_48 = arith.mulf %sub3A_45, %mul3A_47 : vector<1x2048xf32>
    %jit3A_49 = arith.constant 0.000000e+00 : f32
    %jit3A_50 = arith.constant 5.110000e+02 : f32
    %max3A_51 = vector.broadcast %jit3A_49 : f32 to vector<1x2048xf32>
    %max3A_52 = arith.maximumf %max3A_51, %mul3A_48 : vector<1x2048xf32>
    %min3A_53 = vector.broadcast %jit3A_50 : f32 to vector<1x2048xf32>
    %min3A_54 = arith.minimumf %min3A_53, %max3A_52 : vector<1x2048xf32>
    %lt3A = arith.constant 0 : i32
    %lt3A_55 = arith.cmpi slt, %get3A_34, %lt3A : i32
    %convert_element_type3A_56 = arith.fptosi %min3A_54 : vector<1x2048xf32> to vector<1x2048xi32>
    %select_n3A_57 = arith.select %lt3A_55, %min3A_42, %convert_element_type3A_56 : vector<1x2048xi32>
    %lt3A_58 = arith.constant 0 : i32
    %lt3A_59 = arith.cmpi slt, %get3A_34, %lt3A_58 : i32
    %eq3A_60 = vector.broadcast %get3A_34 : i32 to vector<1x2048xi32>
    %eq3A_61 = arith.cmpi eq, %min3A_42, %eq3A_60 : vector<1x2048xi32>
    %or3A = vector.broadcast %lt3A_59 : i1 to vector<1x2048xi1>
    %or3A_62 = arith.ori %or3A, %eq3A_61 : vector<1x2048xi1>
    %and3A_63 = arith.andi %le3A_36, %or3A_62 : vector<1x2048xi1>
    %iota3A_64 = tpu.iota {dimensions = array<i32: 0>} : vector<512x2048xi32>
    %eq3A_65 = vector.broadcast %select_n3A_57 : vector<1x2048xi32> to vector<512x2048xi32>
    %eq3A_66 = arith.cmpi eq, %iota3A_64, %eq3A_65 : vector<512x2048xi32>
    %and3A_67 = vector.broadcast %and3A_63 : vector<1x2048xi1> to vector<512x2048xi1>
    %and3A_68 = arith.andi %eq3A_66, %and3A_67 : vector<512x2048xi1>
    %convert_element_type3A_69 = arith.extui %and3A_68 : vector<512x2048xi1> to vector<512x2048xi32>
    %convert_element_type3A_70 = arith.sitofp %convert_element_type3A_69 : vector<512x2048xi32> to vector<512x2048xf32>
    %reduce_sum3A_71 = arith.constant dense<0.000000e+00> : vector<512xf32>
    %reduce_sum3A_72 = vector.multi_reduction <add>, %convert_element_type3A_70, %reduce_sum3A_71 [1] : vector<512x2048xf32> to vector<512xf32>
    %broadcast_in_dim3A_73 = vector.shape_cast %reduce_sum3A_72 : vector<512xf32> to vector<512x1xf32>
    %jit3A_74 = arith.constant 0.000000e+00 : f32
    %broadcast_in_dim3A_75 = vector.shape_cast %select_n3A_32 : vector<1x2048xf32> to vector<1x2048xf32>
    %broadcast_in_dim3A_76 = vector.broadcast %broadcast_in_dim3A_75 : vector<1x2048xf32> to vector<512x2048xf32>
    %broadcast_in_dim3A_77 = vector.broadcast %jit3A_74 : f32 to vector<512x2048xf32>
    %select_n3A_78 = arith.select %and3A_68, %broadcast_in_dim3A_76, %broadcast_in_dim3A_77 : vector<512x2048xi1>, vector<512x2048xf32>
    %reduce_sum3A_79 = arith.constant dense<0.000000e+00> : vector<512xf32>
    %reduce_sum3A_80 = vector.multi_reduction <add>, %select_n3A_78, %reduce_sum3A_79 [1] : vector<512x2048xf32> to vector<512xf32>
    %broadcast_in_dim3A_81 = vector.shape_cast %reduce_sum3A_80 : vector<512xf32> to vector<512x1xf32>
    %convert_element_type3A_82 = arith.extui %and3A : i1 to i32
    %cond3A = arith.constant 0 : i32
    %cond3A_83 = arith.cmpi ne, %convert_element_type3A_82, %cond3A : i32
    scf.if %cond3A_83 {
      %swap3A = arith.constant 0 : index
      %swap3A_91 = arith.constant 0 : index
      %swap3A_92 = vector.load %arg7[%swap3A, %swap3A_91] : memref<512x2xf32, #tpu.memory_space<vmem>>, vector<512x1xf32>
      tpu.vector_store %arg7[%swap3A, %swap3A_91], %broadcast_in_dim3A_73 {strides = array<i32>} : memref<512x2xf32, #tpu.memory_space<vmem>>, vector<512x1xf32>,
      %swap3A_93 = arith.constant 0 : index
      %swap3A_94 = arith.constant 1 : index
      %swap3A_95 = vector.load %arg7[%swap3A_93, %swap3A_94] : memref<512x2xf32, #tpu.memory_space<vmem>>, vector<512x1xf32>
      tpu.vector_store %arg7[%swap3A_93, %swap3A_94], %broadcast_in_dim3A_81 {strides = array<i32>} : memref<512x2xf32, #tpu.memory_space<vmem>>, vector<512x1xf32>,
    } else {
    }
    %not3A = arith.constant true
    %not3A_84 = arith.xori %and3A, %not3A : i1
    %convert_element_type3A_85 = arith.extui %not3A_84 : i1 to i32
    %cond3A_86 = arith.constant 0 : i32
    %cond3A_87 = arith.cmpi ne, %convert_element_type3A_85, %cond3A_86 : i32
    scf.if %cond3A_87 {
      %get3A_91 = arith.constant 0 : index
      %get3A_92 = arith.constant 0 : index
      %get3A_93 = vector.load %arg7[%get3A_91, %get3A_92] : memref<512x2xf32, #tpu.memory_space<vmem>>, vector<512x1xf32>
      %add3A_94 = arith.addf %get3A_93, %broadcast_in_dim3A_73 : vector<512x1xf32>
      %swap3A = arith.constant 0 : index
      %swap3A_95 = arith.constant 0 : index
      %swap3A_96 = vector.load %arg7[%swap3A, %swap3A_95] : memref<512x2xf32, #tpu.memory_space<vmem>>, vector<512x1xf32>
      tpu.vector_store %arg7[%swap3A, %swap3A_95], %add3A_94 {strides = array<i32>} : memref<512x2xf32, #tpu.memory_space<vmem>>, vector<512x1xf32>,
      %get3A_97 = arith.constant 0 : index
      %get3A_98 = arith.constant 1 : index
      %get3A_99 = vector.load %arg7[%get3A_97, %get3A_98] : memref<512x2xf32, #tpu.memory_space<vmem>>, vector<512x1xf32>
      %add3A_100 = arith.addf %get3A_99, %broadcast_in_dim3A_81 : vector<512x1xf32>
      %swap3A_101 = arith.constant 0 : index
      %swap3A_102 = arith.constant 1 : index
      %swap3A_103 = vector.load %arg7[%swap3A_101, %swap3A_102] : memref<512x2xf32, #tpu.memory_space<vmem>>, vector<512x1xf32>
      tpu.vector_store %arg7[%swap3A_101, %swap3A_102], %add3A_100 {strides = array<i32>} : memref<512x2xf32, #tpu.memory_space<vmem>>, vector<512x1xf32>,
    } else {
    }
    %convert_element_type3A_88 = arith.extui %and3A_7 : i1 to i32
    %cond3A_89 = arith.constant 0 : i32
    %cond3A_90 = arith.cmpi ne, %convert_element_type3A_88, %cond3A_89 : i32
    scf.if %cond3A_90 {
      %get3A_91 = arith.constant 0 : index
      %get3A_92 = arith.constant 0 : index
      %get3A_93 = vector.load %arg7[%get3A_91, %get3A_92] : memref<512x2xf32, #tpu.memory_space<vmem>>, vector<512x1xf32>
      %swap3A = arith.constant 0 : index
      %swap3A_94 = arith.constant 0 : index
      %swap3A_95 = vector.load %arg5[%swap3A, %swap3A_94] : memref<512x1xf32, #tpu.memory_space<vmem>>, vector<512x1xf32>
      tpu.vector_store %arg5[%swap3A, %swap3A_94], %get3A_93 {strides = array<i32>} : memref<512x1xf32, #tpu.memory_space<vmem>>, vector<512x1xf32>,
      %get3A_96 = arith.constant 0 : index
      %get3A_97 = arith.constant 1 : index
      %get3A_98 = vector.load %arg7[%get3A_96, %get3A_97] : memref<512x2xf32, #tpu.memory_space<vmem>>, vector<512x1xf32>
      %swap3A_99 = arith.constant 0 : index
      %swap3A_100 = arith.constant 0 : index
      %swap3A_101 = vector.load %arg6[%swap3A_99, %swap3A_100] : memref<512x1xf32, #tpu.memory_space<vmem>>, vector<512x1xf32>
      tpu.vector_store %arg6[%swap3A_99, %swap3A_100], %get3A_98 {strides = array<i32>} : memref<512x1xf32, #tpu.memory_space<vmem>>, vector<512x1xf32>,
    } else {
    }
    return
  }
  func.func @transform_0(%arg0: i32, %arg1: i32) -> i32 {
    %c0_i32 = arith.constant 0 : i32
    %c0_i32_0 = arith.constant 0 : i32
    return %c0_i32 : i32
  }
  func.func @transform_1(%arg0: i32, %arg1: i32) -> (i32, i32, i32) {
    %c0_i32 = arith.constant 0 : i32
    %c0_i32_0 = arith.constant 0 : i32
    return %arg0, %c0_i32, %arg1 : i32, i32, i32
  }
  func.func @transform_2(%arg0: i32, %arg1: i32) -> (i32, i32, i32) {
    %mul3A = arith.constant 128 : i32
    %mul3A_0 = arith.muli %arg0, %mul3A : i32
    %add3A = arith.addi %mul3A_0, %arg1 : i32
    %c0_i32 = arith.constant 0 : i32
    %c0_i32_1 = arith.constant 0 : i32
    %c0_i32_2 = arith.constant 0 : i32
    return %add3A, %c0_i32, %c0_i32_1 : i32, i32, i32
  }
  func.func @transform_3(%arg0: i32, %arg1: i32) -> (i32, i32) {
    %c0_i32 = arith.constant 0 : i32
    %c0_i32_0 = arith.constant 0 : i32
    %c0_i32_1 = arith.constant 0 : i32
    return %c0_i32, %c0_i32_0 : i32, i32
  }
  func.func @transform_4(%arg0: i32, %arg1: i32) -> (i32, i32) {
    %c0_i32 = arith.constant 0 : i32
    %c0_i32_0 = arith.constant 0 : i32
    %c0_i32_1 = arith.constant 0 : i32
    return %c0_i32, %c0_i32_0 : i32, i32
  }
}

</mosaic_0001>

<sc_bundles>
// kernel: kernel.5.cloned.1.call-start
scs
__scs_entry_jumppad:
0x0: {  	(pc) =	sbr.rel $0x88, $3  }
0x1: {  	(tag) =	ssettag $0x0;
	lr =	simm.s32 $0x1  }
0x2: {  	[smem:$0x3F9F] =	sst lr;
	_ =	strace $0xD0000000  }
0x3: {  	_ = 	snop  }
0x4: {  	_ = 	snop  }
0x5: {  	_ = 	snop  }
0x6: {  	_ = 	snop  }
0x7: {  	_ = 	snop  }
__scs_overlays_trampoline_lowered:
0x8: {  	[smem:$0x3FAE] =	sst s0  }
0x9: {  	[smem:$0x3FAF] =	sst s1  }
0xa: {  	[smem:$0x3FB0] =	sst s2  }
0xb: {  	[smem:$0x3FB1] =	sst s3  }
0xc: {  	[smem:$0x3FB2] =	sst s4  }
0xd: {  	[smem:$0x3FB3] =	sst s5  }
0xe: {  	[smem:$0x3FB4] =	sst s6  }
0xf: {  	[smem:$0x3FB5] =	sst s7  }
0x10: {  	[smem:$0x3FB6] =	sst s8  }
0x11: {  	[smem:$0x3FB7] =	sst s9;
	s0 =	simm.s32 @!p0 $0x0  }
0x12: {  	s1 =	sld [smem:$0x3F9D];
	s0 =	simm.s32 @p0 $0x1  }
0x13: {  	[smem:$0x3FB8] =	sst s0;
	s0 =	simm.s32 @!p1 $0x0  }
0x14: {  	s2 =	sld [smem:$0x3F9C];
	s0 =	simm.s32 @p1 $0x1  }
0x15: {  	[smem:$0x3FB9] =	sst s0;
	s0 =	simm.s32 @!p2 $0x0  }
0x16: {  	s3 =	sld [smem:$0x3FDB];
	s0 =	simm.s32 @p2 $0x1  }
0x17: {  	s4 =	simm.s32 $0x1BF5;
	[smem:$0x3FBB] =	sst s0  }
0x18: {  	s0 =	sld [smem:$0x3F9E];
	_ =	swait.ge [sflag:s4], $0x0  }
0x19: {  	s7 =	sld [smem:$0x3F9F]  }
0x1a: {  	s8 =	sadd.s32 $0xFFFFE003, lr  }
0x1b: {  	s9 =	sadd.s32 $0xFFFFFEF7, lr;
	s5 =	simm.s32 $0xFFFFFFFF;
	p2 =	slt.u32 s8, $0xFFFFF086  }
0x1c: {  	p1 =	slt.u32 s9, $0xF7A;
	s5 =	simm.s32 @!p2 $0x0  }
0x1d: {  	s5 =	simm.s32 @p1 $0x1;
	p0 =	seq.s32 s7, s2  }
0x1e: {  	s7 =	smul.u32 @!p0 $0xF7A, s2;
	p2 =	seq.s32 @!p0 s5, $0x0  }
0x1f: {  	s9 =	smul.u32 $0xF7A, s1;
	s8 =	simm.s32 @!p0 $0x1BF5;
	p2 =	por !p2, p0  }
0x20: {  	[sflag:s8] =	ssyncset.s32 @!p0 $0xFFFFF086;
	s6 =	sadd.s32 @!p0 s3, s7;
	s7 =	simm.s32 @!p0 $0x108  }
0x21: {  	s3 =	sadd.s32 s3, s9;
	s6 =	sadd.s32 @!p0 $0x88, s6;
	s7 =	simm.s32 @p2 $0x1082  }
0x22: {  	[simem:s7], [sflag:s8] =	dma.local @!p0 [hbm:s6], $0xF7A  }
0x23: {  	s9 =	sor.u32 $0xD0000000, s2;
	s6 =	simm.s32 $0x108;
	_ =	swait.ge @!p0 [sflag:s8], $0x0  }
0x24: {  	s3 =	sadd.s32 $0x88, s3;
	s6 =	simm.s32 @!p1 $0x1082;
	[sflag:s4] =	ssyncset.s32 $0xFFFFF086  }
0x25: {  	[simem:s6], [sflag:s4] =	dma.local [hbm:s3], $0xF7A  }
0x26: {  	[smem:$0x3F9F] =	sst s1;
	(tag) =	ssettag s2;
	_ =	strace s9  }
0x27: {  	s1 =	sld [smem:$0x3FAF]  }
0x28: {  	s2 =	sld [smem:$0x3FB0]  }
0x29: {  	s4 =	sld [smem:$0x3FB2]  }
0x2a: {  	p0 =	seq.s32 s5, $0x0;
	s5 =	sld [smem:$0x3FB3]  }
0x2b: {  	s6 =	sld [smem:$0x3FB4]  }
0x2c: {  	s7 =	sld [smem:$0x3FB5]  }
0x2d: {  	s3 =	simm.s32 $0x108;
	s8 =	sld [smem:$0x3FB6]  }
0x2e: {  	s3 =	simm.s32 @!p0 $0x1082;
	s9 =	sld [smem:$0x3FB7]  }
0x2f: {  	lr =	sadd.s32 s0, s3;
	s0 =	sld [smem:$0x3FAE]  }
0x30: {  	s3 =	sld [smem:$0x3FB1]  }
0x31: {  	[smem:$0x3FBA] =	sst s10  }
0x32: {  	s10 =	sld [smem:$0x3FB8];
	_ =	sdelay $0x3  }
0x33: {  	p0 =	seq.s32 s10, $0x1;
	s10 =	sld [smem:$0x3FBA];
	_ =	sdelay $0x3  }
0x34: {  	[smem:$0x3FBA] =	sst s10  }
0x35: {  	s10 =	sld [smem:$0x3FB9];
	_ =	sdelay $0x3  }
0x36: {  	p1 =	seq.s32 s10, $0x1;
	s10 =	sld [smem:$0x3FBA];
	_ =	sdelay $0x3  }
0x37: {  	[smem:$0x3FBA] =	sst s10  }
0x38: {  	s10 =	sld [smem:$0x3FBB]  }
0x39: {  	_ = 	snop;
	(pc) =	sbr.ind lr, $3  }
0x3a: {  	_ = 	snop  }
0x3b: {  	_ = 	snop  }
0x3c: {  	p2 =	seq.s32 s10, $0x1;
	s10 =	sld [smem:$0x3FBA]  }
0x3d: {  	_ =	shalt  }
0x3e: {  	_ =	shalt  }
0x3f: {  	_ =	shalt  }
0x40: {  	_ =	shalt  }
0x41: {  	_ =	shalt  }
0x42: {  	_ =	shalt  }
0x43: {  	_ =	shalt  }
0x44: {  	_ =	shalt  }
0x45: {  	_ =	shalt  }
0x46: {  	_ =	shalt  }
0x47: {  	_ =	shalt  }
0x48: {  	_ =	shalt  }
0x49: {  	_ =	shalt  }
0x4a: {  	_ =	shalt  }
0x4b: {  	_ =	shalt  }
0x4c: {  	_ =	shalt  }
0x4d: {  	_ =	shalt  }
0x4e: {  	_ =	shalt  }
0x4f: {  	_ =	shalt  }
0x50: {  	_ =	shalt  }
0x51: {  	_ =	shalt  }
0x52: {  	_ =	shalt  }
0x53: {  	_ =	shalt  }
0x54: {  	_ =	shalt  }
0x55: {  	_ =	shalt  }
0x56: {  	_ =	shalt  }
0x57: {  	_ =	shalt  }
0x58: {  	_ =	shalt  }
0x59: {  	_ =	shalt  }
0x5a: {  	_ =	shalt  }
0x5b: {  	_ =	shalt  }
0x5c: {  	_ =	shalt  }
0x5d: {  	_ =	shalt  }
0x5e: {  	_ =	shalt  }
0x5f: {  	_ =	shalt  }
0x60: {  	_ =	shalt  }
0x61: {  	_ =	shalt  }
0x62: {  	_ =	shalt  }
0x63: {  	_ =	shalt  }
0x64: {  	_ =	shalt  }
0x65: {  	_ =	shalt  }
0x66: {  	_ =	shalt  }
0x67: {  	_ =	shalt  }
0x68: {  	_ =	shalt  }
0x69: {  	_ =	shalt  }
0x6a: {  	_ =	shalt  }
0x6b: {  	_ =	shalt  }
0x6c: {  	_ =	shalt  }
0x6d: {  	_ =	shalt  }
0x6e: {  	_ =	shalt  }
0x6f: {  	_ =	shalt  }
0x70: {  	_ =	shalt  }
0x71: {  	_ =	shalt  }
0x72: {  	_ =	shalt  }
0x73: {  	_ =	shalt  }
0x74: {  	_ =	shalt  }
0x75: {  	_ =	shalt  }
0x76: {  	_ =	shalt  }
0x77: {  	_ =	shalt  }
0x78: {  	_ =	shalt  }
0x79: {  	_ =	shalt  }
0x7a: {  	_ =	shalt  }
0x7b: {  	_ =	shalt  }
0x7c: {  	_ =	shalt  }
0x7d: {  	_ =	shalt  }
0x7e: {  	_ =	shalt  }
0x7f: {  	_ =	shalt  }
0x80: {  	_ =	shalt  }
0x81: {  	_ =	shalt  }
0x82: {  	_ =	shalt  }
0x83: {  	_ =	shalt  }
0x84: {  	_ =	shalt  }
0x85: {  	_ =	shalt  }
0x86: {  	_ =	shalt  }
0x87: {  	_ =	shalt  }
.Lfunc_end0:
.L_simem_size_0:
called_computation_lowered:
.L_overlay_start_0:
0x88: {  	s2 =	sld [smem:$0x3FD9]  }
0x89: {  	s3 =	sld [smem:$0x3FFE];
	_ =	sdelay $0x1  }
0x8a: {  	s1 =	srdreg.scid  }
0x8b: {  	s0 =	sand.u32 $0x1, s1  }
0x8c: {  	s17 =	sshll.u32 s0, $0xA;
	s2 =	sadd.s32 s3, s2  }
0x8d: {  	s2 =	sadd.s32 s2, s17  }
0x8e: {  	[smem:$0x3FC6] =	sst s2  }
0x8f: {  	_ = 	snop  }
0x90: {  	s2 =	sld [smem:$0x3FC9]  }
0x91: {  	s18 =	sld [smem:$0x3FC8];
	(tm) =	ssettm $0x1  }
0x92: {  	s4 =	sld [smem:$0x3FFB];
	_ =	sdelay $0x3  }
0x93: {  	_ =	strace s4  }
0x94: {  	s4 =	sld [smem:$0x3FFC];
	_ =	sdelay $0x3  }
0x95: {  	_ =	strace s4  }
0x96: {  	s4 =	sld [smem:$0x3FFD];
	_ =	sdelay $0x3  }
0x97: {  	_ =	strace s4  }
0x98: {  	_ =	strace $0x8FFFFFFF  }
0x99: {  	s19 =	sld [smem:$0x3FDB];
	_ =	sdelay $0x1  }
0x9a: {  	s5 =	simm.s32 $_scs_section_size  }
0x9b: {  	s6 =	simm.s32 $_size__tile_overlayer_lowered;
	s7 =	simm.s32 $_tile_overlayer_lowered  }
0x9c: {  	s22 =	simm.s32 $0x1BFF;
	s21 =	sshll.u32 s7, $0x1;
	s4 =	sadd.s32 s5, s19  }
0x9d: {  	s8 =	simm.s32 $0x0;
	s20 =	sshll.u32 s6, $0x1;
	s6 =	sadd.s32 s21, s4  }
0x9e: {  	[timem:s8], [sflag:s22] =	dma.local [hbm:s6], s20  }
0x9f: {  	_ =	swait.ge [sflag:s22], s20  }
0xa0: {  	s5 =	ssub.s32 $0x0, s20;
	[sflag:s22] =	ssyncset.done $0x0  }
0xa1: {  	[sflag:s22] =	ssyncadd.s32 s5;
	_ =	sdelay $0x1  }
0xa2: {  	s23 =	simm.s32 $0x1B8B  }
0xa3: {  	_ =	swait.ge [sflag:s23], $0x1  }
0xa4: {  	[sflag:s23] =	ssyncset.done $0x0  }
0xa5: {  	s25 =	simm.s32 $0x1B8E;
	s24 =	sld [smem:$0x3FFE];
	[sflag:s23] =	ssyncadd.s32 $0xFFFFFFFF  }
0xa6: {  	s26 =	simm.s32 $execute0_lowered;
	[smem:$0x3FD2] =	sst s25  }
0xa7: {  	s6 =	sshll.u32 s26, $0x1;
	_ =	strace $0x80000046;
	[dreg:$0x1] =	wrdreg $0xFFFFFFFF  }
0xa8: {  	s28 =	simm.s32 $_size_execute0_lowered;
	s4 =	sadd.s32 s4, s6;
	[dreg:$0x0] =	wrdreg $0x0  }
0xa9: {  	s6 =	sshll.u32 s28, $0x1;
	[dreg:$0x2] =	wrdreg s4  }
0xaa: {  	[dreg:$0x3] =	wrdreg s6  }
0xab: {  	[dreg:$0x4] =	wrdreg $0xC0  }
0xac: {  	_ =	task [dreg:s8], $0x5FFFF  }
0xad: {  	[dreg:$0x1] =	wrdreg $0xFFFFFFFF  }
0xae: {  	[dreg:$0x0] =	wrdreg $0x60  }
0xaf: {  	[dreg:$0x2] =	wrdreg s2  }
0xb0: {  	[dreg:$0x3] =	wrdreg s18  }
0xb1: {  	[dreg:$0x4] =	wrdreg s24  }
0xb2: {  	[dreg:$0x5] =	wrdreg $0x9  }
0xb3: {  	_ =	task.clear_ibuf [dreg:s8], $0x6FFFF;
	_ =	strace $0x90000046  }
0xb4: {  	s29 =	simm.s32 $0x9;
	_ =	strace $0x80000048  }
0xb5: {  	_ =	swait.ge [sflag:s29], $0x1  }
0xb6: {  	[sflag:s29] =	ssyncadd.s32 $0xFFFFFFFF  }
0xb7: {  	_ =	strace $0x90000048  }
0xb8: {  	_ =	sfence  }
0xb9: {  	s30 =	sld [smem:$0x0];
	_ =	sdelay $0x2  }
0xba: {  	s31 =	sshll.u32 s1, $0xD;
	s1 =	sshrl.u32 s1, $0x2  }
0xbb: {  	s3 =	sand.u32 $0x4000, s31;
	s1 =	sadd.s32 s1, s30  }
0xbc: {  	s0 =	sor.u32 s3, s0;
	s1 =	sshll.u32 s1, $0x11  }
0xbd: {  	s0 =	sor.u32 s1, s0  }
0xbe: {  	s0 =	sadd.s32 $0x8F2B, s0  }
0xbf: {  	[sflag:s0] =	ssyncadd.remote.s32 $0x1  }
0xc0: {  	_ =	sfence.sel $0xFFFF  }
0xc1: {  	[dreg:$0x0] =	wrdreg $0xFFFFFFFF;
	(pc) =	sbr.abs _section_cstart, $3  }
0xc2: {  	[dreg:$0x1] =	wrdreg $0xFFFFFFFF  }
0xc3: {  	_ =	task.clear_ibuf [dreg:s8], $0x2FFFF;
	_ =	strace $0x9FFFFFFF  }
0xc4: {  	(tm) =	ssettm $0x7FFFFFFF  }
0xc5: {  	_ =	shalt  }
tec
execute0_lowered:
.L_overlay_start_1:
0x0: {  	(tag) =	ssettag $0x1  }
0x1: {  	s0 =	rddreg [dreg:$0x2]  }
0x2: {  	s2 =	simm.s32 $0x0;
	s1 =	srdreg.scid;
	s3 =	stileid.u32  }
0x3: {  	s9 =	simm.s32 $0x1;
	s16 =	simm.s32 $0x7000;
	s17 =	simm.s32 $0x8000  }
0x4: {  	s18 =	simm.s32 $0x9000;
	s19 =	simm.s32 $0xA000;
	s20 =	simm.s32 $0xB000  }
0x5: {  	s21 =	simm.s32 $0xC000;
	s22 =	simm.s32 $0xD000;
	s23 =	simm.s32 $0xE000  }
0x6: {  	s24 =	simm.s32 $0xF000;
	s28 =	simm.s32 $0x12000;
	s29 =	simm.s32 $0x13000  }
0x7: {  	s30 =	simm.s32 $0x80;
	s31 =	simm.s32 $0x400;
	[smem:$0x7FF] =	sst s2  }
0x8: {  	s1 =	sand.u32 $0x1, s1;
	s3 =	sshll.u32 s3, $0x1;
	s5 =	sadd.s32 $0x200, s0  }
0x9: {  	_ =	strace $0x80000047;
	s25 =	ssub.s32 $0x2, s1;
	s1 =	sor.u32 s1, s3  }
0xa: {  	s4 =	sshrl.u32 s25, $0x1;
	s6 =	smul.u32 $0x6, s1;
	s1 =	sshll.u32 s1, $0x4  }
0xb: {  	s2 =	ssub.s32 s25, s4;
	s0 =	sadd.s32 s0, s1;
	s25 =	simm.s32 $0x10000  }
0xc: {  	[dreg:$0x4] =	wrdreg s0;
	s26 =	smax.u32 s2, $0x1;
	s0 =	simm.s32 $0x14000  }
0xd: {  	v0 =	vimm.s32 $0x0;
	s2 =	simm.s32 $0x0;
	[dreg:$0x5] =	wrdreg s26;
	s26 =	simm.s32 $0x11000  }
.LBB2_1:
0xe: {  	[dreg:$0x6] =	wrdreg s2;
	v1 =	vimm.s32 $0x0;
	s4 =	simm.s32 $0x0  }
.LBB2_2:
0xf: {  	s1 =	sadd.s32 s6, s4  }
0x10: {  	s8 =	sshrl.u32 s1, $0x6  }
0x11: {  	s2 =	sadd.s32 $0x5, s8  }
0x12: {  	s7 =	sand.u32 $0x3F, s1;
	s11 =	smul.u32 $0x4C0000, s2  }
0x13: {  	s3 =	sshll.u32 s7, $0xC  }
0x14: {  	s1 =	sor.u32 s3, s11  }
0x15: {  	s10 =	rddreg [dreg:$0x0];
	s1 =	sshrl.u32 s1, $0x3  }
0x16: {  	s10 =	sadd.s32 s10, s1;
	s1 =	simm.s32 $0x0  }
0x17: {  	[tilespmem:s1], [sflag:$0x1] =	stream.linear.gather [hbm4b:s10+s1], $0x1000, $0x38;
	[tilespmem:$0x15080] =	vst v63  }
0x18: {  	_ =	swait.ge [sflag:s9], $0x1000  }
0x19: {  	[sflag:s9] =	ssyncset.done $0x0  }
0x1a: {  	s12 =	simm.s32 $0x1000;
	s11 =	sadd.s32 $0x8000, s10;
	[sflag:s9] =	ssyncadd.s32 $0xFFFFF000  }
0x1b: {  	[tilespmem:s12], [sflag:$0x1] =	stream.linear.gather [hbm4b:s11+s1], $0x1000, $0x38;
	[tilespmem:$0x15080] =	vst v63  }
0x1c: {  	_ =	swait.ge [sflag:s9], $0x1000  }
0x1d: {  	[sflag:s9] =	ssyncset.done $0x0  }
0x1e: {  	s13 =	simm.s32 $0x2000;
	s12 =	sadd.s32 $0x10000, s10;
	[sflag:s9] =	ssyncadd.s32 $0xFFFFF000  }
0x1f: {  	[tilespmem:s13], [sflag:$0x1] =	stream.linear.gather [hbm4b:s12+s1], $0x1000, $0x38;
	[tilespmem:$0x15080] =	vst v63  }
0x20: {  	_ =	swait.ge [sflag:s9], $0x1000  }
0x21: {  	[sflag:s9] =	ssyncset.done $0x0  }
0x22: {  	s15 =	simm.s32 $0x3000;
	s14 =	sadd.s32 $0x18000, s10;
	[sflag:s9] =	ssyncadd.s32 $0xFFFFF000  }
0x23: {  	[tilespmem:s15], [sflag:$0x1] =	stream.linear.gather [hbm4b:s14+s1], $0x1000, $0x38;
	[tilespmem:$0x15080] =	vst v63  }
0x24: {  	_ =	swait.ge [sflag:s9], $0x1000  }
0x25: {  	[sflag:s9] =	ssyncset.done $0x0  }
0x26: {  	s12 =	sadd.s32 $0x20000, s10;
	s13 =	simm.s32 $0x4000;
	[sflag:s9] =	ssyncadd.s32 $0xFFFFF000  }
0x27: {  	[tilespmem:s13], [sflag:$0x1] =	stream.linear.gather [hbm4b:s12+s1], $0x1000, $0x38;
	[tilespmem:$0x15080] =	vst v63  }
0x28: {  	_ =	swait.ge [sflag:s9], $0x1000  }
0x29: {  	[sflag:s9] =	ssyncset.done $0x0  }
0x2a: {  	s14 =	sadd.s32 $0x28000, s10;
	s15 =	simm.s32 $0x5000;
	[sflag:s9] =	ssyncadd.s32 $0xFFFFF000  }
0x2b: {  	[tilespmem:s15], [sflag:$0x1] =	stream.linear.gather [hbm4b:s14+s1], $0x1000, $0x38;
	[tilespmem:$0x15080] =	vst v63  }
0x2c: {  	_ =	swait.ge [sflag:s9], $0x1000  }
0x2d: {  	[sflag:s9] =	ssyncset.done $0x0  }
0x2e: {  	s13 =	sadd.s32 $0x30000, s10;
	s14 =	simm.s32 $0x6000;
	[sflag:s9] =	ssyncadd.s32 $0xFFFFF000  }
0x2f: {  	[tilespmem:s14], [sflag:$0x1] =	stream.linear.gather [hbm4b:s13+s1], $0x1000, $0x38;
	[tilespmem:$0x15080] =	vst v63  }
0x30: {  	_ =	swait.ge [sflag:s9], $0x1000  }
0x31: {  	[sflag:s9] =	ssyncset.done $0x0  }
0x32: {  	s15 =	sadd.s32 $0x38000, s10;
	[sflag:s9] =	ssyncadd.s32 $0xFFFFF000  }
0x33: {  	[tilespmem:s16], [sflag:$0x1] =	stream.linear.gather [hbm4b:s15+s1], $0x1000, $0x38;
	[tilespmem:$0x15080] =	vst v63  }
0x34: {  	_ =	swait.ge [sflag:s9], $0x1000  }
0x35: {  	[sflag:s9] =	ssyncset.done $0x0  }
0x36: {  	s12 =	sadd.s32 $0x40000, s10;
	[sflag:s9] =	ssyncadd.s32 $0xFFFFF000  }
0x37: {  	[tilespmem:s17], [sflag:$0x1] =	stream.linear.gather [hbm4b:s12+s1], $0x1000, $0x38;
	[tilespmem:$0x15080] =	vst v63  }
0x38: {  	_ =	swait.ge [sflag:s9], $0x1000  }
0x39: {  	[sflag:s9] =	ssyncset.done $0x0  }
0x3a: {  	s13 =	sadd.s32 $0x48000, s10;
	[sflag:s9] =	ssyncadd.s32 $0xFFFFF000  }
0x3b: {  	[tilespmem:s18], [sflag:$0x1] =	stream.linear.gather [hbm4b:s13+s1], $0x1000, $0x38;
	[tilespmem:$0x15080] =	vst v63  }
0x3c: {  	_ =	swait.ge [sflag:s9], $0x1000  }
0x3d: {  	[sflag:s9] =	ssyncset.done $0x0  }
0x3e: {  	s14 =	sadd.s32 $0x50000, s10;
	[sflag:s9] =	ssyncadd.s32 $0xFFFFF000  }
0x3f: {  	[tilespmem:s19], [sflag:$0x1] =	stream.linear.gather [hbm4b:s14+s1], $0x1000, $0x38;
	[tilespmem:$0x15080] =	vst v63  }
0x40: {  	_ =	swait.ge [sflag:s9], $0x1000  }
0x41: {  	[sflag:s9] =	ssyncset.done $0x0  }
0x42: {  	s15 =	sadd.s32 $0x58000, s10;
	[sflag:s9] =	ssyncadd.s32 $0xFFFFF000  }
0x43: {  	[tilespmem:s20], [sflag:$0x1] =	stream.linear.gather [hbm4b:s15+s1], $0x1000, $0x38;
	[tilespmem:$0x15080] =	vst v63  }
0x44: {  	_ =	swait.ge [sflag:s9], $0x1000  }
0x45: {  	[sflag:s9] =	ssyncset.done $0x0  }
0x46: {  	s12 =	sadd.s32 $0x60000, s10;
	[sflag:s9] =	ssyncadd.s32 $0xFFFFF000  }
0x47: {  	[tilespmem:s21], [sflag:$0x1] =	stream.linear.gather [hbm4b:s12+s1], $0x1000, $0x38;
	[tilespmem:$0x15080] =	vst v63  }
0x48: {  	_ =	swait.ge [sflag:s9], $0x1000  }
0x49: {  	[sflag:s9] =	ssyncset.done $0x0  }
0x4a: {  	s13 =	sadd.s32 $0x68000, s10;
	[sflag:s9] =	ssyncadd.s32 $0xFFFFF000  }
0x4b: {  	[tilespmem:s22], [sflag:$0x1] =	stream.linear.gather [hbm4b:s13+s1], $0x1000, $0x38;
	[tilespmem:$0x15080] =	vst v63  }
0x4c: {  	_ =	swait.ge [sflag:s9], $0x1000  }
0x4d: {  	[sflag:s9] =	ssyncset.done $0x0  }
0x4e: {  	s14 =	sadd.s32 $0x70000, s10;
	[sflag:s9] =	ssyncadd.s32 $0xFFFFF000  }
0x4f: {  	[tilespmem:s23], [sflag:$0x1] =	stream.linear.gather [hbm4b:s14+s1], $0x1000, $0x38;
	[tilespmem:$0x15080] =	vst v63  }
0x50: {  	_ =	swait.ge [sflag:s9], $0x1000  }
0x51: {  	[sflag:s9] =	ssyncset.done $0x0  }
0x52: {  	s15 =	sadd.s32 $0x78000, s10;
	[sflag:s9] =	ssyncadd.s32 $0xFFFFF000  }
0x53: {  	[tilespmem:s24], [sflag:$0x1] =	stream.linear.gather [hbm4b:s15+s1], $0x1000, $0x38;
	[tilespmem:$0x15080] =	vst v63  }
0x54: {  	_ =	swait.ge [sflag:s9], $0x1000  }
0x55: {  	[sflag:s9] =	ssyncset.done $0x0  }
0x56: {  	s12 =	sadd.s32 $0x80000, s10;
	[sflag:s9] =	ssyncadd.s32 $0xFFFFF000  }
0x57: {  	[tilespmem:s25], [sflag:$0x1] =	stream.linear.gather [hbm4b:s12+s1], $0x1000, $0x38;
	[tilespmem:$0x15080] =	vst v63  }
0x58: {  	_ =	swait.ge [sflag:s9], $0x1000  }
0x59: {  	[sflag:s9] =	ssyncset.done $0x0  }
0x5a: {  	s13 =	sadd.s32 $0x88000, s10;
	[sflag:s9] =	ssyncadd.s32 $0xFFFFF000  }
0x5b: {  	[tilespmem:s26], [sflag:$0x1] =	stream.linear.gather [hbm4b:s13+s1], $0x1000, $0x38;
	[tilespmem:$0x15080] =	vst v63  }
0x5c: {  	_ =	swait.ge [sflag:s9], $0x1000  }
0x5d: {  	[sflag:s9] =	ssyncset.done $0x0  }
0x5e: {  	s10 =	sadd.s32 $0x90000, s10;
	[sflag:s9] =	ssyncadd.s32 $0xFFFFF000  }
0x5f: {  	[tilespmem:s28], [sflag:$0x1] =	stream.linear.gather [hbm4b:s10+s1], $0x1000, $0x38;
	[tilespmem:$0x15080] =	vst v63  }
0x60: {  	_ =	swait.ge [sflag:s9], $0x1000  }
0x61: {  	s2 =	sshll.u32 s2, $0x12;
	[sflag:s9] =	ssyncset.done $0x0  }
0x62: {  	s2 =	sor.u32 s3, s2;
	[sflag:s9] =	ssyncadd.s32 $0xFFFFF000  }
0x63: {  	s2 =	sshrl.u32 s2, $0x3;
	s14 =	rddreg [dreg:$0x1]  }
0x64: {  	s2 =	sadd.s32 s14, s2  }
0x65: {  	[tilespmem:s29], [sflag:$0x1] =	stream.linear.gather [hbm4b:s2+s1], $0x1000, $0x38;
	[tilespmem:$0x15080] =	vst v63  }
0x66: {  	_ =	swait.ge [sflag:s9], $0x1000  }
0x67: {  	s15 =	sand.u32 $0x70, s1;
	s2 =	sand.u32 $0xC00, s1;
	[sflag:s9] =	ssyncset.done $0x0  }
0x68: {  	s3 =	sor.u32 s15, s2;
	[sflag:s9] =	ssyncadd.s32 $0xFFFFF000  }
0x69: {  	v4 =	vld [tilespmem:s3+$0x0]  }
0x6a: {  	v2 =	vld [tilespmem:s3+$0x13000]  }
0x6b: {  	v5 =	vld [tilespmem:s3+$0x1000];
	_ =	sdelay $0x1  }
0x6c: {  	v6 =	vld [tilespmem:s3+$0x2000]  }
0x6d: {  	v3 =	vmul.f32 $0.0e+00, v4  }
0x6e: {  	v7 =	vld [tilespmem:s3+$0x3000];
	vm0 =	veq.s32 v2, $0x0;
	vm1 =	veq.s32 v2, $0x1  }
0x6f: {  	v8 =	vsel vm0, v4, v3;
	v9 =	vsel vm1, v5, v3  }
0x70: {  	v16 =	vld [tilespmem:s3+$0x4000];
	vm10 =	veq.s32 v2, $0x2;
	v8 =	vadd.f32 v9, v8  }
0x71: {  	v10 =	vsel vm10, v6, v3  }
0x72: {  	v17 =	vld [tilespmem:s3+$0x5000];
	vm11 =	veq.s32 v2, $0x3;
	v5 =	vmul.f32 $1.442695020e+00, v5;
	v8 =	vadd.f32 v10, v8  }
0x73: {  	v4 =	vmul.f32 $1.442695020e+00, v4;
	v11 =	vsel vm11, v7, v3  }
0x74: {  	v18 =	vld [tilespmem:s3+$0x6000];
	vm12 =	veq.s32 v2, $0x4;
	(erf) = vpow2.f32 v5;
	v5 =	vadd.f32 v11, v8  }
0x75: {  	v6 =	vmul.f32 $1.442695020e+00, v6;
	v19 =	vsel vm12, v16, v3;
	(erf) = vpow2.f32 v4  }
0x76: {  	v20 =	vld [tilespmem:s3+$0x7000];
	vm13 =	veq.s32 v2, $0x5;
	v5 =	vadd.f32 v19, v5  }
0x77: {  	v22 =	vsel vm13, v17, v3;
	v4 =	vmul.f32 $1.442695020e+00, v7;
	(erf) = vpow2.f32 v6  }
0x78: {  	v23 =	vld [tilespmem:s3+$0x8000];
	vm14 =	veq.s32 v2, $0x6;
	v5 =	vadd.f32 v22, v5  }
0x79: {  	v25 =	vld [tilespmem:s3+$0x9000];
	v21 =	vmul.f32 $1.442695020e+00, v16;
	v24 =	vsel vm14, v18, v3;
	(erf) = vpow2.f32 v4  }
0x7a: {  	vm15 =	veq.s32 v2, $0x7;
	v5 =	vadd.f32 v24, v5  }
0x7b: {  	v28 =	vld [tilespmem:s3+$0xA000];
	v27 =	vsel vm15, v20, v3;
	v4 =	vmul.f32 $1.442695020e+00, v17;
	(erf) = vpow2.f32 v21  }
0x7c: {  	v26 =	vmul.f32 $1.442695020e+00, v18;
	vm4 =	veq.s32 v2, $0x8;
	v5 =	vadd.f32 v27, v5  }
0x7d: {  	v32 =	vld [tilespmem:s3+$0xB000];
	vm5 =	veq.s32 v2, $0x9;
	v30 =	vsel vm4, v23, v3;
	v29 =	vpop (erf);
	(erf) = vpow2.f32 v4  }
0x7e: {  	vm6 =	veq.s32 v2, $0xA;
	v33 =	vsel vm5, v25, v3;
	v12 =	vpop (erf);
	v5 =	vadd.f32 v30, v5  }
0x7f: {  	v35 =	vld [tilespmem:s3+$0xC000];
	v4 =	vmul.f32 $1.442695020e+00, v20;
	(erf) = vpow2.f32 v26;
	v31 =	vadd.f32 v29, v12  }
0x80: {  	vm7 =	veq.s32 v2, $0xB;
	v36 =	vsel vm6, v28, v3;
	v34 =	vpop (erf);
	v5 =	vadd.f32 v33, v5  }
0x81: {  	v38 =	vld [tilespmem:s3+$0xD000];
	v9 =	vmul.f32 $1.442695020e+00, v23;
	(erf) = vpow2.f32 v4;
	v4 =	vadd.f32 v34, v31  }
0x82: {  	vm8 =	veq.s32 v2, $0xC;
	v39 =	vsel vm7, v32, v3;
	v37 =	vpop (erf);
	v5 =	vadd.f32 v36, v5  }
0x83: {  	v41 =	vld [tilespmem:s3+$0xE000];
	v10 =	vmul.f32 $1.442695020e+00, v25;
	(erf) = vpow2.f32 v9;
	v4 =	vadd.f32 v37, v4  }
0x84: {  	vm9 =	veq.s32 v2, $0xD;
	v42 =	vsel vm8, v35, v3;
	v40 =	vpop (erf);
	v5 =	vadd.f32 v39, v5  }
0x85: {  	v44 =	vld [tilespmem:s3+$0xF000];
	v8 =	vmul.f32 $1.442695020e+00, v28;
	(erf) = vpow2.f32 v10;
	v4 =	vadd.f32 v40, v4  }
0x86: {  	v46 =	vsel vm9, v38, v3;
	vm10 =	veq.s32 v2, $0xE;
	v43 =	vpop (erf);
	v5 =	vadd.f32 v42, v5  }
0x87: {  	v47 =	vld [tilespmem:s3+$0x10000];
	v7 =	vmul.f32 $1.442695020e+00, v32;
	(erf) = vpow2.f32 v8;
	v4 =	vadd.f32 v43, v4  }
0x88: {  	vm11 =	veq.s32 v2, $0xF;
	v49 =	vsel vm10, v41, v3;
	v45 =	vpop (erf);
	v5 =	vadd.f32 v46, v5  }
0x89: {  	v50 =	vld [tilespmem:s3+$0x11000];
	v6 =	vmul.f32 $1.442695020e+00, v35;
	(erf) = vpow2.f32 v7;
	v4 =	vadd.f32 v45, v4  }
0x8a: {  	vm12 =	veq.s32 v2, $0x10;
	v52 =	vsel vm11, v44, v3;
	v48 =	vpop (erf);
	v5 =	vadd.f32 v49, v5  }
0x8b: {  	v53 =	vld [tilespmem:s3+$0x12000];
	v9 =	vmul.f32 $1.442695020e+00, v38;
	(erf) = vpow2.f32 v6;
	v4 =	vadd.f32 v48, v4  }
0x8c: {  	vm13 =	veq.s32 v2, $0x11;
	v55 =	vsel vm12, v47, v3;
	v51 =	vpop (erf);
	v5 =	vadd.f32 v52, v5  }
0x8d: {  	v10 =	vmul.f32 $1.442695020e+00, v41;
	(erf) = vpow2.f32 v9;
	v4 =	vadd.f32 v51, v4  }
0x8e: {  	vm14 =	veq.s32 v2, $0x12;
	v57 =	vsel vm13, v50, v3;
	v54 =	vpop (erf);
	v5 =	vadd.f32 v55, v5  }
0x8f: {  	v8 =	vmul.f32 $1.442695020e+00, v44;
	(erf) = vpow2.f32 v10;
	v4 =	vadd.f32 v54, v4  }
0x90: {  	v59 =	vsel vm14, v53, v3;
	v56 =	vpop (erf);
	v5 =	vadd.f32 v57, v5  }
0x91: {  	v7 =	vmul.f32 $1.442695020e+00, v47;
	(erf) = vpow2.f32 v8;
	v4 =	vadd.f32 v56, v4  }
0x92: {  	v58 =	vpop (erf);
	v5 =	vadd.f32 v59, v5  }
0x93: {  	v6 =	vmul.f32 $1.442695020e+00, v50;
	(erf) = vpow2.f32 v7;
	v4 =	vadd.f32 v58, v4  }
0x94: {  	v60 =	vpop (erf);
	v5 =	vsub.f32 $0.0e+00, v5  }
0x95: {  	v61 =	vmul.f32 $1.442695020e+00, v53;
	(erf) = vpow2.f32 v6;
	v4 =	vadd.f32 v60, v4  }
0x96: {  	v62 =	vpop (erf);
	v5 =	vmul.f32 $1.442695020e+00, v5  }
0x97: {  	(erf) = vpow2.f32 v61;
	v4 =	vadd.f32 v62, v4  }
0x98: {  	v63 =	vpop (erf)  }
0x99: {  	v4 =	vadd.f32 v63, v4;
	(erf) = vpow2.f32 v5  }
0x9a: {  	v5 =	vpop (erf)  }
0x9b: {  	v4 =	vadd.f32 v5, v4  }
0x9c: {  	v5 =	vpop (erf)  }
0x9d: {  	v4 =	vadd.f32 v5, v4  }
0x9e: {  	v5 =	vpop (erf)  }
0x9f: {  	v4 =	vadd.f32 v5, v4  }
0xa0: {  	v5 =	vpop (erf)  }
0xa1: {  	v4 =	vadd.f32 v5, v4  }
0xa2: {  	v5 =	vpop (erf)  }
0xa3: {  	v3 =	vadd.f32 $1.000000000e+00, v3;
	v4 =	vmul.f32 v5, v4  }
0xa4: {  	s11 =	simm.s32 $0x80;
	s12 =	simm.s32 $0x20;
	s3 =	simm.s32 $0x10;
	vm15 =	vne.s32 v2, $0xFF  }
0xa5: {  	s10 =	simm.s32 $0x14000;
	s14 =	sand.u32 $0xC00, s11;
	s13 =	sand.u32 $0x70, s3;
	v2 =	vsel vm15, $0x1, v0;
	v3 =	vsel vm15, v4, v3  }
.LBB2_3:
0xa6: {  	p0 =	sne.s32 s12, $0x1F0;
	s13 =	sor.u32 s13, s14;
	[tilespmem:s10+$0x0] =	vst v3;
	v1 =	vadd.s32 v2, v1  }
0xa7: {  	v4 =	vld [tilespmem:s13+$0x0]  }
0xa8: {  	v2 =	vld [tilespmem:s13+$0x13000]  }
0xa9: {  	v5 =	vld [tilespmem:s13+$0x1000];
	_ =	sdelay $0x1  }
0xaa: {  	v6 =	vld [tilespmem:s13+$0x2000]  }
0xab: {  	v3 =	vmul.f32 $0.0e+00, v4  }
0xac: {  	vm0 =	veq.s32 v2, $0x0;
	vm1 =	veq.s32 v2, $0x1;
	v7 =	vld [tilespmem:s13+$0x3000]  }
0xad: {  	v8 =	vsel vm0, v4, v3;
	v9 =	vsel vm1, v5, v3  }
0xae: {  	vm0 =	veq.s32 v2, $0x2;
	v8 =	vadd.f32 v9, v8;
	v9 =	vld [tilespmem:s13+$0x4000]  }
0xaf: {  	v5 =	vmul.f32 $1.442695020e+00, v5;
	v10 =	vsel vm0, v6, v3  }
0xb0: {  	v4 =	vmul.f32 $1.442695020e+00, v4;
	vm0 =	veq.s32 v2, $0x3;
	v8 =	vadd.f32 v10, v8;
	v10 =	vld [tilespmem:s13+$0x5000]  }
0xb1: {  	v6 =	vmul.f32 $1.442695020e+00, v6;
	v11 =	vsel vm0, v7, v3;
	(erf) = vpow2.f32 v5  }
0xb2: {  	vm0 =	veq.s32 v2, $0x4;
	v5 =	vadd.f32 v11, v8;
	v8 =	vld [tilespmem:s13+$0x6000];
	(erf) = vpow2.f32 v4  }
0xb3: {  	v4 =	vmul.f32 $1.442695020e+00, v7;
	v7 =	vsel vm0, v9, v3  }
0xb4: {  	vm0 =	veq.s32 v2, $0x5;
	v5 =	vadd.f32 v7, v5;
	v7 =	vld [tilespmem:s13+$0x7000];
	(erf) = vpow2.f32 v6  }
0xb5: {  	v6 =	vmul.f32 $1.442695020e+00, v9;
	v9 =	vsel vm0, v10, v3  }
0xb6: {  	vm0 =	veq.s32 v2, $0x6;
	v5 =	vadd.f32 v9, v5;
	v9 =	vld [tilespmem:s13+$0x8000];
	(erf) = vpow2.f32 v4  }
0xb7: {  	v4 =	vmul.f32 $1.442695020e+00, v10;
	v10 =	vsel vm0, v8, v3  }
0xb8: {  	vm0 =	veq.s32 v2, $0x7;
	v5 =	vadd.f32 v10, v5;
	v10 =	vld [tilespmem:s13+$0x9000];
	(erf) = vpow2.f32 v6  }
0xb9: {  	v6 =	vmul.f32 $1.442695020e+00, v8;
	v8 =	vsel vm0, v7, v3  }
0xba: {  	vm0 =	veq.s32 v2, $0x8;
	v5 =	vadd.f32 v8, v5;
	v8 =	vld [tilespmem:s13+$0xA000];
	v11 =	vpop (erf);
	(erf) = vpow2.f32 v4  }
0xbb: {  	v4 =	vmul.f32 $1.442695020e+00, v7;
	v7 =	vsel vm0, v9, v3;
	v12 =	vpop (erf);
	(erf) = vpow2.f32 v6  }
0xbc: {  	vm0 =	veq.s32 v2, $0x9;
	v6 =	vadd.f32 v11, v12;
	v5 =	vadd.f32 v7, v5;
	v7 =	vld [tilespmem:s13+$0xB000]  }
0xbd: {  	v9 =	vmul.f32 $1.442695020e+00, v9;
	v11 =	vsel vm0, v10, v3;
	v12 =	vpop (erf);
	(erf) = vpow2.f32 v4  }
0xbe: {  	vm0 =	veq.s32 v2, $0xA;
	v4 =	vadd.f32 v12, v6;
	v5 =	vadd.f32 v11, v5;
	v6 =	vld [tilespmem:s13+$0xC000]  }
0xbf: {  	v10 =	vmul.f32 $1.442695020e+00, v10;
	v11 =	vsel vm0, v8, v3;
	v12 =	vpop (erf);
	(erf) = vpow2.f32 v9  }
0xc0: {  	vm0 =	veq.s32 v2, $0xB;
	v4 =	vadd.f32 v12, v4;
	v5 =	vadd.f32 v11, v5;
	v9 =	vld [tilespmem:s13+$0xD000]  }
0xc1: {  	v8 =	vmul.f32 $1.442695020e+00, v8;
	v11 =	vsel vm0, v7, v3;
	v12 =	vpop (erf);
	(erf) = vpow2.f32 v10  }
0xc2: {  	vm0 =	veq.s32 v2, $0xC;
	v4 =	vadd.f32 v12, v4;
	v5 =	vadd.f32 v11, v5;
	v10 =	vld [tilespmem:s13+$0xE000]  }
0xc3: {  	v7 =	vmul.f32 $1.442695020e+00, v7;
	v13 =	vsel vm0, v6, v3;
	v12 =	vpop (erf);
	(erf) = vpow2.f32 v8  }
0xc4: {  	vm0 =	veq.s32 v2, $0xD;
	v4 =	vadd.f32 v12, v4;
	v5 =	vadd.f32 v13, v5;
	v8 =	vld [tilespmem:s13+$0xF000];
	v11 =	vpop (erf)  }
0xc5: {  	v6 =	vmul.f32 $1.442695020e+00, v6;
	v12 =	vsel vm0, v9, v3;
	(erf) = vpow2.f32 v7  }
0xc6: {  	vm0 =	veq.s32 v2, $0xE;
	v4 =	vadd.f32 v11, v4;
	v5 =	vadd.f32 v12, v5;
	v7 =	vld [tilespmem:s13+$0x10000];
	v11 =	vpop (erf)  }
0xc7: {  	v9 =	vmul.f32 $1.442695020e+00, v9;
	v12 =	vsel vm0, v10, v3;
	(erf) = vpow2.f32 v6  }
0xc8: {  	vm0 =	veq.s32 v2, $0xF;
	v4 =	vadd.f32 v11, v4;
	v5 =	vadd.f32 v12, v5;
	v6 =	vld [tilespmem:s13+$0x11000];
	v11 =	vpop (erf)  }
0xc9: {  	v13 =	vmul.f32 $1.442695020e+00, v10;
	v12 =	vsel vm0, v8, v3;
	(erf) = vpow2.f32 v9  }
0xca: {  	vm0 =	veq.s32 v2, $0x10;
	v4 =	vadd.f32 v11, v4;
	v5 =	vadd.f32 v12, v5;
	v9 =	vld [tilespmem:s13+$0x12000];
	v11 =	vpop (erf)  }
0xcb: {  	v14 =	vmul.f32 $1.442695020e+00, v8;
	v12 =	vsel vm0, v7, v3;
	(erf) = vpow2.f32 v13  }
0xcc: {  	vm0 =	veq.s32 v2, $0x11;
	v4 =	vadd.f32 v11, v4;
	v5 =	vadd.f32 v12, v5;
	v10 =	vpop (erf)  }
0xcd: {  	v7 =	vmul.f32 $1.442695020e+00, v7;
	v11 =	vsel vm0, v6, v3;
	(erf) = vpow2.f32 v14  }
0xce: {  	vm0 =	veq.s32 v2, $0x12;
	v4 =	vadd.f32 v10, v4;
	v5 =	vadd.f32 v11, v5;
	v8 =	vpop (erf)  }
0xcf: {  	v6 =	vmul.f32 $1.442695020e+00, v6;
	v10 =	vsel vm0, v9, v3  }
0xd0: {  	v4 =	vadd.f32 v8, v4;
	v5 =	vadd.f32 v10, v5;
	v8 =	vpop (erf);
	(erf) = vpow2.f32 v7  }
0xd1: {  	v7 =	vmul.f32 $1.442695020e+00, v9  }
0xd2: {  	v4 =	vadd.f32 v8, v4;
	v5 =	vsub.f32 $0.0e+00, v5;
	v8 =	vpop (erf);
	(erf) = vpow2.f32 v6;
	_ =	sdelay $0x1  }
0xd3: {  	v4 =	vadd.f32 v8, v4;
	v5 =	vmul.f32 $1.442695020e+00, v5;
	v6 =	vpop (erf);
	(erf) = vpow2.f32 v7;
	_ =	sdelay $0x1  }
0xd4: {  	v4 =	vadd.f32 v6, v4;
	v6 =	vpop (erf);
	(erf) = vpow2.f32 v5;
	_ =	sdelay $0x1  }
0xd5: {  	v4 =	vadd.f32 v6, v4  }
0xd6: {  	v5 =	vpop (erf)  }
0xd7: {  	v4 =	vadd.f32 v5, v4  }
0xd8: {  	v5 =	vpop (erf)  }
0xd9: {  	v4 =	vadd.f32 v5, v4  }
0xda: {  	v5 =	vpop (erf)  }
.Ltmp0:
0xdb: {  	v4 =	vadd.f32 v5, v4;
	(pc) =	sbr.rel @p0 .LBB2_3-.Ltmp0, $4  }
0xdc: {  	v5 =	vpop (erf)  }
0xdd: {  	v3 =	vadd.f32 $1.000000000e+00, v3;
	v4 =	vmul.f32 v5, v4  }
0xde: {  	s11 =	sadd.s32 $0x80, s11;
	s10 =	sadd.s32 $0x10, s10;
	vm0 =	vne.s32 v2, $0xFF  }
0xdf: {  	s14 =	sand.u32 $0xC00, s11;
	s13 =	sand.u32 $0x70, s12;
	s12 =	sadd.s32 $0x10, s12;
	v2 =	vsel vm0, $0x1, v0;
	v3 =	vsel vm0, v4, v3  }
0xe0: {  	s11 =	sor.u32 s13, s14;
	[tilespmem:s10+$0x0] =	vst v3  }
0xe1: {  	v5 =	vld [tilespmem:s11+$0x0]  }
0xe2: {  	v3 =	vld [tilespmem:s11+$0x13000]  }
0xe3: {  	v6 =	vld [tilespmem:s11+$0x1000];
	_ =	sdelay $0x1  }
0xe4: {  	v7 =	vld [tilespmem:s11+$0x2000]  }
0xe5: {  	v4 =	vmul.f32 $0.0e+00, v5  }
0xe6: {  	v8 =	vld [tilespmem:s11+$0x3000];
	vm0 =	veq.s32 v3, $0x0;
	vm1 =	veq.s32 v3, $0x1  }
0xe7: {  	v9 =	vsel vm0, v5, v4;
	v10 =	vsel vm1, v6, v4  }
0xe8: {  	v52 =	vld [tilespmem:s11+$0x4000];
	vm4 =	veq.s32 v3, $0x2;
	v9 =	vadd.f32 v10, v9  }
0xe9: {  	v11 =	vsel vm4, v7, v4  }
0xea: {  	v53 =	vld [tilespmem:s11+$0x5000];
	vm5 =	veq.s32 v3, $0x3;
	v6 =	vmul.f32 $1.442695020e+00, v6;
	v9 =	vadd.f32 v11, v9  }
0xeb: {  	vm6 =	veq.s32 v3, $0x4;
	v5 =	vmul.f32 $1.442695020e+00, v5;
	v12 =	vsel vm5, v8, v4  }
0xec: {  	v55 =	vld [tilespmem:s11+$0x6000];
	v7 =	vmul.f32 $1.442695020e+00, v7;
	(erf) = vpow2.f32 v6;
	v54 =	vadd.f32 v12, v9  }
0xed: {  	v56 =	vsel vm6, v52, v4;
	(erf) = vpow2.f32 v5  }
0xee: {  	v57 =	vld [tilespmem:s11+$0x7000];
	vm7 =	veq.s32 v3, $0x5;
	(erf) = vpow2.f32 v7;
	v6 =	vadd.f32 v56, v54  }
0xef: {  	v59 =	vsel vm7, v53, v4;
	v5 =	vmul.f32 $1.442695020e+00, v8  }
0xf0: {  	v60 =	vld [tilespmem:s11+$0x8000];
	vm8 =	veq.s32 v3, $0x6;
	v6 =	vadd.f32 v59, v6  }
0xf1: {  	v58 =	vmul.f32 $1.442695020e+00, v52;
	v61 =	vsel vm8, v55, v4;
	(erf) = vpow2.f32 v5  }
0xf2: {  	v62 =	vld [tilespmem:s11+$0x9000];
	vm9 =	veq.s32 v3, $0x7;
	v6 =	vadd.f32 v61, v6  }
0xf3: {  	v15 =	vsel vm9, v57, v4;
	v5 =	vmul.f32 $1.442695020e+00, v53;
	(erf) = vpow2.f32 v58  }
0xf4: {  	v16 =	vld [tilespmem:s11+$0xA000];
	v63 =	vmul.f32 $1.442695020e+00, v55;
	vm10 =	veq.s32 v3, $0x8;
	v6 =	vadd.f32 v15, v6  }
0xf5: {  	v20 =	vld [tilespmem:s11+$0xB000];
	v19 =	vsel vm10, v60, v4;
	v17 =	vpop (erf);
	(erf) = vpow2.f32 v5;
	v5 =	vmul.f32 $1.442695020e+00, v57  }
0xf6: {  	vm11 =	veq.s32 v3, $0x9;
	v18 =	vpop (erf);
	(erf) = vpow2.f32 v63;
	v6 =	vadd.f32 v19, v6  }
0xf7: {  	v22 =	vld [tilespmem:s11+$0xC000];
	v8 =	vadd.f32 v17, v18;
	v21 =	vpop (erf);
	(erf) = vpow2.f32 v5;
	v5 =	vsel vm11, v62, v4  }
0xf8: {  	vm12 =	veq.s32 v3, $0xA;
	vm13 =	veq.s32 v3, $0xB;
	v5 =	vadd.f32 v5, v6  }
0xf9: {  	v25 =	vld [tilespmem:s11+$0xD000];
	v24 =	vsel vm12, v16, v4;
	v10 =	vmul.f32 $1.442695020e+00, v60;
	v8 =	vadd.f32 v21, v8  }
0xfa: {  	vm14 =	veq.s32 v3, $0xC;
	v27 =	vsel vm13, v20, v4;
	v23 =	vpop (erf);
	v5 =	vadd.f32 v24, v5  }
0xfb: {  	v28 =	vld [tilespmem:s11+$0xE000];
	v11 =	vmul.f32 $1.442695020e+00, v62;
	(erf) = vpow2.f32 v10;
	v8 =	vadd.f32 v23, v8  }
0xfc: {  	vm15 =	veq.s32 v3, $0xD;
	v30 =	vsel vm14, v22, v4;
	v26 =	vpop (erf);
	v5 =	vadd.f32 v27, v5  }
0xfd: {  	v31 =	vld [tilespmem:s11+$0xF000];
	v9 =	vmul.f32 $1.442695020e+00, v16;
	(erf) = vpow2.f32 v11;
	v8 =	vadd.f32 v26, v8  }
0xfe: {  	v33 =	vsel vm15, v25, v4;
	vm4 =	veq.s32 v3, $0xE;
	v29 =	vpop (erf);
	v5 =	vadd.f32 v30, v5  }
0xff: {  	v34 =	vld [tilespmem:s11+$0x10000];
	v7 =	vmul.f32 $1.442695020e+00, v20;
	(erf) = vpow2.f32 v9;
	v8 =	vadd.f32 v29, v8  }
0x100: {  	vm5 =	veq.s32 v3, $0xF;
	v36 =	vsel vm4, v28, v4;
	v32 =	vpop (erf);
	v5 =	vadd.f32 v33, v5  }
0x101: {  	v37 =	vld [tilespmem:s11+$0x11000];
	v6 =	vmul.f32 $1.442695020e+00, v22;
	(erf) = vpow2.f32 v7;
	v8 =	vadd.f32 v32, v8  }
0x102: {  	vm6 =	veq.s32 v3, $0x10;
	v39 =	vsel vm5, v31, v4;
	v35 =	vpop (erf);
	v5 =	vadd.f32 v36, v5  }
0x103: {  	v40 =	vld [tilespmem:s11+$0x12000];
	v10 =	vmul.f32 $1.442695020e+00, v25;
	(erf) = vpow2.f32 v6;
	v8 =	vadd.f32 v35, v8  }
0x104: {  	vm7 =	veq.s32 v3, $0x11;
	v42 =	vsel vm6, v34, v4;
	v38 =	vpop (erf);
	v5 =	vadd.f32 v39, v5  }
0x105: {  	v11 =	vmul.f32 $1.442695020e+00, v28;
	(erf) = vpow2.f32 v10;
	v8 =	vadd.f32 v38, v8  }
0x106: {  	vm8 =	veq.s32 v3, $0x12;
	v44 =	vsel vm7, v37, v4;
	v41 =	vpop (erf);
	v5 =	vadd.f32 v42, v5  }
0x107: {  	v9 =	vmul.f32 $1.442695020e+00, v31;
	(erf) = vpow2.f32 v11;
	v8 =	vadd.f32 v41, v8  }
0x108: {  	v46 =	vsel vm8, v40, v4;
	v43 =	vpop (erf);
	v5 =	vadd.f32 v44, v5  }
0x109: {  	v7 =	vmul.f32 $1.442695020e+00, v34;
	(erf) = vpow2.f32 v9;
	v8 =	vadd.f32 v43, v8  }
0x10a: {  	v45 =	vpop (erf);
	v5 =	vadd.f32 v46, v5  }
0x10b: {  	v6 =	vmul.f32 $1.442695020e+00, v37;
	(erf) = vpow2.f32 v7;
	v8 =	vadd.f32 v45, v8  }
0x10c: {  	v47 =	vpop (erf);
	v5 =	vsub.f32 $0.0e+00, v5  }
0x10d: {  	v48 =	vmul.f32 $1.442695020e+00, v40;
	(erf) = vpow2.f32 v6;
	v7 =	vadd.f32 v47, v8  }
0x10e: {  	v49 =	vpop (erf);
	v5 =	vmul.f32 $1.442695020e+00, v5  }
0x10f: {  	(erf) = vpow2.f32 v48;
	v6 =	vadd.f32 v49, v7  }
0x110: {  	v50 =	vpop (erf)  }
0x111: {  	v6 =	vadd.f32 v50, v6;
	(erf) = vpow2.f32 v5  }
0x112: {  	v5 =	vpop (erf)  }
0x113: {  	v5 =	vadd.f32 v5, v6  }
0x114: {  	v51 =	vpop (erf)  }
0x115: {  	v5 =	vadd.f32 v51, v5  }
0x116: {  	v52 =	vpop (erf)  }
0x117: {  	v5 =	vadd.f32 v52, v5  }
0x118: {  	v53 =	vpop (erf)  }
0x119: {  	v5 =	vadd.f32 v53, v5  }
0x11a: {  	v54 =	vpop (erf)  }
0x11b: {  	v4 =	vadd.f32 $1.000000000e+00, v4;
	v5 =	vmul.f32 v54, v5  }
0x11c: {  	vm0 =	vne.s32 v3, $0xFF  }
0x11d: {  	s14 =	sadd.s32 $0x10, s10;
	s15 =	sand.u32 $0x70, s1;
	v3 =	vsel vm0, v5, v4  }
0x11e: {  	s2 =	sor.u32 s2, s15;
	[tilespmem:s14+$0x0] =	vst v3  }
0x11f: {  	v5 =	vld [tilespmem:s2+$0x80]  }
0x120: {  	v3 =	vld [tilespmem:s2+$0x13080]  }
0x121: {  	v55 =	vld [tilespmem:s2+$0x1080];
	_ =	sdelay $0x1  }
0x122: {  	v56 =	vld [tilespmem:s2+$0x2080]  }
0x123: {  	v4 =	vmul.f32 $0.0e+00, v5  }
0x124: {  	v57 =	vld [tilespmem:s2+$0x3080];
	vm9 =	veq.s32 v3, $0x0;
	vm2 =	veq.s32 v3, $0x1  }
0x125: {  	v58 =	vsel vm9, v5, v4;
	v59 =	vsel vm2, v55, v4  }
0x126: {  	v60 =	vld [tilespmem:s2+$0x4080];
	vm10 =	veq.s32 v3, $0x2;
	v9 =	vadd.f32 v59, v58  }
0x127: {  	v61 =	vsel vm10, v56, v4  }
0x128: {  	v62 =	vld [tilespmem:s2+$0x5080];
	v6 =	vmul.f32 $1.442695020e+00, v55;
	vm11 =	veq.s32 v3, $0x3;
	v9 =	vadd.f32 v61, v9  }
0x129: {  	v7 =	vmul.f32 $1.442695020e+00, v56;
	v5 =	vmul.f32 $1.442695020e+00, v5;
	v63 =	vsel vm11, v57, v4  }
0x12a: {  	v15 =	vld [tilespmem:s2+$0x6080];
	vm12 =	veq.s32 v3, $0x4;
	(erf) = vpow2.f32 v6;
	v14 =	vadd.f32 v63, v9  }
0x12b: {  	v16 =	vsel vm12, v60, v4;
	(erf) = vpow2.f32 v5  }
0x12c: {  	v17 =	vld [tilespmem:s2+$0x7080];
	vm13 =	veq.s32 v3, $0x5;
	(erf) = vpow2.f32 v7;
	v6 =	vadd.f32 v16, v14  }
0x12d: {  	v19 =	vsel vm13, v62, v4;
	v5 =	vmul.f32 $1.442695020e+00, v57  }
0x12e: {  	v20 =	vld [tilespmem:s2+$0x8080];
	vm14 =	veq.s32 v3, $0x6;
	v6 =	vadd.f32 v19, v6  }
0x12f: {  	v18 =	vmul.f32 $1.442695020e+00, v60;
	v21 =	vsel vm14, v15, v4;
	(erf) = vpow2.f32 v5  }
0x130: {  	v22 =	vld [tilespmem:s2+$0x9080];
	vm15 =	veq.s32 v3, $0x7;
	v6 =	vadd.f32 v21, v6  }
0x131: {  	v24 =	vsel vm15, v17, v4;
	v5 =	vmul.f32 $1.442695020e+00, v62;
	(erf) = vpow2.f32 v18  }
0x132: {  	v25 =	vld [tilespmem:s2+$0xA080];
	v23 =	vmul.f32 $1.442695020e+00, v15;
	vm4 =	veq.s32 v3, $0x8;
	v6 =	vadd.f32 v24, v6  }
0x133: {  	v28 =	vsel vm4, v20, v4;
	v26 =	vpop (erf);
	(erf) = vpow2.f32 v5;
	v5 =	vmul.f32 $1.442695020e+00, v17  }
0x134: {  	v29 =	vld [tilespmem:s2+$0xB080];
	vm5 =	veq.s32 v3, $0x9;
	v27 =	vpop (erf);
	(erf) = vpow2.f32 v23;
	v6 =	vadd.f32 v28, v6  }
0x135: {  	v31 =	vld [tilespmem:s2+$0xC080];
	v8 =	vadd.f32 v26, v27;
	v30 =	vpop (erf);
	(erf) = vpow2.f32 v5;
	v5 =	vsel vm5, v22, v4  }
0x136: {  	v10 =	vmul.f32 $1.442695020e+00, v20;
	vm6 =	veq.s32 v3, $0xA;
	v5 =	vadd.f32 v5, v6  }
0x137: {  	v34 =	vld [tilespmem:s2+$0xD080];
	v11 =	vmul.f32 $1.442695020e+00, v22;
	v33 =	vsel vm6, v25, v4;
	v8 =	vadd.f32 v30, v8  }
0x138: {  	vm7 =	veq.s32 v3, $0xB;
	vm8 =	veq.s32 v3, $0xC;
	v32 =	vpop (erf);
	v5 =	vadd.f32 v33, v5  }
0x139: {  	v37 =	vld [tilespmem:s2+$0xE080];
	v36 =	vsel vm7, v29, v4;
	(erf) = vpow2.f32 v10;
	v8 =	vadd.f32 v32, v8  }
0x13a: {  	v39 =	vsel vm8, v31, v4;
	vm9 =	veq.s32 v3, $0xD;
	v35 =	vpop (erf);
	v5 =	vadd.f32 v36, v5  }
0x13b: {  	v40 =	vld [tilespmem:s2+$0xF080];
	v9 =	vmul.f32 $1.442695020e+00, v25;
	(erf) = vpow2.f32 v11;
	v8 =	vadd.f32 v35, v8  }
0x13c: {  	vm10 =	veq.s32 v3, $0xE;
	v42 =	vsel vm9, v34, v4;
	v38 =	vpop (erf);
	v5 =	vadd.f32 v39, v5  }
0x13d: {  	v43 =	vld [tilespmem:s2+$0x10080];
	v7 =	vmul.f32 $1.442695020e+00, v29;
	(erf) = vpow2.f32 v9;
	v8 =	vadd.f32 v38, v8  }
0x13e: {  	vm11 =	veq.s32 v3, $0xF;
	v45 =	vsel vm10, v37, v4;
	v41 =	vpop (erf);
	v5 =	vadd.f32 v42, v5  }
0x13f: {  	v46 =	vld [tilespmem:s2+$0x11080];
	v6 =	vmul.f32 $1.442695020e+00, v31;
	(erf) = vpow2.f32 v7;
	v8 =	vadd.f32 v41, v8  }
0x140: {  	vm12 =	veq.s32 v3, $0x10;
	v48 =	vsel vm11, v40, v4;
	v44 =	vpop (erf);
	v5 =	vadd.f32 v45, v5  }
0x141: {  	v49 =	vld [tilespmem:s2+$0x12080];
	v10 =	vmul.f32 $1.442695020e+00, v34;
	(erf) = vpow2.f32 v6;
	v8 =	vadd.f32 v44, v8  }
0x142: {  	vm13 =	veq.s32 v3, $0x11;
	v51 =	vsel vm12, v43, v4;
	v47 =	vpop (erf);
	v5 =	vadd.f32 v48, v5  }
0x143: {  	v11 =	vmul.f32 $1.442695020e+00, v37;
	(erf) = vpow2.f32 v10;
	v8 =	vadd.f32 v47, v8  }
0x144: {  	vm14 =	veq.s32 v3, $0x12;
	v53 =	vsel vm13, v46, v4;
	v50 =	vpop (erf);
	v5 =	vadd.f32 v51, v5  }
0x145: {  	v9 =	vmul.f32 $1.442695020e+00, v40;
	(erf) = vpow2.f32 v11;
	v8 =	vadd.f32 v50, v8  }
0x146: {  	v55 =	vsel vm14, v49, v4;
	v52 =	vpop (erf);
	v5 =	vadd.f32 v53, v5  }
0x147: {  	v7 =	vmul.f32 $1.442695020e+00, v43;
	(erf) = vpow2.f32 v9;
	v8 =	vadd.f32 v52, v8  }
0x148: {  	v54 =	vpop (erf);
	v5 =	vadd.f32 v55, v5  }
0x149: {  	v6 =	vmul.f32 $1.442695020e+00, v46;
	(erf) = vpow2.f32 v7;
	v8 =	vadd.f32 v54, v8  }
0x14a: {  	v56 =	vpop (erf);
	v5 =	vsub.f32 $0.0e+00, v5  }
0x14b: {  	v57 =	vmul.f32 $1.442695020e+00, v49;
	(erf) = vpow2.f32 v6;
	v7 =	vadd.f32 v56, v8  }
0x14c: {  	v58 =	vpop (erf);
	v5 =	vmul.f32 $1.442695020e+00, v5  }
0x14d: {  	(erf) = vpow2.f32 v57;
	v6 =	vadd.f32 v58, v7  }
0x14e: {  	v59 =	vpop (erf)  }
0x14f: {  	v6 =	vadd.f32 v59, v6;
	(erf) = vpow2.f32 v5  }
0x150: {  	v5 =	vpop (erf)  }
0x151: {  	v5 =	vadd.f32 v5, v6  }
0x152: {  	v60 =	vpop (erf)  }
0x153: {  	v5 =	vadd.f32 v60, v5  }
0x154: {  	v61 =	vpop (erf)  }
0x155: {  	v5 =	vadd.f32 v61, v5  }
0x156: {  	v62 =	vpop (erf)  }
0x157: {  	v5 =	vadd.f32 v62, v5  }
0x158: {  	v63 =	vpop (erf)  }
0x159: {  	v4 =	vadd.f32 $1.000000000e+00, v4;
	v5 =	vmul.f32 v63, v5  }
0x15a: {  	v1 =	vadd.s32 v2, v1;
	s11 =	sand.u32 $0x1F0, s1;
	s1 =	simm.s32 $0x80;
	v2 =	vsel vm0, $0x1, v0;
	vm15 =	vne.s32 v3, $0xFF  }
0x15b: {  	s10 =	sand.u32 $0x70, s3;
	s12 =	sand.u32 $0xC00, s1;
	v1 =	vadd.s32 v2, v1;
	s2 =	simm.s32 $0x20;
	v2 =	vsel vm15, $0x1, v0;
	v3 =	vsel vm15, v5, v4  }
.LBB2_5:
0x15c: {  	p0 =	sne.s32 s2, $0x1F0;
	s10 =	sor.u32 s12, s10;
	[tilespmem:s11+$0x14200] =	vst v3;
	v1 =	vadd.s32 v2, v1  }
0x15d: {  	v4 =	vld [tilespmem:s10+$0x80]  }
0x15e: {  	v2 =	vld [tilespmem:s10+$0x13080]  }
0x15f: {  	v5 =	vld [tilespmem:s10+$0x1080];
	_ =	sdelay $0x1  }
0x160: {  	v6 =	vld [tilespmem:s10+$0x2080]  }
0x161: {  	v3 =	vmul.f32 $0.0e+00, v4  }
0x162: {  	vm0 =	veq.s32 v2, $0x0;
	vm1 =	veq.s32 v2, $0x1;
	v7 =	vld [tilespmem:s10+$0x3080]  }
0x163: {  	v8 =	vsel vm0, v4, v3;
	v9 =	vsel vm1, v5, v3  }
0x164: {  	vm0 =	veq.s32 v2, $0x2;
	v8 =	vadd.f32 v9, v8;
	v9 =	vld [tilespmem:s10+$0x4080]  }
0x165: {  	v5 =	vmul.f32 $1.442695020e+00, v5;
	v10 =	vsel vm0, v6, v3  }
0x166: {  	v4 =	vmul.f32 $1.442695020e+00, v4;
	vm0 =	veq.s32 v2, $0x3;
	v8 =	vadd.f32 v10, v8;
	v10 =	vld [tilespmem:s10+$0x5080]  }
0x167: {  	v6 =	vmul.f32 $1.442695020e+00, v6;
	v11 =	vsel vm0, v7, v3;
	(erf) = vpow2.f32 v5  }
0x168: {  	vm0 =	veq.s32 v2, $0x4;
	v5 =	vadd.f32 v11, v8;
	v8 =	vld [tilespmem:s10+$0x6080];
	(erf) = vpow2.f32 v4  }
0x169: {  	v4 =	vmul.f32 $1.442695020e+00, v7;
	v7 =	vsel vm0, v9, v3  }
0x16a: {  	vm0 =	veq.s32 v2, $0x5;
	v5 =	vadd.f32 v7, v5;
	v7 =	vld [tilespmem:s10+$0x7080];
	(erf) = vpow2.f32 v6  }
0x16b: {  	v6 =	vmul.f32 $1.442695020e+00, v9;
	v9 =	vsel vm0, v10, v3  }
0x16c: {  	vm0 =	veq.s32 v2, $0x6;
	v5 =	vadd.f32 v9, v5;
	v9 =	vld [tilespmem:s10+$0x8080];
	(erf) = vpow2.f32 v4  }
0x16d: {  	v4 =	vmul.f32 $1.442695020e+00, v10;
	v10 =	vsel vm0, v8, v3  }
0x16e: {  	vm0 =	veq.s32 v2, $0x7;
	v5 =	vadd.f32 v10, v5;
	v10 =	vld [tilespmem:s10+$0x9080];
	(erf) = vpow2.f32 v6  }
0x16f: {  	v6 =	vmul.f32 $1.442695020e+00, v8;
	v8 =	vsel vm0, v7, v3  }
0x170: {  	vm0 =	veq.s32 v2, $0x8;
	v5 =	vadd.f32 v8, v5;
	v8 =	vld [tilespmem:s10+$0xA080];
	v11 =	vpop (erf);
	(erf) = vpow2.f32 v4  }
0x171: {  	v4 =	vmul.f32 $1.442695020e+00, v7;
	v7 =	vsel vm0, v9, v3;
	v12 =	vpop (erf);
	(erf) = vpow2.f32 v6  }
0x172: {  	vm0 =	veq.s32 v2, $0x9;
	v6 =	vadd.f32 v11, v12;
	v5 =	vadd.f32 v7, v5;
	v7 =	vld [tilespmem:s10+$0xB080]  }
0x173: {  	v9 =	vmul.f32 $1.442695020e+00, v9;
	v11 =	vsel vm0, v10, v3;
	v12 =	vpop (erf);
	(erf) = vpow2.f32 v4  }
0x174: {  	vm0 =	veq.s32 v2, $0xA;
	v4 =	vadd.f32 v12, v6;
	v5 =	vadd.f32 v11, v5;
	v6 =	vld [tilespmem:s10+$0xC080]  }
0x175: {  	v10 =	vmul.f32 $1.442695020e+00, v10;
	v11 =	vsel vm0, v8, v3;
	v12 =	vpop (erf);
	(erf) = vpow2.f32 v9  }
0x176: {  	vm0 =	veq.s32 v2, $0xB;
	v4 =	vadd.f32 v12, v4;
	v5 =	vadd.f32 v11, v5;
	v9 =	vld [tilespmem:s10+$0xD080]  }
0x177: {  	v8 =	vmul.f32 $1.442695020e+00, v8;
	v11 =	vsel vm0, v7, v3;
	v12 =	vpop (erf);
	(erf) = vpow2.f32 v10  }
0x178: {  	vm0 =	veq.s32 v2, $0xC;
	v4 =	vadd.f32 v12, v4;
	v5 =	vadd.f32 v11, v5;
	v10 =	vld [tilespmem:s10+$0xE080]  }
0x179: {  	v7 =	vmul.f32 $1.442695020e+00, v7;
	v13 =	vsel vm0, v6, v3;
	v12 =	vpop (erf);
	(erf) = vpow2.f32 v8  }
0x17a: {  	vm0 =	veq.s32 v2, $0xD;
	v4 =	vadd.f32 v12, v4;
	v5 =	vadd.f32 v13, v5;
	v8 =	vld [tilespmem:s10+$0xF080];
	v11 =	vpop (erf)  }
0x17b: {  	v6 =	vmul.f32 $1.442695020e+00, v6;
	v12 =	vsel vm0, v9, v3;
	(erf) = vpow2.f32 v7  }
0x17c: {  	vm0 =	veq.s32 v2, $0xE;
	v4 =	vadd.f32 v11, v4;
	v5 =	vadd.f32 v12, v5;
	v7 =	vld [tilespmem:s10+$0x10080];
	v11 =	vpop (erf)  }
0x17d: {  	v9 =	vmul.f32 $1.442695020e+00, v9;
	v12 =	vsel vm0, v10, v3;
	(erf) = vpow2.f32 v6  }
0x17e: {  	vm0 =	veq.s32 v2, $0xF;
	v4 =	vadd.f32 v11, v4;
	v5 =	vadd.f32 v12, v5;
	v6 =	vld [tilespmem:s10+$0x11080];
	v11 =	vpop (erf)  }
0x17f: {  	v13 =	vmul.f32 $1.442695020e+00, v10;
	v12 =	vsel vm0, v8, v3;
	(erf) = vpow2.f32 v9  }
0x180: {  	vm0 =	veq.s32 v2, $0x10;
	v4 =	vadd.f32 v11, v4;
	v5 =	vadd.f32 v12, v5;
	v9 =	vld [tilespmem:s10+$0x12080];
	v11 =	vpop (erf)  }
0x181: {  	v14 =	vmul.f32 $1.442695020e+00, v8;
	v12 =	vsel vm0, v7, v3;
	(erf) = vpow2.f32 v13  }
0x182: {  	vm0 =	veq.s32 v2, $0x11;
	v4 =	vadd.f32 v11, v4;
	v5 =	vadd.f32 v12, v5;
	v10 =	vpop (erf)  }
0x183: {  	v7 =	vmul.f32 $1.442695020e+00, v7;
	v11 =	vsel vm0, v6, v3;
	(erf) = vpow2.f32 v14  }
0x184: {  	vm0 =	veq.s32 v2, $0x12;
	v4 =	vadd.f32 v10, v4;
	v5 =	vadd.f32 v11, v5;
	v8 =	vpop (erf)  }
0x185: {  	v6 =	vmul.f32 $1.442695020e+00, v6;
	v10 =	vsel vm0, v9, v3  }
0x186: {  	v4 =	vadd.f32 v8, v4;
	v5 =	vadd.f32 v10, v5;
	v8 =	vpop (erf);
	(erf) = vpow2.f32 v7  }
0x187: {  	v7 =	vmul.f32 $1.442695020e+00, v9  }
0x188: {  	v4 =	vadd.f32 v8, v4;
	v5 =	vsub.f32 $0.0e+00, v5;
	v8 =	vpop (erf);
	(erf) = vpow2.f32 v6;
	_ =	sdelay $0x1  }
0x189: {  	v4 =	vadd.f32 v8, v4;
	v5 =	vmul.f32 $1.442695020e+00, v5;
	v6 =	vpop (erf);
	(erf) = vpow2.f32 v7;
	_ =	sdelay $0x1  }
0x18a: {  	v4 =	vadd.f32 v6, v4;
	v6 =	vpop (erf);
	(erf) = vpow2.f32 v5;
	_ =	sdelay $0x1  }
0x18b: {  	v4 =	vadd.f32 v6, v4  }
0x18c: {  	v5 =	vpop (erf)  }
0x18d: {  	v4 =	vadd.f32 v5, v4  }
0x18e: {  	v5 =	vpop (erf)  }
0x18f: {  	v4 =	vadd.f32 v5, v4  }
0x190: {  	v5 =	vpop (erf)  }
.Ltmp1:
0x191: {  	v4 =	vadd.f32 v5, v4;
	(pc) =	sbr.rel @p0 .LBB2_5-.Ltmp1, $4  }
0x192: {  	v5 =	vpop (erf)  }
0x193: {  	v3 =	vadd.f32 $1.000000000e+00, v3;
	v4 =	vmul.f32 v5, v4  }
0x194: {  	s11 =	sand.u32 $0x1F0, s3;
	s1 =	sadd.s32 $0x80, s1;
	s3 =	smov.u32 s2;
	vm0 =	vne.s32 v2, $0xFF  }
0x195: {  	s2 =	sadd.s32 $0x10, s2;
	s12 =	sand.u32 $0xC00, s1;
	s10 =	sand.u32 $0x70, s3;
	v2 =	vsel vm0, $0x1, v0;
	v3 =	vsel vm0, v4, v3  }
0x196: {  	s1 =	sor.u32 s12, s10;
	[tilespmem:s11+$0x14200] =	vst v3  }
0x197: {  	v5 =	vld [tilespmem:s1+$0x80]  }
0x198: {  	v3 =	vld [tilespmem:s1+$0x13080]  }
0x199: {  	v6 =	vld [tilespmem:s1+$0x1080];
	_ =	sdelay $0x1  }
0x19a: {  	v7 =	vld [tilespmem:s1+$0x2080]  }
0x19b: {  	v4 =	vmul.f32 $0.0e+00, v5  }
0x19c: {  	v8 =	vld [tilespmem:s1+$0x3080];
	vm0 =	veq.s32 v3, $0x0;
	vm1 =	veq.s32 v3, $0x1  }
0x19d: {  	v9 =	vsel vm0, v5, v4;
	v10 =	vsel vm1, v6, v4  }
0x19e: {  	v52 =	vld [tilespmem:s1+$0x4080];
	vm4 =	veq.s32 v3, $0x2;
	v9 =	vadd.f32 v10, v9  }
0x19f: {  	v11 =	vsel vm4, v7, v4  }
0x1a0: {  	v53 =	vld [tilespmem:s1+$0x5080];
	vm5 =	veq.s32 v3, $0x3;
	v6 =	vmul.f32 $1.442695020e+00, v6;
	v9 =	vadd.f32 v11, v9  }
0x1a1: {  	vm6 =	veq.s32 v3, $0x4;
	v5 =	vmul.f32 $1.442695020e+00, v5;
	v12 =	vsel vm5, v8, v4  }
0x1a2: {  	v55 =	vld [tilespmem:s1+$0x6080];
	v7 =	vmul.f32 $1.442695020e+00, v7;
	(erf) = vpow2.f32 v6;
	v54 =	vadd.f32 v12, v9  }
0x1a3: {  	v56 =	vsel vm6, v52, v4;
	(erf) = vpow2.f32 v5  }
0x1a4: {  	v57 =	vld [tilespmem:s1+$0x7080];
	vm7 =	veq.s32 v3, $0x5;
	(erf) = vpow2.f32 v7;
	v6 =	vadd.f32 v56, v54  }
0x1a5: {  	v59 =	vsel vm7, v53, v4;
	v5 =	vmul.f32 $1.442695020e+00, v8  }
0x1a6: {  	v60 =	vld [tilespmem:s1+$0x8080];
	vm8 =	veq.s32 v3, $0x6;
	v6 =	vadd.f32 v59, v6  }
0x1a7: {  	v58 =	vmul.f32 $1.442695020e+00, v52;
	v61 =	vsel vm8, v55, v4;
	(erf) = vpow2.f32 v5  }
0x1a8: {  	v62 =	vld [tilespmem:s1+$0x9080];
	vm9 =	veq.s32 v3, $0x7;
	v6 =	vadd.f32 v61, v6  }
0x1a9: {  	v15 =	vsel vm9, v57, v4;
	v5 =	vmul.f32 $1.442695020e+00, v53;
	(erf) = vpow2.f32 v58  }
0x1aa: {  	v16 =	vld [tilespmem:s1+$0xA080];
	v63 =	vmul.f32 $1.442695020e+00, v55;
	vm10 =	veq.s32 v3, $0x8;
	v6 =	vadd.f32 v15, v6  }
0x1ab: {  	v20 =	vld [tilespmem:s1+$0xB080];
	v19 =	vsel vm10, v60, v4;
	v17 =	vpop (erf);
	(erf) = vpow2.f32 v5;
	v5 =	vmul.f32 $1.442695020e+00, v57  }
0x1ac: {  	vm11 =	veq.s32 v3, $0x9;
	v18 =	vpop (erf);
	(erf) = vpow2.f32 v63;
	v6 =	vadd.f32 v19, v6  }
0x1ad: {  	v22 =	vld [tilespmem:s1+$0xC080];
	v8 =	vadd.f32 v17, v18;
	v21 =	vpop (erf);
	(erf) = vpow2.f32 v5;
	v5 =	vsel vm11, v62, v4  }
0x1ae: {  	vm12 =	veq.s32 v3, $0xA;
	vm13 =	veq.s32 v3, $0xB;
	v5 =	vadd.f32 v5, v6  }
0x1af: {  	v25 =	vld [tilespmem:s1+$0xD080];
	v24 =	vsel vm12, v16, v4;
	v10 =	vmul.f32 $1.442695020e+00, v60;
	v8 =	vadd.f32 v21, v8  }
0x1b0: {  	vm14 =	veq.s32 v3, $0xC;
	v27 =	vsel vm13, v20, v4;
	v23 =	vpop (erf);
	v5 =	vadd.f32 v24, v5  }
0x1b1: {  	v28 =	vld [tilespmem:s1+$0xE080];
	v11 =	vmul.f32 $1.442695020e+00, v62;
	(erf) = vpow2.f32 v10;
	v8 =	vadd.f32 v23, v8  }
0x1b2: {  	vm15 =	veq.s32 v3, $0xD;
	v30 =	vsel vm14, v22, v4;
	v26 =	vpop (erf);
	v5 =	vadd.f32 v27, v5  }
0x1b3: {  	v31 =	vld [tilespmem:s1+$0xF080];
	v9 =	vmul.f32 $1.442695020e+00, v16;
	(erf) = vpow2.f32 v11;
	v8 =	vadd.f32 v26, v8  }
0x1b4: {  	v33 =	vsel vm15, v25, v4;
	vm4 =	veq.s32 v3, $0xE;
	v29 =	vpop (erf);
	v5 =	vadd.f32 v30, v5  }
0x1b5: {  	v34 =	vld [tilespmem:s1+$0x10080];
	v7 =	vmul.f32 $1.442695020e+00, v20;
	(erf) = vpow2.f32 v9;
	v8 =	vadd.f32 v29, v8  }
0x1b6: {  	vm5 =	veq.s32 v3, $0xF;
	v36 =	vsel vm4, v28, v4;
	v32 =	vpop (erf);
	v5 =	vadd.f32 v33, v5  }
0x1b7: {  	v37 =	vld [tilespmem:s1+$0x11080];
	v6 =	vmul.f32 $1.442695020e+00, v22;
	(erf) = vpow2.f32 v7;
	v8 =	vadd.f32 v32, v8  }
0x1b8: {  	vm6 =	veq.s32 v3, $0x10;
	v39 =	vsel vm5, v31, v4;
	v35 =	vpop (erf);
	v5 =	vadd.f32 v36, v5  }
0x1b9: {  	v40 =	vld [tilespmem:s1+$0x12080];
	v10 =	vmul.f32 $1.442695020e+00, v25;
	(erf) = vpow2.f32 v6;
	v8 =	vadd.f32 v35, v8  }
0x1ba: {  	vm7 =	veq.s32 v3, $0x11;
	v42 =	vsel vm6, v34, v4;
	v38 =	vpop (erf);
	v5 =	vadd.f32 v39, v5  }
0x1bb: {  	v11 =	vmul.f32 $1.442695020e+00, v28;
	(erf) = vpow2.f32 v10;
	v8 =	vadd.f32 v38, v8  }
0x1bc: {  	vm8 =	veq.s32 v3, $0x12;
	v44 =	vsel vm7, v37, v4;
	v41 =	vpop (erf);
	v5 =	vadd.f32 v42, v5  }
0x1bd: {  	v9 =	vmul.f32 $1.442695020e+00, v31;
	(erf) = vpow2.f32 v11;
	v8 =	vadd.f32 v41, v8  }
0x1be: {  	v46 =	vsel vm8, v40, v4;
	v43 =	vpop (erf);
	v5 =	vadd.f32 v44, v5  }
0x1bf: {  	v7 =	vmul.f32 $1.442695020e+00, v34;
	(erf) = vpow2.f32 v9;
	v8 =	vadd.f32 v43, v8  }
0x1c0: {  	v45 =	vpop (erf);
	v5 =	vadd.f32 v46, v5  }
0x1c1: {  	v6 =	vmul.f32 $1.442695020e+00, v37;
	(erf) = vpow2.f32 v7;
	v8 =	vadd.f32 v45, v8  }
0x1c2: {  	v47 =	vpop (erf);
	v5 =	vsub.f32 $0.0e+00, v5  }
0x1c3: {  	v48 =	vmul.f32 $1.442695020e+00, v40;
	(erf) = vpow2.f32 v6;
	v7 =	vadd.f32 v47, v8  }
0x1c4: {  	v49 =	vpop (erf);
	v5 =	vmul.f32 $1.442695020e+00, v5  }
0x1c5: {  	(erf) = vpow2.f32 v48;
	v6 =	vadd.f32 v49, v7  }
0x1c6: {  	v50 =	vpop (erf)  }
0x1c7: {  	v6 =	vadd.f32 v50, v6;
	(erf) = vpow2.f32 v5  }
0x1c8: {  	v5 =	vpop (erf)  }
0x1c9: {  	v5 =	vadd.f32 v5, v6  }
0x1ca: {  	v51 =	vpop (erf)  }
0x1cb: {  	v5 =	vadd.f32 v51, v5  }
0x1cc: {  	v52 =	vpop (erf)  }
0x1cd: {  	v5 =	vadd.f32 v52, v5  }
0x1ce: {  	v53 =	vpop (erf)  }
0x1cf: {  	v5 =	vadd.f32 v53, v5  }
0x1d0: {  	v54 =	vpop (erf)  }
0x1d1: {  	v4 =	vadd.f32 $1.000000000e+00, v4;
	v5 =	vmul.f32 v54, v5  }
0x1d2: {  	s1 =	simm.s32 $0x0;
	vm0 =	vne.s32 v3, $0xFF  }
0x1d3: {  	s3 =	sand.u32 $0x1F0, s3;
	s14 =	sand.u32 $0x70, s1;
	s2 =	sand.u32 $0xC00, s1;
	v3 =	vsel vm0, v5, v4  }
0x1d4: {  	s15 =	sor.u32 s2, s14;
	[tilespmem:s3+$0x14200] =	vst v3  }
0x1d5: {  	v5 =	vld [tilespmem:s15+$0x100]  }
0x1d6: {  	v3 =	vld [tilespmem:s15+$0x13100]  }
0x1d7: {  	v55 =	vld [tilespmem:s15+$0x1100];
	_ =	sdelay $0x1  }
0x1d8: {  	v56 =	vld [tilespmem:s15+$0x2100]  }
0x1d9: {  	v4 =	vmul.f32 $0.0e+00, v5  }
0x1da: {  	v57 =	vld [tilespmem:s15+$0x3100];
	vm9 =	veq.s32 v3, $0x0;
	vm2 =	veq.s32 v3, $0x1  }
0x1db: {  	v58 =	vsel vm9, v5, v4;
	v59 =	vsel vm2, v55, v4  }
0x1dc: {  	v60 =	vld [tilespmem:s15+$0x4100];
	vm10 =	veq.s32 v3, $0x2;
	v9 =	vadd.f32 v59, v58  }
0x1dd: {  	v61 =	vsel vm10, v56, v4  }
0x1de: {  	v62 =	vld [tilespmem:s15+$0x5100];
	v6 =	vmul.f32 $1.442695020e+00, v55;
	vm11 =	veq.s32 v3, $0x3;
	v9 =	vadd.f32 v61, v9  }
0x1df: {  	v7 =	vmul.f32 $1.442695020e+00, v56;
	v5 =	vmul.f32 $1.442695020e+00, v5;
	v63 =	vsel vm11, v57, v4  }
0x1e0: {  	v15 =	vld [tilespmem:s15+$0x6100];
	vm12 =	veq.s32 v3, $0x4;
	(erf) = vpow2.f32 v6;
	v14 =	vadd.f32 v63, v9  }
0x1e1: {  	v16 =	vsel vm12, v60, v4;
	(erf) = vpow2.f32 v5  }
0x1e2: {  	v17 =	vld [tilespmem:s15+$0x7100];
	vm13 =	veq.s32 v3, $0x5;
	(erf) = vpow2.f32 v7;
	v6 =	vadd.f32 v16, v14  }
0x1e3: {  	v19 =	vsel vm13, v62, v4;
	v5 =	vmul.f32 $1.442695020e+00, v57  }
0x1e4: {  	v20 =	vld [tilespmem:s15+$0x8100];
	vm14 =	veq.s32 v3, $0x6;
	v6 =	vadd.f32 v19, v6  }
0x1e5: {  	v18 =	vmul.f32 $1.442695020e+00, v60;
	v21 =	vsel vm14, v15, v4;
	(erf) = vpow2.f32 v5  }
0x1e6: {  	v22 =	vld [tilespmem:s15+$0x9100];
	vm15 =	veq.s32 v3, $0x7;
	v6 =	vadd.f32 v21, v6  }
0x1e7: {  	v24 =	vsel vm15, v17, v4;
	v5 =	vmul.f32 $1.442695020e+00, v62;
	(erf) = vpow2.f32 v18  }
0x1e8: {  	v25 =	vld [tilespmem:s15+$0xA100];
	v23 =	vmul.f32 $1.442695020e+00, v15;
	vm4 =	veq.s32 v3, $0x8;
	v6 =	vadd.f32 v24, v6  }
0x1e9: {  	v28 =	vsel vm4, v20, v4;
	v26 =	vpop (erf);
	(erf) = vpow2.f32 v5;
	v5 =	vmul.f32 $1.442695020e+00, v17  }
0x1ea: {  	v29 =	vld [tilespmem:s15+$0xB100];
	vm5 =	veq.s32 v3, $0x9;
	v27 =	vpop (erf);
	(erf) = vpow2.f32 v23;
	v6 =	vadd.f32 v28, v6  }
0x1eb: {  	v31 =	vld [tilespmem:s15+$0xC100];
	v8 =	vadd.f32 v26, v27;
	v30 =	vpop (erf);
	(erf) = vpow2.f32 v5;
	v5 =	vsel vm5, v22, v4  }
0x1ec: {  	v10 =	vmul.f32 $1.442695020e+00, v20;
	vm6 =	veq.s32 v3, $0xA;
	v5 =	vadd.f32 v5, v6  }
0x1ed: {  	v34 =	vld [tilespmem:s15+$0xD100];
	v11 =	vmul.f32 $1.442695020e+00, v22;
	v33 =	vsel vm6, v25, v4;
	v8 =	vadd.f32 v30, v8  }
0x1ee: {  	vm7 =	veq.s32 v3, $0xB;
	vm8 =	veq.s32 v3, $0xC;
	v32 =	vpop (erf);
	v5 =	vadd.f32 v33, v5  }
0x1ef: {  	v37 =	vld [tilespmem:s15+$0xE100];
	v36 =	vsel vm7, v29, v4;
	(erf) = vpow2.f32 v10;
	v8 =	vadd.f32 v32, v8  }
0x1f0: {  	v39 =	vsel vm8, v31, v4;
	vm9 =	veq.s32 v3, $0xD;
	v35 =	vpop (erf);
	v5 =	vadd.f32 v36, v5  }
0x1f1: {  	v40 =	vld [tilespmem:s15+$0xF100];
	v9 =	vmul.f32 $1.442695020e+00, v25;
	(erf) = vpow2.f32 v11;
	v8 =	vadd.f32 v35, v8  }
0x1f2: {  	vm10 =	veq.s32 v3, $0xE;
	v42 =	vsel vm9, v34, v4;
	v38 =	vpop (erf);
	v5 =	vadd.f32 v39, v5  }
0x1f3: {  	v43 =	vld [tilespmem:s15+$0x10100];
	v7 =	vmul.f32 $1.442695020e+00, v29;
	(erf) = vpow2.f32 v9;
	v8 =	vadd.f32 v38, v8  }
0x1f4: {  	vm11 =	veq.s32 v3, $0xF;
	v45 =	vsel vm10, v37, v4;
	v41 =	vpop (erf);
	v5 =	vadd.f32 v42, v5  }
0x1f5: {  	v46 =	vld [tilespmem:s15+$0x11100];
	v6 =	vmul.f32 $1.442695020e+00, v31;
	(erf) = vpow2.f32 v7;
	v8 =	vadd.f32 v41, v8  }
0x1f6: {  	vm12 =	veq.s32 v3, $0x10;
	v48 =	vsel vm11, v40, v4;
	v44 =	vpop (erf);
	v5 =	vadd.f32 v45, v5  }
0x1f7: {  	v49 =	vld [tilespmem:s15+$0x12100];
	v10 =	vmul.f32 $1.442695020e+00, v34;
	(erf) = vpow2.f32 v6;
	v8 =	vadd.f32 v44, v8  }
0x1f8: {  	vm13 =	veq.s32 v3, $0x11;
	v51 =	vsel vm12, v43, v4;
	v47 =	vpop (erf);
	v5 =	vadd.f32 v48, v5  }
0x1f9: {  	v11 =	vmul.f32 $1.442695020e+00, v37;
	(erf) = vpow2.f32 v10;
	v8 =	vadd.f32 v47, v8  }
0x1fa: {  	vm14 =	veq.s32 v3, $0x12;
	v53 =	vsel vm13, v46, v4;
	v50 =	vpop (erf);
	v5 =	vadd.f32 v51, v5  }
0x1fb: {  	v9 =	vmul.f32 $1.442695020e+00, v40;
	(erf) = vpow2.f32 v11;
	v8 =	vadd.f32 v50, v8  }
0x1fc: {  	v55 =	vsel vm14, v49, v4;
	v52 =	vpop (erf);
	v5 =	vadd.f32 v53, v5  }
0x1fd: {  	v7 =	vmul.f32 $1.442695020e+00, v43;
	(erf) = vpow2.f32 v9;
	v8 =	vadd.f32 v52, v8  }
0x1fe: {  	v54 =	vpop (erf);
	v5 =	vadd.f32 v55, v5  }
0x1ff: {  	v6 =	vmul.f32 $1.442695020e+00, v46;
	(erf) = vpow2.f32 v7;
	v8 =	vadd.f32 v54, v8  }
0x200: {  	v56 =	vpop (erf);
	v5 =	vsub.f32 $0.0e+00, v5  }
0x201: {  	v57 =	vmul.f32 $1.442695020e+00, v49;
	(erf) = vpow2.f32 v6;
	v7 =	vadd.f32 v56, v8  }
0x202: {  	v58 =	vpop (erf);
	v5 =	vmul.f32 $1.442695020e+00, v5  }
0x203: {  	(erf) = vpow2.f32 v57;
	v6 =	vadd.f32 v58, v7  }
0x204: {  	v59 =	vpop (erf)  }
0x205: {  	v6 =	vadd.f32 v59, v6;
	(erf) = vpow2.f32 v5  }
0x206: {  	v5 =	vpop (erf)  }
0x207: {  	v5 =	vadd.f32 v5, v6  }
0x208: {  	v60 =	vpop (erf)  }
0x209: {  	v5 =	vadd.f32 v60, v5  }
0x20a: {  	v61 =	vpop (erf)  }
0x20b: {  	v5 =	vadd.f32 v61, v5  }
0x20c: {  	v62 =	vpop (erf)  }
0x20d: {  	v5 =	vadd.f32 v62, v5  }
0x20e: {  	v63 =	vpop (erf)  }
0x20f: {  	s11 =	simm.s32 $0x80;
	v4 =	vadd.f32 $1.000000000e+00, v4;
	v5 =	vmul.f32 v63, v5  }
0x210: {  	v1 =	vadd.s32 v2, v1;
	s12 =	simm.s32 $0x20;
	s10 =	simm.s32 $0x10;
	v2 =	vsel vm0, $0x1, v0;
	s3 =	simm.s32 $0x10;
	vm15 =	vne.s32 v3, $0xFF  }
0x211: {  	s14 =	sand.u32 $0x1F0, s1;
	v1 =	vadd.s32 v2, v1;
	s13 =	sand.u32 $0x70, s3;
	s15 =	sand.u32 $0xC00, s11;
	v2 =	vsel vm15, $0x1, v0;
	v3 =	vsel vm15, v5, v4  }
.LBB2_7:
0x212: {  	p0 =	sne.s32 s12, $0x1F0;
	s13 =	sor.u32 s15, s13;
	[tilespmem:s14+$0x14400] =	vst v3;
	v1 =	vadd.s32 v2, v1  }
0x213: {  	v4 =	vld [tilespmem:s13+$0x100]  }
0x214: {  	v2 =	vld [tilespmem:s13+$0x13100]  }
0x215: {  	v5 =	vld [tilespmem:s13+$0x1100];
	_ =	sdelay $0x1  }
0x216: {  	v6 =	vld [tilespmem:s13+$0x2100]  }
0x217: {  	v3 =	vmul.f32 $0.0e+00, v4  }
0x218: {  	vm0 =	veq.s32 v2, $0x0;
	vm1 =	veq.s32 v2, $0x1;
	v7 =	vld [tilespmem:s13+$0x3100]  }
0x219: {  	v8 =	vsel vm0, v4, v3;
	v9 =	vsel vm1, v5, v3  }
0x21a: {  	vm0 =	veq.s32 v2, $0x2;
	v8 =	vadd.f32 v9, v8;
	v9 =	vld [tilespmem:s13+$0x4100]  }
0x21b: {  	v5 =	vmul.f32 $1.442695020e+00, v5;
	v10 =	vsel vm0, v6, v3  }
0x21c: {  	v4 =	vmul.f32 $1.442695020e+00, v4;
	vm0 =	veq.s32 v2, $0x3;
	v8 =	vadd.f32 v10, v8;
	v10 =	vld [tilespmem:s13+$0x5100]  }
0x21d: {  	v6 =	vmul.f32 $1.442695020e+00, v6;
	v11 =	vsel vm0, v7, v3;
	(erf) = vpow2.f32 v5  }
0x21e: {  	vm0 =	veq.s32 v2, $0x4;
	v5 =	vadd.f32 v11, v8;
	v8 =	vld [tilespmem:s13+$0x6100];
	(erf) = vpow2.f32 v4  }
0x21f: {  	v4 =	vmul.f32 $1.442695020e+00, v7;
	v7 =	vsel vm0, v9, v3  }
0x220: {  	vm0 =	veq.s32 v2, $0x5;
	v5 =	vadd.f32 v7, v5;
	v7 =	vld [tilespmem:s13+$0x7100];
	(erf) = vpow2.f32 v6  }
0x221: {  	v6 =	vmul.f32 $1.442695020e+00, v9;
	v9 =	vsel vm0, v10, v3  }
0x222: {  	vm0 =	veq.s32 v2, $0x6;
	v5 =	vadd.f32 v9, v5;
	v9 =	vld [tilespmem:s13+$0x8100];
	(erf) = vpow2.f32 v4  }
0x223: {  	v4 =	vmul.f32 $1.442695020e+00, v10;
	v10 =	vsel vm0, v8, v3  }
0x224: {  	vm0 =	veq.s32 v2, $0x7;
	v5 =	vadd.f32 v10, v5;
	v10 =	vld [tilespmem:s13+$0x9100];
	(erf) = vpow2.f32 v6  }
0x225: {  	v6 =	vmul.f32 $1.442695020e+00, v8;
	v8 =	vsel vm0, v7, v3  }
0x226: {  	vm0 =	veq.s32 v2, $0x8;
	v5 =	vadd.f32 v8, v5;
	v8 =	vld [tilespmem:s13+$0xA100];
	v11 =	vpop (erf);
	(erf) = vpow2.f32 v4  }
0x227: {  	v4 =	vmul.f32 $1.442695020e+00, v7;
	v7 =	vsel vm0, v9, v3;
	v12 =	vpop (erf);
	(erf) = vpow2.f32 v6  }
0x228: {  	vm0 =	veq.s32 v2, $0x9;
	v6 =	vadd.f32 v11, v12;
	v5 =	vadd.f32 v7, v5;
	v7 =	vld [tilespmem:s13+$0xB100]  }
0x229: {  	v9 =	vmul.f32 $1.442695020e+00, v9;
	v11 =	vsel vm0, v10, v3;
	v12 =	vpop (erf);
	(erf) = vpow2.f32 v4  }
0x22a: {  	vm0 =	veq.s32 v2, $0xA;
	v4 =	vadd.f32 v12, v6;
	v5 =	vadd.f32 v11, v5;
	v6 =	vld [tilespmem:s13+$0xC100]  }
0x22b: {  	v10 =	vmul.f32 $1.442695020e+00, v10;
	v11 =	vsel vm0, v8, v3;
	v12 =	vpop (erf);
	(erf) = vpow2.f32 v9  }
0x22c: {  	vm0 =	veq.s32 v2, $0xB;
	v4 =	vadd.f32 v12, v4;
	v5 =	vadd.f32 v11, v5;
	v9 =	vld [tilespmem:s13+$0xD100]  }
0x22d: {  	v8 =	vmul.f32 $1.442695020e+00, v8;
	v11 =	vsel vm0, v7, v3;
	v12 =	vpop (erf);
	(erf) = vpow2.f32 v10  }
0x22e: {  	vm0 =	veq.s32 v2, $0xC;
	v4 =	vadd.f32 v12, v4;
	v5 =	vadd.f32 v11, v5;
	v10 =	vld [tilespmem:s13+$0xE100]  }
0x22f: {  	v7 =	vmul.f32 $1.442695020e+00, v7;
	v13 =	vsel vm0, v6, v3;
	v12 =	vpop (erf);
	(erf) = vpow2.f32 v8  }
0x230: {  	vm0 =	veq.s32 v2, $0xD;
	v4 =	vadd.f32 v12, v4;
	v5 =	vadd.f32 v13, v5;
	v8 =	vld [tilespmem:s13+$0xF100];
	v11 =	vpop (erf)  }
0x231: {  	v6 =	vmul.f32 $1.442695020e+00, v6;
	v12 =	vsel vm0, v9, v3;
	(erf) = vpow2.f32 v7  }
0x232: {  	vm0 =	veq.s32 v2, $0xE;
	v4 =	vadd.f32 v11, v4;
	v5 =	vadd.f32 v12, v5;
	v7 =	vld [tilespmem:s13+$0x10100];
	v11 =	vpop (erf)  }
0x233: {  	v9 =	vmul.f32 $1.442695020e+00, v9;
	v12 =	vsel vm0, v10, v3;
	(erf) = vpow2.f32 v6  }
0x234: {  	vm0 =	veq.s32 v2, $0xF;
	v4 =	vadd.f32 v11, v4;
	v5 =	vadd.f32 v12, v5;
	v6 =	vld [tilespmem:s13+$0x11100];
	v11 =	vpop (erf)  }
0x235: {  	v13 =	vmul.f32 $1.442695020e+00, v10;
	v12 =	vsel vm0, v8, v3;
	(erf) = vpow2.f32 v9  }
0x236: {  	vm0 =	veq.s32 v2, $0x10;
	v4 =	vadd.f32 v11, v4;
	v5 =	vadd.f32 v12, v5;
	v9 =	vld [tilespmem:s13+$0x12100];
	v11 =	vpop (erf)  }
0x237: {  	v14 =	vmul.f32 $1.442695020e+00, v8;
	v12 =	vsel vm0, v7, v3;
	(erf) = vpow2.f32 v13  }
0x238: {  	vm0 =	veq.s32 v2, $0x11;
	v4 =	vadd.f32 v11, v4;
	v5 =	vadd.f32 v12, v5;
	v10 =	vpop (erf)  }
0x239: {  	v7 =	vmul.f32 $1.442695020e+00, v7;
	v11 =	vsel vm0, v6, v3;
	(erf) = vpow2.f32 v14  }
0x23a: {  	vm0 =	veq.s32 v2, $0x12;
	v4 =	vadd.f32 v10, v4;
	v5 =	vadd.f32 v11, v5;
	v8 =	vpop (erf)  }
0x23b: {  	v6 =	vmul.f32 $1.442695020e+00, v6;
	v10 =	vsel vm0, v9, v3  }
0x23c: {  	v4 =	vadd.f32 v8, v4;
	v5 =	vadd.f32 v10, v5;
	v8 =	vpop (erf);
	(erf) = vpow2.f32 v7  }
0x23d: {  	v7 =	vmul.f32 $1.442695020e+00, v9  }
0x23e: {  	v4 =	vadd.f32 v8, v4;
	v5 =	vsub.f32 $0.0e+00, v5;
	v8 =	vpop (erf);
	(erf) = vpow2.f32 v6;
	_ =	sdelay $0x1  }
0x23f: {  	v4 =	vadd.f32 v8, v4;
	v5 =	vmul.f32 $1.442695020e+00, v5;
	v6 =	vpop (erf);
	(erf) = vpow2.f32 v7;
	_ =	sdelay $0x1  }
0x240: {  	v4 =	vadd.f32 v6, v4;
	v6 =	vpop (erf);
	(erf) = vpow2.f32 v5;
	_ =	sdelay $0x1  }
0x241: {  	v4 =	vadd.f32 v6, v4  }
0x242: {  	v5 =	vpop (erf)  }
0x243: {  	v4 =	vadd.f32 v5, v4  }
0x244: {  	v5 =	vpop (erf)  }
0x245: {  	v4 =	vadd.f32 v5, v4  }
0x246: {  	v5 =	vpop (erf)  }
.Ltmp2:
0x247: {  	v4 =	vadd.f32 v5, v4;
	(pc) =	sbr.rel @p0 .LBB2_7-.Ltmp2, $4  }
0x248: {  	v5 =	vpop (erf)  }
0x249: {  	v3 =	vadd.f32 $1.000000000e+00, v3;
	v4 =	vmul.f32 v5, v4  }
0x24a: {  	s14 =	sand.u32 $0x1F0, s10;
	s11 =	sadd.s32 $0x80, s11;
	s10 =	smov.u32 s12;
	vm0 =	vne.s32 v2, $0xFF  }
0x24b: {  	s12 =	sadd.s32 $0x10, s12;
	s15 =	sand.u32 $0xC00, s11;
	s13 =	sand.u32 $0x70, s10;
	v2 =	vsel vm0, $0x1, v0;
	v3 =	vsel vm0, v4, v3  }
0x24c: {  	s11 =	sor.u32 s15, s13;
	[tilespmem:s14+$0x14400] =	vst v3  }
0x24d: {  	v5 =	vld [tilespmem:s11+$0x100]  }
0x24e: {  	v3 =	vld [tilespmem:s11+$0x13100]  }
0x24f: {  	v6 =	vld [tilespmem:s11+$0x1100];
	_ =	sdelay $0x1  }
0x250: {  	v7 =	vld [tilespmem:s11+$0x2100]  }
0x251: {  	v4 =	vmul.f32 $0.0e+00, v5  }
0x252: {  	v8 =	vld [tilespmem:s11+$0x3100];
	vm0 =	veq.s32 v3, $0x0;
	vm1 =	veq.s32 v3, $0x1  }
0x253: {  	v9 =	vsel vm0, v5, v4;
	v10 =	vsel vm1, v6, v4  }
0x254: {  	v38 =	vld [tilespmem:s11+$0x4100];
	vm0 =	veq.s32 v3, $0x2;
	v6 =	vmul.f32 $1.442695020e+00, v6;
	v9 =	vadd.f32 v10, v9  }
0x255: {  	v5 =	vmul.f32 $1.442695020e+00, v5;
	v11 =	vsel vm0, v7, v4  }
0x256: {  	v39 =	vld [tilespmem:s11+$0x5100];
	vm0 =	veq.s32 v3, $0x3;
	(erf) = vpow2.f32 v6;
	v9 =	vadd.f32 v11, v9  }
0x257: {  	v7 =	vmul.f32 $1.442695020e+00, v7;
	v12 =	vsel vm0, v8, v4;
	(erf) = vpow2.f32 v5  }
0x258: {  	v40 =	vld [tilespmem:s11+$0x6100];
	vm0 =	veq.s32 v3, $0x4;
	v6 =	vadd.f32 v12, v9  }
0x259: {  	v5 =	vmul.f32 $1.442695020e+00, v8;
	v41 =	vsel vm0, v38, v4;
	(erf) = vpow2.f32 v7  }
0x25a: {  	v42 =	vld [tilespmem:s11+$0x7100];
	vm0 =	veq.s32 v3, $0x5;
	v6 =	vadd.f32 v41, v6  }
0x25b: {  	v7 =	vmul.f32 $1.442695020e+00, v38;
	v43 =	vsel vm0, v39, v4;
	(erf) = vpow2.f32 v5  }
0x25c: {  	v44 =	vld [tilespmem:s11+$0x8100];
	vm0 =	veq.s32 v3, $0x6;
	v6 =	vadd.f32 v43, v6  }
0x25d: {  	v5 =	vmul.f32 $1.442695020e+00, v39;
	v45 =	vsel vm0, v40, v4;
	(erf) = vpow2.f32 v7  }
0x25e: {  	v46 =	vld [tilespmem:s11+$0x9100];
	vm0 =	veq.s32 v3, $0x7;
	v6 =	vadd.f32 v45, v6  }
0x25f: {  	v7 =	vmul.f32 $1.442695020e+00, v40;
	v47 =	vsel vm0, v42, v4;
	v49 =	vpop (erf);
	(erf) = vpow2.f32 v5  }
0x260: {  	v48 =	vld [tilespmem:s11+$0xA100];
	vm0 =	veq.s32 v3, $0x8;
	v5 =	vmul.f32 $1.442695020e+00, v42;
	v50 =	vpop (erf);
	v6 =	vadd.f32 v47, v6  }
0x261: {  	(erf) = vpow2.f32 v7;
	v7 =	vsel vm0, v44, v4;
	v8 =	vadd.f32 v49, v50  }
0x262: {  	v10 =	vmul.f32 $1.442695020e+00, v44;
	vm0 =	veq.s32 v3, $0x9;
	v51 =	vpop (erf);
	v6 =	vadd.f32 v7, v6;
	v7 =	vld [tilespmem:s11+$0xB100]  }
0x263: {  	(erf) = vpow2.f32 v5;
	v5 =	vsel vm0, v46, v4;
	v8 =	vadd.f32 v51, v8  }
0x264: {  	v11 =	vmul.f32 $1.442695020e+00, v46;
	vm0 =	veq.s32 v3, $0xA;
	v52 =	vpop (erf);
	v5 =	vadd.f32 v5, v6;
	v6 =	vld [tilespmem:s11+$0xC100]  }
0x265: {  	(erf) = vpow2.f32 v10;
	v53 =	vsel vm0, v48, v4;
	v8 =	vadd.f32 v52, v8  }
0x266: {  	v54 =	vld [tilespmem:s11+$0xD100];
	v9 =	vmul.f32 $1.442695020e+00, v48;
	vm0 =	veq.s32 v3, $0xB;
	v55 =	vpop (erf);
	v5 =	vadd.f32 v53, v5  }
0x267: {  	(erf) = vpow2.f32 v11;
	v8 =	vadd.f32 v55, v8;
	v56 =	vsel vm0, v7, v4  }
0x268: {  	v57 =	vld [tilespmem:s11+$0xE100];
	vm0 =	veq.s32 v3, $0xC;
	v7 =	vmul.f32 $1.442695020e+00, v7;
	v58 =	vpop (erf);
	v5 =	vadd.f32 v56, v5  }
0x269: {  	(erf) = vpow2.f32 v9;
	v8 =	vadd.f32 v58, v8;
	v59 =	vsel vm0, v6, v4  }
0x26a: {  	v60 =	vld [tilespmem:s11+$0xF100];
	v61 =	vpop (erf);
	vm0 =	veq.s32 v3, $0xD;
	v6 =	vmul.f32 $1.442695020e+00, v6;
	v5 =	vadd.f32 v59, v5  }
0x26b: {  	(erf) = vpow2.f32 v7;
	v7 =	vsel vm0, v54, v4;
	v8 =	vadd.f32 v61, v8  }
0x26c: {  	v10 =	vmul.f32 $1.442695020e+00, v54;
	v62 =	vpop (erf);
	vm0 =	veq.s32 v3, $0xE;
	v5 =	vadd.f32 v7, v5;
	v7 =	vld [tilespmem:s11+$0x10100]  }
0x26d: {  	(erf) = vpow2.f32 v6;
	v6 =	vsel vm0, v57, v4;
	v8 =	vadd.f32 v62, v8  }
0x26e: {  	v11 =	vmul.f32 $1.442695020e+00, v57;
	v63 =	vpop (erf);
	vm0 =	veq.s32 v3, $0xF;
	v5 =	vadd.f32 v6, v5;
	v6 =	vld [tilespmem:s11+$0x11100]  }
0x26f: {  	v9 =	vmul.f32 $1.442695020e+00, v60;
	v15 =	vsel vm0, v60, v4;
	v8 =	vadd.f32 v63, v8  }
0x270: {  	v16 =	vld [tilespmem:s11+$0x12100];
	v17 =	vpop (erf);
	(erf) = vpow2.f32 v10;
	vm0 =	veq.s32 v3, $0x10;
	v5 =	vadd.f32 v15, v5  }
0x271: {  	(erf) = vpow2.f32 v11;
	v8 =	vadd.f32 v17, v8;
	v18 =	vsel vm0, v7, v4  }
0x272: {  	v19 =	vpop (erf);
	vm0 =	veq.s32 v3, $0x11;
	v7 =	vmul.f32 $1.442695020e+00, v7;
	v5 =	vadd.f32 v18, v5  }
0x273: {  	v8 =	vadd.f32 v19, v8;
	v20 =	vsel vm0, v6, v4  }
0x274: {  	(erf) = vpow2.f32 v9;
	v21 =	vpop (erf);
	vm0 =	veq.s32 v3, $0x12;
	v5 =	vadd.f32 v20, v5  }
0x275: {  	v6 =	vmul.f32 $1.442695020e+00, v6;
	v22 =	vsel vm0, v16, v4;
	v8 =	vadd.f32 v21, v8  }
0x276: {  	(erf) = vpow2.f32 v7;
	v7 =	vpop (erf);
	v5 =	vadd.f32 v22, v5  }
0x277: {  	v7 =	vadd.f32 v7, v8  }
0x278: {  	v5 =	vsub.f32 $0.0e+00, v5  }
0x279: {  	v23 =	vmul.f32 $1.442695020e+00, v16;
	(erf) = vpow2.f32 v6;
	v6 =	vpop (erf)  }
0x27a: {  	v6 =	vadd.f32 v6, v7;
	v5 =	vmul.f32 $1.442695020e+00, v5  }
0x27b: {  	(erf) = vpow2.f32 v23;
	v7 =	vpop (erf)  }
0x27c: {  	v6 =	vadd.f32 v7, v6  }
0x27d: {  	(erf) = vpow2.f32 v5  }
0x27e: {  	v5 =	vpop (erf)  }
0x27f: {  	v5 =	vadd.f32 v5, v6  }
0x280: {  	v6 =	vpop (erf)  }
0x281: {  	v5 =	vadd.f32 v6, v5  }
0x282: {  	v6 =	vpop (erf)  }
0x283: {  	v5 =	vadd.f32 v6, v5  }
0x284: {  	v6 =	vpop (erf)  }
0x285: {  	v5 =	vadd.f32 v6, v5  }
0x286: {  	v6 =	vpop (erf)  }
0x287: {  	v4 =	vadd.f32 $1.000000000e+00, v4;
	v5 =	vmul.f32 v6, v5  }
0x288: {  	vm0 =	vne.s32 v3, $0xFF  }
0x289: {  	s10 =	sand.u32 $0x1F0, s10;
	s12 =	sor.u32 s2, s1;
	v3 =	vsel vm0, v5, v4  }
0x28a: {  	s13 =	sor.u32 $0x180, s12;
	[tilespmem:s10+$0x14400] =	vst v3  }
0x28b: {  	s14 =	sand.u32 $0x70, s1;
	v5 =	vld [tilespmem:s13+$0x0]  }
0x28c: {  	s15 =	sor.u32 s14, s2;
	v3 =	vld [tilespmem:s13+$0x13000]  }
0x28d: {  	v6 =	vld [tilespmem:s15+$0x1180];
	_ =	sdelay $0x1  }
0x28e: {  	v7 =	vld [tilespmem:s15+$0x2180]  }
0x28f: {  	v4 =	vmul.f32 $0.0e+00, v5  }
0x290: {  	v24 =	vld [tilespmem:s15+$0x3180];
	vm1 =	veq.s32 v3, $0x0;
	vm2 =	veq.s32 v3, $0x1  }
0x291: {  	v25 =	vsel vm1, v5, v4;
	v26 =	vsel vm2, v6, v4  }
0x292: {  	v27 =	vld [tilespmem:s15+$0x4180];
	vm1 =	veq.s32 v3, $0x2;
	v6 =	vmul.f32 $1.442695020e+00, v6;
	v9 =	vadd.f32 v26, v25  }
0x293: {  	v5 =	vmul.f32 $1.442695020e+00, v5;
	v28 =	vsel vm1, v7, v4  }
0x294: {  	v29 =	vld [tilespmem:s15+$0x5180];
	vm1 =	veq.s32 v3, $0x3;
	(erf) = vpow2.f32 v6;
	v9 =	vadd.f32 v28, v9  }
0x295: {  	v7 =	vmul.f32 $1.442695020e+00, v7;
	v30 =	vsel vm1, v24, v4;
	(erf) = vpow2.f32 v5  }
0x296: {  	v31 =	vld [tilespmem:s15+$0x6180];
	vm1 =	veq.s32 v3, $0x4;
	v6 =	vadd.f32 v30, v9  }
0x297: {  	v5 =	vmul.f32 $1.442695020e+00, v24;
	v32 =	vsel vm1, v27, v4;
	(erf) = vpow2.f32 v7  }
0x298: {  	v33 =	vld [tilespmem:s15+$0x7180];
	vm1 =	veq.s32 v3, $0x5;
	v6 =	vadd.f32 v32, v6  }
0x299: {  	v7 =	vmul.f32 $1.442695020e+00, v27;
	v34 =	vsel vm1, v29, v4;
	(erf) = vpow2.f32 v5  }
0x29a: {  	v35 =	vld [tilespmem:s15+$0x8180];
	vm1 =	veq.s32 v3, $0x6;
	v6 =	vadd.f32 v34, v6  }
0x29b: {  	v5 =	vmul.f32 $1.442695020e+00, v29;
	v36 =	vsel vm1, v31, v4;
	(erf) = vpow2.f32 v7  }
0x29c: {  	v37 =	vld [tilespmem:s15+$0x9180];
	vm1 =	veq.s32 v3, $0x7;
	v6 =	vadd.f32 v36, v6  }
0x29d: {  	v7 =	vmul.f32 $1.442695020e+00, v31;
	v38 =	vsel vm1, v33, v4;
	v40 =	vpop (erf);
	(erf) = vpow2.f32 v5  }
0x29e: {  	v39 =	vld [tilespmem:s15+$0xA180];
	vm1 =	veq.s32 v3, $0x8;
	v5 =	vmul.f32 $1.442695020e+00, v33;
	v41 =	vpop (erf);
	v6 =	vadd.f32 v38, v6  }
0x29f: {  	(erf) = vpow2.f32 v7;
	v7 =	vsel vm1, v35, v4;
	v8 =	vadd.f32 v40, v41  }
0x2a0: {  	v10 =	vmul.f32 $1.442695020e+00, v35;
	vm1 =	veq.s32 v3, $0x9;
	v42 =	vpop (erf);
	v6 =	vadd.f32 v7, v6;
	v7 =	vld [tilespmem:s15+$0xB180]  }
0x2a1: {  	(erf) = vpow2.f32 v5;
	v5 =	vsel vm1, v37, v4;
	v8 =	vadd.f32 v42, v8  }
0x2a2: {  	v11 =	vmul.f32 $1.442695020e+00, v37;
	vm1 =	veq.s32 v3, $0xA;
	v43 =	vpop (erf);
	v5 =	vadd.f32 v5, v6;
	v6 =	vld [tilespmem:s15+$0xC180]  }
0x2a3: {  	(erf) = vpow2.f32 v10;
	v44 =	vsel vm1, v39, v4;
	v8 =	vadd.f32 v43, v8  }
0x2a4: {  	v45 =	vld [tilespmem:s15+$0xD180];
	v9 =	vmul.f32 $1.442695020e+00, v39;
	vm1 =	veq.s32 v3, $0xB;
	v46 =	vpop (erf);
	v5 =	vadd.f32 v44, v5  }
0x2a5: {  	(erf) = vpow2.f32 v11;
	v8 =	vadd.f32 v46, v8;
	v47 =	vsel vm1, v7, v4  }
0x2a6: {  	v48 =	vld [tilespmem:s15+$0xE180];
	vm1 =	veq.s32 v3, $0xC;
	v7 =	vmul.f32 $1.442695020e+00, v7;
	v49 =	vpop (erf);
	v5 =	vadd.f32 v47, v5  }
0x2a7: {  	(erf) = vpow2.f32 v9;
	v8 =	vadd.f32 v49, v8;
	v50 =	vsel vm1, v6, v4  }
0x2a8: {  	v51 =	vld [tilespmem:s15+$0xF180];
	v52 =	vpop (erf);
	vm1 =	veq.s32 v3, $0xD;
	v6 =	vmul.f32 $1.442695020e+00, v6;
	v5 =	vadd.f32 v50, v5  }
0x2a9: {  	(erf) = vpow2.f32 v7;
	v7 =	vsel vm1, v45, v4;
	v8 =	vadd.f32 v52, v8  }
0x2aa: {  	v10 =	vmul.f32 $1.442695020e+00, v45;
	v53 =	vpop (erf);
	vm1 =	veq.s32 v3, $0xE;
	v5 =	vadd.f32 v7, v5;
	v7 =	vld [tilespmem:s15+$0x10180]  }
0x2ab: {  	(erf) = vpow2.f32 v6;
	v6 =	vsel vm1, v48, v4;
	v8 =	vadd.f32 v53, v8  }
0x2ac: {  	v11 =	vmul.f32 $1.442695020e+00, v48;
	v54 =	vpop (erf);
	vm1 =	veq.s32 v3, $0xF;
	v5 =	vadd.f32 v6, v5;
	v6 =	vld [tilespmem:s15+$0x11180]  }
0x2ad: {  	v9 =	vmul.f32 $1.442695020e+00, v51;
	v55 =	vsel vm1, v51, v4;
	v8 =	vadd.f32 v54, v8  }
0x2ae: {  	v56 =	vld [tilespmem:s15+$0x12180];
	v57 =	vpop (erf);
	(erf) = vpow2.f32 v10;
	vm1 =	veq.s32 v3, $0x10;
	v5 =	vadd.f32 v55, v5  }
0x2af: {  	(erf) = vpow2.f32 v11;
	v8 =	vadd.f32 v57, v8;
	v58 =	vsel vm1, v7, v4  }
0x2b0: {  	v59 =	vpop (erf);
	vm1 =	veq.s32 v3, $0x11;
	v7 =	vmul.f32 $1.442695020e+00, v7;
	v5 =	vadd.f32 v58, v5  }
0x2b1: {  	v8 =	vadd.f32 v59, v8;
	v60 =	vsel vm1, v6, v4  }
0x2b2: {  	(erf) = vpow2.f32 v9;
	v61 =	vpop (erf);
	vm1 =	veq.s32 v3, $0x12;
	v5 =	vadd.f32 v60, v5  }
0x2b3: {  	v6 =	vmul.f32 $1.442695020e+00, v6;
	v62 =	vsel vm1, v56, v4;
	v8 =	vadd.f32 v61, v8  }
0x2b4: {  	(erf) = vpow2.f32 v7;
	v7 =	vpop (erf);
	v5 =	vadd.f32 v62, v5  }
0x2b5: {  	v7 =	vadd.f32 v7, v8  }
0x2b6: {  	v5 =	vsub.f32 $0.0e+00, v5  }
0x2b7: {  	v63 =	vmul.f32 $1.442695020e+00, v56;
	(erf) = vpow2.f32 v6;
	v6 =	vpop (erf)  }
0x2b8: {  	v6 =	vadd.f32 v6, v7;
	v5 =	vmul.f32 $1.442695020e+00, v5  }
0x2b9: {  	(erf) = vpow2.f32 v63;
	v7 =	vpop (erf)  }
0x2ba: {  	v6 =	vadd.f32 v7, v6  }
0x2bb: {  	(erf) = vpow2.f32 v5  }
0x2bc: {  	v5 =	vpop (erf)  }
0x2bd: {  	v5 =	vadd.f32 v5, v6  }
0x2be: {  	v6 =	vpop (erf)  }
0x2bf: {  	v5 =	vadd.f32 v6, v5  }
0x2c0: {  	v6 =	vpop (erf)  }
0x2c1: {  	v1 =	vadd.s32 v2, v1;
	v2 =	vsel vm0, $0x1, v0;
	v5 =	vadd.f32 v6, v5  }
0x2c2: {  	v6 =	vpop (erf)  }
0x2c3: {  	v5 =	vadd.f32 v6, v5  }
0x2c4: {  	v1 =	vadd.s32 v2, v1;
	v2 =	vpop (erf)  }
0x2c5: {  	s2 =	simm.s32 $0x80;
	v4 =	vadd.f32 $1.000000000e+00, v4;
	v5 =	vmul.f32 v2, v5  }
0x2c6: {  	s11 =	sand.u32 $0xC00, s2;
	s10 =	simm.s32 $0x20;
	vm0 =	vne.s32 v3, $0xFF  }
.LBB2_9:
0x2c7: {  	p0 =	sne.s32 s10, $0x1F0;
	s12 =	sor.u32 s11, s3;
	v2 =	vsel vm0, v5, v4;
	s1 =	sand.u32 $0x1F0, s1;
	v3 =	vsel vm0, $0x1, v0  }
0x2c8: {  	s12 =	sor.u32 $0x180, s12;
	[tilespmem:s1+$0x14600] =	vst v2;
	v1 =	vadd.s32 v3, v1;
	s1 =	smov.u32 s3  }
0x2c9: {  	s3 =	smov.u32 s10;
	s13 =	sand.u32 $0x70, s1;
	v4 =	vld [tilespmem:s12+$0x0]  }
0x2ca: {  	v2 =	vld [tilespmem:s12+$0x13000];
	s11 =	sor.u32 s13, s11  }
0x2cb: {  	v5 =	vld [tilespmem:s11+$0x1180];
	_ =	sdelay $0x1  }
0x2cc: {  	v6 =	vld [tilespmem:s11+$0x2180]  }
0x2cd: {  	v3 =	vmul.f32 $0.0e+00, v4  }
0x2ce: {  	vm0 =	veq.s32 v2, $0x0;
	vm1 =	veq.s32 v2, $0x1;
	v7 =	vld [tilespmem:s11+$0x3180]  }
0x2cf: {  	v8 =	vsel vm0, v4, v3;
	v9 =	vsel vm1, v5, v3  }
0x2d0: {  	vm0 =	veq.s32 v2, $0x2;
	v8 =	vadd.f32 v9, v8;
	v9 =	vld [tilespmem:s11+$0x4180]  }
0x2d1: {  	v5 =	vmul.f32 $1.442695020e+00, v5;
	v10 =	vsel vm0, v6, v3  }
0x2d2: {  	v4 =	vmul.f32 $1.442695020e+00, v4;
	vm0 =	veq.s32 v2, $0x3;
	v8 =	vadd.f32 v10, v8;
	v10 =	vld [tilespmem:s11+$0x5180]  }
0x2d3: {  	v6 =	vmul.f32 $1.442695020e+00, v6;
	v11 =	vsel vm0, v7, v3;
	(erf) = vpow2.f32 v5  }
0x2d4: {  	vm0 =	veq.s32 v2, $0x4;
	v5 =	vadd.f32 v11, v8;
	v8 =	vld [tilespmem:s11+$0x6180];
	(erf) = vpow2.f32 v4  }
0x2d5: {  	v4 =	vmul.f32 $1.442695020e+00, v7;
	v7 =	vsel vm0, v9, v3  }
0x2d6: {  	vm0 =	veq.s32 v2, $0x5;
	v5 =	vadd.f32 v7, v5;
	v7 =	vld [tilespmem:s11+$0x7180];
	(erf) = vpow2.f32 v6  }
0x2d7: {  	v6 =	vmul.f32 $1.442695020e+00, v9;
	v9 =	vsel vm0, v10, v3  }
0x2d8: {  	vm0 =	veq.s32 v2, $0x6;
	v5 =	vadd.f32 v9, v5;
	v9 =	vld [tilespmem:s11+$0x8180];
	(erf) = vpow2.f32 v4  }
0x2d9: {  	v4 =	vmul.f32 $1.442695020e+00, v10;
	v10 =	vsel vm0, v8, v3  }
0x2da: {  	vm0 =	veq.s32 v2, $0x7;
	v5 =	vadd.f32 v10, v5;
	v10 =	vld [tilespmem:s11+$0x9180];
	(erf) = vpow2.f32 v6  }
0x2db: {  	v6 =	vmul.f32 $1.442695020e+00, v8;
	v8 =	vsel vm0, v7, v3  }
0x2dc: {  	vm0 =	veq.s32 v2, $0x8;
	v5 =	vadd.f32 v8, v5;
	v8 =	vld [tilespmem:s11+$0xA180];
	v11 =	vpop (erf);
	(erf) = vpow2.f32 v4  }
0x2dd: {  	v4 =	vmul.f32 $1.442695020e+00, v7;
	v7 =	vsel vm0, v9, v3;
	v12 =	vpop (erf);
	(erf) = vpow2.f32 v6  }
0x2de: {  	vm0 =	veq.s32 v2, $0x9;
	v6 =	vadd.f32 v11, v12;
	v5 =	vadd.f32 v7, v5;
	v7 =	vld [tilespmem:s11+$0xB180]  }
0x2df: {  	v9 =	vmul.f32 $1.442695020e+00, v9;
	v11 =	vsel vm0, v10, v3;
	v12 =	vpop (erf);
	(erf) = vpow2.f32 v4  }
0x2e0: {  	vm0 =	veq.s32 v2, $0xA;
	v4 =	vadd.f32 v12, v6;
	v5 =	vadd.f32 v11, v5;
	v6 =	vld [tilespmem:s11+$0xC180]  }
0x2e1: {  	v10 =	vmul.f32 $1.442695020e+00, v10;
	v11 =	vsel vm0, v8, v3;
	v12 =	vpop (erf);
	(erf) = vpow2.f32 v9  }
0x2e2: {  	vm0 =	veq.s32 v2, $0xB;
	v4 =	vadd.f32 v12, v4;
	v5 =	vadd.f32 v11, v5;
	v9 =	vld [tilespmem:s11+$0xD180]  }
0x2e3: {  	v8 =	vmul.f32 $1.442695020e+00, v8;
	v11 =	vsel vm0, v7, v3;
	v12 =	vpop (erf);
	(erf) = vpow2.f32 v10  }
0x2e4: {  	vm0 =	veq.s32 v2, $0xC;
	v4 =	vadd.f32 v12, v4;
	v5 =	vadd.f32 v11, v5;
	v10 =	vld [tilespmem:s11+$0xE180]  }
0x2e5: {  	v7 =	vmul.f32 $1.442695020e+00, v7;
	v13 =	vsel vm0, v6, v3;
	v12 =	vpop (erf);
	(erf) = vpow2.f32 v8  }
0x2e6: {  	vm0 =	veq.s32 v2, $0xD;
	v4 =	vadd.f32 v12, v4;
	v5 =	vadd.f32 v13, v5;
	v8 =	vld [tilespmem:s11+$0xF180];
	v11 =	vpop (erf)  }
0x2e7: {  	v6 =	vmul.f32 $1.442695020e+00, v6;
	v12 =	vsel vm0, v9, v3;
	(erf) = vpow2.f32 v7  }
0x2e8: {  	vm0 =	veq.s32 v2, $0xE;
	v4 =	vadd.f32 v11, v4;
	v5 =	vadd.f32 v12, v5;
	v7 =	vld [tilespmem:s11+$0x10180];
	v11 =	vpop (erf)  }
0x2e9: {  	v9 =	vmul.f32 $1.442695020e+00, v9;
	v12 =	vsel vm0, v10, v3;
	(erf) = vpow2.f32 v6  }
0x2ea: {  	vm0 =	veq.s32 v2, $0xF;
	v4 =	vadd.f32 v11, v4;
	v5 =	vadd.f32 v12, v5;
	v6 =	vld [tilespmem:s11+$0x11180];
	v11 =	vpop (erf)  }
0x2eb: {  	v13 =	vmul.f32 $1.442695020e+00, v10;
	v12 =	vsel vm0, v8, v3;
	(erf) = vpow2.f32 v9  }
0x2ec: {  	vm0 =	veq.s32 v2, $0x10;
	v4 =	vadd.f32 v11, v4;
	v5 =	vadd.f32 v12, v5;
	v9 =	vld [tilespmem:s11+$0x12180];
	v11 =	vpop (erf)  }
0x2ed: {  	v14 =	vmul.f32 $1.442695020e+00, v8;
	v12 =	vsel vm0, v7, v3;
	(erf) = vpow2.f32 v13  }
0x2ee: {  	vm0 =	veq.s32 v2, $0x11;
	v4 =	vadd.f32 v11, v4;
	v5 =	vadd.f32 v12, v5;
	v10 =	vpop (erf)  }
0x2ef: {  	v7 =	vmul.f32 $1.442695020e+00, v7;
	v11 =	vsel vm0, v6, v3;
	(erf) = vpow2.f32 v14  }
0x2f0: {  	vm0 =	veq.s32 v2, $0x12;
	v4 =	vadd.f32 v10, v4;
	v5 =	vadd.f32 v11, v5;
	v8 =	vpop (erf)  }
0x2f1: {  	v6 =	vmul.f32 $1.442695020e+00, v6;
	v10 =	vsel vm0, v9, v3  }
0x2f2: {  	v4 =	vadd.f32 v8, v4;
	v5 =	vadd.f32 v10, v5;
	v8 =	vpop (erf);
	(erf) = vpow2.f32 v7  }
0x2f3: {  	v7 =	vmul.f32 $1.442695020e+00, v9  }
0x2f4: {  	v4 =	vadd.f32 v8, v4;
	v5 =	vsub.f32 $0.0e+00, v5;
	v8 =	vpop (erf);
	(erf) = vpow2.f32 v6;
	_ =	sdelay $0x1  }
0x2f5: {  	v4 =	vadd.f32 v8, v4;
	v5 =	vmul.f32 $1.442695020e+00, v5;
	v6 =	vpop (erf);
	(erf) = vpow2.f32 v7;
	_ =	sdelay $0x1  }
0x2f6: {  	v4 =	vadd.f32 v6, v4;
	v6 =	vpop (erf);
	(erf) = vpow2.f32 v5;
	_ =	sdelay $0x1  }
0x2f7: {  	v4 =	vadd.f32 v6, v4  }
0x2f8: {  	v5 =	vpop (erf)  }
0x2f9: {  	v4 =	vadd.f32 v5, v4  }
0x2fa: {  	v5 =	vpop (erf)  }
0x2fb: {  	v4 =	vadd.f32 v5, v4  }
.Ltmp3:
0x2fc: {  	v5 =	vpop (erf);
	(pc) =	sbr.rel @p0 .LBB2_9-.Ltmp3, $4  }
0x2fd: {  	v4 =	vadd.f32 v5, v4  }
0x2fe: {  	v5 =	vpop (erf)  }
0x2ff: {  	s2 =	sadd.s32 $0x80, s2;
	v5 =	vmul.f32 v5, v4;
	v4 =	vadd.f32 $1.000000000e+00, v3  }
0x300: {  	s10 =	sadd.s32 $0x10, s10;
	s11 =	sand.u32 $0xC00, s2;
	vm0 =	vne.s32 v2, $0xFF  }
0x301: {  	s2 =	sor.u32 s11, s3;
	v2 =	vsel vm0, v5, v4;
	s1 =	sand.u32 $0x1F0, s1  }
0x302: {  	s2 =	sor.u32 $0x180, s2;
	[tilespmem:s1+$0x14600] =	vst v2  }
0x303: {  	s13 =	sand.u32 $0x70, s3;
	v4 =	vld [tilespmem:s2+$0x0]  }
0x304: {  	s1 =	sor.u32 s13, s11;
	v2 =	vld [tilespmem:s2+$0x13000]  }
0x305: {  	v5 =	vld [tilespmem:s1+$0x1180];
	_ =	sdelay $0x1  }
0x306: {  	v6 =	vld [tilespmem:s1+$0x2180]  }
0x307: {  	v3 =	vmul.f32 $0.0e+00, v4  }
0x308: {  	v7 =	vld [tilespmem:s1+$0x3180];
	vm1 =	veq.s32 v2, $0x0;
	vm2 =	veq.s32 v2, $0x1  }
0x309: {  	v8 =	vsel vm1, v4, v3;
	v9 =	vsel vm2, v5, v3  }
0x30a: {  	v12 =	vld [tilespmem:s1+$0x4180];
	vm4 =	veq.s32 v2, $0x2;
	v8 =	vadd.f32 v9, v8  }
0x30b: {  	v10 =	vsel vm4, v6, v3  }
0x30c: {  	v13 =	vld [tilespmem:s1+$0x5180];
	vm5 =	veq.s32 v2, $0x3;
	v5 =	vmul.f32 $1.442695020e+00, v5;
	v8 =	vadd.f32 v10, v8  }
0x30d: {  	v4 =	vmul.f32 $1.442695020e+00, v4;
	v11 =	vsel vm5, v7, v3  }
0x30e: {  	v14 =	vld [tilespmem:s1+$0x6180];
	vm6 =	veq.s32 v2, $0x4;
	(erf) = vpow2.f32 v5;
	v5 =	vadd.f32 v11, v8  }
0x30f: {  	v6 =	vmul.f32 $1.442695020e+00, v6;
	v15 =	vsel vm6, v12, v3;
	(erf) = vpow2.f32 v4  }
0x310: {  	v16 =	vld [tilespmem:s1+$0x7180];
	vm7 =	veq.s32 v2, $0x5;
	v5 =	vadd.f32 v15, v5  }
0x311: {  	v18 =	vsel vm7, v13, v3;
	v4 =	vmul.f32 $1.442695020e+00, v7;
	(erf) = vpow2.f32 v6  }
0x312: {  	v19 =	vld [tilespmem:s1+$0x8180];
	vm8 =	veq.s32 v2, $0x6;
	v5 =	vadd.f32 v18, v5  }
0x313: {  	v21 =	vld [tilespmem:s1+$0x9180];
	v17 =	vmul.f32 $1.442695020e+00, v12;
	v20 =	vsel vm8, v14, v3;
	(erf) = vpow2.f32 v4  }
0x314: {  	vm9 =	veq.s32 v2, $0x7;
	v5 =	vadd.f32 v20, v5  }
0x315: {  	v24 =	vld [tilespmem:s1+$0xA180];
	v23 =	vsel vm9, v16, v3;
	v4 =	vmul.f32 $1.442695020e+00, v13;
	(erf) = vpow2.f32 v17  }
0x316: {  	v22 =	vmul.f32 $1.442695020e+00, v14;
	vm10 =	veq.s32 v2, $0x8;
	v5 =	vadd.f32 v23, v5  }
0x317: {  	v28 =	vld [tilespmem:s1+$0xB180];
	vm11 =	veq.s32 v2, $0x9;
	v26 =	vsel vm10, v19, v3;
	v25 =	vpop (erf);
	(erf) = vpow2.f32 v4  }
0x318: {  	vm12 =	veq.s32 v2, $0xA;
	v29 =	vsel vm11, v21, v3;
	v12 =	vpop (erf);
	v5 =	vadd.f32 v26, v5  }
0x319: {  	v31 =	vld [tilespmem:s1+$0xC180];
	v4 =	vmul.f32 $1.442695020e+00, v16;
	(erf) = vpow2.f32 v22;
	v27 =	vadd.f32 v25, v12  }
0x31a: {  	vm13 =	veq.s32 v2, $0xB;
	v32 =	vsel vm12, v24, v3;
	v30 =	vpop (erf);
	v5 =	vadd.f32 v29, v5  }
0x31b: {  	v34 =	vld [tilespmem:s1+$0xD180];
	v9 =	vmul.f32 $1.442695020e+00, v19;
	(erf) = vpow2.f32 v4;
	v4 =	vadd.f32 v30, v27  }
0x31c: {  	vm14 =	veq.s32 v2, $0xC;
	v35 =	vsel vm13, v28, v3;
	v33 =	vpop (erf);
	v5 =	vadd.f32 v32, v5  }
0x31d: {  	v37 =	vld [tilespmem:s1+$0xE180];
	v10 =	vmul.f32 $1.442695020e+00, v21;
	(erf) = vpow2.f32 v9;
	v4 =	vadd.f32 v33, v4  }
0x31e: {  	vm15 =	veq.s32 v2, $0xD;
	v38 =	vsel vm14, v31, v3;
	v36 =	vpop (erf);
	v5 =	vadd.f32 v35, v5  }
0x31f: {  	v40 =	vld [tilespmem:s1+$0xF180];
	v8 =	vmul.f32 $1.442695020e+00, v24;
	(erf) = vpow2.f32 v10;
	v4 =	vadd.f32 v36, v4  }
0x320: {  	v42 =	vsel vm15, v34, v3;
	vm4 =	veq.s32 v2, $0xE;
	v39 =	vpop (erf);
	v5 =	vadd.f32 v38, v5  }
0x321: {  	v43 =	vld [tilespmem:s1+$0x10180];
	v7 =	vmul.f32 $1.442695020e+00, v28;
	(erf) = vpow2.f32 v8;
	v4 =	vadd.f32 v39, v4  }
0x322: {  	vm5 =	veq.s32 v2, $0xF;
	v45 =	vsel vm4, v37, v3;
	v41 =	vpop (erf);
	v5 =	vadd.f32 v42, v5  }
0x323: {  	v46 =	vld [tilespmem:s1+$0x11180];
	v6 =	vmul.f32 $1.442695020e+00, v31;
	(erf) = vpow2.f32 v7;
	v4 =	vadd.f32 v41, v4  }
0x324: {  	vm6 =	veq.s32 v2, $0x10;
	v48 =	vsel vm5, v40, v3;
	v44 =	vpop (erf);
	v5 =	vadd.f32 v45, v5  }
0x325: {  	v49 =	vld [tilespmem:s1+$0x12180];
	v9 =	vmul.f32 $1.442695020e+00, v34;
	(erf) = vpow2.f32 v6;
	v4 =	vadd.f32 v44, v4  }
0x326: {  	vm7 =	veq.s32 v2, $0x11;
	v51 =	vsel vm6, v43, v3;
	v47 =	vpop (erf);
	v5 =	vadd.f32 v48, v5  }
0x327: {  	v10 =	vmul.f32 $1.442695020e+00, v37;
	(erf) = vpow2.f32 v9;
	v4 =	vadd.f32 v47, v4  }
0x328: {  	vm8 =	veq.s32 v2, $0x12;
	v53 =	vsel vm7, v46, v3;
	v50 =	vpop (erf);
	v5 =	vadd.f32 v51, v5  }
0x329: {  	v8 =	vmul.f32 $1.442695020e+00, v40;
	(erf) = vpow2.f32 v10;
	v4 =	vadd.f32 v50, v4  }
0x32a: {  	v55 =	vsel vm8, v49, v3;
	v52 =	vpop (erf);
	v5 =	vadd.f32 v53, v5  }
0x32b: {  	v7 =	vmul.f32 $1.442695020e+00, v43;
	(erf) = vpow2.f32 v8;
	v4 =	vadd.f32 v52, v4  }
0x32c: {  	v54 =	vpop (erf);
	v5 =	vadd.f32 v55, v5  }
0x32d: {  	v6 =	vmul.f32 $1.442695020e+00, v46;
	(erf) = vpow2.f32 v7;
	v4 =	vadd.f32 v54, v4  }
0x32e: {  	v56 =	vpop (erf);
	v5 =	vsub.f32 $0.0e+00, v5  }
0x32f: {  	v57 =	vmul.f32 $1.442695020e+00, v49;
	(erf) = vpow2.f32 v6;
	v4 =	vadd.f32 v56, v4  }
0x330: {  	v58 =	vpop (erf);
	v5 =	vmul.f32 $1.442695020e+00, v5  }
0x331: {  	(erf) = vpow2.f32 v57;
	v4 =	vadd.f32 v58, v4  }
0x332: {  	v59 =	vpop (erf)  }
0x333: {  	v4 =	vadd.f32 v59, v4;
	(erf) = vpow2.f32 v5  }
0x334: {  	v5 =	vpop (erf)  }
0x335: {  	v4 =	vadd.f32 v5, v4  }
0x336: {  	v5 =	vpop (erf)  }
0x337: {  	v4 =	vadd.f32 v5, v4  }
0x338: {  	v5 =	vpop (erf)  }
0x339: {  	v4 =	vadd.f32 v5, v4  }
0x33a: {  	v5 =	vpop (erf)  }
0x33b: {  	v4 =	vadd.f32 v5, v4  }
0x33c: {  	v5 =	vpop (erf)  }
0x33d: {  	v3 =	vadd.f32 $1.000000000e+00, v3;
	v4 =	vmul.f32 v5, v4  }
0x33e: {  	s2 =	simm.s32 $0x0;
	vm1 =	vne.s32 v2, $0xFF  }
0x33f: {  	s14 =	sand.u32 $0x1F0, s3;
	s15 =	sand.u32 $0x70, s2;
	s10 =	sand.u32 $0xC00, s2;
	v2 =	vsel vm1, v4, v3  }
0x340: {  	s3 =	sor.u32 s10, s15;
	[tilespmem:s14+$0x14600] =	vst v2  }
0x341: {  	v4 =	vld [tilespmem:s3+$0x200]  }
0x342: {  	v2 =	vld [tilespmem:s3+$0x13200]  }
0x343: {  	v5 =	vld [tilespmem:s3+$0x1200];
	_ =	sdelay $0x1  }
0x344: {  	v60 =	vld [tilespmem:s3+$0x2200]  }
0x345: {  	v3 =	vmul.f32 $0.0e+00, v4  }
0x346: {  	v61 =	vld [tilespmem:s3+$0x3200];
	vm9 =	veq.s32 v2, $0x0;
	vm3 =	veq.s32 v2, $0x1  }
0x347: {  	v62 =	vsel vm9, v4, v3;
	v63 =	vsel vm3, v5, v3  }
0x348: {  	v12 =	vld [tilespmem:s3+$0x4200];
	vm10 =	veq.s32 v2, $0x2;
	v8 =	vadd.f32 v63, v62  }
0x349: {  	v13 =	vsel vm10, v60, v3  }
0x34a: {  	v14 =	vld [tilespmem:s3+$0x5200];
	vm11 =	veq.s32 v2, $0x3;
	v5 =	vmul.f32 $1.442695020e+00, v5;
	v8 =	vadd.f32 v13, v8  }
0x34b: {  	v4 =	vmul.f32 $1.442695020e+00, v4;
	v15 =	vsel vm11, v61, v3  }
0x34c: {  	v16 =	vld [tilespmem:s3+$0x6200];
	vm12 =	veq.s32 v2, $0x4;
	(erf) = vpow2.f32 v5;
	v5 =	vadd.f32 v15, v8  }
0x34d: {  	v6 =	vmul.f32 $1.442695020e+00, v60;
	v17 =	vsel vm12, v12, v3;
	(erf) = vpow2.f32 v4  }
0x34e: {  	v18 =	vld [tilespmem:s3+$0x7200];
	vm13 =	veq.s32 v2, $0x5;
	v5 =	vadd.f32 v17, v5  }
0x34f: {  	v20 =	vsel vm13, v14, v3;
	v4 =	vmul.f32 $1.442695020e+00, v61;
	(erf) = vpow2.f32 v6  }
0x350: {  	v21 =	vld [tilespmem:s3+$0x8200];
	vm14 =	veq.s32 v2, $0x6;
	v5 =	vadd.f32 v20, v5  }
0x351: {  	v23 =	vld [tilespmem:s3+$0x9200];
	v19 =	vmul.f32 $1.442695020e+00, v12;
	v22 =	vsel vm14, v16, v3;
	(erf) = vpow2.f32 v4  }
0x352: {  	vm15 =	veq.s32 v2, $0x7;
	v5 =	vadd.f32 v22, v5  }
0x353: {  	v25 =	vsel vm15, v18, v3;
	v4 =	vmul.f32 $1.442695020e+00, v14;
	(erf) = vpow2.f32 v19  }
0x354: {  	v26 =	vld [tilespmem:s3+$0xA200];
	v24 =	vmul.f32 $1.442695020e+00, v16;
	vm4 =	veq.s32 v2, $0x8;
	v5 =	vadd.f32 v25, v5  }
0x355: {  	vm5 =	veq.s32 v2, $0x9;
	v28 =	vsel vm4, v21, v3;
	v27 =	vpop (erf);
	(erf) = vpow2.f32 v4  }
0x356: {  	v31 =	vld [tilespmem:s3+$0xB200];
	v9 =	vmul.f32 $1.442695020e+00, v21;
	v32 =	vsel vm5, v23, v3;
	v29 =	vpop (erf);
	v5 =	vadd.f32 v28, v5  }
0x357: {  	v34 =	vld [tilespmem:s3+$0xC200];
	v4 =	vmul.f32 $1.442695020e+00, v18;
	(erf) = vpow2.f32 v24;
	v30 =	vadd.f32 v27, v29  }
0x358: {  	vm6 =	veq.s32 v2, $0xA;
	v10 =	vmul.f32 $1.442695020e+00, v23;
	v33 =	vpop (erf);
	v5 =	vadd.f32 v32, v5  }
0x359: {  	v35 =	vsel vm6, v26, v3;
	(erf) = vpow2.f32 v4;
	v4 =	vadd.f32 v33, v30  }
0x35a: {  	v37 =	vld [tilespmem:s3+$0xD200];
	vm7 =	veq.s32 v2, $0xB;
	vm8 =	veq.s32 v2, $0xC;
	v36 =	vpop (erf);
	v5 =	vadd.f32 v35, v5  }
0x35b: {  	v40 =	vld [tilespmem:s3+$0xE200];
	v38 =	vsel vm7, v31, v3;
	(erf) = vpow2.f32 v9;
	v4 =	vadd.f32 v36, v4  }
0x35c: {  	v7 =	vmul.f32 $1.442695020e+00, v31;
	v41 =	vsel vm8, v34, v3;
	v39 =	vpop (erf);
	v5 =	vadd.f32 v38, v5  }
0x35d: {  	v43 =	vld [tilespmem:s3+$0xF200];
	v8 =	vmul.f32 $1.442695020e+00, v26;
	(erf) = vpow2.f32 v10;
	v4 =	vadd.f32 v39, v4  }
0x35e: {  	vm9 =	veq.s32 v2, $0xD;
	vm10 =	veq.s32 v2, $0xE;
	v42 =	vpop (erf);
	v5 =	vadd.f32 v41, v5  }
0x35f: {  	v46 =	vld [tilespmem:s3+$0x10200];
	v45 =	vsel vm9, v37, v3;
	(erf) = vpow2.f32 v8;
	v4 =	vadd.f32 v42, v4  }
0x360: {  	vm11 =	veq.s32 v2, $0xF;
	v48 =	vsel vm10, v40, v3;
	v44 =	vpop (erf);
	v5 =	vadd.f32 v45, v5  }
0x361: {  	v49 =	vld [tilespmem:s3+$0x11200];
	v6 =	vmul.f32 $1.442695020e+00, v34;
	(erf) = vpow2.f32 v7;
	v4 =	vadd.f32 v44, v4  }
0x362: {  	vm12 =	veq.s32 v2, $0x10;
	v51 =	vsel vm11, v43, v3;
	v47 =	vpop (erf);
	v5 =	vadd.f32 v48, v5  }
0x363: {  	v52 =	vld [tilespmem:s3+$0x12200];
	v9 =	vmul.f32 $1.442695020e+00, v37;
	(erf) = vpow2.f32 v6;
	v4 =	vadd.f32 v47, v4  }
0x364: {  	vm13 =	veq.s32 v2, $0x11;
	v54 =	vsel vm12, v46, v3;
	v50 =	vpop (erf);
	v5 =	vadd.f32 v51, v5  }
0x365: {  	v10 =	vmul.f32 $1.442695020e+00, v40;
	(erf) = vpow2.f32 v9;
	v4 =	vadd.f32 v50, v4  }
0x366: {  	vm14 =	veq.s32 v2, $0x12;
	v56 =	vsel vm13, v49, v3;
	v53 =	vpop (erf);
	v5 =	vadd.f32 v54, v5  }
0x367: {  	v8 =	vmul.f32 $1.442695020e+00, v43;
	(erf) = vpow2.f32 v10;
	v4 =	vadd.f32 v53, v4  }
0x368: {  	v57 =	vsel vm14, v52, v3;
	v55 =	vpop (erf);
	v5 =	vadd.f32 v56, v5  }
0x369: {  	v7 =	vmul.f32 $1.442695020e+00, v46;
	(erf) = vpow2.f32 v8;
	v4 =	vadd.f32 v55, v4  }
0x36a: {  	v58 =	vpop (erf);
	v5 =	vadd.f32 v57, v5  }
0x36b: {  	v6 =	vmul.f32 $1.442695020e+00, v49;
	(erf) = vpow2.f32 v7;
	v4 =	vadd.f32 v58, v4  }
0x36c: {  	v59 =	vpop (erf);
	v5 =	vsub.f32 $0.0e+00, v5  }
0x36d: {  	v60 =	vmul.f32 $1.442695020e+00, v52;
	(erf) = vpow2.f32 v6;
	v4 =	vadd.f32 v59, v4  }
0x36e: {  	v61 =	vpop (erf);
	v5 =	vmul.f32 $1.442695020e+00, v5  }
0x36f: {  	(erf) = vpow2.f32 v60;
	v4 =	vadd.f32 v61, v4  }
0x370: {  	v62 =	vpop (erf)  }
0x371: {  	v4 =	vadd.f32 v62, v4;
	(erf) = vpow2.f32 v5  }
0x372: {  	v5 =	vpop (erf)  }
0x373: {  	v4 =	vadd.f32 v5, v4  }
0x374: {  	v5 =	vpop (erf)  }
0x375: {  	v4 =	vadd.f32 v5, v4  }
0x376: {  	v5 =	vpop (erf)  }
0x377: {  	v4 =	vadd.f32 v5, v4  }
0x378: {  	v5 =	vpop (erf)  }
0x379: {  	v4 =	vadd.f32 v5, v4  }
0x37a: {  	v5 =	vpop (erf)  }
0x37b: {  	s1 =	simm.s32 $0x10;
	v63 =	vsel vm0, $0x1, v0;
	v3 =	vadd.f32 $1.000000000e+00, v3;
	v4 =	vmul.f32 v5, v4  }
0x37c: {  	s12 =	simm.s32 $0x20;
	s11 =	simm.s32 $0x80;
	s13 =	sand.u32 $0x70, s1;
	vm15 =	vne.s32 v2, $0xFF;
	v1 =	vadd.s32 v63, v1;
	v5 =	vsel vm1, $0x1, v0  }
0x37d: {  	s15 =	sand.u32 $0xC00, s11;
	s10 =	simm.s32 $0x10;
	s14 =	sand.u32 $0x1F0, s2;
	v2 =	vsel vm15, $0x1, v0;
	v1 =	vadd.s32 v5, v1;
	v3 =	vsel vm15, v4, v3  }
.LBB2_11:
0x37e: {  	p0 =	sne.s32 s12, $0x1F0;
	s13 =	sor.u32 s15, s13;
	[tilespmem:s14+$0x14800] =	vst v3;
	v1 =	vadd.s32 v2, v1  }
0x37f: {  	v4 =	vld [tilespmem:s13+$0x200]  }
0x380: {  	v2 =	vld [tilespmem:s13+$0x13200]  }
0x381: {  	v5 =	vld [tilespmem:s13+$0x1200];
	_ =	sdelay $0x1  }
0x382: {  	v6 =	vld [tilespmem:s13+$0x2200]  }
0x383: {  	v3 =	vmul.f32 $0.0e+00, v4  }
0x384: {  	vm0 =	veq.s32 v2, $0x0;
	vm1 =	veq.s32 v2, $0x1;
	v7 =	vld [tilespmem:s13+$0x3200]  }
0x385: {  	v8 =	vsel vm0, v4, v3;
	v9 =	vsel vm1, v5, v3  }
0x386: {  	vm0 =	veq.s32 v2, $0x2;
	v8 =	vadd.f32 v9, v8;
	v9 =	vld [tilespmem:s13+$0x4200]  }
0x387: {  	v5 =	vmul.f32 $1.442695020e+00, v5;
	v10 =	vsel vm0, v6, v3  }
0x388: {  	v4 =	vmul.f32 $1.442695020e+00, v4;
	vm0 =	veq.s32 v2, $0x3;
	v8 =	vadd.f32 v10, v8;
	v10 =	vld [tilespmem:s13+$0x5200]  }
0x389: {  	v6 =	vmul.f32 $1.442695020e+00, v6;
	v11 =	vsel vm0, v7, v3;
	(erf) = vpow2.f32 v5  }
0x38a: {  	vm0 =	veq.s32 v2, $0x4;
	v5 =	vadd.f32 v11, v8;
	v8 =	vld [tilespmem:s13+$0x6200];
	(erf) = vpow2.f32 v4  }
0x38b: {  	v4 =	vmul.f32 $1.442695020e+00, v7;
	v7 =	vsel vm0, v9, v3  }
0x38c: {  	vm0 =	veq.s32 v2, $0x5;
	v5 =	vadd.f32 v7, v5;
	v7 =	vld [tilespmem:s13+$0x7200];
	(erf) = vpow2.f32 v6  }
0x38d: {  	v6 =	vmul.f32 $1.442695020e+00, v9;
	v9 =	vsel vm0, v10, v3  }
0x38e: {  	vm0 =	veq.s32 v2, $0x6;
	v5 =	vadd.f32 v9, v5;
	v9 =	vld [tilespmem:s13+$0x8200];
	(erf) = vpow2.f32 v4  }
0x38f: {  	v4 =	vmul.f32 $1.442695020e+00, v10;
	v10 =	vsel vm0, v8, v3  }
0x390: {  	vm0 =	veq.s32 v2, $0x7;
	v5 =	vadd.f32 v10, v5;
	v10 =	vld [tilespmem:s13+$0x9200];
	(erf) = vpow2.f32 v6  }
0x391: {  	v6 =	vmul.f32 $1.442695020e+00, v8;
	v8 =	vsel vm0, v7, v3  }
0x392: {  	vm0 =	veq.s32 v2, $0x8;
	v5 =	vadd.f32 v8, v5;
	v8 =	vld [tilespmem:s13+$0xA200];
	v11 =	vpop (erf);
	(erf) = vpow2.f32 v4  }
0x393: {  	v4 =	vmul.f32 $1.442695020e+00, v7;
	v7 =	vsel vm0, v9, v3;
	v12 =	vpop (erf);
	(erf) = vpow2.f32 v6  }
0x394: {  	vm0 =	veq.s32 v2, $0x9;
	v6 =	vadd.f32 v11, v12;
	v5 =	vadd.f32 v7, v5;
	v7 =	vld [tilespmem:s13+$0xB200]  }
0x395: {  	v9 =	vmul.f32 $1.442695020e+00, v9;
	v11 =	vsel vm0, v10, v3;
	v12 =	vpop (erf);
	(erf) = vpow2.f32 v4  }
0x396: {  	vm0 =	veq.s32 v2, $0xA;
	v4 =	vadd.f32 v12, v6;
	v5 =	vadd.f32 v11, v5;
	v6 =	vld [tilespmem:s13+$0xC200]  }
0x397: {  	v10 =	vmul.f32 $1.442695020e+00, v10;
	v11 =	vsel vm0, v8, v3;
	v12 =	vpop (erf);
	(erf) = vpow2.f32 v9  }
0x398: {  	vm0 =	veq.s32 v2, $0xB;
	v4 =	vadd.f32 v12, v4;
	v5 =	vadd.f32 v11, v5;
	v9 =	vld [tilespmem:s13+$0xD200]  }
0x399: {  	v8 =	vmul.f32 $1.442695020e+00, v8;
	v11 =	vsel vm0, v7, v3;
	v12 =	vpop (erf);
	(erf) = vpow2.f32 v10  }
0x39a: {  	vm0 =	veq.s32 v2, $0xC;
	v4 =	vadd.f32 v12, v4;
	v5 =	vadd.f32 v11, v5;
	v10 =	vld [tilespmem:s13+$0xE200]  }
0x39b: {  	v7 =	vmul.f32 $1.442695020e+00, v7;
	v13 =	vsel vm0, v6, v3;
	v12 =	vpop (erf);
	(erf) = vpow2.f32 v8  }
0x39c: {  	vm0 =	veq.s32 v2, $0xD;
	v4 =	vadd.f32 v12, v4;
	v5 =	vadd.f32 v13, v5;
	v8 =	vld [tilespmem:s13+$0xF200];
	v11 =	vpop (erf)  }
0x39d: {  	v6 =	vmul.f32 $1.442695020e+00, v6;
	v12 =	vsel vm0, v9, v3;
	(erf) = vpow2.f32 v7  }
0x39e: {  	vm0 =	veq.s32 v2, $0xE;
	v4 =	vadd.f32 v11, v4;
	v5 =	vadd.f32 v12, v5;
	v7 =	vld [tilespmem:s13+$0x10200];
	v11 =	vpop (erf)  }
0x39f: {  	v9 =	vmul.f32 $1.442695020e+00, v9;
	v12 =	vsel vm0, v10, v3;
	(erf) = vpow2.f32 v6  }
0x3a0: {  	vm0 =	veq.s32 v2, $0xF;
	v4 =	vadd.f32 v11, v4;
	v5 =	vadd.f32 v12, v5;
	v6 =	vld [tilespmem:s13+$0x11200];
	v11 =	vpop (erf)  }
0x3a1: {  	v13 =	vmul.f32 $1.442695020e+00, v10;
	v12 =	vsel vm0, v8, v3;
	(erf) = vpow2.f32 v9  }
0x3a2: {  	vm0 =	veq.s32 v2, $0x10;
	v4 =	vadd.f32 v11, v4;
	v5 =	vadd.f32 v12, v5;
	v9 =	vld [tilespmem:s13+$0x12200];
	v11 =	vpop (erf)  }
0x3a3: {  	v14 =	vmul.f32 $1.442695020e+00, v8;
	v12 =	vsel vm0, v7, v3;
	(erf) = vpow2.f32 v13  }
0x3a4: {  	vm0 =	veq.s32 v2, $0x11;
	v4 =	vadd.f32 v11, v4;
	v5 =	vadd.f32 v12, v5;
	v10 =	vpop (erf)  }
0x3a5: {  	v7 =	vmul.f32 $1.442695020e+00, v7;
	v11 =	vsel vm0, v6, v3;
	(erf) = vpow2.f32 v14  }
0x3a6: {  	vm0 =	veq.s32 v2, $0x12;
	v4 =	vadd.f32 v10, v4;
	v5 =	vadd.f32 v11, v5;
	v8 =	vpop (erf)  }
0x3a7: {  	v6 =	vmul.f32 $1.442695020e+00, v6;
	v10 =	vsel vm0, v9, v3  }
0x3a8: {  	v4 =	vadd.f32 v8, v4;
	v5 =	vadd.f32 v10, v5;
	v8 =	vpop (erf);
	(erf) = vpow2.f32 v7  }
0x3a9: {  	v7 =	vmul.f32 $1.442695020e+00, v9  }
0x3aa: {  	v4 =	vadd.f32 v8, v4;
	v5 =	vsub.f32 $0.0e+00, v5;
	v8 =	vpop (erf);
	(erf) = vpow2.f32 v6;
	_ =	sdelay $0x1  }
0x3ab: {  	v4 =	vadd.f32 v8, v4;
	v5 =	vmul.f32 $1.442695020e+00, v5;
	v6 =	vpop (erf);
	(erf) = vpow2.f32 v7;
	_ =	sdelay $0x1  }
0x3ac: {  	v4 =	vadd.f32 v6, v4;
	v6 =	vpop (erf);
	(erf) = vpow2.f32 v5;
	_ =	sdelay $0x1  }
0x3ad: {  	v4 =	vadd.f32 v6, v4  }
0x3ae: {  	v5 =	vpop (erf)  }
0x3af: {  	v4 =	vadd.f32 v5, v4  }
0x3b0: {  	v5 =	vpop (erf)  }
0x3b1: {  	v4 =	vadd.f32 v5, v4  }
0x3b2: {  	v5 =	vpop (erf)  }
.Ltmp4:
0x3b3: {  	v4 =	vadd.f32 v5, v4;
	(pc) =	sbr.rel @p0 .LBB2_11-.Ltmp4, $4  }
0x3b4: {  	v5 =	vpop (erf)  }
0x3b5: {  	v3 =	vadd.f32 $1.000000000e+00, v3;
	v4 =	vmul.f32 v5, v4  }
0x3b6: {  	s14 =	sand.u32 $0x1F0, s10;
	s11 =	sadd.s32 $0x80, s11;
	s10 =	smov.u32 s12;
	vm0 =	vne.s32 v2, $0xFF  }
0x3b7: {  	s12 =	sadd.s32 $0x10, s12;
	s15 =	sand.u32 $0xC00, s11;
	s13 =	sand.u32 $0x70, s10;
	v2 =	vsel vm0, $0x1, v0;
	v3 =	vsel vm0, v4, v3  }
0x3b8: {  	s11 =	sor.u32 s15, s13;
	[tilespmem:s14+$0x14800] =	vst v3  }
0x3b9: {  	v5 =	vld [tilespmem:s11+$0x200]  }
0x3ba: {  	v3 =	vld [tilespmem:s11+$0x13200]  }
0x3bb: {  	v6 =	vld [tilespmem:s11+$0x1200];
	_ =	sdelay $0x1  }
0x3bc: {  	v7 =	vld [tilespmem:s11+$0x2200]  }
0x3bd: {  	v4 =	vmul.f32 $0.0e+00, v5  }
0x3be: {  	v8 =	vld [tilespmem:s11+$0x3200];
	vm0 =	veq.s32 v3, $0x0;
	vm1 =	veq.s32 v3, $0x1  }
0x3bf: {  	v9 =	vsel vm0, v5, v4;
	v10 =	vsel vm1, v6, v4  }
0x3c0: {  	v52 =	vld [tilespmem:s11+$0x4200];
	vm4 =	veq.s32 v3, $0x2;
	v9 =	vadd.f32 v10, v9  }
0x3c1: {  	v11 =	vsel vm4, v7, v4  }
0x3c2: {  	v53 =	vld [tilespmem:s11+$0x5200];
	vm5 =	veq.s32 v3, $0x3;
	v6 =	vmul.f32 $1.442695020e+00, v6;
	v9 =	vadd.f32 v11, v9  }
0x3c3: {  	vm6 =	veq.s32 v3, $0x4;
	v5 =	vmul.f32 $1.442695020e+00, v5;
	v12 =	vsel vm5, v8, v4  }
0x3c4: {  	v55 =	vld [tilespmem:s11+$0x6200];
	v7 =	vmul.f32 $1.442695020e+00, v7;
	(erf) = vpow2.f32 v6;
	v54 =	vadd.f32 v12, v9  }
0x3c5: {  	v56 =	vsel vm6, v52, v4;
	(erf) = vpow2.f32 v5  }
0x3c6: {  	v57 =	vld [tilespmem:s11+$0x7200];
	vm7 =	veq.s32 v3, $0x5;
	(erf) = vpow2.f32 v7;
	v6 =	vadd.f32 v56, v54  }
0x3c7: {  	v59 =	vsel vm7, v53, v4;
	v5 =	vmul.f32 $1.442695020e+00, v8  }
0x3c8: {  	v60 =	vld [tilespmem:s11+$0x8200];
	vm8 =	veq.s32 v3, $0x6;
	v6 =	vadd.f32 v59, v6  }
0x3c9: {  	v58 =	vmul.f32 $1.442695020e+00, v52;
	v61 =	vsel vm8, v55, v4;
	(erf) = vpow2.f32 v5  }
0x3ca: {  	v62 =	vld [tilespmem:s11+$0x9200];
	vm9 =	veq.s32 v3, $0x7;
	v6 =	vadd.f32 v61, v6  }
0x3cb: {  	v15 =	vsel vm9, v57, v4;
	v5 =	vmul.f32 $1.442695020e+00, v53;
	(erf) = vpow2.f32 v58  }
0x3cc: {  	v16 =	vld [tilespmem:s11+$0xA200];
	v63 =	vmul.f32 $1.442695020e+00, v55;
	vm10 =	veq.s32 v3, $0x8;
	v6 =	vadd.f32 v15, v6  }
0x3cd: {  	v20 =	vld [tilespmem:s11+$0xB200];
	v19 =	vsel vm10, v60, v4;
	v17 =	vpop (erf);
	(erf) = vpow2.f32 v5;
	v5 =	vmul.f32 $1.442695020e+00, v57  }
0x3ce: {  	vm11 =	veq.s32 v3, $0x9;
	v18 =	vpop (erf);
	(erf) = vpow2.f32 v63;
	v6 =	vadd.f32 v19, v6  }
0x3cf: {  	v22 =	vld [tilespmem:s11+$0xC200];
	v8 =	vadd.f32 v17, v18;
	v21 =	vpop (erf);
	(erf) = vpow2.f32 v5;
	v5 =	vsel vm11, v62, v4  }
0x3d0: {  	vm12 =	veq.s32 v3, $0xA;
	vm13 =	veq.s32 v3, $0xB;
	v5 =	vadd.f32 v5, v6  }
0x3d1: {  	v25 =	vld [tilespmem:s11+$0xD200];
	v24 =	vsel vm12, v16, v4;
	v10 =	vmul.f32 $1.442695020e+00, v60;
	v8 =	vadd.f32 v21, v8  }
0x3d2: {  	vm14 =	veq.s32 v3, $0xC;
	v27 =	vsel vm13, v20, v4;
	v23 =	vpop (erf);
	v5 =	vadd.f32 v24, v5  }
0x3d3: {  	v28 =	vld [tilespmem:s11+$0xE200];
	v11 =	vmul.f32 $1.442695020e+00, v62;
	(erf) = vpow2.f32 v10;
	v8 =	vadd.f32 v23, v8  }
0x3d4: {  	vm15 =	veq.s32 v3, $0xD;
	v30 =	vsel vm14, v22, v4;
	v26 =	vpop (erf);
	v5 =	vadd.f32 v27, v5  }
0x3d5: {  	v31 =	vld [tilespmem:s11+$0xF200];
	v9 =	vmul.f32 $1.442695020e+00, v16;
	(erf) = vpow2.f32 v11;
	v8 =	vadd.f32 v26, v8  }
0x3d6: {  	v33 =	vsel vm15, v25, v4;
	vm4 =	veq.s32 v3, $0xE;
	v29 =	vpop (erf);
	v5 =	vadd.f32 v30, v5  }
0x3d7: {  	v34 =	vld [tilespmem:s11+$0x10200];
	v7 =	vmul.f32 $1.442695020e+00, v20;
	(erf) = vpow2.f32 v9;
	v8 =	vadd.f32 v29, v8  }
0x3d8: {  	vm5 =	veq.s32 v3, $0xF;
	v36 =	vsel vm4, v28, v4;
	v32 =	vpop (erf);
	v5 =	vadd.f32 v33, v5  }
0x3d9: {  	v37 =	vld [tilespmem:s11+$0x11200];
	v6 =	vmul.f32 $1.442695020e+00, v22;
	(erf) = vpow2.f32 v7;
	v8 =	vadd.f32 v32, v8  }
0x3da: {  	vm6 =	veq.s32 v3, $0x10;
	v39 =	vsel vm5, v31, v4;
	v35 =	vpop (erf);
	v5 =	vadd.f32 v36, v5  }
0x3db: {  	v40 =	vld [tilespmem:s11+$0x12200];
	v10 =	vmul.f32 $1.442695020e+00, v25;
	(erf) = vpow2.f32 v6;
	v8 =	vadd.f32 v35, v8  }
0x3dc: {  	vm7 =	veq.s32 v3, $0x11;
	v42 =	vsel vm6, v34, v4;
	v38 =	vpop (erf);
	v5 =	vadd.f32 v39, v5  }
0x3dd: {  	v11 =	vmul.f32 $1.442695020e+00, v28;
	(erf) = vpow2.f32 v10;
	v8 =	vadd.f32 v38, v8  }
0x3de: {  	vm8 =	veq.s32 v3, $0x12;
	v44 =	vsel vm7, v37, v4;
	v41 =	vpop (erf);
	v5 =	vadd.f32 v42, v5  }
0x3df: {  	v9 =	vmul.f32 $1.442695020e+00, v31;
	(erf) = vpow2.f32 v11;
	v8 =	vadd.f32 v41, v8  }
0x3e0: {  	v46 =	vsel vm8, v40, v4;
	v43 =	vpop (erf);
	v5 =	vadd.f32 v44, v5  }
0x3e1: {  	v7 =	vmul.f32 $1.442695020e+00, v34;
	(erf) = vpow2.f32 v9;
	v8 =	vadd.f32 v43, v8  }
0x3e2: {  	v45 =	vpop (erf);
	v5 =	vadd.f32 v46, v5  }
0x3e3: {  	v6 =	vmul.f32 $1.442695020e+00, v37;
	(erf) = vpow2.f32 v7;
	v8 =	vadd.f32 v45, v8  }
0x3e4: {  	v47 =	vpop (erf);
	v5 =	vsub.f32 $0.0e+00, v5  }
0x3e5: {  	v48 =	vmul.f32 $1.442695020e+00, v40;
	(erf) = vpow2.f32 v6;
	v7 =	vadd.f32 v47, v8  }
0x3e6: {  	v49 =	vpop (erf);
	v5 =	vmul.f32 $1.442695020e+00, v5  }
0x3e7: {  	(erf) = vpow2.f32 v48;
	v6 =	vadd.f32 v49, v7  }
0x3e8: {  	v50 =	vpop (erf)  }
0x3e9: {  	v6 =	vadd.f32 v50, v6;
	(erf) = vpow2.f32 v5  }
0x3ea: {  	v5 =	vpop (erf)  }
0x3eb: {  	v5 =	vadd.f32 v5, v6  }
0x3ec: {  	v51 =	vpop (erf)  }
0x3ed: {  	v5 =	vadd.f32 v51, v5  }
0x3ee: {  	v52 =	vpop (erf)  }
0x3ef: {  	v5 =	vadd.f32 v52, v5  }
0x3f0: {  	v53 =	vpop (erf)  }
0x3f1: {  	v5 =	vadd.f32 v53, v5  }
0x3f2: {  	v54 =	vpop (erf)  }
0x3f3: {  	v4 =	vadd.f32 $1.000000000e+00, v4;
	v5 =	vmul.f32 v54, v5  }
0x3f4: {  	vm0 =	vne.s32 v3, $0xFF  }
0x3f5: {  	s10 =	sand.u32 $0x1F0, s10;
	v3 =	vsel vm0, v5, v4  }
0x3f6: {  	[tilespmem:s10+$0x14800] =	vst v3  }
0x3f7: {  	v5 =	vld [tilespmem:s3+$0x280]  }
0x3f8: {  	v3 =	vld [tilespmem:s3+$0x13280]  }
0x3f9: {  	v55 =	vld [tilespmem:s3+$0x1280];
	_ =	sdelay $0x1  }
0x3fa: {  	v56 =	vld [tilespmem:s3+$0x2280]  }
0x3fb: {  	v4 =	vmul.f32 $0.0e+00, v5  }
0x3fc: {  	v57 =	vld [tilespmem:s3+$0x3280];
	vm9 =	veq.s32 v3, $0x0;
	vm2 =	veq.s32 v3, $0x1  }
0x3fd: {  	v58 =	vsel vm9, v5, v4;
	v59 =	vsel vm2, v55, v4  }
0x3fe: {  	v60 =	vld [tilespmem:s3+$0x4280];
	vm10 =	veq.s32 v3, $0x2;
	v9 =	vadd.f32 v59, v58  }
0x3ff: {  	v61 =	vsel vm10, v56, v4  }
0x400: {  	v62 =	vld [tilespmem:s3+$0x5280];
	v6 =	vmul.f32 $1.442695020e+00, v55;
	vm11 =	veq.s32 v3, $0x3;
	v9 =	vadd.f32 v61, v9  }
0x401: {  	v7 =	vmul.f32 $1.442695020e+00, v56;
	v5 =	vmul.f32 $1.442695020e+00, v5;
	v63 =	vsel vm11, v57, v4  }
0x402: {  	v15 =	vld [tilespmem:s3+$0x6280];
	vm12 =	veq.s32 v3, $0x4;
	(erf) = vpow2.f32 v6;
	v14 =	vadd.f32 v63, v9  }
0x403: {  	v16 =	vsel vm12, v60, v4;
	(erf) = vpow2.f32 v5  }
0x404: {  	v17 =	vld [tilespmem:s3+$0x7280];
	vm13 =	veq.s32 v3, $0x5;
	(erf) = vpow2.f32 v7;
	v6 =	vadd.f32 v16, v14  }
0x405: {  	v19 =	vsel vm13, v62, v4;
	v5 =	vmul.f32 $1.442695020e+00, v57  }
0x406: {  	v20 =	vld [tilespmem:s3+$0x8280];
	vm14 =	veq.s32 v3, $0x6;
	v6 =	vadd.f32 v19, v6  }
0x407: {  	v18 =	vmul.f32 $1.442695020e+00, v60;
	v21 =	vsel vm14, v15, v4;
	(erf) = vpow2.f32 v5  }
0x408: {  	v22 =	vld [tilespmem:s3+$0x9280];
	vm15 =	veq.s32 v3, $0x7;
	v6 =	vadd.f32 v21, v6  }
0x409: {  	v24 =	vsel vm15, v17, v4;
	v5 =	vmul.f32 $1.442695020e+00, v62;
	(erf) = vpow2.f32 v18  }
0x40a: {  	v25 =	vld [tilespmem:s3+$0xA280];
	v23 =	vmul.f32 $1.442695020e+00, v15;
	vm4 =	veq.s32 v3, $0x8;
	v6 =	vadd.f32 v24, v6  }
0x40b: {  	v28 =	vsel vm4, v20, v4;
	v26 =	vpop (erf);
	(erf) = vpow2.f32 v5;
	v5 =	vmul.f32 $1.442695020e+00, v17  }
0x40c: {  	v29 =	vld [tilespmem:s3+$0xB280];
	vm5 =	veq.s32 v3, $0x9;
	v27 =	vpop (erf);
	(erf) = vpow2.f32 v23;
	v6 =	vadd.f32 v28, v6  }
0x40d: {  	v31 =	vld [tilespmem:s3+$0xC280];
	v8 =	vadd.f32 v26, v27;
	v30 =	vpop (erf);
	(erf) = vpow2.f32 v5;
	v5 =	vsel vm5, v22, v4  }
0x40e: {  	v10 =	vmul.f32 $1.442695020e+00, v20;
	vm6 =	veq.s32 v3, $0xA;
	v5 =	vadd.f32 v5, v6  }
0x40f: {  	v34 =	vld [tilespmem:s3+$0xD280];
	v11 =	vmul.f32 $1.442695020e+00, v22;
	v33 =	vsel vm6, v25, v4;
	v8 =	vadd.f32 v30, v8  }
0x410: {  	vm7 =	veq.s32 v3, $0xB;
	vm8 =	veq.s32 v3, $0xC;
	v32 =	vpop (erf);
	v5 =	vadd.f32 v33, v5  }
0x411: {  	v37 =	vld [tilespmem:s3+$0xE280];
	v36 =	vsel vm7, v29, v4;
	(erf) = vpow2.f32 v10;
	v8 =	vadd.f32 v32, v8  }
0x412: {  	v39 =	vsel vm8, v31, v4;
	vm9 =	veq.s32 v3, $0xD;
	v35 =	vpop (erf);
	v5 =	vadd.f32 v36, v5  }
0x413: {  	v40 =	vld [tilespmem:s3+$0xF280];
	v9 =	vmul.f32 $1.442695020e+00, v25;
	(erf) = vpow2.f32 v11;
	v8 =	vadd.f32 v35, v8  }
0x414: {  	vm10 =	veq.s32 v3, $0xE;
	v42 =	vsel vm9, v34, v4;
	v38 =	vpop (erf);
	v5 =	vadd.f32 v39, v5  }
0x415: {  	v43 =	vld [tilespmem:s3+$0x10280];
	v7 =	vmul.f32 $1.442695020e+00, v29;
	(erf) = vpow2.f32 v9;
	v8 =	vadd.f32 v38, v8  }
0x416: {  	vm11 =	veq.s32 v3, $0xF;
	v45 =	vsel vm10, v37, v4;
	v41 =	vpop (erf);
	v5 =	vadd.f32 v42, v5  }
0x417: {  	v46 =	vld [tilespmem:s3+$0x11280];
	v6 =	vmul.f32 $1.442695020e+00, v31;
	(erf) = vpow2.f32 v7;
	v8 =	vadd.f32 v41, v8  }
0x418: {  	vm12 =	veq.s32 v3, $0x10;
	v48 =	vsel vm11, v40, v4;
	v44 =	vpop (erf);
	v5 =	vadd.f32 v45, v5  }
0x419: {  	v49 =	vld [tilespmem:s3+$0x12280];
	v10 =	vmul.f32 $1.442695020e+00, v34;
	(erf) = vpow2.f32 v6;
	v8 =	vadd.f32 v44, v8  }
0x41a: {  	vm13 =	veq.s32 v3, $0x11;
	v51 =	vsel vm12, v43, v4;
	v47 =	vpop (erf);
	v5 =	vadd.f32 v48, v5  }
0x41b: {  	v11 =	vmul.f32 $1.442695020e+00, v37;
	(erf) = vpow2.f32 v10;
	v8 =	vadd.f32 v47, v8  }
0x41c: {  	vm14 =	veq.s32 v3, $0x12;
	v53 =	vsel vm13, v46, v4;
	v50 =	vpop (erf);
	v5 =	vadd.f32 v51, v5  }
0x41d: {  	v9 =	vmul.f32 $1.442695020e+00, v40;
	(erf) = vpow2.f32 v11;
	v8 =	vadd.f32 v50, v8  }
0x41e: {  	v55 =	vsel vm14, v49, v4;
	v52 =	vpop (erf);
	v5 =	vadd.f32 v53, v5  }
0x41f: {  	v7 =	vmul.f32 $1.442695020e+00, v43;
	(erf) = vpow2.f32 v9;
	v8 =	vadd.f32 v52, v8  }
0x420: {  	v54 =	vpop (erf);
	v5 =	vadd.f32 v55, v5  }
0x421: {  	v6 =	vmul.f32 $1.442695020e+00, v46;
	(erf) = vpow2.f32 v7;
	v8 =	vadd.f32 v54, v8  }
0x422: {  	v56 =	vpop (erf);
	v5 =	vsub.f32 $0.0e+00, v5  }
0x423: {  	v57 =	vmul.f32 $1.442695020e+00, v49;
	(erf) = vpow2.f32 v6;
	v7 =	vadd.f32 v56, v8  }
0x424: {  	v58 =	vpop (erf);
	v5 =	vmul.f32 $1.442695020e+00, v5  }
0x425: {  	(erf) = vpow2.f32 v57;
	v6 =	vadd.f32 v58, v7  }
0x426: {  	v59 =	vpop (erf)  }
0x427: {  	v6 =	vadd.f32 v59, v6;
	(erf) = vpow2.f32 v5  }
0x428: {  	v5 =	vpop (erf)  }
0x429: {  	v5 =	vadd.f32 v5, v6  }
0x42a: {  	v60 =	vpop (erf)  }
0x42b: {  	v5 =	vadd.f32 v60, v5  }
0x42c: {  	v61 =	vpop (erf)  }
0x42d: {  	v5 =	vadd.f32 v61, v5  }
0x42e: {  	v62 =	vpop (erf)  }
0x42f: {  	v5 =	vadd.f32 v62, v5  }
0x430: {  	v63 =	vpop (erf)  }
0x431: {  	v4 =	vadd.f32 $1.000000000e+00, v4;
	v5 =	vmul.f32 v63, v5  }
0x432: {  	v1 =	vadd.s32 v2, v1;
	s11 =	sand.u32 $0x1F0, s2;
	s2 =	simm.s32 $0x80;
	v2 =	vsel vm0, $0x1, v0;
	vm15 =	vne.s32 v3, $0xFF  }
0x433: {  	s12 =	sand.u32 $0xC00, s2;
	v1 =	vadd.s32 v2, v1;
	s10 =	sand.u32 $0x70, s1;
	s3 =	simm.s32 $0x20;
	v2 =	vsel vm15, $0x1, v0;
	v3 =	vsel vm15, v5, v4  }
.LBB2_13:
0x434: {  	p0 =	sne.s32 s3, $0x1F0;
	s10 =	sor.u32 s12, s10;
	[tilespmem:s11+$0x14A00] =	vst v3;
	v1 =	vadd.s32 v2, v1  }
0x435: {  	v4 =	vld [tilespmem:s10+$0x280]  }
0x436: {  	v2 =	vld [tilespmem:s10+$0x13280]  }
0x437: {  	v5 =	vld [tilespmem:s10+$0x1280];
	_ =	sdelay $0x1  }
0x438: {  	v6 =	vld [tilespmem:s10+$0x2280]  }
0x439: {  	v3 =	vmul.f32 $0.0e+00, v4  }
0x43a: {  	vm0 =	veq.s32 v2, $0x0;
	vm1 =	veq.s32 v2, $0x1;
	v7 =	vld [tilespmem:s10+$0x3280]  }
0x43b: {  	v8 =	vsel vm0, v4, v3;
	v9 =	vsel vm1, v5, v3  }
0x43c: {  	vm0 =	veq.s32 v2, $0x2;
	v8 =	vadd.f32 v9, v8;
	v9 =	vld [tilespmem:s10+$0x4280]  }
0x43d: {  	v5 =	vmul.f32 $1.442695020e+00, v5;
	v10 =	vsel vm0, v6, v3  }
0x43e: {  	v4 =	vmul.f32 $1.442695020e+00, v4;
	vm0 =	veq.s32 v2, $0x3;
	v8 =	vadd.f32 v10, v8;
	v10 =	vld [tilespmem:s10+$0x5280]  }
0x43f: {  	v6 =	vmul.f32 $1.442695020e+00, v6;
	v11 =	vsel vm0, v7, v3;
	(erf) = vpow2.f32 v5  }
0x440: {  	vm0 =	veq.s32 v2, $0x4;
	v5 =	vadd.f32 v11, v8;
	v8 =	vld [tilespmem:s10+$0x6280];
	(erf) = vpow2.f32 v4  }
0x441: {  	v4 =	vmul.f32 $1.442695020e+00, v7;
	v7 =	vsel vm0, v9, v3  }
0x442: {  	vm0 =	veq.s32 v2, $0x5;
	v5 =	vadd.f32 v7, v5;
	v7 =	vld [tilespmem:s10+$0x7280];
	(erf) = vpow2.f32 v6  }
0x443: {  	v6 =	vmul.f32 $1.442695020e+00, v9;
	v9 =	vsel vm0, v10, v3  }
0x444: {  	vm0 =	veq.s32 v2, $0x6;
	v5 =	vadd.f32 v9, v5;
	v9 =	vld [tilespmem:s10+$0x8280];
	(erf) = vpow2.f32 v4  }
0x445: {  	v4 =	vmul.f32 $1.442695020e+00, v10;
	v10 =	vsel vm0, v8, v3  }
0x446: {  	vm0 =	veq.s32 v2, $0x7;
	v5 =	vadd.f32 v10, v5;
	v10 =	vld [tilespmem:s10+$0x9280];
	(erf) = vpow2.f32 v6  }
0x447: {  	v6 =	vmul.f32 $1.442695020e+00, v8;
	v8 =	vsel vm0, v7, v3  }
0x448: {  	vm0 =	veq.s32 v2, $0x8;
	v5 =	vadd.f32 v8, v5;
	v8 =	vld [tilespmem:s10+$0xA280];
	v11 =	vpop (erf);
	(erf) = vpow2.f32 v4  }
0x449: {  	v4 =	vmul.f32 $1.442695020e+00, v7;
	v7 =	vsel vm0, v9, v3;
	v12 =	vpop (erf);
	(erf) = vpow2.f32 v6  }
0x44a: {  	vm0 =	veq.s32 v2, $0x9;
	v6 =	vadd.f32 v11, v12;
	v5 =	vadd.f32 v7, v5;
	v7 =	vld [tilespmem:s10+$0xB280]  }
0x44b: {  	v9 =	vmul.f32 $1.442695020e+00, v9;
	v11 =	vsel vm0, v10, v3;
	v12 =	vpop (erf);
	(erf) = vpow2.f32 v4  }
0x44c: {  	vm0 =	veq.s32 v2, $0xA;
	v4 =	vadd.f32 v12, v6;
	v5 =	vadd.f32 v11, v5;
	v6 =	vld [tilespmem:s10+$0xC280]  }
0x44d: {  	v10 =	vmul.f32 $1.442695020e+00, v10;
	v11 =	vsel vm0, v8, v3;
	v12 =	vpop (erf);
	(erf) = vpow2.f32 v9  }
0x44e: {  	vm0 =	veq.s32 v2, $0xB;
	v4 =	vadd.f32 v12, v4;
	v5 =	vadd.f32 v11, v5;
	v9 =	vld [tilespmem:s10+$0xD280]  }
0x44f: {  	v8 =	vmul.f32 $1.442695020e+00, v8;
	v11 =	vsel vm0, v7, v3;
	v12 =	vpop (erf);
	(erf) = vpow2.f32 v10  }
0x450: {  	vm0 =	veq.s32 v2, $0xC;
	v4 =	vadd.f32 v12, v4;
	v5 =	vadd.f32 v11, v5;
	v10 =	vld [tilespmem:s10+$0xE280]  }
0x451: {  	v7 =	vmul.f32 $1.442695020e+00, v7;
	v13 =	vsel vm0, v6, v3;
	v12 =	vpop (erf);
	(erf) = vpow2.f32 v8  }
0x452: {  	vm0 =	veq.s32 v2, $0xD;
	v4 =	vadd.f32 v12, v4;
	v5 =	vadd.f32 v13, v5;
	v8 =	vld [tilespmem:s10+$0xF280];
	v11 =	vpop (erf)  }
0x453: {  	v6 =	vmul.f32 $1.442695020e+00, v6;
	v12 =	vsel vm0, v9, v3;
	(erf) = vpow2.f32 v7  }
0x454: {  	vm0 =	veq.s32 v2, $0xE;
	v4 =	vadd.f32 v11, v4;
	v5 =	vadd.f32 v12, v5;
	v7 =	vld [tilespmem:s10+$0x10280];
	v11 =	vpop (erf)  }
0x455: {  	v9 =	vmul.f32 $1.442695020e+00, v9;
	v12 =	vsel vm0, v10, v3;
	(erf) = vpow2.f32 v6  }
0x456: {  	vm0 =	veq.s32 v2, $0xF;
	v4 =	vadd.f32 v11, v4;
	v5 =	vadd.f32 v12, v5;
	v6 =	vld [tilespmem:s10+$0x11280];
	v11 =	vpop (erf)  }
0x457: {  	v13 =	vmul.f32 $1.442695020e+00, v10;
	v12 =	vsel vm0, v8, v3;
	(erf) = vpow2.f32 v9  }
0x458: {  	vm0 =	veq.s32 v2, $0x10;
	v4 =	vadd.f32 v11, v4;
	v5 =	vadd.f32 v12, v5;
	v9 =	vld [tilespmem:s10+$0x12280];
	v11 =	vpop (erf)  }
0x459: {  	v14 =	vmul.f32 $1.442695020e+00, v8;
	v12 =	vsel vm0, v7, v3;
	(erf) = vpow2.f32 v13  }
0x45a: {  	vm0 =	veq.s32 v2, $0x11;
	v4 =	vadd.f32 v11, v4;
	v5 =	vadd.f32 v12, v5;
	v10 =	vpop (erf)  }
0x45b: {  	v7 =	vmul.f32 $1.442695020e+00, v7;
	v11 =	vsel vm0, v6, v3;
	(erf) = vpow2.f32 v14  }
0x45c: {  	vm0 =	veq.s32 v2, $0x12;
	v4 =	vadd.f32 v10, v4;
	v5 =	vadd.f32 v11, v5;
	v8 =	vpop (erf)  }
0x45d: {  	v6 =	vmul.f32 $1.442695020e+00, v6;
	v10 =	vsel vm0, v9, v3  }
0x45e: {  	v4 =	vadd.f32 v8, v4;
	v5 =	vadd.f32 v10, v5;
	v8 =	vpop (erf);
	(erf) = vpow2.f32 v7  }
0x45f: {  	v7 =	vmul.f32 $1.442695020e+00, v9  }
0x460: {  	v4 =	vadd.f32 v8, v4;
	v5 =	vsub.f32 $0.0e+00, v5;
	v8 =	vpop (erf);
	(erf) = vpow2.f32 v6;
	_ =	sdelay $0x1  }
0x461: {  	v4 =	vadd.f32 v8, v4;
	v5 =	vmul.f32 $1.442695020e+00, v5;
	v6 =	vpop (erf);
	(erf) = vpow2.f32 v7;
	_ =	sdelay $0x1  }
0x462: {  	v4 =	vadd.f32 v6, v4;
	v6 =	vpop (erf);
	(erf) = vpow2.f32 v5;
	_ =	sdelay $0x1  }
0x463: {  	v4 =	vadd.f32 v6, v4  }
0x464: {  	v5 =	vpop (erf)  }
0x465: {  	v4 =	vadd.f32 v5, v4  }
0x466: {  	v5 =	vpop (erf)  }
0x467: {  	v4 =	vadd.f32 v5, v4  }
0x468: {  	v5 =	vpop (erf)  }
.Ltmp5:
0x469: {  	v4 =	vadd.f32 v5, v4;
	(pc) =	sbr.rel @p0 .LBB2_13-.Ltmp5, $4  }
0x46a: {  	v5 =	vpop (erf)  }
0x46b: {  	v3 =	vadd.f32 $1.000000000e+00, v3;
	v4 =	vmul.f32 v5, v4  }
0x46c: {  	s11 =	sand.u32 $0x1F0, s1;
	s2 =	sadd.s32 $0x80, s2;
	s1 =	smov.u32 s3;
	vm0 =	vne.s32 v2, $0xFF  }
0x46d: {  	s3 =	sadd.s32 $0x10, s3;
	s12 =	sand.u32 $0xC00, s2;
	s10 =	sand.u32 $0x70, s1;
	v2 =	vsel vm0, $0x1, v0;
	v3 =	vsel vm0, v4, v3  }
0x46e: {  	s2 =	sor.u32 s12, s10;
	[tilespmem:s11+$0x14A00] =	vst v3  }
0x46f: {  	v5 =	vld [tilespmem:s2+$0x280]  }
0x470: {  	v3 =	vld [tilespmem:s2+$0x13280]  }
0x471: {  	v6 =	vld [tilespmem:s2+$0x1280];
	_ =	sdelay $0x1  }
0x472: {  	v7 =	vld [tilespmem:s2+$0x2280]  }
0x473: {  	v4 =	vmul.f32 $0.0e+00, v5  }
0x474: {  	v8 =	vld [tilespmem:s2+$0x3280];
	vm0 =	veq.s32 v3, $0x0;
	vm1 =	veq.s32 v3, $0x1  }
0x475: {  	v9 =	vsel vm0, v5, v4;
	v10 =	vsel vm1, v6, v4  }
0x476: {  	v52 =	vld [tilespmem:s2+$0x4280];
	vm4 =	veq.s32 v3, $0x2;
	v9 =	vadd.f32 v10, v9  }
0x477: {  	v11 =	vsel vm4, v7, v4  }
0x478: {  	v53 =	vld [tilespmem:s2+$0x5280];
	vm5 =	veq.s32 v3, $0x3;
	v6 =	vmul.f32 $1.442695020e+00, v6;
	v9 =	vadd.f32 v11, v9  }
0x479: {  	vm6 =	veq.s32 v3, $0x4;
	v5 =	vmul.f32 $1.442695020e+00, v5;
	v12 =	vsel vm5, v8, v4  }
0x47a: {  	v55 =	vld [tilespmem:s2+$0x6280];
	v7 =	vmul.f32 $1.442695020e+00, v7;
	(erf) = vpow2.f32 v6;
	v54 =	vadd.f32 v12, v9  }
0x47b: {  	v56 =	vsel vm6, v52, v4;
	(erf) = vpow2.f32 v5  }
0x47c: {  	v57 =	vld [tilespmem:s2+$0x7280];
	vm7 =	veq.s32 v3, $0x5;
	(erf) = vpow2.f32 v7;
	v6 =	vadd.f32 v56, v54  }
0x47d: {  	v59 =	vsel vm7, v53, v4;
	v5 =	vmul.f32 $1.442695020e+00, v8  }
0x47e: {  	v60 =	vld [tilespmem:s2+$0x8280];
	vm8 =	veq.s32 v3, $0x6;
	v6 =	vadd.f32 v59, v6  }
0x47f: {  	v58 =	vmul.f32 $1.442695020e+00, v52;
	v61 =	vsel vm8, v55, v4;
	(erf) = vpow2.f32 v5  }
0x480: {  	v62 =	vld [tilespmem:s2+$0x9280];
	vm9 =	veq.s32 v3, $0x7;
	v6 =	vadd.f32 v61, v6  }
0x481: {  	v15 =	vsel vm9, v57, v4;
	v5 =	vmul.f32 $1.442695020e+00, v53;
	(erf) = vpow2.f32 v58  }
0x482: {  	v16 =	vld [tilespmem:s2+$0xA280];
	v63 =	vmul.f32 $1.442695020e+00, v55;
	vm10 =	veq.s32 v3, $0x8;
	v6 =	vadd.f32 v15, v6  }
0x483: {  	v20 =	vld [tilespmem:s2+$0xB280];
	v19 =	vsel vm10, v60, v4;
	v17 =	vpop (erf);
	(erf) = vpow2.f32 v5;
	v5 =	vmul.f32 $1.442695020e+00, v57  }
0x484: {  	vm11 =	veq.s32 v3, $0x9;
	v18 =	vpop (erf);
	(erf) = vpow2.f32 v63;
	v6 =	vadd.f32 v19, v6  }
0x485: {  	v22 =	vld [tilespmem:s2+$0xC280];
	v8 =	vadd.f32 v17, v18;
	v21 =	vpop (erf);
	(erf) = vpow2.f32 v5;
	v5 =	vsel vm11, v62, v4  }
0x486: {  	vm12 =	veq.s32 v3, $0xA;
	vm13 =	veq.s32 v3, $0xB;
	v5 =	vadd.f32 v5, v6  }
0x487: {  	v25 =	vld [tilespmem:s2+$0xD280];
	v24 =	vsel vm12, v16, v4;
	v10 =	vmul.f32 $1.442695020e+00, v60;
	v8 =	vadd.f32 v21, v8  }
0x488: {  	vm14 =	veq.s32 v3, $0xC;
	v27 =	vsel vm13, v20, v4;
	v23 =	vpop (erf);
	v5 =	vadd.f32 v24, v5  }
0x489: {  	v28 =	vld [tilespmem:s2+$0xE280];
	v11 =	vmul.f32 $1.442695020e+00, v62;
	(erf) = vpow2.f32 v10;
	v8 =	vadd.f32 v23, v8  }
0x48a: {  	vm15 =	veq.s32 v3, $0xD;
	v30 =	vsel vm14, v22, v4;
	v26 =	vpop (erf);
	v5 =	vadd.f32 v27, v5  }
0x48b: {  	v31 =	vld [tilespmem:s2+$0xF280];
	v9 =	vmul.f32 $1.442695020e+00, v16;
	(erf) = vpow2.f32 v11;
	v8 =	vadd.f32 v26, v8  }
0x48c: {  	v33 =	vsel vm15, v25, v4;
	vm4 =	veq.s32 v3, $0xE;
	v29 =	vpop (erf);
	v5 =	vadd.f32 v30, v5  }
0x48d: {  	v34 =	vld [tilespmem:s2+$0x10280];
	v7 =	vmul.f32 $1.442695020e+00, v20;
	(erf) = vpow2.f32 v9;
	v8 =	vadd.f32 v29, v8  }
0x48e: {  	vm5 =	veq.s32 v3, $0xF;
	v36 =	vsel vm4, v28, v4;
	v32 =	vpop (erf);
	v5 =	vadd.f32 v33, v5  }
0x48f: {  	v37 =	vld [tilespmem:s2+$0x11280];
	v6 =	vmul.f32 $1.442695020e+00, v22;
	(erf) = vpow2.f32 v7;
	v8 =	vadd.f32 v32, v8  }
0x490: {  	vm6 =	veq.s32 v3, $0x10;
	v39 =	vsel vm5, v31, v4;
	v35 =	vpop (erf);
	v5 =	vadd.f32 v36, v5  }
0x491: {  	v40 =	vld [tilespmem:s2+$0x12280];
	v10 =	vmul.f32 $1.442695020e+00, v25;
	(erf) = vpow2.f32 v6;
	v8 =	vadd.f32 v35, v8  }
0x492: {  	vm7 =	veq.s32 v3, $0x11;
	v42 =	vsel vm6, v34, v4;
	v38 =	vpop (erf);
	v5 =	vadd.f32 v39, v5  }
0x493: {  	v11 =	vmul.f32 $1.442695020e+00, v28;
	(erf) = vpow2.f32 v10;
	v8 =	vadd.f32 v38, v8  }
0x494: {  	vm8 =	veq.s32 v3, $0x12;
	v44 =	vsel vm7, v37, v4;
	v41 =	vpop (erf);
	v5 =	vadd.f32 v42, v5  }
0x495: {  	v9 =	vmul.f32 $1.442695020e+00, v31;
	(erf) = vpow2.f32 v11;
	v8 =	vadd.f32 v41, v8  }
0x496: {  	v46 =	vsel vm8, v40, v4;
	v43 =	vpop (erf);
	v5 =	vadd.f32 v44, v5  }
0x497: {  	v7 =	vmul.f32 $1.442695020e+00, v34;
	(erf) = vpow2.f32 v9;
	v8 =	vadd.f32 v43, v8  }
0x498: {  	v45 =	vpop (erf);
	v5 =	vadd.f32 v46, v5  }
0x499: {  	v6 =	vmul.f32 $1.442695020e+00, v37;
	(erf) = vpow2.f32 v7;
	v8 =	vadd.f32 v45, v8  }
0x49a: {  	v47 =	vpop (erf);
	v5 =	vsub.f32 $0.0e+00, v5  }
0x49b: {  	v48 =	vmul.f32 $1.442695020e+00, v40;
	(erf) = vpow2.f32 v6;
	v7 =	vadd.f32 v47, v8  }
0x49c: {  	v49 =	vpop (erf);
	v5 =	vmul.f32 $1.442695020e+00, v5  }
0x49d: {  	(erf) = vpow2.f32 v48;
	v6 =	vadd.f32 v49, v7  }
0x49e: {  	v50 =	vpop (erf)  }
0x49f: {  	v6 =	vadd.f32 v50, v6;
	(erf) = vpow2.f32 v5  }
0x4a0: {  	v5 =	vpop (erf)  }
0x4a1: {  	v5 =	vadd.f32 v5, v6  }
0x4a2: {  	v51 =	vpop (erf)  }
0x4a3: {  	v5 =	vadd.f32 v51, v5  }
0x4a4: {  	v52 =	vpop (erf)  }
0x4a5: {  	v5 =	vadd.f32 v52, v5  }
0x4a6: {  	v53 =	vpop (erf)  }
0x4a7: {  	v5 =	vadd.f32 v53, v5  }
0x4a8: {  	v54 =	vpop (erf)  }
0x4a9: {  	v4 =	vadd.f32 $1.000000000e+00, v4;
	v5 =	vmul.f32 v54, v5  }
0x4aa: {  	s2 =	simm.s32 $0x0;
	vm0 =	vne.s32 v3, $0xFF  }
0x4ab: {  	s3 =	sand.u32 $0x1F0, s1;
	s14 =	sand.u32 $0x70, s2;
	s1 =	sand.u32 $0xC00, s2;
	v3 =	vsel vm0, v5, v4  }
0x4ac: {  	s15 =	sor.u32 s1, s14;
	[tilespmem:s3+$0x14A00] =	vst v3  }
0x4ad: {  	v5 =	vld [tilespmem:s15+$0x300]  }
0x4ae: {  	v3 =	vld [tilespmem:s15+$0x13300]  }
0x4af: {  	v55 =	vld [tilespmem:s15+$0x1300];
	_ =	sdelay $0x1  }
0x4b0: {  	v56 =	vld [tilespmem:s15+$0x2300]  }
0x4b1: {  	v4 =	vmul.f32 $0.0e+00, v5  }
0x4b2: {  	v57 =	vld [tilespmem:s15+$0x3300];
	vm9 =	veq.s32 v3, $0x0;
	vm2 =	veq.s32 v3, $0x1  }
0x4b3: {  	v58 =	vsel vm9, v5, v4;
	v59 =	vsel vm2, v55, v4  }
0x4b4: {  	v60 =	vld [tilespmem:s15+$0x4300];
	vm10 =	veq.s32 v3, $0x2;
	v9 =	vadd.f32 v59, v58  }
0x4b5: {  	v61 =	vsel vm10, v56, v4  }
0x4b6: {  	v62 =	vld [tilespmem:s15+$0x5300];
	v6 =	vmul.f32 $1.442695020e+00, v55;
	vm11 =	veq.s32 v3, $0x3;
	v9 =	vadd.f32 v61, v9  }
0x4b7: {  	v7 =	vmul.f32 $1.442695020e+00, v56;
	v5 =	vmul.f32 $1.442695020e+00, v5;
	v63 =	vsel vm11, v57, v4  }
0x4b8: {  	v15 =	vld [tilespmem:s15+$0x6300];
	vm12 =	veq.s32 v3, $0x4;
	(erf) = vpow2.f32 v6;
	v14 =	vadd.f32 v63, v9  }
0x4b9: {  	v16 =	vsel vm12, v60, v4;
	(erf) = vpow2.f32 v5  }
0x4ba: {  	v17 =	vld [tilespmem:s15+$0x7300];
	vm13 =	veq.s32 v3, $0x5;
	(erf) = vpow2.f32 v7;
	v6 =	vadd.f32 v16, v14  }
0x4bb: {  	v19 =	vsel vm13, v62, v4;
	v5 =	vmul.f32 $1.442695020e+00, v57  }
0x4bc: {  	v20 =	vld [tilespmem:s15+$0x8300];
	vm14 =	veq.s32 v3, $0x6;
	v6 =	vadd.f32 v19, v6  }
0x4bd: {  	v18 =	vmul.f32 $1.442695020e+00, v60;
	v21 =	vsel vm14, v15, v4;
	(erf) = vpow2.f32 v5  }
0x4be: {  	v22 =	vld [tilespmem:s15+$0x9300];
	vm15 =	veq.s32 v3, $0x7;
	v6 =	vadd.f32 v21, v6  }
0x4bf: {  	v24 =	vsel vm15, v17, v4;
	v5 =	vmul.f32 $1.442695020e+00, v62;
	(erf) = vpow2.f32 v18  }
0x4c0: {  	v25 =	vld [tilespmem:s15+$0xA300];
	v23 =	vmul.f32 $1.442695020e+00, v15;
	vm4 =	veq.s32 v3, $0x8;
	v6 =	vadd.f32 v24, v6  }
0x4c1: {  	v28 =	vsel vm4, v20, v4;
	v26 =	vpop (erf);
	(erf) = vpow2.f32 v5;
	v5 =	vmul.f32 $1.442695020e+00, v17  }
0x4c2: {  	v29 =	vld [tilespmem:s15+$0xB300];
	vm5 =	veq.s32 v3, $0x9;
	v27 =	vpop (erf);
	(erf) = vpow2.f32 v23;
	v6 =	vadd.f32 v28, v6  }
0x4c3: {  	v31 =	vld [tilespmem:s15+$0xC300];
	v8 =	vadd.f32 v26, v27;
	v30 =	vpop (erf);
	(erf) = vpow2.f32 v5;
	v5 =	vsel vm5, v22, v4  }
0x4c4: {  	v10 =	vmul.f32 $1.442695020e+00, v20;
	vm6 =	veq.s32 v3, $0xA;
	v5 =	vadd.f32 v5, v6  }
0x4c5: {  	v34 =	vld [tilespmem:s15+$0xD300];
	v11 =	vmul.f32 $1.442695020e+00, v22;
	v33 =	vsel vm6, v25, v4;
	v8 =	vadd.f32 v30, v8  }
0x4c6: {  	vm7 =	veq.s32 v3, $0xB;
	vm8 =	veq.s32 v3, $0xC;
	v32 =	vpop (erf);
	v5 =	vadd.f32 v33, v5  }
0x4c7: {  	v37 =	vld [tilespmem:s15+$0xE300];
	v36 =	vsel vm7, v29, v4;
	(erf) = vpow2.f32 v10;
	v8 =	vadd.f32 v32, v8  }
0x4c8: {  	v39 =	vsel vm8, v31, v4;
	vm9 =	veq.s32 v3, $0xD;
	v35 =	vpop (erf);
	v5 =	vadd.f32 v36, v5  }
0x4c9: {  	v40 =	vld [tilespmem:s15+$0xF300];
	v9 =	vmul.f32 $1.442695020e+00, v25;
	(erf) = vpow2.f32 v11;
	v8 =	vadd.f32 v35, v8  }
0x4ca: {  	vm10 =	veq.s32 v3, $0xE;
	v42 =	vsel vm9, v34, v4;
	v38 =	vpop (erf);
	v5 =	vadd.f32 v39, v5  }
0x4cb: {  	v43 =	vld [tilespmem:s15+$0x10300];
	v7 =	vmul.f32 $1.442695020e+00, v29;
	(erf) = vpow2.f32 v9;
	v8 =	vadd.f32 v38, v8  }
0x4cc: {  	vm11 =	veq.s32 v3, $0xF;
	v45 =	vsel vm10, v37, v4;
	v41 =	vpop (erf);
	v5 =	vadd.f32 v42, v5  }
0x4cd: {  	v46 =	vld [tilespmem:s15+$0x11300];
	v6 =	vmul.f32 $1.442695020e+00, v31;
	(erf) = vpow2.f32 v7;
	v8 =	vadd.f32 v41, v8  }
0x4ce: {  	vm12 =	veq.s32 v3, $0x10;
	v48 =	vsel vm11, v40, v4;
	v44 =	vpop (erf);
	v5 =	vadd.f32 v45, v5  }
0x4cf: {  	v49 =	vld [tilespmem:s15+$0x12300];
	v10 =	vmul.f32 $1.442695020e+00, v34;
	(erf) = vpow2.f32 v6;
	v8 =	vadd.f32 v44, v8  }
0x4d0: {  	vm13 =	veq.s32 v3, $0x11;
	v51 =	vsel vm12, v43, v4;
	v47 =	vpop (erf);
	v5 =	vadd.f32 v48, v5  }
0x4d1: {  	v11 =	vmul.f32 $1.442695020e+00, v37;
	(erf) = vpow2.f32 v10;
	v8 =	vadd.f32 v47, v8  }
0x4d2: {  	vm14 =	veq.s32 v3, $0x12;
	v53 =	vsel vm13, v46, v4;
	v50 =	vpop (erf);
	v5 =	vadd.f32 v51, v5  }
0x4d3: {  	v9 =	vmul.f32 $1.442695020e+00, v40;
	(erf) = vpow2.f32 v11;
	v8 =	vadd.f32 v50, v8  }
0x4d4: {  	v55 =	vsel vm14, v49, v4;
	v52 =	vpop (erf);
	v5 =	vadd.f32 v53, v5  }
0x4d5: {  	v7 =	vmul.f32 $1.442695020e+00, v43;
	(erf) = vpow2.f32 v9;
	v8 =	vadd.f32 v52, v8  }
0x4d6: {  	v54 =	vpop (erf);
	v5 =	vadd.f32 v55, v5  }
0x4d7: {  	v6 =	vmul.f32 $1.442695020e+00, v46;
	(erf) = vpow2.f32 v7;
	v8 =	vadd.f32 v54, v8  }
0x4d8: {  	v56 =	vpop (erf);
	v5 =	vsub.f32 $0.0e+00, v5  }
0x4d9: {  	v57 =	vmul.f32 $1.442695020e+00, v49;
	(erf) = vpow2.f32 v6;
	v7 =	vadd.f32 v56, v8  }
0x4da: {  	v58 =	vpop (erf);
	v5 =	vmul.f32 $1.442695020e+00, v5  }
0x4db: {  	(erf) = vpow2.f32 v57;
	v6 =	vadd.f32 v58, v7  }
0x4dc: {  	v59 =	vpop (erf)  }
0x4dd: {  	v6 =	vadd.f32 v59, v6;
	(erf) = vpow2.f32 v5  }
0x4de: {  	v5 =	vpop (erf)  }
0x4df: {  	v5 =	vadd.f32 v5, v6  }
0x4e0: {  	v60 =	vpop (erf)  }
0x4e1: {  	v5 =	vadd.f32 v60, v5  }
0x4e2: {  	v61 =	vpop (erf)  }
0x4e3: {  	v5 =	vadd.f32 v61, v5  }
0x4e4: {  	v62 =	vpop (erf)  }
0x4e5: {  	v5 =	vadd.f32 v62, v5  }
0x4e6: {  	v63 =	vpop (erf)  }
0x4e7: {  	s11 =	simm.s32 $0x80;
	v4 =	vadd.f32 $1.000000000e+00, v4;
	v5 =	vmul.f32 v63, v5  }
0x4e8: {  	v1 =	vadd.s32 v2, v1;
	s12 =	simm.s32 $0x20;
	s10 =	simm.s32 $0x10;
	v2 =	vsel vm0, $0x1, v0;
	s3 =	simm.s32 $0x10;
	vm15 =	vne.s32 v3, $0xFF  }
0x4e9: {  	s14 =	sand.u32 $0x1F0, s2;
	v1 =	vadd.s32 v2, v1;
	s13 =	sand.u32 $0x70, s3;
	s15 =	sand.u32 $0xC00, s11;
	v2 =	vsel vm15, $0x1, v0;
	v3 =	vsel vm15, v5, v4  }
.LBB2_15:
0x4ea: {  	p0 =	sne.s32 s12, $0x1F0;
	s13 =	sor.u32 s15, s13;
	[tilespmem:s14+$0x14C00] =	vst v3;
	v1 =	vadd.s32 v2, v1  }
0x4eb: {  	v4 =	vld [tilespmem:s13+$0x300]  }
0x4ec: {  	v2 =	vld [tilespmem:s13+$0x13300]  }
0x4ed: {  	v5 =	vld [tilespmem:s13+$0x1300];
	_ =	sdelay $0x1  }
0x4ee: {  	v6 =	vld [tilespmem:s13+$0x2300]  }
0x4ef: {  	v3 =	vmul.f32 $0.0e+00, v4  }
0x4f0: {  	vm0 =	veq.s32 v2, $0x0;
	vm1 =	veq.s32 v2, $0x1;
	v7 =	vld [tilespmem:s13+$0x3300]  }
0x4f1: {  	v8 =	vsel vm0, v4, v3;
	v9 =	vsel vm1, v5, v3  }
0x4f2: {  	vm0 =	veq.s32 v2, $0x2;
	v8 =	vadd.f32 v9, v8;
	v9 =	vld [tilespmem:s13+$0x4300]  }
0x4f3: {  	v5 =	vmul.f32 $1.442695020e+00, v5;
	v10 =	vsel vm0, v6, v3  }
0x4f4: {  	v4 =	vmul.f32 $1.442695020e+00, v4;
	vm0 =	veq.s32 v2, $0x3;
	v8 =	vadd.f32 v10, v8;
	v10 =	vld [tilespmem:s13+$0x5300]  }
0x4f5: {  	v6 =	vmul.f32 $1.442695020e+00, v6;
	v11 =	vsel vm0, v7, v3;
	(erf) = vpow2.f32 v5  }
0x4f6: {  	vm0 =	veq.s32 v2, $0x4;
	v5 =	vadd.f32 v11, v8;
	v8 =	vld [tilespmem:s13+$0x6300];
	(erf) = vpow2.f32 v4  }
0x4f7: {  	v4 =	vmul.f32 $1.442695020e+00, v7;
	v7 =	vsel vm0, v9, v3  }
0x4f8: {  	vm0 =	veq.s32 v2, $0x5;
	v5 =	vadd.f32 v7, v5;
	v7 =	vld [tilespmem:s13+$0x7300];
	(erf) = vpow2.f32 v6  }
0x4f9: {  	v6 =	vmul.f32 $1.442695020e+00, v9;
	v9 =	vsel vm0, v10, v3  }
0x4fa: {  	vm0 =	veq.s32 v2, $0x6;
	v5 =	vadd.f32 v9, v5;
	v9 =	vld [tilespmem:s13+$0x8300];
	(erf) = vpow2.f32 v4  }
0x4fb: {  	v4 =	vmul.f32 $1.442695020e+00, v10;
	v10 =	vsel vm0, v8, v3  }
0x4fc: {  	vm0 =	veq.s32 v2, $0x7;
	v5 =	vadd.f32 v10, v5;
	v10 =	vld [tilespmem:s13+$0x9300];
	(erf) = vpow2.f32 v6  }
0x4fd: {  	v6 =	vmul.f32 $1.442695020e+00, v8;
	v8 =	vsel vm0, v7, v3  }
0x4fe: {  	vm0 =	veq.s32 v2, $0x8;
	v5 =	vadd.f32 v8, v5;
	v8 =	vld [tilespmem:s13+$0xA300];
	v11 =	vpop (erf);
	(erf) = vpow2.f32 v4  }
0x4ff: {  	v4 =	vmul.f32 $1.442695020e+00, v7;
	v7 =	vsel vm0, v9, v3;
	v12 =	vpop (erf);
	(erf) = vpow2.f32 v6  }
0x500: {  	vm0 =	veq.s32 v2, $0x9;
	v6 =	vadd.f32 v11, v12;
	v5 =	vadd.f32 v7, v5;
	v7 =	vld [tilespmem:s13+$0xB300]  }
0x501: {  	v9 =	vmul.f32 $1.442695020e+00, v9;
	v11 =	vsel vm0, v10, v3;
	v12 =	vpop (erf);
	(erf) = vpow2.f32 v4  }
0x502: {  	vm0 =	veq.s32 v2, $0xA;
	v4 =	vadd.f32 v12, v6;
	v5 =	vadd.f32 v11, v5;
	v6 =	vld [tilespmem:s13+$0xC300]  }
0x503: {  	v10 =	vmul.f32 $1.442695020e+00, v10;
	v11 =	vsel vm0, v8, v3;
	v12 =	vpop (erf);
	(erf) = vpow2.f32 v9  }
0x504: {  	vm0 =	veq.s32 v2, $0xB;
	v4 =	vadd.f32 v12, v4;
	v5 =	vadd.f32 v11, v5;
	v9 =	vld [tilespmem:s13+$0xD300]  }
0x505: {  	v8 =	vmul.f32 $1.442695020e+00, v8;
	v11 =	vsel vm0, v7, v3;
	v12 =	vpop (erf);
	(erf) = vpow2.f32 v10  }
0x506: {  	vm0 =	veq.s32 v2, $0xC;
	v4 =	vadd.f32 v12, v4;
	v5 =	vadd.f32 v11, v5;
	v10 =	vld [tilespmem:s13+$0xE300]  }
0x507: {  	v7 =	vmul.f32 $1.442695020e+00, v7;
	v13 =	vsel vm0, v6, v3;
	v12 =	vpop (erf);
	(erf) = vpow2.f32 v8  }
0x508: {  	vm0 =	veq.s32 v2, $0xD;
	v4 =	vadd.f32 v12, v4;
	v5 =	vadd.f32 v13, v5;
	v8 =	vld [tilespmem:s13+$0xF300];
	v11 =	vpop (erf)  }
0x509: {  	v6 =	vmul.f32 $1.442695020e+00, v6;
	v12 =	vsel vm0, v9, v3;
	(erf) = vpow2.f32 v7  }
0x50a: {  	vm0 =	veq.s32 v2, $0xE;
	v4 =	vadd.f32 v11, v4;
	v5 =	vadd.f32 v12, v5;
	v7 =	vld [tilespmem:s13+$0x10300];
	v11 =	vpop (erf)  }
0x50b: {  	v9 =	vmul.f32 $1.442695020e+00, v9;
	v12 =	vsel vm0, v10, v3;
	(erf) = vpow2.f32 v6  }
0x50c: {  	vm0 =	veq.s32 v2, $0xF;
	v4 =	vadd.f32 v11, v4;
	v5 =	vadd.f32 v12, v5;
	v6 =	vld [tilespmem:s13+$0x11300];
	v11 =	vpop (erf)  }
0x50d: {  	v13 =	vmul.f32 $1.442695020e+00, v10;
	v12 =	vsel vm0, v8, v3;
	(erf) = vpow2.f32 v9  }
0x50e: {  	vm0 =	veq.s32 v2, $0x10;
	v4 =	vadd.f32 v11, v4;
	v5 =	vadd.f32 v12, v5;
	v9 =	vld [tilespmem:s13+$0x12300];
	v11 =	vpop (erf)  }
0x50f: {  	v14 =	vmul.f32 $1.442695020e+00, v8;
	v12 =	vsel vm0, v7, v3;
	(erf) = vpow2.f32 v13  }
0x510: {  	vm0 =	veq.s32 v2, $0x11;
	v4 =	vadd.f32 v11, v4;
	v5 =	vadd.f32 v12, v5;
	v10 =	vpop (erf)  }
0x511: {  	v7 =	vmul.f32 $1.442695020e+00, v7;
	v11 =	vsel vm0, v6, v3;
	(erf) = vpow2.f32 v14  }
0x512: {  	vm0 =	veq.s32 v2, $0x12;
	v4 =	vadd.f32 v10, v4;
	v5 =	vadd.f32 v11, v5;
	v8 =	vpop (erf)  }
0x513: {  	v6 =	vmul.f32 $1.442695020e+00, v6;
	v10 =	vsel vm0, v9, v3  }
0x514: {  	v4 =	vadd.f32 v8, v4;
	v5 =	vadd.f32 v10, v5;
	v8 =	vpop (erf);
	(erf) = vpow2.f32 v7  }
0x515: {  	v7 =	vmul.f32 $1.442695020e+00, v9  }
0x516: {  	v4 =	vadd.f32 v8, v4;
	v5 =	vsub.f32 $0.0e+00, v5;
	v8 =	vpop (erf);
	(erf) = vpow2.f32 v6;
	_ =	sdelay $0x1  }
0x517: {  	v4 =	vadd.f32 v8, v4;
	v5 =	vmul.f32 $1.442695020e+00, v5;
	v6 =	vpop (erf);
	(erf) = vpow2.f32 v7;
	_ =	sdelay $0x1  }
0x518: {  	v4 =	vadd.f32 v6, v4;
	v6 =	vpop (erf);
	(erf) = vpow2.f32 v5;
	_ =	sdelay $0x1  }
0x519: {  	v4 =	vadd.f32 v6, v4  }
0x51a: {  	v5 =	vpop (erf)  }
0x51b: {  	v4 =	vadd.f32 v5, v4  }
0x51c: {  	v5 =	vpop (erf)  }
0x51d: {  	v4 =	vadd.f32 v5, v4  }
0x51e: {  	v5 =	vpop (erf)  }
.Ltmp6:
0x51f: {  	v4 =	vadd.f32 v5, v4;
	(pc) =	sbr.rel @p0 .LBB2_15-.Ltmp6, $4  }
0x520: {  	v5 =	vpop (erf)  }
0x521: {  	v3 =	vadd.f32 $1.000000000e+00, v3;
	v4 =	vmul.f32 v5, v4  }
0x522: {  	s14 =	sand.u32 $0x1F0, s10;
	s11 =	sadd.s32 $0x80, s11;
	s10 =	smov.u32 s12;
	vm0 =	vne.s32 v2, $0xFF  }
0x523: {  	s12 =	sadd.s32 $0x10, s12;
	s15 =	sand.u32 $0xC00, s11;
	s13 =	sand.u32 $0x70, s10;
	v2 =	vsel vm0, $0x1, v0;
	v3 =	vsel vm0, v4, v3  }
0x524: {  	s11 =	sor.u32 s15, s13;
	[tilespmem:s14+$0x14C00] =	vst v3  }
0x525: {  	v5 =	vld [tilespmem:s11+$0x300]  }
0x526: {  	v3 =	vld [tilespmem:s11+$0x13300]  }
0x527: {  	v6 =	vld [tilespmem:s11+$0x1300];
	_ =	sdelay $0x1  }
0x528: {  	v7 =	vld [tilespmem:s11+$0x2300]  }
0x529: {  	v4 =	vmul.f32 $0.0e+00, v5  }
0x52a: {  	v8 =	vld [tilespmem:s11+$0x3300];
	vm0 =	veq.s32 v3, $0x0;
	vm1 =	veq.s32 v3, $0x1  }
0x52b: {  	v9 =	vsel vm0, v5, v4;
	v10 =	vsel vm1, v6, v4  }
0x52c: {  	v52 =	vld [tilespmem:s11+$0x4300];
	vm4 =	veq.s32 v3, $0x2;
	v9 =	vadd.f32 v10, v9  }
0x52d: {  	v11 =	vsel vm4, v7, v4  }
0x52e: {  	v53 =	vld [tilespmem:s11+$0x5300];
	vm5 =	veq.s32 v3, $0x3;
	v6 =	vmul.f32 $1.442695020e+00, v6;
	v9 =	vadd.f32 v11, v9  }
0x52f: {  	vm6 =	veq.s32 v3, $0x4;
	v5 =	vmul.f32 $1.442695020e+00, v5;
	v12 =	vsel vm5, v8, v4  }
0x530: {  	v55 =	vld [tilespmem:s11+$0x6300];
	v7 =	vmul.f32 $1.442695020e+00, v7;
	(erf) = vpow2.f32 v6;
	v54 =	vadd.f32 v12, v9  }
0x531: {  	v56 =	vsel vm6, v52, v4;
	(erf) = vpow2.f32 v5  }
0x532: {  	v57 =	vld [tilespmem:s11+$0x7300];
	vm7 =	veq.s32 v3, $0x5;
	(erf) = vpow2.f32 v7;
	v6 =	vadd.f32 v56, v54  }
0x533: {  	v59 =	vsel vm7, v53, v4;
	v5 =	vmul.f32 $1.442695020e+00, v8  }
0x534: {  	v60 =	vld [tilespmem:s11+$0x8300];
	vm8 =	veq.s32 v3, $0x6;
	v6 =	vadd.f32 v59, v6  }
0x535: {  	v58 =	vmul.f32 $1.442695020e+00, v52;
	v61 =	vsel vm8, v55, v4;
	(erf) = vpow2.f32 v5  }
0x536: {  	v62 =	vld [tilespmem:s11+$0x9300];
	vm9 =	veq.s32 v3, $0x7;
	v6 =	vadd.f32 v61, v6  }
0x537: {  	v15 =	vsel vm9, v57, v4;
	v5 =	vmul.f32 $1.442695020e+00, v53;
	(erf) = vpow2.f32 v58  }
0x538: {  	v16 =	vld [tilespmem:s11+$0xA300];
	v63 =	vmul.f32 $1.442695020e+00, v55;
	vm10 =	veq.s32 v3, $0x8;
	v6 =	vadd.f32 v15, v6  }
0x539: {  	v20 =	vld [tilespmem:s11+$0xB300];
	v19 =	vsel vm10, v60, v4;
	v17 =	vpop (erf);
	(erf) = vpow2.f32 v5;
	v5 =	vmul.f32 $1.442695020e+00, v57  }
0x53a: {  	vm11 =	veq.s32 v3, $0x9;
	v18 =	vpop (erf);
	(erf) = vpow2.f32 v63;
	v6 =	vadd.f32 v19, v6  }
0x53b: {  	v22 =	vld [tilespmem:s11+$0xC300];
	v8 =	vadd.f32 v17, v18;
	v21 =	vpop (erf);
	(erf) = vpow2.f32 v5;
	v5 =	vsel vm11, v62, v4  }
0x53c: {  	vm12 =	veq.s32 v3, $0xA;
	vm13 =	veq.s32 v3, $0xB;
	v5 =	vadd.f32 v5, v6  }
0x53d: {  	v25 =	vld [tilespmem:s11+$0xD300];
	v24 =	vsel vm12, v16, v4;
	v10 =	vmul.f32 $1.442695020e+00, v60;
	v8 =	vadd.f32 v21, v8  }
0x53e: {  	vm14 =	veq.s32 v3, $0xC;
	v27 =	vsel vm13, v20, v4;
	v23 =	vpop (erf);
	v5 =	vadd.f32 v24, v5  }
0x53f: {  	v28 =	vld [tilespmem:s11+$0xE300];
	v11 =	vmul.f32 $1.442695020e+00, v62;
	(erf) = vpow2.f32 v10;
	v8 =	vadd.f32 v23, v8  }
0x540: {  	vm15 =	veq.s32 v3, $0xD;
	v30 =	vsel vm14, v22, v4;
	v26 =	vpop (erf);
	v5 =	vadd.f32 v27, v5  }
0x541: {  	v31 =	vld [tilespmem:s11+$0xF300];
	v9 =	vmul.f32 $1.442695020e+00, v16;
	(erf) = vpow2.f32 v11;
	v8 =	vadd.f32 v26, v8  }
0x542: {  	v33 =	vsel vm15, v25, v4;
	vm4 =	veq.s32 v3, $0xE;
	v29 =	vpop (erf);
	v5 =	vadd.f32 v30, v5  }
0x543: {  	v34 =	vld [tilespmem:s11+$0x10300];
	v7 =	vmul.f32 $1.442695020e+00, v20;
	(erf) = vpow2.f32 v9;
	v8 =	vadd.f32 v29, v8  }
0x544: {  	vm5 =	veq.s32 v3, $0xF;
	v36 =	vsel vm4, v28, v4;
	v32 =	vpop (erf);
	v5 =	vadd.f32 v33, v5  }
0x545: {  	v37 =	vld [tilespmem:s11+$0x11300];
	v6 =	vmul.f32 $1.442695020e+00, v22;
	(erf) = vpow2.f32 v7;
	v8 =	vadd.f32 v32, v8  }
0x546: {  	vm6 =	veq.s32 v3, $0x10;
	v39 =	vsel vm5, v31, v4;
	v35 =	vpop (erf);
	v5 =	vadd.f32 v36, v5  }
0x547: {  	v40 =	vld [tilespmem:s11+$0x12300];
	v10 =	vmul.f32 $1.442695020e+00, v25;
	(erf) = vpow2.f32 v6;
	v8 =	vadd.f32 v35, v8  }
0x548: {  	vm7 =	veq.s32 v3, $0x11;
	v42 =	vsel vm6, v34, v4;
	v38 =	vpop (erf);
	v5 =	vadd.f32 v39, v5  }
0x549: {  	v11 =	vmul.f32 $1.442695020e+00, v28;
	(erf) = vpow2.f32 v10;
	v8 =	vadd.f32 v38, v8  }
0x54a: {  	vm8 =	veq.s32 v3, $0x12;
	v44 =	vsel vm7, v37, v4;
	v41 =	vpop (erf);
	v5 =	vadd.f32 v42, v5  }
0x54b: {  	v9 =	vmul.f32 $1.442695020e+00, v31;
	(erf) = vpow2.f32 v11;
	v8 =	vadd.f32 v41, v8  }
0x54c: {  	v46 =	vsel vm8, v40, v4;
	v43 =	vpop (erf);
	v5 =	vadd.f32 v44, v5  }
0x54d: {  	v7 =	vmul.f32 $1.442695020e+00, v34;
	(erf) = vpow2.f32 v9;
	v8 =	vadd.f32 v43, v8  }
0x54e: {  	v45 =	vpop (erf);
	v5 =	vadd.f32 v46, v5  }
0x54f: {  	v6 =	vmul.f32 $1.442695020e+00, v37;
	(erf) = vpow2.f32 v7;
	v8 =	vadd.f32 v45, v8  }
0x550: {  	v47 =	vpop (erf);
	v5 =	vsub.f32 $0.0e+00, v5  }
0x551: {  	v48 =	vmul.f32 $1.442695020e+00, v40;
	(erf) = vpow2.f32 v6;
	v7 =	vadd.f32 v47, v8  }
0x552: {  	v49 =	vpop (erf);
	v5 =	vmul.f32 $1.442695020e+00, v5  }
0x553: {  	(erf) = vpow2.f32 v48;
	v6 =	vadd.f32 v49, v7  }
0x554: {  	v50 =	vpop (erf)  }
0x555: {  	v6 =	vadd.f32 v50, v6;
	(erf) = vpow2.f32 v5  }
0x556: {  	v5 =	vpop (erf)  }
0x557: {  	v5 =	vadd.f32 v5, v6  }
0x558: {  	v51 =	vpop (erf)  }
0x559: {  	v5 =	vadd.f32 v51, v5  }
0x55a: {  	v52 =	vpop (erf)  }
0x55b: {  	v5 =	vadd.f32 v52, v5  }
0x55c: {  	v53 =	vpop (erf)  }
0x55d: {  	v5 =	vadd.f32 v53, v5  }
0x55e: {  	v54 =	vpop (erf)  }
0x55f: {  	v4 =	vadd.f32 $1.000000000e+00, v4;
	v5 =	vmul.f32 v54, v5  }
0x560: {  	vm0 =	vne.s32 v3, $0xFF  }
0x561: {  	s10 =	sand.u32 $0x1F0, s10;
	s13 =	sor.u32 s2, s2;
	v3 =	vsel vm0, v5, v4  }
0x562: {  	s14 =	sor.u32 $0x380, s13;
	[tilespmem:s10+$0x14C00] =	vst v3  }
0x563: {  	s15 =	sand.u32 $0x70, s2;
	v5 =	vld [tilespmem:s14+$0x0]  }
0x564: {  	s1 =	sor.u32 s15, s1;
	v3 =	vld [tilespmem:s14+$0x13000]  }
0x565: {  	v55 =	vld [tilespmem:s1+$0x1380];
	_ =	sdelay $0x1  }
0x566: {  	v56 =	vld [tilespmem:s1+$0x2380]  }
0x567: {  	v4 =	vmul.f32 $0.0e+00, v5  }
0x568: {  	v57 =	vld [tilespmem:s1+$0x3380];
	vm9 =	veq.s32 v3, $0x0;
	vm2 =	veq.s32 v3, $0x1  }
0x569: {  	v58 =	vsel vm9, v5, v4;
	v59 =	vsel vm2, v55, v4  }
0x56a: {  	v60 =	vld [tilespmem:s1+$0x4380];
	vm10 =	veq.s32 v3, $0x2;
	v9 =	vadd.f32 v59, v58  }
0x56b: {  	v61 =	vsel vm10, v56, v4  }
0x56c: {  	v62 =	vld [tilespmem:s1+$0x5380];
	v6 =	vmul.f32 $1.442695020e+00, v55;
	vm11 =	veq.s32 v3, $0x3;
	v9 =	vadd.f32 v61, v9  }
0x56d: {  	v7 =	vmul.f32 $1.442695020e+00, v56;
	v5 =	vmul.f32 $1.442695020e+00, v5;
	v63 =	vsel vm11, v57, v4  }
0x56e: {  	v15 =	vld [tilespmem:s1+$0x6380];
	vm12 =	veq.s32 v3, $0x4;
	(erf) = vpow2.f32 v6;
	v14 =	vadd.f32 v63, v9  }
0x56f: {  	v16 =	vsel vm12, v60, v4;
	(erf) = vpow2.f32 v5  }
0x570: {  	v17 =	vld [tilespmem:s1+$0x7380];
	vm13 =	veq.s32 v3, $0x5;
	(erf) = vpow2.f32 v7;
	v6 =	vadd.f32 v16, v14  }
0x571: {  	v19 =	vsel vm13, v62, v4;
	v5 =	vmul.f32 $1.442695020e+00, v57  }
0x572: {  	v20 =	vld [tilespmem:s1+$0x8380];
	vm14 =	veq.s32 v3, $0x6;
	v6 =	vadd.f32 v19, v6  }
0x573: {  	v18 =	vmul.f32 $1.442695020e+00, v60;
	v21 =	vsel vm14, v15, v4;
	(erf) = vpow2.f32 v5  }
0x574: {  	v22 =	vld [tilespmem:s1+$0x9380];
	vm15 =	veq.s32 v3, $0x7;
	v6 =	vadd.f32 v21, v6  }
0x575: {  	v24 =	vsel vm15, v17, v4;
	v5 =	vmul.f32 $1.442695020e+00, v62;
	(erf) = vpow2.f32 v18  }
0x576: {  	v25 =	vld [tilespmem:s1+$0xA380];
	v23 =	vmul.f32 $1.442695020e+00, v15;
	vm4 =	veq.s32 v3, $0x8;
	v6 =	vadd.f32 v24, v6  }
0x577: {  	v28 =	vsel vm4, v20, v4;
	v26 =	vpop (erf);
	(erf) = vpow2.f32 v5;
	v5 =	vmul.f32 $1.442695020e+00, v17  }
0x578: {  	v29 =	vld [tilespmem:s1+$0xB380];
	vm5 =	veq.s32 v3, $0x9;
	v27 =	vpop (erf);
	(erf) = vpow2.f32 v23;
	v6 =	vadd.f32 v28, v6  }
0x579: {  	v31 =	vld [tilespmem:s1+$0xC380];
	v8 =	vadd.f32 v26, v27;
	v30 =	vpop (erf);
	(erf) = vpow2.f32 v5;
	v5 =	vsel vm5, v22, v4  }
0x57a: {  	v10 =	vmul.f32 $1.442695020e+00, v20;
	vm6 =	veq.s32 v3, $0xA;
	v5 =	vadd.f32 v5, v6  }
0x57b: {  	v34 =	vld [tilespmem:s1+$0xD380];
	v11 =	vmul.f32 $1.442695020e+00, v22;
	v33 =	vsel vm6, v25, v4;
	v8 =	vadd.f32 v30, v8  }
0x57c: {  	vm7 =	veq.s32 v3, $0xB;
	vm8 =	veq.s32 v3, $0xC;
	v32 =	vpop (erf);
	v5 =	vadd.f32 v33, v5  }
0x57d: {  	v37 =	vld [tilespmem:s1+$0xE380];
	v36 =	vsel vm7, v29, v4;
	(erf) = vpow2.f32 v10;
	v8 =	vadd.f32 v32, v8  }
0x57e: {  	v39 =	vsel vm8, v31, v4;
	vm9 =	veq.s32 v3, $0xD;
	v35 =	vpop (erf);
	v5 =	vadd.f32 v36, v5  }
0x57f: {  	v40 =	vld [tilespmem:s1+$0xF380];
	v9 =	vmul.f32 $1.442695020e+00, v25;
	(erf) = vpow2.f32 v11;
	v8 =	vadd.f32 v35, v8  }
0x580: {  	vm10 =	veq.s32 v3, $0xE;
	v42 =	vsel vm9, v34, v4;
	v38 =	vpop (erf);
	v5 =	vadd.f32 v39, v5  }
0x581: {  	v43 =	vld [tilespmem:s1+$0x10380];
	v7 =	vmul.f32 $1.442695020e+00, v29;
	(erf) = vpow2.f32 v9;
	v8 =	vadd.f32 v38, v8  }
0x582: {  	vm11 =	veq.s32 v3, $0xF;
	v45 =	vsel vm10, v37, v4;
	v41 =	vpop (erf);
	v5 =	vadd.f32 v42, v5  }
0x583: {  	v46 =	vld [tilespmem:s1+$0x11380];
	v6 =	vmul.f32 $1.442695020e+00, v31;
	(erf) = vpow2.f32 v7;
	v8 =	vadd.f32 v41, v8  }
0x584: {  	vm12 =	veq.s32 v3, $0x10;
	v48 =	vsel vm11, v40, v4;
	v44 =	vpop (erf);
	v5 =	vadd.f32 v45, v5  }
0x585: {  	v49 =	vld [tilespmem:s1+$0x12380];
	v10 =	vmul.f32 $1.442695020e+00, v34;
	(erf) = vpow2.f32 v6;
	v8 =	vadd.f32 v44, v8  }
0x586: {  	vm13 =	veq.s32 v3, $0x11;
	v51 =	vsel vm12, v43, v4;
	v47 =	vpop (erf);
	v5 =	vadd.f32 v48, v5  }
0x587: {  	v11 =	vmul.f32 $1.442695020e+00, v37;
	(erf) = vpow2.f32 v10;
	v8 =	vadd.f32 v47, v8  }
0x588: {  	vm14 =	veq.s32 v3, $0x12;
	v53 =	vsel vm13, v46, v4;
	v50 =	vpop (erf);
	v5 =	vadd.f32 v51, v5  }
0x589: {  	v9 =	vmul.f32 $1.442695020e+00, v40;
	(erf) = vpow2.f32 v11;
	v8 =	vadd.f32 v50, v8  }
0x58a: {  	v55 =	vsel vm14, v49, v4;
	v52 =	vpop (erf);
	v5 =	vadd.f32 v53, v5  }
0x58b: {  	v7 =	vmul.f32 $1.442695020e+00, v43;
	(erf) = vpow2.f32 v9;
	v8 =	vadd.f32 v52, v8  }
0x58c: {  	v54 =	vpop (erf);
	v5 =	vadd.f32 v55, v5  }
0x58d: {  	v6 =	vmul.f32 $1.442695020e+00, v46;
	(erf) = vpow2.f32 v7;
	v8 =	vadd.f32 v54, v8  }
0x58e: {  	v56 =	vpop (erf);
	v5 =	vsub.f32 $0.0e+00, v5  }
0x58f: {  	v57 =	vmul.f32 $1.442695020e+00, v49;
	(erf) = vpow2.f32 v6;
	v7 =	vadd.f32 v56, v8  }
0x590: {  	v58 =	vpop (erf);
	v5 =	vmul.f32 $1.442695020e+00, v5  }
0x591: {  	(erf) = vpow2.f32 v57;
	v6 =	vadd.f32 v58, v7  }
0x592: {  	v59 =	vpop (erf)  }
0x593: {  	v6 =	vadd.f32 v59, v6;
	(erf) = vpow2.f32 v5  }
0x594: {  	v5 =	vpop (erf)  }
0x595: {  	v5 =	vadd.f32 v5, v6  }
0x596: {  	v60 =	vpop (erf)  }
0x597: {  	v5 =	vadd.f32 v60, v5  }
0x598: {  	v61 =	vpop (erf)  }
0x599: {  	v5 =	vadd.f32 v61, v5  }
0x59a: {  	v62 =	vpop (erf)  }
0x59b: {  	v5 =	vadd.f32 v62, v5  }
0x59c: {  	v63 =	vpop (erf)  }
0x59d: {  	v4 =	vadd.f32 $1.000000000e+00, v4;
	v5 =	vmul.f32 v63, v5  }
0x59e: {  	v1 =	vadd.s32 v2, v1;
	v2 =	vsel vm0, $0x1, v0;
	s1 =	simm.s32 $0x80;
	vm15 =	vne.s32 v3, $0xFF  }
0x59f: {  	s2 =	sand.u32 $0x1F0, s2;
	v1 =	vadd.s32 v2, v1;
	s10 =	simm.s32 $0x20;
	s11 =	sor.u32 s1, s3;
	v2 =	vsel vm15, $0x1, v0;
	v3 =	vsel vm15, v5, v4  }
.LBB2_17:
0x5a0: {  	p0 =	sne.s32 s10, $0x1F0;
	s11 =	sor.u32 $0x380, s11;
	[tilespmem:s2+$0x14E00] =	vst v3;
	v1 =	vadd.s32 v2, v1;
	s2 =	smov.u32 s3  }
0x5a1: {  	s13 =	sand.u32 $0xC00, s1;
	s3 =	smov.u32 s10;
	s12 =	sand.u32 $0x70, s2;
	v4 =	vld [tilespmem:s11+$0x0]  }
0x5a2: {  	v2 =	vld [tilespmem:s11+$0x13000];
	s11 =	sor.u32 s12, s13  }
0x5a3: {  	v5 =	vld [tilespmem:s11+$0x1380];
	_ =	sdelay $0x1  }
0x5a4: {  	v6 =	vld [tilespmem:s11+$0x2380]  }
0x5a5: {  	v3 =	vmul.f32 $0.0e+00, v4  }
0x5a6: {  	vm0 =	veq.s32 v2, $0x0;
	vm1 =	veq.s32 v2, $0x1;
	v7 =	vld [tilespmem:s11+$0x3380]  }
0x5a7: {  	v8 =	vsel vm0, v4, v3;
	v9 =	vsel vm1, v5, v3  }
0x5a8: {  	vm0 =	veq.s32 v2, $0x2;
	v8 =	vadd.f32 v9, v8;
	v9 =	vld [tilespmem:s11+$0x4380]  }
0x5a9: {  	v5 =	vmul.f32 $1.442695020e+00, v5;
	v10 =	vsel vm0, v6, v3  }
0x5aa: {  	v4 =	vmul.f32 $1.442695020e+00, v4;
	vm0 =	veq.s32 v2, $0x3;
	v8 =	vadd.f32 v10, v8;
	v10 =	vld [tilespmem:s11+$0x5380]  }
0x5ab: {  	v6 =	vmul.f32 $1.442695020e+00, v6;
	v11 =	vsel vm0, v7, v3;
	(erf) = vpow2.f32 v5  }
0x5ac: {  	vm0 =	veq.s32 v2, $0x4;
	v5 =	vadd.f32 v11, v8;
	v8 =	vld [tilespmem:s11+$0x6380];
	(erf) = vpow2.f32 v4  }
0x5ad: {  	v4 =	vmul.f32 $1.442695020e+00, v7;
	v7 =	vsel vm0, v9, v3  }
0x5ae: {  	vm0 =	veq.s32 v2, $0x5;
	v5 =	vadd.f32 v7, v5;
	v7 =	vld [tilespmem:s11+$0x7380];
	(erf) = vpow2.f32 v6  }
0x5af: {  	v6 =	vmul.f32 $1.442695020e+00, v9;
	v9 =	vsel vm0, v10, v3  }
0x5b0: {  	vm0 =	veq.s32 v2, $0x6;
	v5 =	vadd.f32 v9, v5;
	v9 =	vld [tilespmem:s11+$0x8380];
	(erf) = vpow2.f32 v4  }
0x5b1: {  	v4 =	vmul.f32 $1.442695020e+00, v10;
	v10 =	vsel vm0, v8, v3  }
0x5b2: {  	vm0 =	veq.s32 v2, $0x7;
	v5 =	vadd.f32 v10, v5;
	v10 =	vld [tilespmem:s11+$0x9380];
	(erf) = vpow2.f32 v6  }
0x5b3: {  	v6 =	vmul.f32 $1.442695020e+00, v8;
	v8 =	vsel vm0, v7, v3  }
0x5b4: {  	vm0 =	veq.s32 v2, $0x8;
	v5 =	vadd.f32 v8, v5;
	v8 =	vld [tilespmem:s11+$0xA380];
	v11 =	vpop (erf);
	(erf) = vpow2.f32 v4  }
0x5b5: {  	v4 =	vmul.f32 $1.442695020e+00, v7;
	v7 =	vsel vm0, v9, v3;
	v12 =	vpop (erf);
	(erf) = vpow2.f32 v6  }
0x5b6: {  	vm0 =	veq.s32 v2, $0x9;
	v6 =	vadd.f32 v11, v12;
	v5 =	vadd.f32 v7, v5;
	v7 =	vld [tilespmem:s11+$0xB380]  }
0x5b7: {  	v9 =	vmul.f32 $1.442695020e+00, v9;
	v11 =	vsel vm0, v10, v3;
	v12 =	vpop (erf);
	(erf) = vpow2.f32 v4  }
0x5b8: {  	vm0 =	veq.s32 v2, $0xA;
	v4 =	vadd.f32 v12, v6;
	v5 =	vadd.f32 v11, v5;
	v6 =	vld [tilespmem:s11+$0xC380]  }
0x5b9: {  	v10 =	vmul.f32 $1.442695020e+00, v10;
	v11 =	vsel vm0, v8, v3;
	v12 =	vpop (erf);
	(erf) = vpow2.f32 v9  }
0x5ba: {  	vm0 =	veq.s32 v2, $0xB;
	v4 =	vadd.f32 v12, v4;
	v5 =	vadd.f32 v11, v5;
	v9 =	vld [tilespmem:s11+$0xD380]  }
0x5bb: {  	v8 =	vmul.f32 $1.442695020e+00, v8;
	v11 =	vsel vm0, v7, v3;
	v12 =	vpop (erf);
	(erf) = vpow2.f32 v10  }
0x5bc: {  	vm0 =	veq.s32 v2, $0xC;
	v4 =	vadd.f32 v12, v4;
	v5 =	vadd.f32 v11, v5;
	v10 =	vld [tilespmem:s11+$0xE380]  }
0x5bd: {  	v7 =	vmul.f32 $1.442695020e+00, v7;
	v13 =	vsel vm0, v6, v3;
	v12 =	vpop (erf);
	(erf) = vpow2.f32 v8  }
0x5be: {  	vm0 =	veq.s32 v2, $0xD;
	v4 =	vadd.f32 v12, v4;
	v5 =	vadd.f32 v13, v5;
	v8 =	vld [tilespmem:s11+$0xF380];
	v11 =	vpop (erf)  }
0x5bf: {  	v6 =	vmul.f32 $1.442695020e+00, v6;
	v12 =	vsel vm0, v9, v3;
	(erf) = vpow2.f32 v7  }
0x5c0: {  	vm0 =	veq.s32 v2, $0xE;
	v4 =	vadd.f32 v11, v4;
	v5 =	vadd.f32 v12, v5;
	v7 =	vld [tilespmem:s11+$0x10380];
	v11 =	vpop (erf)  }
0x5c1: {  	v9 =	vmul.f32 $1.442695020e+00, v9;
	v12 =	vsel vm0, v10, v3;
	(erf) = vpow2.f32 v6  }
0x5c2: {  	vm0 =	veq.s32 v2, $0xF;
	v4 =	vadd.f32 v11, v4;
	v5 =	vadd.f32 v12, v5;
	v6 =	vld [tilespmem:s11+$0x11380];
	v11 =	vpop (erf)  }
0x5c3: {  	v13 =	vmul.f32 $1.442695020e+00, v10;
	v12 =	vsel vm0, v8, v3;
	(erf) = vpow2.f32 v9  }
0x5c4: {  	vm0 =	veq.s32 v2, $0x10;
	v4 =	vadd.f32 v11, v4;
	v5 =	vadd.f32 v12, v5;
	v9 =	vld [tilespmem:s11+$0x12380];
	v11 =	vpop (erf)  }
0x5c5: {  	v14 =	vmul.f32 $1.442695020e+00, v8;
	v12 =	vsel vm0, v7, v3;
	(erf) = vpow2.f32 v13  }
0x5c6: {  	vm0 =	veq.s32 v2, $0x11;
	v4 =	vadd.f32 v11, v4;
	v5 =	vadd.f32 v12, v5;
	v10 =	vpop (erf)  }
0x5c7: {  	v7 =	vmul.f32 $1.442695020e+00, v7;
	v11 =	vsel vm0, v6, v3;
	(erf) = vpow2.f32 v14  }
0x5c8: {  	vm0 =	veq.s32 v2, $0x12;
	v4 =	vadd.f32 v10, v4;
	v5 =	vadd.f32 v11, v5;
	v8 =	vpop (erf)  }
0x5c9: {  	v6 =	vmul.f32 $1.442695020e+00, v6;
	v10 =	vsel vm0, v9, v3  }
0x5ca: {  	v4 =	vadd.f32 v8, v4;
	v5 =	vadd.f32 v10, v5;
	v8 =	vpop (erf);
	(erf) = vpow2.f32 v7  }
0x5cb: {  	v7 =	vmul.f32 $1.442695020e+00, v9  }
0x5cc: {  	v4 =	vadd.f32 v8, v4;
	v5 =	vsub.f32 $0.0e+00, v5;
	v8 =	vpop (erf);
	(erf) = vpow2.f32 v6;
	_ =	sdelay $0x1  }
0x5cd: {  	v4 =	vadd.f32 v8, v4;
	v5 =	vmul.f32 $1.442695020e+00, v5;
	v6 =	vpop (erf);
	(erf) = vpow2.f32 v7;
	_ =	sdelay $0x1  }
0x5ce: {  	v4 =	vadd.f32 v6, v4;
	v6 =	vpop (erf);
	(erf) = vpow2.f32 v5;
	_ =	sdelay $0x1  }
0x5cf: {  	v4 =	vadd.f32 v6, v4  }
0x5d0: {  	v5 =	vpop (erf)  }
0x5d1: {  	v4 =	vadd.f32 v5, v4  }
0x5d2: {  	v5 =	vpop (erf)  }
0x5d3: {  	v4 =	vadd.f32 v5, v4  }
0x5d4: {  	v5 =	vpop (erf)  }
.Ltmp7:
0x5d5: {  	v4 =	vadd.f32 v5, v4;
	(pc) =	sbr.rel @p0 .LBB2_17-.Ltmp7, $4  }
0x5d6: {  	v5 =	vpop (erf)  }
0x5d7: {  	v3 =	vadd.f32 $1.000000000e+00, v3;
	v4 =	vmul.f32 v5, v4  }
0x5d8: {  	s1 =	sadd.s32 $0x80, s1;
	vm0 =	vne.s32 v2, $0xFF  }
0x5d9: {  	s10 =	sadd.s32 $0x10, s10;
	s2 =	sand.u32 $0x1F0, s2;
	s11 =	sor.u32 s1, s3;
	v2 =	vsel vm0, $0x1, v0;
	v3 =	vsel vm0, v4, v3  }
0x5da: {  	s10 =	sor.u32 $0x380, s11;
	[tilespmem:s2+$0x14E00] =	vst v3  }
0x5db: {  	s11 =	sand.u32 $0x70, s3;
	s1 =	sand.u32 $0xC00, s1;
	v5 =	vld [tilespmem:s10+$0x0]  }
0x5dc: {  	v3 =	vld [tilespmem:s10+$0x13000];
	s1 =	sor.u32 s11, s1  }
0x5dd: {  	v6 =	vld [tilespmem:s1+$0x1380];
	_ =	sdelay $0x1  }
0x5de: {  	v7 =	vld [tilespmem:s1+$0x2380]  }
0x5df: {  	v4 =	vmul.f32 $0.0e+00, v5  }
0x5e0: {  	v8 =	vld [tilespmem:s1+$0x3380];
	vm0 =	veq.s32 v3, $0x0;
	vm1 =	veq.s32 v3, $0x1  }
0x5e1: {  	v9 =	vsel vm0, v5, v4;
	v10 =	vsel vm1, v6, v4  }
0x5e2: {  	v57 =	vld [tilespmem:s1+$0x4380];
	vm10 =	veq.s32 v3, $0x2;
	v9 =	vadd.f32 v10, v9  }
0x5e3: {  	v6 =	vmul.f32 $1.442695020e+00, v6;
	v11 =	vsel vm10, v7, v4  }
0x5e4: {  	v58 =	vld [tilespmem:s1+$0x5380];
	vm11 =	veq.s32 v3, $0x3;
	v5 =	vmul.f32 $1.442695020e+00, v5;
	v9 =	vadd.f32 v11, v9  }
0x5e5: {  	vm12 =	veq.s32 v3, $0x4;
	v12 =	vsel vm11, v8, v4;
	(erf) = vpow2.f32 v6  }
0x5e6: {  	v60 =	vld [tilespmem:s1+$0x6380];
	v7 =	vmul.f32 $1.442695020e+00, v7;
	(erf) = vpow2.f32 v5;
	v59 =	vadd.f32 v12, v9  }
0x5e7: {  	vm13 =	veq.s32 v3, $0x5;
	v62 =	vsel vm12, v57, v4  }
0x5e8: {  	v63 =	vld [tilespmem:s1+$0x7380];
	v61 =	vmul.f32 $1.442695020e+00, v8;
	(erf) = vpow2.f32 v7;
	v6 =	vadd.f32 v62, v59  }
0x5e9: {  	vm14 =	veq.s32 v3, $0x6;
	v15 =	vsel vm13, v58, v4  }
0x5ea: {  	v16 =	vld [tilespmem:s1+$0x8380];
	v14 =	vmul.f32 $1.442695020e+00, v57;
	(erf) = vpow2.f32 v61;
	v6 =	vadd.f32 v15, v6  }
0x5eb: {  	vm15 =	veq.s32 v3, $0x7;
	v18 =	vsel vm14, v60, v4  }
0x5ec: {  	v19 =	vld [tilespmem:s1+$0x9380];
	v17 =	vmul.f32 $1.442695020e+00, v58;
	(erf) = vpow2.f32 v14;
	v6 =	vadd.f32 v18, v6  }
0x5ed: {  	vm4 =	veq.s32 v3, $0x8;
	v21 =	vsel vm15, v63, v4  }
0x5ee: {  	v22 =	vld [tilespmem:s1+$0xA380];
	v20 =	vmul.f32 $1.442695020e+00, v60;
	v23 =	vpop (erf);
	(erf) = vpow2.f32 v17;
	v6 =	vadd.f32 v21, v6  }
0x5ef: {  	vm5 =	veq.s32 v3, $0x9;
	v24 =	vmul.f32 $1.442695020e+00, v63;
	v26 =	vsel vm4, v16, v4;
	v25 =	vpop (erf)  }
0x5f0: {  	v27 =	vld [tilespmem:s1+$0xB380];
	(erf) = vpow2.f32 v20;
	v8 =	vadd.f32 v23, v25;
	v6 =	vadd.f32 v26, v6  }
0x5f1: {  	vm6 =	veq.s32 v3, $0xA;
	v29 =	vsel vm5, v19, v4;
	v10 =	vmul.f32 $1.442695020e+00, v16;
	v28 =	vpop (erf)  }
0x5f2: {  	v30 =	vld [tilespmem:s1+$0xC380];
	(erf) = vpow2.f32 v24;
	v8 =	vadd.f32 v28, v8;
	v5 =	vadd.f32 v29, v6  }
0x5f3: {  	vm7 =	veq.s32 v3, $0xB;
	v32 =	vsel vm6, v22, v4;
	v11 =	vmul.f32 $1.442695020e+00, v19;
	v31 =	vpop (erf)  }
0x5f4: {  	v33 =	vld [tilespmem:s1+$0xD380];
	(erf) = vpow2.f32 v10;
	v8 =	vadd.f32 v31, v8;
	v5 =	vadd.f32 v32, v5  }
0x5f5: {  	vm8 =	veq.s32 v3, $0xC;
	v35 =	vsel vm7, v27, v4;
	v9 =	vmul.f32 $1.442695020e+00, v22;
	v34 =	vpop (erf)  }
0x5f6: {  	v36 =	vld [tilespmem:s1+$0xE380];
	(erf) = vpow2.f32 v11;
	v8 =	vadd.f32 v34, v8;
	v5 =	vadd.f32 v35, v5  }
0x5f7: {  	vm9 =	veq.s32 v3, $0xD;
	v38 =	vsel vm8, v30, v4;
	v7 =	vmul.f32 $1.442695020e+00, v27;
	v37 =	vpop (erf)  }
0x5f8: {  	v39 =	vld [tilespmem:s1+$0xF380];
	(erf) = vpow2.f32 v9;
	v8 =	vadd.f32 v37, v8;
	v5 =	vadd.f32 v38, v5  }
0x5f9: {  	v41 =	vsel vm9, v33, v4;
	vm10 =	veq.s32 v3, $0xE;
	v6 =	vmul.f32 $1.442695020e+00, v30;
	v40 =	vpop (erf)  }
0x5fa: {  	v42 =	vld [tilespmem:s1+$0x10380];
	(erf) = vpow2.f32 v7;
	v8 =	vadd.f32 v40, v8;
	v5 =	vadd.f32 v41, v5  }
0x5fb: {  	vm11 =	veq.s32 v3, $0xF;
	v44 =	vsel vm10, v36, v4;
	v10 =	vmul.f32 $1.442695020e+00, v33;
	v43 =	vpop (erf)  }
0x5fc: {  	v45 =	vld [tilespmem:s1+$0x11380];
	(erf) = vpow2.f32 v6;
	v8 =	vadd.f32 v43, v8;
	v5 =	vadd.f32 v44, v5  }
0x5fd: {  	vm12 =	veq.s32 v3, $0x10;
	v47 =	vsel vm11, v39, v4;
	v11 =	vmul.f32 $1.442695020e+00, v36;
	v46 =	vpop (erf)  }
0x5fe: {  	v48 =	vld [tilespmem:s1+$0x12380];
	(erf) = vpow2.f32 v10;
	v8 =	vadd.f32 v46, v8;
	v5 =	vadd.f32 v47, v5  }
0x5ff: {  	vm13 =	veq.s32 v3, $0x11;
	v50 =	vsel vm12, v42, v4;
	v9 =	vmul.f32 $1.442695020e+00, v39;
	v49 =	vpop (erf)  }
0x600: {  	(erf) = vpow2.f32 v11;
	v8 =	vadd.f32 v49, v8;
	v5 =	vadd.f32 v50, v5  }
0x601: {  	vm14 =	veq.s32 v3, $0x12;
	v52 =	vsel vm13, v45, v4;
	v7 =	vmul.f32 $1.442695020e+00, v42;
	v51 =	vpop (erf)  }
0x602: {  	(erf) = vpow2.f32 v9;
	v8 =	vadd.f32 v51, v8;
	v5 =	vadd.f32 v52, v5  }
0x603: {  	v54 =	vsel vm14, v48, v4;
	v6 =	vmul.f32 $1.442695020e+00, v45;
	v53 =	vpop (erf)  }
0x604: {  	(erf) = vpow2.f32 v7;
	v8 =	vadd.f32 v53, v8;
	v5 =	vadd.f32 v54, v5  }
0x605: {  	v56 =	vmul.f32 $1.442695020e+00, v48;
	v55 =	vpop (erf)  }
0x606: {  	(erf) = vpow2.f32 v6;
	v7 =	vadd.f32 v55, v8;
	v5 =	vsub.f32 $0.0e+00, v5  }
0x607: {  	v57 =	vpop (erf)  }
0x608: {  	(erf) = vpow2.f32 v56;
	v6 =	vadd.f32 v57, v7;
	v5 =	vmul.f32 $1.442695020e+00, v5  }
0x609: {  	v58 =	vpop (erf)  }
0x60a: {  	v6 =	vadd.f32 v58, v6;
	(erf) = vpow2.f32 v5  }
0x60b: {  	v59 =	vpop (erf)  }
0x60c: {  	v5 =	vadd.f32 v59, v6  }
0x60d: {  	v60 =	vpop (erf)  }
0x60e: {  	v5 =	vadd.f32 v60, v5  }
0x60f: {  	v61 =	vpop (erf)  }
0x610: {  	v5 =	vadd.f32 v61, v5  }
0x611: {  	v62 =	vpop (erf)  }
0x612: {  	v5 =	vadd.f32 v62, v5  }
0x613: {  	s12 =	sshll.u32 s8, $0xF;
	v63 =	vpop (erf)  }
0x614: {  	s13 =	sshll.u32 s7, $0x9;
	s14 =	sshll.u32 s7, $0x4;
	s15 =	sand.u32 $0x1F0, s3;
	v4 =	vadd.f32 $1.000000000e+00, v4;
	v5 =	vmul.f32 v63, v5  }
0x615: {  	s4 =	sadd.s32 $0x1, s4;
	s2 =	sand.u32 $0x7000, s13;
	s1 =	sadd.s32 s5, s12;
	vm15 =	vne.s32 v3, $0xFF  }
0x616: {  	s7 =	sand.u32 $0x70, s14;
	p0 =	sne.s32 s4, $0x6;
	s1 =	sadd.s32 s2, s1;
	v3 =	vsel vm15, v5, v4  }
.Ltmp8:
0x617: {  	s1 =	sadd.s32 s7, s1;
	[tilespmem:s15+$0x14E00] =	vst v3;
	(pc) =	sbr.rel @p0 .LBB2_2-.Ltmp8, $4  }
0x618: {  	[hbm4b:s1+s30] =	stream.strided.scatter [tilespmem:s0], [sflag:$0x1], $0x1000, s31, s30, $0x38;
	[tilespmem:$0x15080] =	vst v63  }
0x619: {  	_ =	swait.ge [sflag:s9], $0x1000  }
0x61a: {  	v1 =	vadd.s32 v2, v1;
	v2 =	vsel vm15, $0x1, v0;
	[sflag:s9] =	ssyncset.done $0x0  }
0x61b: {  	v1 =	vadd.s32 v2, v1;
	[sflag:s9] =	ssyncadd.s32 $0xFFFFF000  }
0x61c: {  	[tilespmem:$0x15000] =	vst v1;
	s1 =	simm.s32 $0x0;
	s2 =	rddreg [dreg:$0x4];
	s3 =	simm.s32 $0x15000  }
0x61d: {  	[hbm4b:s2+s1] =	stream.linear.scatter [tilespmem:s3], [sflag:$0x1], $0x80, $0x38;
	[tilespmem:$0x15080] =	vst v63  }
0x61e: {  	_ =	swait.ge [sflag:s9], $0x80  }
0x61f: {  	s14 =	rddreg [dreg:$0x6]  }
0x620: {  	s15 =	rddreg [dreg:$0x5];
	s2 =	sadd.s32 $0x1, s14  }
0x621: {  	p0 =	sne.s32 s2, s15  }
.Ltmp9:
0x622: {  	_ = 	snop;
	(pc) =	sbr.rel @p0 .LBB2_1-.Ltmp9, $3  }
0x623: {  	_ =	sdelay $0x1  }
0x624: {  	[sflag:s9] =	ssyncset.done $0x0  }
0x625: {  	[sflag:s9] =	ssyncadd.s32 $0xFFFFFF80  }
0x626: {  	_ =	sfence.sel $0x180000  }
0x627: {  	[bflag:$0x0] =	sbarrier.arrive $0xFFFF  }
0x628: {  	_ =	strace $0x90000047  }
0x629: {  	s0 =	stileid.u32;
	[bflag:$0x2] =	sbarrier.arrive $0xFFFF  }
0x62a: {  	p0 =	sne.s32 s0, $0x0;
	s0 =	rddreg [dreg:$0x3]  }
0x62b: {  	s0 =	sadd.s32 @!p0 $0x100000, s0  }
0x62c: {  	[sflag:s0] =	ssyncadd.tile.s32 @!p0 $0x1;
	_ =	shalt  }
.Lfunc_end2:
_tile_overlayer_lowered:
.L_overlay_start_2:
0x62d: {  	(tag) =	ssettag $0x2  }
0x62e: {  	s0 =	rddreg [dreg:$0x0];
	s2 =	stileid.u32  }
0x62f: {  	s1 =	rddreg [dreg:$0x1];
	p0 =	sne.s32 s2, $0x0  }
0x630: {  	s3 =	rddreg [dreg:$0x2];
	[bflag:$0x3] =	sbarrier.arrive $0xFFFF;
	s2 =	simm.s32 @!p0 $0x1C01  }
0x631: {  	[timem:s3], [sflag:s2] =	dma.local @!p0 [hbm:s0], s1  }
0x632: {  	s0 =	simm.s32 @!p0 $0x1  }
0x633: {  	_ =	swait.ge @!p0 [sflag:s0], s1  }
0x634: {  	s1 =	ssub.s32 @!p0 $0x0, s1;
	[sflag:s0] =	ssyncset.done @!p0 $0x0  }
0x635: {  	[sflag:s0] =	ssyncadd.s32 @!p0 s1  }
0x636: {  	[bflag:$0x3] =	sbarrier.arrive $0xFFFF  }
0x637: {  	_ =	shalt  }

</sc_bundles>
